<compile_context>
chip_gen: v7x
topology: tpu7x:2x2x1
jax: 0.10.2.dev20260603
libtpu: 0.0.44.dev20260713+nightly
codegen_flags: <defaults>
</compile_context>

<pallas_src>
import functools

import jax
import jax.numpy as jnp
import numpy as np
from jax import lax
from jax.experimental import pallas as pl
from jax.experimental.pallas import tpu as pltpu
from jax.experimental.pallas import tpu_sc as plsc

_NUM_CORES = 2
_NUM_SUBCORES = 16
_NW = _NUM_CORES * _NUM_SUBCORES
_CHUNK = 128
_L = 16
_PPR = 16

_SQ = np.zeros((64, 128), np.float32)
_SQ[np.arange(64), (np.arange(64) // 4) * 8 + np.arange(64) % 4] = 1.0
_ST = np.zeros((48, 128), np.float32)
_ST[np.arange(48), (np.arange(48) // 3) * 8 + 4 + np.arange(48) % 3] = 1.0


@functools.lru_cache(maxsize=None)
def _build(B, NROWS):
    b_per_w = B // _NW
    n_chunk = b_per_w // _CHUNK
    n_grp = b_per_w // _L
    g_per_chunk = _CHUNK // _L
    mesh = plsc.VectorSubcoreMesh(core_axis_name="c", subcore_axis_name="s")

    @functools.partial(
        pl.kernel,
        mesh=mesh,
        compiler_params=pltpu.CompilerParams(
            use_tc_tiling_on_sc=False, needs_layout_passes=False),
        out_type=(
            jax.ShapeDtypeStruct((B, 4), jnp.float32),
            jax.ShapeDtypeStruct((B, 3), jnp.float32),
        ),
        scratch_types=[
            pltpu.VMEM((b_per_w,), jnp.int32),
            pltpu.VMEM((n_chunk, _CHUNK), jnp.int32),
            pltpu.VMEM((2, _CHUNK, _CHUNK), jnp.float32),
            pltpu.VMEM((b_per_w, 4), jnp.float32),
            pltpu.VMEM((b_per_w, 3), jnp.float32),
            pltpu.SemaphoreType.DMA,
            pltpu.SemaphoreType.DMA,
        ],
    )
    def k(idx_hbm, qt_hbm, q_out, t_out, idx_v, row_v, buf, oq, ot, sem0, sem1):
        wid = lax.axis_index("s") * _NUM_CORES + lax.axis_index("c")
        base = wid * b_per_w
        pltpu.sync_copy(idx_hbm.at[pl.ds(base, b_per_w)], idx_v)

        for g in range(n_grp):
            i = idx_v[pl.ds(g * _L, _L)]
            c, col = g // g_per_chunk, (g % g_per_chunk) * _L
            row_v[c, pl.ds(col, _L)] = lax.shift_right_logical(i, 4)

        sems = (sem0, sem1)

        def fire(c):
            return pltpu.async_copy(
                qt_hbm.at[row_v.at[c]], buf.at[c % 2], sems[c % 2])

        iota = lax.iota(jnp.int32, _L)
        pend = {0: fire(0)}
        if n_chunk > 1:
            pend[1] = fire(1)
        for c in range(n_chunk):
            pend.pop(c).wait()
            b = c % 2
            for g in range(g_per_chunk):
                lane = g * _L + iota
                i = idx_v[pl.ds(c * _CHUNK + g * _L, _L)]
                kout = c * _CHUNK + g * _L + iota
                cb = (i & (_PPR - 1)) * 8
                for j in range(4):
                    vals = plsc.load_gather(buf.at[b], [lane, cb + j])
                    plsc.store_scatter(oq, [kout, iota * 0 + j], vals)
                for j in range(3):
                    vals = plsc.load_gather(buf.at[b], [lane, cb + 4 + j])
                    plsc.store_scatter(ot, [kout, iota * 0 + j], vals)
            if c + 2 < n_chunk:
                pend[c + 2] = fire(c + 2)

        pltpu.sync_copy(oq, q_out.at[pl.ds(base, b_per_w)])
        pltpu.sync_copy(ot, t_out.at[pl.ds(base, b_per_w)])

    return k


def kernel(indices, q, t):
    B = indices.shape[0]
    N = q.shape[0]
    qt = (q.reshape(N // _PPR, 4 * _PPR) @ jnp.asarray(_SQ)
          + t.reshape(N // _PPR, 3 * _PPR) @ jnp.asarray(_ST))
    k = _build(B, N // _PPR)
    q_sel, t_sel = k(indices.astype(jnp.int32), qt)
    return (q_sel, t_sel)

# --- scband reference (transcript-rebuilt; emitter-appended) ---
"""Pipeline reference for scband-pose-table-75222057222588 (READ-ONLY COPY).

The authoritative reference and input builder live on the scoring server;
editing this copy changes nothing except your own understanding.
"""

import jax, jax.numpy as jnp
import numpy as np

N_POSES = 1000000
BATCH = 16384

def setup_inputs(seed: int = 0) -> dict:
    key = jax.random.key(seed)
    k_idx, k_q, k_t = jax.random.split(key, 3)
    # indices into the pose table
    indices = jax.random.randint(k_idx, (BATCH,), 0, N_POSES)
    # Learned parameters of PoseTable: quaternion table q[N,4] and translation table t[N,3].
    # In the torch module these are derived from the input pose matrices m via
    # split_rt (-> R[N,3,3], t[N,3]) and rot_to_quat (-> q[N,4]); here we materialize
    # statistically-equivalent tables directly (unit quaternions, gaussian translations).
    q = jax.random.normal(k_q, (N_POSES, 4), dtype=jnp.float32)
    q = q / jnp.linalg.norm(q, axis=-1, keepdims=True)
    t = jax.random.normal(k_t, (N_POSES, 3), dtype=jnp.float32)
    return {"indices": indices, "q": q, "t": t}

def reference(indices, q, t):
    # forward: q, t = self.q[indices].contiguous(), self.t[indices].contiguous()
    q_sel = jnp.take(q, indices, axis=0)
    t_sel = jnp.take(t, indices, axis=0)
    return (q_sel, t_sel)

if __name__ == "__main__":
    import jax
    _d = setup_inputs()
    print(jax.jit(kernel)(*tuple(_d.values())))

</pallas_src>

<mosaic_0001>
#map = affine_map<(d0, d1) -> (0)>
#map1 = affine_map<(d0, d1) -> (0, 0)>
module attributes {stable_mosaic.version = 14 : i64} {
  func.func @k(%arg0: i32, %arg1: i32, %arg2: memref<16384xi32, #tpu.memory_space<hbm>>, %arg3: memref<62500x128xf32, #tpu.memory_space<hbm>>, %arg4: memref<16384x4xf32, #tpu.memory_space<hbm>>, %arg5: memref<16384x3xf32, #tpu.memory_space<hbm>>, %arg6: memref<512xi32, #tpu.memory_space<vmem>>, %arg7: memref<4x128xi32, #tpu.memory_space<vmem>>, %arg8: memref<2x128x128xf32, #tpu.memory_space<vmem>>, %arg9: memref<512x4xf32, #tpu.memory_space<vmem>>, %arg10: memref<512x3xf32, #tpu.memory_space<vmem>>, %arg11: memref<!tpu.dma_semaphore, #tpu.memory_space<semaphore_mem>>, %arg12: memref<!tpu.dma_semaphore, #tpu.memory_space<semaphore_mem>>) attributes {dimension_semantics = [#tpu.dimension_semantics<core_parallel>, #tpu.dimension_semantics<subcore_parallel>], iteration_bounds = array<i64: 2, 16>, scalar_prefetch = 0 : i64, scratch_operands = 7 : i64, tpu.core_type = #tpu.core_type<sc_vector_subcore>, window_params = [{transform_indices = #map}, {transform_indices = #map1}, {transform_indices = #map1}, {transform_indices = #map1}]} {
    %mul3A = arith.constant 2 : i32
    %mul3A_0 = arith.muli %arg1, %mul3A : i32
    %add3A = arith.addi %mul3A_0, %arg0 : i32
    %mul3A_1 = arith.constant 512 : i32
    %mul3A_2 = arith.muli %add3A, %mul3A_1 : i32
    "tpu.region"() ({
      %run_scoped3A = tpu.sem_alloc : memref<!tpu.dma_semaphore, #tpu.memory_space<semaphore_mem>>
      %dma_start3A_4476 = tpu.memref_slice %arg2[%mul3A_2] : memref<16384xi32, #tpu.memory_space<hbm>> -> memref<512xi32, #tpu.memory_space<hbm>>
      %dma_start3A_4477 = tpu.memref_slice %arg2[%mul3A_2] : memref<16384xi32, #tpu.memory_space<hbm>> -> memref<512xi32, #tpu.memory_space<hbm>>
      tpu.enqueue_dma source(%dma_start3A_4477 : memref<512xi32, #tpu.memory_space<hbm>>) target(%arg6 : memref<512xi32, #tpu.memory_space<vmem>>) target_semaphore(%run_scoped3A : memref<!tpu.dma_semaphore, #tpu.memory_space<semaphore_mem>>)
      %dma_wait3A_4478 = tpu.memref_slice %arg2[%mul3A_2] : memref<16384xi32, #tpu.memory_space<hbm>> -> memref<512xi32, #tpu.memory_space<hbm>>
      %dma_wait3A_4479 = tpu.memref_slice %arg2[%mul3A_2] : memref<16384xi32, #tpu.memory_space<hbm>> -> memref<512xi32, #tpu.memory_space<hbm>>
      tpu.wait_dma2 semaphore(%run_scoped3A : memref<!tpu.dma_semaphore, #tpu.memory_space<semaphore_mem>>) src(%dma_wait3A_4479 : memref<512xi32, #tpu.memory_space<hbm>>) dst(%arg6 : memref<512xi32, #tpu.memory_space<vmem>>)
      tpu.yield
    }) : () -> ()
    %get3A = arith.constant 0 : index
    %get3A_3 = tpu.vector_load %arg6[%get3A] {strides = array<i32>} : memref<512xi32, #tpu.memory_space<vmem>>, vector<16xi32>,
    %shift_right_logical3A = arith.constant 4 : i32
    %shift_right_logical3A_4 = vector.broadcast %shift_right_logical3A : i32 to vector<16xi32>
    %shift_right_logical3A_5 = arith.shrui %get3A_3, %shift_right_logical3A_4 : vector<16xi32>
    %swap3A = arith.constant 0 : i32
    %swap3A_6 = arith.index_cast %swap3A : i32 to index
    %swap3A_7 = arith.constant 0 : index
    %swap3A_8 = tpu.vector_load %arg7[%swap3A_6, %swap3A_7] {strides = array<i32>} : memref<4x128xi32, #tpu.memory_space<vmem>>, vector<16xi32>,
    tpu.vector_store %arg7[%swap3A_6, %swap3A_7], %shift_right_logical3A_5 {strides = array<i32>} : memref<4x128xi32, #tpu.memory_space<vmem>>, vector<16xi32>,
    %get3A_9 = arith.constant 16 : index
    %get3A_10 = tpu.vector_load %arg6[%get3A_9] {strides = array<i32>} : memref<512xi32, #tpu.memory_space<vmem>>, vector<16xi32>,
    %shift_right_logical3A_11 = arith.constant 4 : i32
    %shift_right_logical3A_12 = vector.broadcast %shift_right_logical3A_11 : i32 to vector<16xi32>
    %shift_right_logical3A_13 = arith.shrui %get3A_10, %shift_right_logical3A_12 : vector<16xi32>
    %swap3A_14 = arith.constant 0 : i32
    %swap3A_15 = arith.index_cast %swap3A_14 : i32 to index
    %swap3A_16 = arith.constant 16 : index
    %swap3A_17 = tpu.vector_load %arg7[%swap3A_15, %swap3A_16] {strides = array<i32>} : memref<4x128xi32, #tpu.memory_space<vmem>>, vector<16xi32>,
    tpu.vector_store %arg7[%swap3A_15, %swap3A_16], %shift_right_logical3A_13 {strides = array<i32>} : memref<4x128xi32, #tpu.memory_space<vmem>>, vector<16xi32>,
    %get3A_18 = arith.constant 32 : index
    %get3A_19 = tpu.vector_load %arg6[%get3A_18] {strides = array<i32>} : memref<512xi32, #tpu.memory_space<vmem>>, vector<16xi32>,
    %shift_right_logical3A_20 = arith.constant 4 : i32
    %shift_right_logical3A_21 = vector.broadcast %shift_right_logical3A_20 : i32 to vector<16xi32>
    %shift_right_logical3A_22 = arith.shrui %get3A_19, %shift_right_logical3A_21 : vector<16xi32>
    %swap3A_23 = arith.constant 0 : i32
    %swap3A_24 = arith.index_cast %swap3A_23 : i32 to index
    %swap3A_25 = arith.constant 32 : index
    %swap3A_26 = tpu.vector_load %arg7[%swap3A_24, %swap3A_25] {strides = array<i32>} : memref<4x128xi32, #tpu.memory_space<vmem>>, vector<16xi32>,
    tpu.vector_store %arg7[%swap3A_24, %swap3A_25], %shift_right_logical3A_22 {strides = array<i32>} : memref<4x128xi32, #tpu.memory_space<vmem>>, vector<16xi32>,
    %get3A_27 = arith.constant 48 : index
    %get3A_28 = tpu.vector_load %arg6[%get3A_27] {strides = array<i32>} : memref<512xi32, #tpu.memory_space<vmem>>, vector<16xi32>,
    %shift_right_logical3A_29 = arith.constant 4 : i32
    %shift_right_logical3A_30 = vector.broadcast %shift_right_logical3A_29 : i32 to vector<16xi32>
    %shift_right_logical3A_31 = arith.shrui %get3A_28, %shift_right_logical3A_30 : vector<16xi32>
    %swap3A_32 = arith.constant 0 : i32
    %swap3A_33 = arith.index_cast %swap3A_32 : i32 to index
    %swap3A_34 = arith.constant 48 : index
    %swap3A_35 = tpu.vector_load %arg7[%swap3A_33, %swap3A_34] {strides = array<i32>} : memref<4x128xi32, #tpu.memory_space<vmem>>, vector<16xi32>,
    tpu.vector_store %arg7[%swap3A_33, %swap3A_34], %shift_right_logical3A_31 {strides = array<i32>} : memref<4x128xi32, #tpu.memory_space<vmem>>, vector<16xi32>,
    %get3A_36 = arith.constant 64 : index
    %get3A_37 = tpu.vector_load %arg6[%get3A_36] {strides = array<i32>} : memref<512xi32, #tpu.memory_space<vmem>>, vector<16xi32>,
    %shift_right_logical3A_38 = arith.constant 4 : i32
    %shift_right_logical3A_39 = vector.broadcast %shift_right_logical3A_38 : i32 to vector<16xi32>
    %shift_right_logical3A_40 = arith.shrui %get3A_37, %shift_right_logical3A_39 : vector<16xi32>
    %swap3A_41 = arith.constant 0 : i32
    %swap3A_42 = arith.index_cast %swap3A_41 : i32 to index
    %swap3A_43 = arith.constant 64 : index
    %swap3A_44 = tpu.vector_load %arg7[%swap3A_42, %swap3A_43] {strides = array<i32>} : memref<4x128xi32, #tpu.memory_space<vmem>>, vector<16xi32>,
    tpu.vector_store %arg7[%swap3A_42, %swap3A_43], %shift_right_logical3A_40 {strides = array<i32>} : memref<4x128xi32, #tpu.memory_space<vmem>>, vector<16xi32>,
    %get3A_45 = arith.constant 80 : index
    %get3A_46 = tpu.vector_load %arg6[%get3A_45] {strides = array<i32>} : memref<512xi32, #tpu.memory_space<vmem>>, vector<16xi32>,
    %shift_right_logical3A_47 = arith.constant 4 : i32
    %shift_right_logical3A_48 = vector.broadcast %shift_right_logical3A_47 : i32 to vector<16xi32>
    %shift_right_logical3A_49 = arith.shrui %get3A_46, %shift_right_logical3A_48 : vector<16xi32>
    %swap3A_50 = arith.constant 0 : i32
    %swap3A_51 = arith.index_cast %swap3A_50 : i32 to index
    %swap3A_52 = arith.constant 80 : index
    %swap3A_53 = tpu.vector_load %arg7[%swap3A_51, %swap3A_52] {strides = array<i32>} : memref<4x128xi32, #tpu.memory_space<vmem>>, vector<16xi32>,
    tpu.vector_store %arg7[%swap3A_51, %swap3A_52], %shift_right_logical3A_49 {strides = array<i32>} : memref<4x128xi32, #tpu.memory_space<vmem>>, vector<16xi32>,
    %get3A_54 = arith.constant 96 : index
    %get3A_55 = tpu.vector_load %arg6[%get3A_54] {strides = array<i32>} : memref<512xi32, #tpu.memory_space<vmem>>, vector<16xi32>,
    %shift_right_logical3A_56 = arith.constant 4 : i32
    %shift_right_logical3A_57 = vector.broadcast %shift_right_logical3A_56 : i32 to vector<16xi32>
    %shift_right_logical3A_58 = arith.shrui %get3A_55, %shift_right_logical3A_57 : vector<16xi32>
    %swap3A_59 = arith.constant 0 : i32
    %swap3A_60 = arith.index_cast %swap3A_59 : i32 to index
    %swap3A_61 = arith.constant 96 : index
    %swap3A_62 = tpu.vector_load %arg7[%swap3A_60, %swap3A_61] {strides = array<i32>} : memref<4x128xi32, #tpu.memory_space<vmem>>, vector<16xi32>,
    tpu.vector_store %arg7[%swap3A_60, %swap3A_61], %shift_right_logical3A_58 {strides = array<i32>} : memref<4x128xi32, #tpu.memory_space<vmem>>, vector<16xi32>,
    %get3A_63 = arith.constant 112 : index
    %get3A_64 = tpu.vector_load %arg6[%get3A_63] {strides = array<i32>} : memref<512xi32, #tpu.memory_space<vmem>>, vector<16xi32>,
    %shift_right_logical3A_65 = arith.constant 4 : i32
    %shift_right_logical3A_66 = vector.broadcast %shift_right_logical3A_65 : i32 to vector<16xi32>
    %shift_right_logical3A_67 = arith.shrui %get3A_64, %shift_right_logical3A_66 : vector<16xi32>
    %swap3A_68 = arith.constant 0 : i32
    %swap3A_69 = arith.index_cast %swap3A_68 : i32 to index
    %swap3A_70 = arith.constant 112 : index
    %swap3A_71 = tpu.vector_load %arg7[%swap3A_69, %swap3A_70] {strides = array<i32>} : memref<4x128xi32, #tpu.memory_space<vmem>>, vector<16xi32>,
    tpu.vector_store %arg7[%swap3A_69, %swap3A_70], %shift_right_logical3A_67 {strides = array<i32>} : memref<4x128xi32, #tpu.memory_space<vmem>>, vector<16xi32>,
    %get3A_72 = arith.constant 128 : index
    %get3A_73 = tpu.vector_load %arg6[%get3A_72] {strides = array<i32>} : memref<512xi32, #tpu.memory_space<vmem>>, vector<16xi32>,
    %shift_right_logical3A_74 = arith.constant 4 : i32
    %shift_right_logical3A_75 = vector.broadcast %shift_right_logical3A_74 : i32 to vector<16xi32>
    %shift_right_logical3A_76 = arith.shrui %get3A_73, %shift_right_logical3A_75 : vector<16xi32>
    %swap3A_77 = arith.constant 1 : i32
    %swap3A_78 = arith.index_cast %swap3A_77 : i32 to index
    %swap3A_79 = arith.constant 0 : index
    %swap3A_80 = tpu.vector_load %arg7[%swap3A_78, %swap3A_79] {strides = array<i32>} : memref<4x128xi32, #tpu.memory_space<vmem>>, vector<16xi32>,
    tpu.vector_store %arg7[%swap3A_78, %swap3A_79], %shift_right_logical3A_76 {strides = array<i32>} : memref<4x128xi32, #tpu.memory_space<vmem>>, vector<16xi32>,
    %get3A_81 = arith.constant 144 : index
    %get3A_82 = tpu.vector_load %arg6[%get3A_81] {strides = array<i32>} : memref<512xi32, #tpu.memory_space<vmem>>, vector<16xi32>,
    %shift_right_logical3A_83 = arith.constant 4 : i32
    %shift_right_logical3A_84 = vector.broadcast %shift_right_logical3A_83 : i32 to vector<16xi32>
    %shift_right_logical3A_85 = arith.shrui %get3A_82, %shift_right_logical3A_84 : vector<16xi32>
    %swap3A_86 = arith.constant 1 : i32
    %swap3A_87 = arith.index_cast %swap3A_86 : i32 to index
    %swap3A_88 = arith.constant 16 : index
    %swap3A_89 = tpu.vector_load %arg7[%swap3A_87, %swap3A_88] {strides = array<i32>} : memref<4x128xi32, #tpu.memory_space<vmem>>, vector<16xi32>,
    tpu.vector_store %arg7[%swap3A_87, %swap3A_88], %shift_right_logical3A_85 {strides = array<i32>} : memref<4x128xi32, #tpu.memory_space<vmem>>, vector<16xi32>,
    %get3A_90 = arith.constant 160 : index
    %get3A_91 = tpu.vector_load %arg6[%get3A_90] {strides = array<i32>} : memref<512xi32, #tpu.memory_space<vmem>>, vector<16xi32>,
    %shift_right_logical3A_92 = arith.constant 4 : i32
    %shift_right_logical3A_93 = vector.broadcast %shift_right_logical3A_92 : i32 to vector<16xi32>
    %shift_right_logical3A_94 = arith.shrui %get3A_91, %shift_right_logical3A_93 : vector<16xi32>
    %swap3A_95 = arith.constant 1 : i32
    %swap3A_96 = arith.index_cast %swap3A_95 : i32 to index
    %swap3A_97 = arith.constant 32 : index
    %swap3A_98 = tpu.vector_load %arg7[%swap3A_96, %swap3A_97] {strides = array<i32>} : memref<4x128xi32, #tpu.memory_space<vmem>>, vector<16xi32>,
    tpu.vector_store %arg7[%swap3A_96, %swap3A_97], %shift_right_logical3A_94 {strides = array<i32>} : memref<4x128xi32, #tpu.memory_space<vmem>>, vector<16xi32>,
    %get3A_99 = arith.constant 176 : index
    %get3A_100 = tpu.vector_load %arg6[%get3A_99] {strides = array<i32>} : memref<512xi32, #tpu.memory_space<vmem>>, vector<16xi32>,
    %shift_right_logical3A_101 = arith.constant 4 : i32
    %shift_right_logical3A_102 = vector.broadcast %shift_right_logical3A_101 : i32 to vector<16xi32>
    %shift_right_logical3A_103 = arith.shrui %get3A_100, %shift_right_logical3A_102 : vector<16xi32>
    %swap3A_104 = arith.constant 1 : i32
    %swap3A_105 = arith.index_cast %swap3A_104 : i32 to index
    %swap3A_106 = arith.constant 48 : index
    %swap3A_107 = tpu.vector_load %arg7[%swap3A_105, %swap3A_106] {strides = array<i32>} : memref<4x128xi32, #tpu.memory_space<vmem>>, vector<16xi32>,
    tpu.vector_store %arg7[%swap3A_105, %swap3A_106], %shift_right_logical3A_103 {strides = array<i32>} : memref<4x128xi32, #tpu.memory_space<vmem>>, vector<16xi32>,
    %get3A_108 = arith.constant 192 : index
    %get3A_109 = tpu.vector_load %arg6[%get3A_108] {strides = array<i32>} : memref<512xi32, #tpu.memory_space<vmem>>, vector<16xi32>,
    %shift_right_logical3A_110 = arith.constant 4 : i32
    %shift_right_logical3A_111 = vector.broadcast %shift_right_logical3A_110 : i32 to vector<16xi32>
    %shift_right_logical3A_112 = arith.shrui %get3A_109, %shift_right_logical3A_111 : vector<16xi32>
    %swap3A_113 = arith.constant 1 : i32
    %swap3A_114 = arith.index_cast %swap3A_113 : i32 to index
    %swap3A_115 = arith.constant 64 : index
    %swap3A_116 = tpu.vector_load %arg7[%swap3A_114, %swap3A_115] {strides = array<i32>} : memref<4x128xi32, #tpu.memory_space<vmem>>, vector<16xi32>,
    tpu.vector_store %arg7[%swap3A_114, %swap3A_115], %shift_right_logical3A_112 {strides = array<i32>} : memref<4x128xi32, #tpu.memory_space<vmem>>, vector<16xi32>,
    %get3A_117 = arith.constant 208 : index
    %get3A_118 = tpu.vector_load %arg6[%get3A_117] {strides = array<i32>} : memref<512xi32, #tpu.memory_space<vmem>>, vector<16xi32>,
    %shift_right_logical3A_119 = arith.constant 4 : i32
    %shift_right_logical3A_120 = vector.broadcast %shift_right_logical3A_119 : i32 to vector<16xi32>
    %shift_right_logical3A_121 = arith.shrui %get3A_118, %shift_right_logical3A_120 : vector<16xi32>
    %swap3A_122 = arith.constant 1 : i32
    %swap3A_123 = arith.index_cast %swap3A_122 : i32 to index
    %swap3A_124 = arith.constant 80 : index
    %swap3A_125 = tpu.vector_load %arg7[%swap3A_123, %swap3A_124] {strides = array<i32>} : memref<4x128xi32, #tpu.memory_space<vmem>>, vector<16xi32>,
    tpu.vector_store %arg7[%swap3A_123, %swap3A_124], %shift_right_logical3A_121 {strides = array<i32>} : memref<4x128xi32, #tpu.memory_space<vmem>>, vector<16xi32>,
    %get3A_126 = arith.constant 224 : index
    %get3A_127 = tpu.vector_load %arg6[%get3A_126] {strides = array<i32>} : memref<512xi32, #tpu.memory_space<vmem>>, vector<16xi32>,
    %shift_right_logical3A_128 = arith.constant 4 : i32
    %shift_right_logical3A_129 = vector.broadcast %shift_right_logical3A_128 : i32 to vector<16xi32>
    %shift_right_logical3A_130 = arith.shrui %get3A_127, %shift_right_logical3A_129 : vector<16xi32>
    %swap3A_131 = arith.constant 1 : i32
    %swap3A_132 = arith.index_cast %swap3A_131 : i32 to index
    %swap3A_133 = arith.constant 96 : index
    %swap3A_134 = tpu.vector_load %arg7[%swap3A_132, %swap3A_133] {strides = array<i32>} : memref<4x128xi32, #tpu.memory_space<vmem>>, vector<16xi32>,
    tpu.vector_store %arg7[%swap3A_132, %swap3A_133], %shift_right_logical3A_130 {strides = array<i32>} : memref<4x128xi32, #tpu.memory_space<vmem>>, vector<16xi32>,
    %get3A_135 = arith.constant 240 : index
    %get3A_136 = tpu.vector_load %arg6[%get3A_135] {strides = array<i32>} : memref<512xi32, #tpu.memory_space<vmem>>, vector<16xi32>,
    %shift_right_logical3A_137 = arith.constant 4 : i32
    %shift_right_logical3A_138 = vector.broadcast %shift_right_logical3A_137 : i32 to vector<16xi32>
    %shift_right_logical3A_139 = arith.shrui %get3A_136, %shift_right_logical3A_138 : vector<16xi32>
    %swap3A_140 = arith.constant 1 : i32
    %swap3A_141 = arith.index_cast %swap3A_140 : i32 to index
    %swap3A_142 = arith.constant 112 : index
    %swap3A_143 = tpu.vector_load %arg7[%swap3A_141, %swap3A_142] {strides = array<i32>} : memref<4x128xi32, #tpu.memory_space<vmem>>, vector<16xi32>,
    tpu.vector_store %arg7[%swap3A_141, %swap3A_142], %shift_right_logical3A_139 {strides = array<i32>} : memref<4x128xi32, #tpu.memory_space<vmem>>, vector<16xi32>,
    %get3A_144 = arith.constant 256 : index
    %get3A_145 = tpu.vector_load %arg6[%get3A_144] {strides = array<i32>} : memref<512xi32, #tpu.memory_space<vmem>>, vector<16xi32>,
    %shift_right_logical3A_146 = arith.constant 4 : i32
    %shift_right_logical3A_147 = vector.broadcast %shift_right_logical3A_146 : i32 to vector<16xi32>
    %shift_right_logical3A_148 = arith.shrui %get3A_145, %shift_right_logical3A_147 : vector<16xi32>
    %swap3A_149 = arith.constant 2 : i32
    %swap3A_150 = arith.index_cast %swap3A_149 : i32 to index
    %swap3A_151 = arith.constant 0 : index
    %swap3A_152 = tpu.vector_load %arg7[%swap3A_150, %swap3A_151] {strides = array<i32>} : memref<4x128xi32, #tpu.memory_space<vmem>>, vector<16xi32>,
    tpu.vector_store %arg7[%swap3A_150, %swap3A_151], %shift_right_logical3A_148 {strides = array<i32>} : memref<4x128xi32, #tpu.memory_space<vmem>>, vector<16xi32>,
    %get3A_153 = arith.constant 272 : index
    %get3A_154 = tpu.vector_load %arg6[%get3A_153] {strides = array<i32>} : memref<512xi32, #tpu.memory_space<vmem>>, vector<16xi32>,
    %shift_right_logical3A_155 = arith.constant 4 : i32
    %shift_right_logical3A_156 = vector.broadcast %shift_right_logical3A_155 : i32 to vector<16xi32>
    %shift_right_logical3A_157 = arith.shrui %get3A_154, %shift_right_logical3A_156 : vector<16xi32>
    %swap3A_158 = arith.constant 2 : i32
    %swap3A_159 = arith.index_cast %swap3A_158 : i32 to index
    %swap3A_160 = arith.constant 16 : index
    %swap3A_161 = tpu.vector_load %arg7[%swap3A_159, %swap3A_160] {strides = array<i32>} : memref<4x128xi32, #tpu.memory_space<vmem>>, vector<16xi32>,
    tpu.vector_store %arg7[%swap3A_159, %swap3A_160], %shift_right_logical3A_157 {strides = array<i32>} : memref<4x128xi32, #tpu.memory_space<vmem>>, vector<16xi32>,
    %get3A_162 = arith.constant 288 : index
    %get3A_163 = tpu.vector_load %arg6[%get3A_162] {strides = array<i32>} : memref<512xi32, #tpu.memory_space<vmem>>, vector<16xi32>,
    %shift_right_logical3A_164 = arith.constant 4 : i32
    %shift_right_logical3A_165 = vector.broadcast %shift_right_logical3A_164 : i32 to vector<16xi32>
    %shift_right_logical3A_166 = arith.shrui %get3A_163, %shift_right_logical3A_165 : vector<16xi32>
    %swap3A_167 = arith.constant 2 : i32
    %swap3A_168 = arith.index_cast %swap3A_167 : i32 to index
    %swap3A_169 = arith.constant 32 : index
    %swap3A_170 = tpu.vector_load %arg7[%swap3A_168, %swap3A_169] {strides = array<i32>} : memref<4x128xi32, #tpu.memory_space<vmem>>, vector<16xi32>,
    tpu.vector_store %arg7[%swap3A_168, %swap3A_169], %shift_right_logical3A_166 {strides = array<i32>} : memref<4x128xi32, #tpu.memory_space<vmem>>, vector<16xi32>,
    %get3A_171 = arith.constant 304 : index
    %get3A_172 = tpu.vector_load %arg6[%get3A_171] {strides = array<i32>} : memref<512xi32, #tpu.memory_space<vmem>>, vector<16xi32>,
    %shift_right_logical3A_173 = arith.constant 4 : i32
    %shift_right_logical3A_174 = vector.broadcast %shift_right_logical3A_173 : i32 to vector<16xi32>
    %shift_right_logical3A_175 = arith.shrui %get3A_172, %shift_right_logical3A_174 : vector<16xi32>
    %swap3A_176 = arith.constant 2 : i32
    %swap3A_177 = arith.index_cast %swap3A_176 : i32 to index
    %swap3A_178 = arith.constant 48 : index
    %swap3A_179 = tpu.vector_load %arg7[%swap3A_177, %swap3A_178] {strides = array<i32>} : memref<4x128xi32, #tpu.memory_space<vmem>>, vector<16xi32>,
    tpu.vector_store %arg7[%swap3A_177, %swap3A_178], %shift_right_logical3A_175 {strides = array<i32>} : memref<4x128xi32, #tpu.memory_space<vmem>>, vector<16xi32>,
    %get3A_180 = arith.constant 320 : index
    %get3A_181 = tpu.vector_load %arg6[%get3A_180] {strides = array<i32>} : memref<512xi32, #tpu.memory_space<vmem>>, vector<16xi32>,
    %shift_right_logical3A_182 = arith.constant 4 : i32
    %shift_right_logical3A_183 = vector.broadcast %shift_right_logical3A_182 : i32 to vector<16xi32>
    %shift_right_logical3A_184 = arith.shrui %get3A_181, %shift_right_logical3A_183 : vector<16xi32>
    %swap3A_185 = arith.constant 2 : i32
    %swap3A_186 = arith.index_cast %swap3A_185 : i32 to index
    %swap3A_187 = arith.constant 64 : index
    %swap3A_188 = tpu.vector_load %arg7[%swap3A_186, %swap3A_187] {strides = array<i32>} : memref<4x128xi32, #tpu.memory_space<vmem>>, vector<16xi32>,
    tpu.vector_store %arg7[%swap3A_186, %swap3A_187], %shift_right_logical3A_184 {strides = array<i32>} : memref<4x128xi32, #tpu.memory_space<vmem>>, vector<16xi32>,
    %get3A_189 = arith.constant 336 : index
    %get3A_190 = tpu.vector_load %arg6[%get3A_189] {strides = array<i32>} : memref<512xi32, #tpu.memory_space<vmem>>, vector<16xi32>,
    %shift_right_logical3A_191 = arith.constant 4 : i32
    %shift_right_logical3A_192 = vector.broadcast %shift_right_logical3A_191 : i32 to vector<16xi32>
    %shift_right_logical3A_193 = arith.shrui %get3A_190, %shift_right_logical3A_192 : vector<16xi32>
    %swap3A_194 = arith.constant 2 : i32
    %swap3A_195 = arith.index_cast %swap3A_194 : i32 to index
    %swap3A_196 = arith.constant 80 : index
    %swap3A_197 = tpu.vector_load %arg7[%swap3A_195, %swap3A_196] {strides = array<i32>} : memref<4x128xi32, #tpu.memory_space<vmem>>, vector<16xi32>,
    tpu.vector_store %arg7[%swap3A_195, %swap3A_196], %shift_right_logical3A_193 {strides = array<i32>} : memref<4x128xi32, #tpu.memory_space<vmem>>, vector<16xi32>,
    %get3A_198 = arith.constant 352 : index
    %get3A_199 = tpu.vector_load %arg6[%get3A_198] {strides = array<i32>} : memref<512xi32, #tpu.memory_space<vmem>>, vector<16xi32>,
    %shift_right_logical3A_200 = arith.constant 4 : i32
    %shift_right_logical3A_201 = vector.broadcast %shift_right_logical3A_200 : i32 to vector<16xi32>
    %shift_right_logical3A_202 = arith.shrui %get3A_199, %shift_right_logical3A_201 : vector<16xi32>
    %swap3A_203 = arith.constant 2 : i32
    %swap3A_204 = arith.index_cast %swap3A_203 : i32 to index
    %swap3A_205 = arith.constant 96 : index
    %swap3A_206 = tpu.vector_load %arg7[%swap3A_204, %swap3A_205] {strides = array<i32>} : memref<4x128xi32, #tpu.memory_space<vmem>>, vector<16xi32>,
    tpu.vector_store %arg7[%swap3A_204, %swap3A_205], %shift_right_logical3A_202 {strides = array<i32>} : memref<4x128xi32, #tpu.memory_space<vmem>>, vector<16xi32>,
    %get3A_207 = arith.constant 368 : index
    %get3A_208 = tpu.vector_load %arg6[%get3A_207] {strides = array<i32>} : memref<512xi32, #tpu.memory_space<vmem>>, vector<16xi32>,
    %shift_right_logical3A_209 = arith.constant 4 : i32
    %shift_right_logical3A_210 = vector.broadcast %shift_right_logical3A_209 : i32 to vector<16xi32>
    %shift_right_logical3A_211 = arith.shrui %get3A_208, %shift_right_logical3A_210 : vector<16xi32>
    %swap3A_212 = arith.constant 2 : i32
    %swap3A_213 = arith.index_cast %swap3A_212 : i32 to index
    %swap3A_214 = arith.constant 112 : index
    %swap3A_215 = tpu.vector_load %arg7[%swap3A_213, %swap3A_214] {strides = array<i32>} : memref<4x128xi32, #tpu.memory_space<vmem>>, vector<16xi32>,
    tpu.vector_store %arg7[%swap3A_213, %swap3A_214], %shift_right_logical3A_211 {strides = array<i32>} : memref<4x128xi32, #tpu.memory_space<vmem>>, vector<16xi32>,
    %get3A_216 = arith.constant 384 : index
    %get3A_217 = tpu.vector_load %arg6[%get3A_216] {strides = array<i32>} : memref<512xi32, #tpu.memory_space<vmem>>, vector<16xi32>,
    %shift_right_logical3A_218 = arith.constant 4 : i32
    %shift_right_logical3A_219 = vector.broadcast %shift_right_logical3A_218 : i32 to vector<16xi32>
    %shift_right_logical3A_220 = arith.shrui %get3A_217, %shift_right_logical3A_219 : vector<16xi32>
    %swap3A_221 = arith.constant 3 : i32
    %swap3A_222 = arith.index_cast %swap3A_221 : i32 to index
    %swap3A_223 = arith.constant 0 : index
    %swap3A_224 = tpu.vector_load %arg7[%swap3A_222, %swap3A_223] {strides = array<i32>} : memref<4x128xi32, #tpu.memory_space<vmem>>, vector<16xi32>,
    tpu.vector_store %arg7[%swap3A_222, %swap3A_223], %shift_right_logical3A_220 {strides = array<i32>} : memref<4x128xi32, #tpu.memory_space<vmem>>, vector<16xi32>,
    %get3A_225 = arith.constant 400 : index
    %get3A_226 = tpu.vector_load %arg6[%get3A_225] {strides = array<i32>} : memref<512xi32, #tpu.memory_space<vmem>>, vector<16xi32>,
    %shift_right_logical3A_227 = arith.constant 4 : i32
    %shift_right_logical3A_228 = vector.broadcast %shift_right_logical3A_227 : i32 to vector<16xi32>
    %shift_right_logical3A_229 = arith.shrui %get3A_226, %shift_right_logical3A_228 : vector<16xi32>
    %swap3A_230 = arith.constant 3 : i32
    %swap3A_231 = arith.index_cast %swap3A_230 : i32 to index
    %swap3A_232 = arith.constant 16 : index
    %swap3A_233 = tpu.vector_load %arg7[%swap3A_231, %swap3A_232] {strides = array<i32>} : memref<4x128xi32, #tpu.memory_space<vmem>>, vector<16xi32>,
    tpu.vector_store %arg7[%swap3A_231, %swap3A_232], %shift_right_logical3A_229 {strides = array<i32>} : memref<4x128xi32, #tpu.memory_space<vmem>>, vector<16xi32>,
    %get3A_234 = arith.constant 416 : index
    %get3A_235 = tpu.vector_load %arg6[%get3A_234] {strides = array<i32>} : memref<512xi32, #tpu.memory_space<vmem>>, vector<16xi32>,
    %shift_right_logical3A_236 = arith.constant 4 : i32
    %shift_right_logical3A_237 = vector.broadcast %shift_right_logical3A_236 : i32 to vector<16xi32>
    %shift_right_logical3A_238 = arith.shrui %get3A_235, %shift_right_logical3A_237 : vector<16xi32>
    %swap3A_239 = arith.constant 3 : i32
    %swap3A_240 = arith.index_cast %swap3A_239 : i32 to index
    %swap3A_241 = arith.constant 32 : index
    %swap3A_242 = tpu.vector_load %arg7[%swap3A_240, %swap3A_241] {strides = array<i32>} : memref<4x128xi32, #tpu.memory_space<vmem>>, vector<16xi32>,
    tpu.vector_store %arg7[%swap3A_240, %swap3A_241], %shift_right_logical3A_238 {strides = array<i32>} : memref<4x128xi32, #tpu.memory_space<vmem>>, vector<16xi32>,
    %get3A_243 = arith.constant 432 : index
    %get3A_244 = tpu.vector_load %arg6[%get3A_243] {strides = array<i32>} : memref<512xi32, #tpu.memory_space<vmem>>, vector<16xi32>,
    %shift_right_logical3A_245 = arith.constant 4 : i32
    %shift_right_logical3A_246 = vector.broadcast %shift_right_logical3A_245 : i32 to vector<16xi32>
    %shift_right_logical3A_247 = arith.shrui %get3A_244, %shift_right_logical3A_246 : vector<16xi32>
    %swap3A_248 = arith.constant 3 : i32
    %swap3A_249 = arith.index_cast %swap3A_248 : i32 to index
    %swap3A_250 = arith.constant 48 : index
    %swap3A_251 = tpu.vector_load %arg7[%swap3A_249, %swap3A_250] {strides = array<i32>} : memref<4x128xi32, #tpu.memory_space<vmem>>, vector<16xi32>,
    tpu.vector_store %arg7[%swap3A_249, %swap3A_250], %shift_right_logical3A_247 {strides = array<i32>} : memref<4x128xi32, #tpu.memory_space<vmem>>, vector<16xi32>,
    %get3A_252 = arith.constant 448 : index
    %get3A_253 = tpu.vector_load %arg6[%get3A_252] {strides = array<i32>} : memref<512xi32, #tpu.memory_space<vmem>>, vector<16xi32>,
    %shift_right_logical3A_254 = arith.constant 4 : i32
    %shift_right_logical3A_255 = vector.broadcast %shift_right_logical3A_254 : i32 to vector<16xi32>
    %shift_right_logical3A_256 = arith.shrui %get3A_253, %shift_right_logical3A_255 : vector<16xi32>
    %swap3A_257 = arith.constant 3 : i32
    %swap3A_258 = arith.index_cast %swap3A_257 : i32 to index
    %swap3A_259 = arith.constant 64 : index
    %swap3A_260 = tpu.vector_load %arg7[%swap3A_258, %swap3A_259] {strides = array<i32>} : memref<4x128xi32, #tpu.memory_space<vmem>>, vector<16xi32>,
    tpu.vector_store %arg7[%swap3A_258, %swap3A_259], %shift_right_logical3A_256 {strides = array<i32>} : memref<4x128xi32, #tpu.memory_space<vmem>>, vector<16xi32>,
    %get3A_261 = arith.constant 464 : index
    %get3A_262 = tpu.vector_load %arg6[%get3A_261] {strides = array<i32>} : memref<512xi32, #tpu.memory_space<vmem>>, vector<16xi32>,
    %shift_right_logical3A_263 = arith.constant 4 : i32
    %shift_right_logical3A_264 = vector.broadcast %shift_right_logical3A_263 : i32 to vector<16xi32>
    %shift_right_logical3A_265 = arith.shrui %get3A_262, %shift_right_logical3A_264 : vector<16xi32>
    %swap3A_266 = arith.constant 3 : i32
    %swap3A_267 = arith.index_cast %swap3A_266 : i32 to index
    %swap3A_268 = arith.constant 80 : index
    %swap3A_269 = tpu.vector_load %arg7[%swap3A_267, %swap3A_268] {strides = array<i32>} : memref<4x128xi32, #tpu.memory_space<vmem>>, vector<16xi32>,
    tpu.vector_store %arg7[%swap3A_267, %swap3A_268], %shift_right_logical3A_265 {strides = array<i32>} : memref<4x128xi32, #tpu.memory_space<vmem>>, vector<16xi32>,
    %get3A_270 = arith.constant 480 : index
    %get3A_271 = tpu.vector_load %arg6[%get3A_270] {strides = array<i32>} : memref<512xi32, #tpu.memory_space<vmem>>, vector<16xi32>,
    %shift_right_logical3A_272 = arith.constant 4 : i32
    %shift_right_logical3A_273 = vector.broadcast %shift_right_logical3A_272 : i32 to vector<16xi32>
    %shift_right_logical3A_274 = arith.shrui %get3A_271, %shift_right_logical3A_273 : vector<16xi32>
    %swap3A_275 = arith.constant 3 : i32
    %swap3A_276 = arith.index_cast %swap3A_275 : i32 to index
    %swap3A_277 = arith.constant 96 : index
    %swap3A_278 = tpu.vector_load %arg7[%swap3A_276, %swap3A_277] {strides = array<i32>} : memref<4x128xi32, #tpu.memory_space<vmem>>, vector<16xi32>,
    tpu.vector_store %arg7[%swap3A_276, %swap3A_277], %shift_right_logical3A_274 {strides = array<i32>} : memref<4x128xi32, #tpu.memory_space<vmem>>, vector<16xi32>,
    %get3A_279 = arith.constant 496 : index
    %get3A_280 = tpu.vector_load %arg6[%get3A_279] {strides = array<i32>} : memref<512xi32, #tpu.memory_space<vmem>>, vector<16xi32>,
    %shift_right_logical3A_281 = arith.constant 4 : i32
    %shift_right_logical3A_282 = vector.broadcast %shift_right_logical3A_281 : i32 to vector<16xi32>
    %shift_right_logical3A_283 = arith.shrui %get3A_280, %shift_right_logical3A_282 : vector<16xi32>
    %swap3A_284 = arith.constant 3 : i32
    %swap3A_285 = arith.index_cast %swap3A_284 : i32 to index
    %swap3A_286 = arith.constant 112 : index
    %swap3A_287 = tpu.vector_load %arg7[%swap3A_285, %swap3A_286] {strides = array<i32>} : memref<4x128xi32, #tpu.memory_space<vmem>>, vector<16xi32>,
    tpu.vector_store %arg7[%swap3A_285, %swap3A_286], %shift_right_logical3A_283 {strides = array<i32>} : memref<4x128xi32, #tpu.memory_space<vmem>>, vector<16xi32>,
    %iota3A = tpu.iota {dimensions = array<i32: 0>} : vector<16xi32>
    %dma_start3A = arith.constant 0 : i32
    %dma_start3A_288 = arith.constant 0 : i32
    %dma_start3A_289 = arith.constant 0 : i32
    %dma_start3A_290 = arith.constant 0 : i32
    %dma_start3A_291 = tpu.memref_slice %arg8[%dma_start3A_288, %dma_start3A_289, %dma_start3A_290] : memref<2x128x128xf32, #tpu.memory_space<vmem>> -> memref<1x128x128xf32, #tpu.memory_space<vmem>>
    %dma_start3A_292 = tpu.memref_squeeze %dma_start3A_291 : memref<1x128x128xf32, #tpu.memory_space<vmem>> -> memref<128x128xf32, #tpu.memory_space<vmem>>
    %dma_start3A_293 = arith.constant 0 : i32
    %dma_start3A_294 = tpu.memref_slice %arg7[%dma_start3A, %dma_start3A_293] : memref<4x128xi32, #tpu.memory_space<vmem>> -> memref<1x128xi32, #tpu.memory_space<vmem>>
    %dma_start3A_295 = tpu.memref_squeeze %dma_start3A_294 : memref<1x128xi32, #tpu.memory_space<vmem>> -> memref<128xi32, #tpu.memory_space<vmem>>
    %dma_start3A_296 = arith.constant 0 : i32
    %dma_start3A_297 = arith.constant 0 : i32
    %dma_start3A_298 = tpu.memref_slice %arg3[%dma_start3A_296, %dma_start3A_297] : memref<62500x128xf32, #tpu.memory_space<hbm>> -> memref<62500x128xf32, #tpu.memory_space<hbm>>
    tpu.enqueue_indirect_dma source(%dma_start3A_298 : memref<62500x128xf32, #tpu.memory_space<hbm>>) target(%dma_start3A_292 : memref<128x128xf32, #tpu.memory_space<vmem>>) offsets(%dma_start3A_295 : memref<128xi32, #tpu.memory_space<vmem>>) semaphore(%arg11 : memref<!tpu.dma_semaphore, #tpu.memory_space<semaphore_mem>>)
    %dma_start3A_299 = arith.constant 1 : i32
    %dma_start3A_300 = arith.constant 1 : i32
    %dma_start3A_301 = arith.constant 0 : i32
    %dma_start3A_302 = arith.constant 0 : i32
    %dma_start3A_303 = tpu.memref_slice %arg8[%dma_start3A_300, %dma_start3A_301, %dma_start3A_302] : memref<2x128x128xf32, #tpu.memory_space<vmem>> -> memref<1x128x128xf32, #tpu.memory_space<vmem>>
    %dma_start3A_304 = tpu.memref_squeeze %dma_start3A_303 : memref<1x128x128xf32, #tpu.memory_space<vmem>> -> memref<128x128xf32, #tpu.memory_space<vmem>>
    %dma_start3A_305 = arith.constant 0 : i32
    %dma_start3A_306 = tpu.memref_slice %arg7[%dma_start3A_299, %dma_start3A_305] : memref<4x128xi32, #tpu.memory_space<vmem>> -> memref<1x128xi32, #tpu.memory_space<vmem>>
    %dma_start3A_307 = tpu.memref_squeeze %dma_start3A_306 : memref<1x128xi32, #tpu.memory_space<vmem>> -> memref<128xi32, #tpu.memory_space<vmem>>
    %dma_start3A_308 = arith.constant 0 : i32
    %dma_start3A_309 = arith.constant 0 : i32
    %dma_start3A_310 = tpu.memref_slice %arg3[%dma_start3A_308, %dma_start3A_309] : memref<62500x128xf32, #tpu.memory_space<hbm>> -> memref<62500x128xf32, #tpu.memory_space<hbm>>
    tpu.enqueue_indirect_dma source(%dma_start3A_310 : memref<62500x128xf32, #tpu.memory_space<hbm>>) target(%dma_start3A_304 : memref<128x128xf32, #tpu.memory_space<vmem>>) offsets(%dma_start3A_307 : memref<128xi32, #tpu.memory_space<vmem>>) semaphore(%arg12 : memref<!tpu.dma_semaphore, #tpu.memory_space<semaphore_mem>>)
    %dma_wait3A = arith.constant 0 : i32
    %dma_wait3A_311 = arith.constant 0 : i32
    %dma_wait3A_312 = arith.constant 0 : i32
    %dma_wait3A_313 = arith.constant 0 : i32
    %dma_wait3A_314 = tpu.memref_slice %arg8[%dma_wait3A_311, %dma_wait3A_312, %dma_wait3A_313] : memref<2x128x128xf32, #tpu.memory_space<vmem>> -> memref<1x128x128xf32, #tpu.memory_space<vmem>>
    %dma_wait3A_315 = tpu.memref_squeeze %dma_wait3A_314 : memref<1x128x128xf32, #tpu.memory_space<vmem>> -> memref<128x128xf32, #tpu.memory_space<vmem>>
    %dma_wait3A_316 = arith.constant 0 : i32
    %dma_wait3A_317 = tpu.memref_slice %arg7[%dma_wait3A, %dma_wait3A_316] : memref<4x128xi32, #tpu.memory_space<vmem>> -> memref<1x128xi32, #tpu.memory_space<vmem>>
    %dma_wait3A_318 = tpu.memref_squeeze %dma_wait3A_317 : memref<1x128xi32, #tpu.memory_space<vmem>> -> memref<128xi32, #tpu.memory_space<vmem>>
    %dma_wait3A_319 = arith.constant 0 : i32
    %dma_wait3A_320 = arith.constant 0 : i32
    %dma_wait3A_321 = tpu.memref_slice %arg3[%dma_wait3A_319, %dma_wait3A_320] : memref<62500x128xf32, #tpu.memory_space<hbm>> -> memref<62500x128xf32, #tpu.memory_space<hbm>>
    tpu.wait_indirect_dma semaphore(%arg11 : memref<!tpu.dma_semaphore, #tpu.memory_space<semaphore_mem>>) src(%dma_wait3A_321 : memref<62500x128xf32, #tpu.memory_space<hbm>>) dst(%dma_wait3A_315 : memref<128x128xf32, #tpu.memory_space<vmem>>)
    %add3A_322 = arith.constant 0 : i32
    %add3A_323 = vector.broadcast %add3A_322 : i32 to vector<16xi32>
    %add3A_324 = arith.addi %add3A_323, %iota3A : vector<16xi32>
    %get3A_325 = arith.constant 0 : index
    %get3A_326 = tpu.vector_load %arg6[%get3A_325] {strides = array<i32>} : memref<512xi32, #tpu.memory_space<vmem>>, vector<16xi32>,
    %add3A_327 = arith.constant 0 : i32
    %add3A_328 = vector.broadcast %add3A_327 : i32 to vector<16xi32>
    %add3A_329 = arith.addi %add3A_328, %iota3A : vector<16xi32>
    %and3A = arith.constant 15 : i32
    %and3A_330 = vector.broadcast %and3A : i32 to vector<16xi32>
    %and3A_331 = arith.andi %get3A_326, %and3A_330 : vector<16xi32>
    %mul3A_332 = arith.constant 8 : i32
    %mul3A_333 = vector.broadcast %mul3A_332 : i32 to vector<16xi32>
    %mul3A_334 = arith.muli %and3A_331, %mul3A_333 : vector<16xi32>
    %add3A_335 = arith.constant 0 : i32
    %add3A_336 = vector.broadcast %add3A_335 : i32 to vector<16xi32>
    %add3A_337 = arith.addi %mul3A_334, %add3A_336 : vector<16xi32>
    %gather3A = arith.constant 0 : i32
    %gather3A_338 = arith.constant 0 : i32
    %gather3A_339 = arith.constant 0 : i32
    %gather3A_340 = tpu.memref_slice %arg8[%gather3A, %gather3A_338, %gather3A_339] : memref<2x128x128xf32, #tpu.memory_space<vmem>> -> memref<1x128x128xf32, #tpu.memory_space<vmem>>
    %gather3A_341 = tpu.memref_squeeze %gather3A_340 : memref<1x128x128xf32, #tpu.memory_space<vmem>> -> memref<128x128xf32, #tpu.memory_space<vmem>>
    %gather3A_342 = tpu.vector_load_idx %gather3A_341[%add3A_324, %add3A_337] : memref<128x128xf32, #tpu.memory_space<vmem>>[vector<16xi32>, vector<16xi32>], vector<16xf32>,
    %mul3A_343 = arith.constant 0 : i32
    %mul3A_344 = vector.broadcast %mul3A_343 : i32 to vector<16xi32>
    %mul3A_345 = arith.muli %iota3A, %mul3A_344 : vector<16xi32>
    %add3A_346 = arith.constant 0 : i32
    %add3A_347 = vector.broadcast %add3A_346 : i32 to vector<16xi32>
    %add3A_348 = arith.addi %mul3A_345, %add3A_347 : vector<16xi32>
    tpu.vector_store_idx %arg9[%add3A_329, %add3A_348], %gather3A_342 : memref<512x4xf32, #tpu.memory_space<vmem>>[vector<16xi32>, vector<16xi32>], vector<16xf32>,
    %add3A_349 = arith.constant 1 : i32
    %add3A_350 = vector.broadcast %add3A_349 : i32 to vector<16xi32>
    %add3A_351 = arith.addi %mul3A_334, %add3A_350 : vector<16xi32>
    %gather3A_352 = arith.constant 0 : i32
    %gather3A_353 = arith.constant 0 : i32
    %gather3A_354 = arith.constant 0 : i32
    %gather3A_355 = tpu.memref_slice %arg8[%gather3A_352, %gather3A_353, %gather3A_354] : memref<2x128x128xf32, #tpu.memory_space<vmem>> -> memref<1x128x128xf32, #tpu.memory_space<vmem>>
    %gather3A_356 = tpu.memref_squeeze %gather3A_355 : memref<1x128x128xf32, #tpu.memory_space<vmem>> -> memref<128x128xf32, #tpu.memory_space<vmem>>
    %gather3A_357 = tpu.vector_load_idx %gather3A_356[%add3A_324, %add3A_351] : memref<128x128xf32, #tpu.memory_space<vmem>>[vector<16xi32>, vector<16xi32>], vector<16xf32>,
    %mul3A_358 = arith.constant 0 : i32
    %mul3A_359 = vector.broadcast %mul3A_358 : i32 to vector<16xi32>
    %mul3A_360 = arith.muli %iota3A, %mul3A_359 : vector<16xi32>
    %add3A_361 = arith.constant 1 : i32
    %add3A_362 = vector.broadcast %add3A_361 : i32 to vector<16xi32>
    %add3A_363 = arith.addi %mul3A_360, %add3A_362 : vector<16xi32>
    tpu.vector_store_idx %arg9[%add3A_329, %add3A_363], %gather3A_357 : memref<512x4xf32, #tpu.memory_space<vmem>>[vector<16xi32>, vector<16xi32>], vector<16xf32>,
    %add3A_364 = arith.constant 2 : i32
    %add3A_365 = vector.broadcast %add3A_364 : i32 to vector<16xi32>
    %add3A_366 = arith.addi %mul3A_334, %add3A_365 : vector<16xi32>
    %gather3A_367 = arith.constant 0 : i32
    %gather3A_368 = arith.constant 0 : i32
    %gather3A_369 = arith.constant 0 : i32
    %gather3A_370 = tpu.memref_slice %arg8[%gather3A_367, %gather3A_368, %gather3A_369] : memref<2x128x128xf32, #tpu.memory_space<vmem>> -> memref<1x128x128xf32, #tpu.memory_space<vmem>>
    %gather3A_371 = tpu.memref_squeeze %gather3A_370 : memref<1x128x128xf32, #tpu.memory_space<vmem>> -> memref<128x128xf32, #tpu.memory_space<vmem>>
    %gather3A_372 = tpu.vector_load_idx %gather3A_371[%add3A_324, %add3A_366] : memref<128x128xf32, #tpu.memory_space<vmem>>[vector<16xi32>, vector<16xi32>], vector<16xf32>,
    %mul3A_373 = arith.constant 0 : i32
    %mul3A_374 = vector.broadcast %mul3A_373 : i32 to vector<16xi32>
    %mul3A_375 = arith.muli %iota3A, %mul3A_374 : vector<16xi32>
    %add3A_376 = arith.constant 2 : i32
    %add3A_377 = vector.broadcast %add3A_376 : i32 to vector<16xi32>
    %add3A_378 = arith.addi %mul3A_375, %add3A_377 : vector<16xi32>
    tpu.vector_store_idx %arg9[%add3A_329, %add3A_378], %gather3A_372 : memref<512x4xf32, #tpu.memory_space<vmem>>[vector<16xi32>, vector<16xi32>], vector<16xf32>,
    %add3A_379 = arith.constant 3 : i32
    %add3A_380 = vector.broadcast %add3A_379 : i32 to vector<16xi32>
    %add3A_381 = arith.addi %mul3A_334, %add3A_380 : vector<16xi32>
    %gather3A_382 = arith.constant 0 : i32
    %gather3A_383 = arith.constant 0 : i32
    %gather3A_384 = arith.constant 0 : i32
    %gather3A_385 = tpu.memref_slice %arg8[%gather3A_382, %gather3A_383, %gather3A_384] : memref<2x128x128xf32, #tpu.memory_space<vmem>> -> memref<1x128x128xf32, #tpu.memory_space<vmem>>
    %gather3A_386 = tpu.memref_squeeze %gather3A_385 : memref<1x128x128xf32, #tpu.memory_space<vmem>> -> memref<128x128xf32, #tpu.memory_space<vmem>>
    %gather3A_387 = tpu.vector_load_idx %gather3A_386[%add3A_324, %add3A_381] : memref<128x128xf32, #tpu.memory_space<vmem>>[vector<16xi32>, vector<16xi32>], vector<16xf32>,
    %mul3A_388 = arith.constant 0 : i32
    %mul3A_389 = vector.broadcast %mul3A_388 : i32 to vector<16xi32>
    %mul3A_390 = arith.muli %iota3A, %mul3A_389 : vector<16xi32>
    %add3A_391 = arith.constant 3 : i32
    %add3A_392 = vector.broadcast %add3A_391 : i32 to vector<16xi32>
    %add3A_393 = arith.addi %mul3A_390, %add3A_392 : vector<16xi32>
    tpu.vector_store_idx %arg9[%add3A_329, %add3A_393], %gather3A_387 : memref<512x4xf32, #tpu.memory_space<vmem>>[vector<16xi32>, vector<16xi32>], vector<16xf32>,
    %add3A_394 = arith.constant 4 : i32
    %add3A_395 = vector.broadcast %add3A_394 : i32 to vector<16xi32>
    %add3A_396 = arith.addi %mul3A_334, %add3A_395 : vector<16xi32>
    %add3A_397 = arith.constant 0 : i32
    %add3A_398 = vector.broadcast %add3A_397 : i32 to vector<16xi32>
    %add3A_399 = arith.addi %add3A_396, %add3A_398 : vector<16xi32>
    %gather3A_400 = arith.constant 0 : i32
    %gather3A_401 = arith.constant 0 : i32
    %gather3A_402 = arith.constant 0 : i32
    %gather3A_403 = tpu.memref_slice %arg8[%gather3A_400, %gather3A_401, %gather3A_402] : memref<2x128x128xf32, #tpu.memory_space<vmem>> -> memref<1x128x128xf32, #tpu.memory_space<vmem>>
    %gather3A_404 = tpu.memref_squeeze %gather3A_403 : memref<1x128x128xf32, #tpu.memory_space<vmem>> -> memref<128x128xf32, #tpu.memory_space<vmem>>
    %gather3A_405 = tpu.vector_load_idx %gather3A_404[%add3A_324, %add3A_399] : memref<128x128xf32, #tpu.memory_space<vmem>>[vector<16xi32>, vector<16xi32>], vector<16xf32>,
    %mul3A_406 = arith.constant 0 : i32
    %mul3A_407 = vector.broadcast %mul3A_406 : i32 to vector<16xi32>
    %mul3A_408 = arith.muli %iota3A, %mul3A_407 : vector<16xi32>
    %add3A_409 = arith.constant 0 : i32
    %add3A_410 = vector.broadcast %add3A_409 : i32 to vector<16xi32>
    %add3A_411 = arith.addi %mul3A_408, %add3A_410 : vector<16xi32>
    tpu.vector_store_idx %arg10[%add3A_329, %add3A_411], %gather3A_405 : memref<512x3xf32, #tpu.memory_space<vmem>>[vector<16xi32>, vector<16xi32>], vector<16xf32>,
    %add3A_412 = arith.constant 4 : i32
    %add3A_413 = vector.broadcast %add3A_412 : i32 to vector<16xi32>
    %add3A_414 = arith.addi %mul3A_334, %add3A_413 : vector<16xi32>
    %add3A_415 = arith.constant 1 : i32
    %add3A_416 = vector.broadcast %add3A_415 : i32 to vector<16xi32>
    %add3A_417 = arith.addi %add3A_414, %add3A_416 : vector<16xi32>
    %gather3A_418 = arith.constant 0 : i32
    %gather3A_419 = arith.constant 0 : i32
    %gather3A_420 = arith.constant 0 : i32
    %gather3A_421 = tpu.memref_slice %arg8[%gather3A_418, %gather3A_419, %gather3A_420] : memref<2x128x128xf32, #tpu.memory_space<vmem>> -> memref<1x128x128xf32, #tpu.memory_space<vmem>>
    %gather3A_422 = tpu.memref_squeeze %gather3A_421 : memref<1x128x128xf32, #tpu.memory_space<vmem>> -> memref<128x128xf32, #tpu.memory_space<vmem>>
    %gather3A_423 = tpu.vector_load_idx %gather3A_422[%add3A_324, %add3A_417] : memref<128x128xf32, #tpu.memory_space<vmem>>[vector<16xi32>, vector<16xi32>], vector<16xf32>,
    %mul3A_424 = arith.constant 0 : i32
    %mul3A_425 = vector.broadcast %mul3A_424 : i32 to vector<16xi32>
    %mul3A_426 = arith.muli %iota3A, %mul3A_425 : vector<16xi32>
    %add3A_427 = arith.constant 1 : i32
    %add3A_428 = vector.broadcast %add3A_427 : i32 to vector<16xi32>
    %add3A_429 = arith.addi %mul3A_426, %add3A_428 : vector<16xi32>
    tpu.vector_store_idx %arg10[%add3A_329, %add3A_429], %gather3A_423 : memref<512x3xf32, #tpu.memory_space<vmem>>[vector<16xi32>, vector<16xi32>], vector<16xf32>,
    %add3A_430 = arith.constant 4 : i32
    %add3A_431 = vector.broadcast %add3A_430 : i32 to vector<16xi32>
    %add3A_432 = arith.addi %mul3A_334, %add3A_431 : vector<16xi32>
    %add3A_433 = arith.constant 2 : i32
    %add3A_434 = vector.broadcast %add3A_433 : i32 to vector<16xi32>
    %add3A_435 = arith.addi %add3A_432, %add3A_434 : vector<16xi32>
    %gather3A_436 = arith.constant 0 : i32
    %gather3A_437 = arith.constant 0 : i32
    %gather3A_438 = arith.constant 0 : i32
    %gather3A_439 = tpu.memref_slice %arg8[%gather3A_436, %gather3A_437, %gather3A_438] : memref<2x128x128xf32, #tpu.memory_space<vmem>> -> memref<1x128x128xf32, #tpu.memory_space<vmem>>
    %gather3A_440 = tpu.memref_squeeze %gather3A_439 : memref<1x128x128xf32, #tpu.memory_space<vmem>> -> memref<128x128xf32, #tpu.memory_space<vmem>>
    %gather3A_441 = tpu.vector_load_idx %gather3A_440[%add3A_324, %add3A_435] : memref<128x128xf32, #tpu.memory_space<vmem>>[vector<16xi32>, vector<16xi32>], vector<16xf32>,
    %mul3A_442 = arith.constant 0 : i32
    %mul3A_443 = vector.broadcast %mul3A_442 : i32 to vector<16xi32>
    %mul3A_444 = arith.muli %iota3A, %mul3A_443 : vector<16xi32>
    %add3A_445 = arith.constant 2 : i32
    %add3A_446 = vector.broadcast %add3A_445 : i32 to vector<16xi32>
    %add3A_447 = arith.addi %mul3A_444, %add3A_446 : vector<16xi32>
    tpu.vector_store_idx %arg10[%add3A_329, %add3A_447], %gather3A_441 : memref<512x3xf32, #tpu.memory_space<vmem>>[vector<16xi32>, vector<16xi32>], vector<16xf32>,
    %add3A_448 = arith.constant 16 : i32
    %add3A_449 = vector.broadcast %add3A_448 : i32 to vector<16xi32>
    %add3A_450 = arith.addi %add3A_449, %iota3A : vector<16xi32>
    %get3A_451 = arith.constant 16 : index
    %get3A_452 = tpu.vector_load %arg6[%get3A_451] {strides = array<i32>} : memref<512xi32, #tpu.memory_space<vmem>>, vector<16xi32>,
    %add3A_453 = arith.constant 16 : i32
    %add3A_454 = vector.broadcast %add3A_453 : i32 to vector<16xi32>
    %add3A_455 = arith.addi %add3A_454, %iota3A : vector<16xi32>
    %and3A_456 = arith.constant 15 : i32
    %and3A_457 = vector.broadcast %and3A_456 : i32 to vector<16xi32>
    %and3A_458 = arith.andi %get3A_452, %and3A_457 : vector<16xi32>
    %mul3A_459 = arith.constant 8 : i32
    %mul3A_460 = vector.broadcast %mul3A_459 : i32 to vector<16xi32>
    %mul3A_461 = arith.muli %and3A_458, %mul3A_460 : vector<16xi32>
    %add3A_462 = arith.constant 0 : i32
    %add3A_463 = vector.broadcast %add3A_462 : i32 to vector<16xi32>
    %add3A_464 = arith.addi %mul3A_461, %add3A_463 : vector<16xi32>
    %gather3A_465 = arith.constant 0 : i32
    %gather3A_466 = arith.constant 0 : i32
    %gather3A_467 = arith.constant 0 : i32
    %gather3A_468 = tpu.memref_slice %arg8[%gather3A_465, %gather3A_466, %gather3A_467] : memref<2x128x128xf32, #tpu.memory_space<vmem>> -> memref<1x128x128xf32, #tpu.memory_space<vmem>>
    %gather3A_469 = tpu.memref_squeeze %gather3A_468 : memref<1x128x128xf32, #tpu.memory_space<vmem>> -> memref<128x128xf32, #tpu.memory_space<vmem>>
    %gather3A_470 = tpu.vector_load_idx %gather3A_469[%add3A_450, %add3A_464] : memref<128x128xf32, #tpu.memory_space<vmem>>[vector<16xi32>, vector<16xi32>], vector<16xf32>,
    %mul3A_471 = arith.constant 0 : i32
    %mul3A_472 = vector.broadcast %mul3A_471 : i32 to vector<16xi32>
    %mul3A_473 = arith.muli %iota3A, %mul3A_472 : vector<16xi32>
    %add3A_474 = arith.constant 0 : i32
    %add3A_475 = vector.broadcast %add3A_474 : i32 to vector<16xi32>
    %add3A_476 = arith.addi %mul3A_473, %add3A_475 : vector<16xi32>
    tpu.vector_store_idx %arg9[%add3A_455, %add3A_476], %gather3A_470 : memref<512x4xf32, #tpu.memory_space<vmem>>[vector<16xi32>, vector<16xi32>], vector<16xf32>,
    %add3A_477 = arith.constant 1 : i32
    %add3A_478 = vector.broadcast %add3A_477 : i32 to vector<16xi32>
    %add3A_479 = arith.addi %mul3A_461, %add3A_478 : vector<16xi32>
    %gather3A_480 = arith.constant 0 : i32
    %gather3A_481 = arith.constant 0 : i32
    %gather3A_482 = arith.constant 0 : i32
    %gather3A_483 = tpu.memref_slice %arg8[%gather3A_480, %gather3A_481, %gather3A_482] : memref<2x128x128xf32, #tpu.memory_space<vmem>> -> memref<1x128x128xf32, #tpu.memory_space<vmem>>
    %gather3A_484 = tpu.memref_squeeze %gather3A_483 : memref<1x128x128xf32, #tpu.memory_space<vmem>> -> memref<128x128xf32, #tpu.memory_space<vmem>>
    %gather3A_485 = tpu.vector_load_idx %gather3A_484[%add3A_450, %add3A_479] : memref<128x128xf32, #tpu.memory_space<vmem>>[vector<16xi32>, vector<16xi32>], vector<16xf32>,
    %mul3A_486 = arith.constant 0 : i32
    %mul3A_487 = vector.broadcast %mul3A_486 : i32 to vector<16xi32>
    %mul3A_488 = arith.muli %iota3A, %mul3A_487 : vector<16xi32>
    %add3A_489 = arith.constant 1 : i32
    %add3A_490 = vector.broadcast %add3A_489 : i32 to vector<16xi32>
    %add3A_491 = arith.addi %mul3A_488, %add3A_490 : vector<16xi32>
    tpu.vector_store_idx %arg9[%add3A_455, %add3A_491], %gather3A_485 : memref<512x4xf32, #tpu.memory_space<vmem>>[vector<16xi32>, vector<16xi32>], vector<16xf32>,
    %add3A_492 = arith.constant 2 : i32
    %add3A_493 = vector.broadcast %add3A_492 : i32 to vector<16xi32>
    %add3A_494 = arith.addi %mul3A_461, %add3A_493 : vector<16xi32>
    %gather3A_495 = arith.constant 0 : i32
    %gather3A_496 = arith.constant 0 : i32
    %gather3A_497 = arith.constant 0 : i32
    %gather3A_498 = tpu.memref_slice %arg8[%gather3A_495, %gather3A_496, %gather3A_497] : memref<2x128x128xf32, #tpu.memory_space<vmem>> -> memref<1x128x128xf32, #tpu.memory_space<vmem>>
    %gather3A_499 = tpu.memref_squeeze %gather3A_498 : memref<1x128x128xf32, #tpu.memory_space<vmem>> -> memref<128x128xf32, #tpu.memory_space<vmem>>
    %gather3A_500 = tpu.vector_load_idx %gather3A_499[%add3A_450, %add3A_494] : memref<128x128xf32, #tpu.memory_space<vmem>>[vector<16xi32>, vector<16xi32>], vector<16xf32>,
    %mul3A_501 = arith.constant 0 : i32
    %mul3A_502 = vector.broadcast %mul3A_501 : i32 to vector<16xi32>
    %mul3A_503 = arith.muli %iota3A, %mul3A_502 : vector<16xi32>
    %add3A_504 = arith.constant 2 : i32
    %add3A_505 = vector.broadcast %add3A_504 : i32 to vector<16xi32>
    %add3A_506 = arith.addi %mul3A_503, %add3A_505 : vector<16xi32>
    tpu.vector_store_idx %arg9[%add3A_455, %add3A_506], %gather3A_500 : memref<512x4xf32, #tpu.memory_space<vmem>>[vector<16xi32>, vector<16xi32>], vector<16xf32>,
    %add3A_507 = arith.constant 3 : i32
    %add3A_508 = vector.broadcast %add3A_507 : i32 to vector<16xi32>
    %add3A_509 = arith.addi %mul3A_461, %add3A_508 : vector<16xi32>
    %gather3A_510 = arith.constant 0 : i32
    %gather3A_511 = arith.constant 0 : i32
    %gather3A_512 = arith.constant 0 : i32
    %gather3A_513 = tpu.memref_slice %arg8[%gather3A_510, %gather3A_511, %gather3A_512] : memref<2x128x128xf32, #tpu.memory_space<vmem>> -> memref<1x128x128xf32, #tpu.memory_space<vmem>>
    %gather3A_514 = tpu.memref_squeeze %gather3A_513 : memref<1x128x128xf32, #tpu.memory_space<vmem>> -> memref<128x128xf32, #tpu.memory_space<vmem>>
    %gather3A_515 = tpu.vector_load_idx %gather3A_514[%add3A_450, %add3A_509] : memref<128x128xf32, #tpu.memory_space<vmem>>[vector<16xi32>, vector<16xi32>], vector<16xf32>,
    %mul3A_516 = arith.constant 0 : i32
    %mul3A_517 = vector.broadcast %mul3A_516 : i32 to vector<16xi32>
    %mul3A_518 = arith.muli %iota3A, %mul3A_517 : vector<16xi32>
    %add3A_519 = arith.constant 3 : i32
    %add3A_520 = vector.broadcast %add3A_519 : i32 to vector<16xi32>
    %add3A_521 = arith.addi %mul3A_518, %add3A_520 : vector<16xi32>
    tpu.vector_store_idx %arg9[%add3A_455, %add3A_521], %gather3A_515 : memref<512x4xf32, #tpu.memory_space<vmem>>[vector<16xi32>, vector<16xi32>], vector<16xf32>,
    %add3A_522 = arith.constant 4 : i32
    %add3A_523 = vector.broadcast %add3A_522 : i32 to vector<16xi32>
    %add3A_524 = arith.addi %mul3A_461, %add3A_523 : vector<16xi32>
    %add3A_525 = arith.constant 0 : i32
    %add3A_526 = vector.broadcast %add3A_525 : i32 to vector<16xi32>
    %add3A_527 = arith.addi %add3A_524, %add3A_526 : vector<16xi32>
    %gather3A_528 = arith.constant 0 : i32
    %gather3A_529 = arith.constant 0 : i32
    %gather3A_530 = arith.constant 0 : i32
    %gather3A_531 = tpu.memref_slice %arg8[%gather3A_528, %gather3A_529, %gather3A_530] : memref<2x128x128xf32, #tpu.memory_space<vmem>> -> memref<1x128x128xf32, #tpu.memory_space<vmem>>
    %gather3A_532 = tpu.memref_squeeze %gather3A_531 : memref<1x128x128xf32, #tpu.memory_space<vmem>> -> memref<128x128xf32, #tpu.memory_space<vmem>>
    %gather3A_533 = tpu.vector_load_idx %gather3A_532[%add3A_450, %add3A_527] : memref<128x128xf32, #tpu.memory_space<vmem>>[vector<16xi32>, vector<16xi32>], vector<16xf32>,
    %mul3A_534 = arith.constant 0 : i32
    %mul3A_535 = vector.broadcast %mul3A_534 : i32 to vector<16xi32>
    %mul3A_536 = arith.muli %iota3A, %mul3A_535 : vector<16xi32>
    %add3A_537 = arith.constant 0 : i32
    %add3A_538 = vector.broadcast %add3A_537 : i32 to vector<16xi32>
    %add3A_539 = arith.addi %mul3A_536, %add3A_538 : vector<16xi32>
    tpu.vector_store_idx %arg10[%add3A_455, %add3A_539], %gather3A_533 : memref<512x3xf32, #tpu.memory_space<vmem>>[vector<16xi32>, vector<16xi32>], vector<16xf32>,
    %add3A_540 = arith.constant 4 : i32
    %add3A_541 = vector.broadcast %add3A_540 : i32 to vector<16xi32>
    %add3A_542 = arith.addi %mul3A_461, %add3A_541 : vector<16xi32>
    %add3A_543 = arith.constant 1 : i32
    %add3A_544 = vector.broadcast %add3A_543 : i32 to vector<16xi32>
    %add3A_545 = arith.addi %add3A_542, %add3A_544 : vector<16xi32>
    %gather3A_546 = arith.constant 0 : i32
    %gather3A_547 = arith.constant 0 : i32
    %gather3A_548 = arith.constant 0 : i32
    %gather3A_549 = tpu.memref_slice %arg8[%gather3A_546, %gather3A_547, %gather3A_548] : memref<2x128x128xf32, #tpu.memory_space<vmem>> -> memref<1x128x128xf32, #tpu.memory_space<vmem>>
    %gather3A_550 = tpu.memref_squeeze %gather3A_549 : memref<1x128x128xf32, #tpu.memory_space<vmem>> -> memref<128x128xf32, #tpu.memory_space<vmem>>
    %gather3A_551 = tpu.vector_load_idx %gather3A_550[%add3A_450, %add3A_545] : memref<128x128xf32, #tpu.memory_space<vmem>>[vector<16xi32>, vector<16xi32>], vector<16xf32>,
    %mul3A_552 = arith.constant 0 : i32
    %mul3A_553 = vector.broadcast %mul3A_552 : i32 to vector<16xi32>
    %mul3A_554 = arith.muli %iota3A, %mul3A_553 : vector<16xi32>
    %add3A_555 = arith.constant 1 : i32
    %add3A_556 = vector.broadcast %add3A_555 : i32 to vector<16xi32>
    %add3A_557 = arith.addi %mul3A_554, %add3A_556 : vector<16xi32>
    tpu.vector_store_idx %arg10[%add3A_455, %add3A_557], %gather3A_551 : memref<512x3xf32, #tpu.memory_space<vmem>>[vector<16xi32>, vector<16xi32>], vector<16xf32>,
    %add3A_558 = arith.constant 4 : i32
    %add3A_559 = vector.broadcast %add3A_558 : i32 to vector<16xi32>
    %add3A_560 = arith.addi %mul3A_461, %add3A_559 : vector<16xi32>
    %add3A_561 = arith.constant 2 : i32
    %add3A_562 = vector.broadcast %add3A_561 : i32 to vector<16xi32>
    %add3A_563 = arith.addi %add3A_560, %add3A_562 : vector<16xi32>
    %gather3A_564 = arith.constant 0 : i32
    %gather3A_565 = arith.constant 0 : i32
    %gather3A_566 = arith.constant 0 : i32
    %gather3A_567 = tpu.memref_slice %arg8[%gather3A_564, %gather3A_565, %gather3A_566] : memref<2x128x128xf32, #tpu.memory_space<vmem>> -> memref<1x128x128xf32, #tpu.memory_space<vmem>>
    %gather3A_568 = tpu.memref_squeeze %gather3A_567 : memref<1x128x128xf32, #tpu.memory_space<vmem>> -> memref<128x128xf32, #tpu.memory_space<vmem>>
    %gather3A_569 = tpu.vector_load_idx %gather3A_568[%add3A_450, %add3A_563] : memref<128x128xf32, #tpu.memory_space<vmem>>[vector<16xi32>, vector<16xi32>], vector<16xf32>,
    %mul3A_570 = arith.constant 0 : i32
    %mul3A_571 = vector.broadcast %mul3A_570 : i32 to vector<16xi32>
    %mul3A_572 = arith.muli %iota3A, %mul3A_571 : vector<16xi32>
    %add3A_573 = arith.constant 2 : i32
    %add3A_574 = vector.broadcast %add3A_573 : i32 to vector<16xi32>
    %add3A_575 = arith.addi %mul3A_572, %add3A_574 : vector<16xi32>
    tpu.vector_store_idx %arg10[%add3A_455, %add3A_575], %gather3A_569 : memref<512x3xf32, #tpu.memory_space<vmem>>[vector<16xi32>, vector<16xi32>], vector<16xf32>,
    %add3A_576 = arith.constant 32 : i32
    %add3A_577 = vector.broadcast %add3A_576 : i32 to vector<16xi32>
    %add3A_578 = arith.addi %add3A_577, %iota3A : vector<16xi32>
    %get3A_579 = arith.constant 32 : index
    %get3A_580 = tpu.vector_load %arg6[%get3A_579] {strides = array<i32>} : memref<512xi32, #tpu.memory_space<vmem>>, vector<16xi32>,
    %add3A_581 = arith.constant 32 : i32
    %add3A_582 = vector.broadcast %add3A_581 : i32 to vector<16xi32>
    %add3A_583 = arith.addi %add3A_582, %iota3A : vector<16xi32>
    %and3A_584 = arith.constant 15 : i32
    %and3A_585 = vector.broadcast %and3A_584 : i32 to vector<16xi32>
    %and3A_586 = arith.andi %get3A_580, %and3A_585 : vector<16xi32>
    %mul3A_587 = arith.constant 8 : i32
    %mul3A_588 = vector.broadcast %mul3A_587 : i32 to vector<16xi32>
    %mul3A_589 = arith.muli %and3A_586, %mul3A_588 : vector<16xi32>
    %add3A_590 = arith.constant 0 : i32
    %add3A_591 = vector.broadcast %add3A_590 : i32 to vector<16xi32>
    %add3A_592 = arith.addi %mul3A_589, %add3A_591 : vector<16xi32>
    %gather3A_593 = arith.constant 0 : i32
    %gather3A_594 = arith.constant 0 : i32
    %gather3A_595 = arith.constant 0 : i32
    %gather3A_596 = tpu.memref_slice %arg8[%gather3A_593, %gather3A_594, %gather3A_595] : memref<2x128x128xf32, #tpu.memory_space<vmem>> -> memref<1x128x128xf32, #tpu.memory_space<vmem>>
    %gather3A_597 = tpu.memref_squeeze %gather3A_596 : memref<1x128x128xf32, #tpu.memory_space<vmem>> -> memref<128x128xf32, #tpu.memory_space<vmem>>
    %gather3A_598 = tpu.vector_load_idx %gather3A_597[%add3A_578, %add3A_592] : memref<128x128xf32, #tpu.memory_space<vmem>>[vector<16xi32>, vector<16xi32>], vector<16xf32>,
    %mul3A_599 = arith.constant 0 : i32
    %mul3A_600 = vector.broadcast %mul3A_599 : i32 to vector<16xi32>
    %mul3A_601 = arith.muli %iota3A, %mul3A_600 : vector<16xi32>
    %add3A_602 = arith.constant 0 : i32
    %add3A_603 = vector.broadcast %add3A_602 : i32 to vector<16xi32>
    %add3A_604 = arith.addi %mul3A_601, %add3A_603 : vector<16xi32>
    tpu.vector_store_idx %arg9[%add3A_583, %add3A_604], %gather3A_598 : memref<512x4xf32, #tpu.memory_space<vmem>>[vector<16xi32>, vector<16xi32>], vector<16xf32>,
    %add3A_605 = arith.constant 1 : i32
    %add3A_606 = vector.broadcast %add3A_605 : i32 to vector<16xi32>
    %add3A_607 = arith.addi %mul3A_589, %add3A_606 : vector<16xi32>
    %gather3A_608 = arith.constant 0 : i32
    %gather3A_609 = arith.constant 0 : i32
    %gather3A_610 = arith.constant 0 : i32
    %gather3A_611 = tpu.memref_slice %arg8[%gather3A_608, %gather3A_609, %gather3A_610] : memref<2x128x128xf32, #tpu.memory_space<vmem>> -> memref<1x128x128xf32, #tpu.memory_space<vmem>>
    %gather3A_612 = tpu.memref_squeeze %gather3A_611 : memref<1x128x128xf32, #tpu.memory_space<vmem>> -> memref<128x128xf32, #tpu.memory_space<vmem>>
    %gather3A_613 = tpu.vector_load_idx %gather3A_612[%add3A_578, %add3A_607] : memref<128x128xf32, #tpu.memory_space<vmem>>[vector<16xi32>, vector<16xi32>], vector<16xf32>,
    %mul3A_614 = arith.constant 0 : i32
    %mul3A_615 = vector.broadcast %mul3A_614 : i32 to vector<16xi32>
    %mul3A_616 = arith.muli %iota3A, %mul3A_615 : vector<16xi32>
    %add3A_617 = arith.constant 1 : i32
    %add3A_618 = vector.broadcast %add3A_617 : i32 to vector<16xi32>
    %add3A_619 = arith.addi %mul3A_616, %add3A_618 : vector<16xi32>
    tpu.vector_store_idx %arg9[%add3A_583, %add3A_619], %gather3A_613 : memref<512x4xf32, #tpu.memory_space<vmem>>[vector<16xi32>, vector<16xi32>], vector<16xf32>,
    %add3A_620 = arith.constant 2 : i32
    %add3A_621 = vector.broadcast %add3A_620 : i32 to vector<16xi32>
    %add3A_622 = arith.addi %mul3A_589, %add3A_621 : vector<16xi32>
    %gather3A_623 = arith.constant 0 : i32
    %gather3A_624 = arith.constant 0 : i32
    %gather3A_625 = arith.constant 0 : i32
    %gather3A_626 = tpu.memref_slice %arg8[%gather3A_623, %gather3A_624, %gather3A_625] : memref<2x128x128xf32, #tpu.memory_space<vmem>> -> memref<1x128x128xf32, #tpu.memory_space<vmem>>
    %gather3A_627 = tpu.memref_squeeze %gather3A_626 : memref<1x128x128xf32, #tpu.memory_space<vmem>> -> memref<128x128xf32, #tpu.memory_space<vmem>>
    %gather3A_628 = tpu.vector_load_idx %gather3A_627[%add3A_578, %add3A_622] : memref<128x128xf32, #tpu.memory_space<vmem>>[vector<16xi32>, vector<16xi32>], vector<16xf32>,
    %mul3A_629 = arith.constant 0 : i32
    %mul3A_630 = vector.broadcast %mul3A_629 : i32 to vector<16xi32>
    %mul3A_631 = arith.muli %iota3A, %mul3A_630 : vector<16xi32>
    %add3A_632 = arith.constant 2 : i32
    %add3A_633 = vector.broadcast %add3A_632 : i32 to vector<16xi32>
    %add3A_634 = arith.addi %mul3A_631, %add3A_633 : vector<16xi32>
    tpu.vector_store_idx %arg9[%add3A_583, %add3A_634], %gather3A_628 : memref<512x4xf32, #tpu.memory_space<vmem>>[vector<16xi32>, vector<16xi32>], vector<16xf32>,
    %add3A_635 = arith.constant 3 : i32
    %add3A_636 = vector.broadcast %add3A_635 : i32 to vector<16xi32>
    %add3A_637 = arith.addi %mul3A_589, %add3A_636 : vector<16xi32>
    %gather3A_638 = arith.constant 0 : i32
    %gather3A_639 = arith.constant 0 : i32
    %gather3A_640 = arith.constant 0 : i32
    %gather3A_641 = tpu.memref_slice %arg8[%gather3A_638, %gather3A_639, %gather3A_640] : memref<2x128x128xf32, #tpu.memory_space<vmem>> -> memref<1x128x128xf32, #tpu.memory_space<vmem>>
    %gather3A_642 = tpu.memref_squeeze %gather3A_641 : memref<1x128x128xf32, #tpu.memory_space<vmem>> -> memref<128x128xf32, #tpu.memory_space<vmem>>
    %gather3A_643 = tpu.vector_load_idx %gather3A_642[%add3A_578, %add3A_637] : memref<128x128xf32, #tpu.memory_space<vmem>>[vector<16xi32>, vector<16xi32>], vector<16xf32>,
    %mul3A_644 = arith.constant 0 : i32
    %mul3A_645 = vector.broadcast %mul3A_644 : i32 to vector<16xi32>
    %mul3A_646 = arith.muli %iota3A, %mul3A_645 : vector<16xi32>
    %add3A_647 = arith.constant 3 : i32
    %add3A_648 = vector.broadcast %add3A_647 : i32 to vector<16xi32>
    %add3A_649 = arith.addi %mul3A_646, %add3A_648 : vector<16xi32>
    tpu.vector_store_idx %arg9[%add3A_583, %add3A_649], %gather3A_643 : memref<512x4xf32, #tpu.memory_space<vmem>>[vector<16xi32>, vector<16xi32>], vector<16xf32>,
    %add3A_650 = arith.constant 4 : i32
    %add3A_651 = vector.broadcast %add3A_650 : i32 to vector<16xi32>
    %add3A_652 = arith.addi %mul3A_589, %add3A_651 : vector<16xi32>
    %add3A_653 = arith.constant 0 : i32
    %add3A_654 = vector.broadcast %add3A_653 : i32 to vector<16xi32>
    %add3A_655 = arith.addi %add3A_652, %add3A_654 : vector<16xi32>
    %gather3A_656 = arith.constant 0 : i32
    %gather3A_657 = arith.constant 0 : i32
    %gather3A_658 = arith.constant 0 : i32
    %gather3A_659 = tpu.memref_slice %arg8[%gather3A_656, %gather3A_657, %gather3A_658] : memref<2x128x128xf32, #tpu.memory_space<vmem>> -> memref<1x128x128xf32, #tpu.memory_space<vmem>>
    %gather3A_660 = tpu.memref_squeeze %gather3A_659 : memref<1x128x128xf32, #tpu.memory_space<vmem>> -> memref<128x128xf32, #tpu.memory_space<vmem>>
    %gather3A_661 = tpu.vector_load_idx %gather3A_660[%add3A_578, %add3A_655] : memref<128x128xf32, #tpu.memory_space<vmem>>[vector<16xi32>, vector<16xi32>], vector<16xf32>,
    %mul3A_662 = arith.constant 0 : i32
    %mul3A_663 = vector.broadcast %mul3A_662 : i32 to vector<16xi32>
    %mul3A_664 = arith.muli %iota3A, %mul3A_663 : vector<16xi32>
    %add3A_665 = arith.constant 0 : i32
    %add3A_666 = vector.broadcast %add3A_665 : i32 to vector<16xi32>
    %add3A_667 = arith.addi %mul3A_664, %add3A_666 : vector<16xi32>
    tpu.vector_store_idx %arg10[%add3A_583, %add3A_667], %gather3A_661 : memref<512x3xf32, #tpu.memory_space<vmem>>[vector<16xi32>, vector<16xi32>], vector<16xf32>,
    %add3A_668 = arith.constant 4 : i32
    %add3A_669 = vector.broadcast %add3A_668 : i32 to vector<16xi32>
    %add3A_670 = arith.addi %mul3A_589, %add3A_669 : vector<16xi32>
    %add3A_671 = arith.constant 1 : i32
    %add3A_672 = vector.broadcast %add3A_671 : i32 to vector<16xi32>
    %add3A_673 = arith.addi %add3A_670, %add3A_672 : vector<16xi32>
    %gather3A_674 = arith.constant 0 : i32
    %gather3A_675 = arith.constant 0 : i32
    %gather3A_676 = arith.constant 0 : i32
    %gather3A_677 = tpu.memref_slice %arg8[%gather3A_674, %gather3A_675, %gather3A_676] : memref<2x128x128xf32, #tpu.memory_space<vmem>> -> memref<1x128x128xf32, #tpu.memory_space<vmem>>
    %gather3A_678 = tpu.memref_squeeze %gather3A_677 : memref<1x128x128xf32, #tpu.memory_space<vmem>> -> memref<128x128xf32, #tpu.memory_space<vmem>>
    %gather3A_679 = tpu.vector_load_idx %gather3A_678[%add3A_578, %add3A_673] : memref<128x128xf32, #tpu.memory_space<vmem>>[vector<16xi32>, vector<16xi32>], vector<16xf32>,
    %mul3A_680 = arith.constant 0 : i32
    %mul3A_681 = vector.broadcast %mul3A_680 : i32 to vector<16xi32>
    %mul3A_682 = arith.muli %iota3A, %mul3A_681 : vector<16xi32>
    %add3A_683 = arith.constant 1 : i32
    %add3A_684 = vector.broadcast %add3A_683 : i32 to vector<16xi32>
    %add3A_685 = arith.addi %mul3A_682, %add3A_684 : vector<16xi32>
    tpu.vector_store_idx %arg10[%add3A_583, %add3A_685], %gather3A_679 : memref<512x3xf32, #tpu.memory_space<vmem>>[vector<16xi32>, vector<16xi32>], vector<16xf32>,
    %add3A_686 = arith.constant 4 : i32
    %add3A_687 = vector.broadcast %add3A_686 : i32 to vector<16xi32>
    %add3A_688 = arith.addi %mul3A_589, %add3A_687 : vector<16xi32>
    %add3A_689 = arith.constant 2 : i32
    %add3A_690 = vector.broadcast %add3A_689 : i32 to vector<16xi32>
    %add3A_691 = arith.addi %add3A_688, %add3A_690 : vector<16xi32>
    %gather3A_692 = arith.constant 0 : i32
    %gather3A_693 = arith.constant 0 : i32
    %gather3A_694 = arith.constant 0 : i32
    %gather3A_695 = tpu.memref_slice %arg8[%gather3A_692, %gather3A_693, %gather3A_694] : memref<2x128x128xf32, #tpu.memory_space<vmem>> -> memref<1x128x128xf32, #tpu.memory_space<vmem>>
    %gather3A_696 = tpu.memref_squeeze %gather3A_695 : memref<1x128x128xf32, #tpu.memory_space<vmem>> -> memref<128x128xf32, #tpu.memory_space<vmem>>
    %gather3A_697 = tpu.vector_load_idx %gather3A_696[%add3A_578, %add3A_691] : memref<128x128xf32, #tpu.memory_space<vmem>>[vector<16xi32>, vector<16xi32>], vector<16xf32>,
    %mul3A_698 = arith.constant 0 : i32
    %mul3A_699 = vector.broadcast %mul3A_698 : i32 to vector<16xi32>
    %mul3A_700 = arith.muli %iota3A, %mul3A_699 : vector<16xi32>
    %add3A_701 = arith.constant 2 : i32
    %add3A_702 = vector.broadcast %add3A_701 : i32 to vector<16xi32>
    %add3A_703 = arith.addi %mul3A_700, %add3A_702 : vector<16xi32>
    tpu.vector_store_idx %arg10[%add3A_583, %add3A_703], %gather3A_697 : memref<512x3xf32, #tpu.memory_space<vmem>>[vector<16xi32>, vector<16xi32>], vector<16xf32>,
    %add3A_704 = arith.constant 48 : i32
    %add3A_705 = vector.broadcast %add3A_704 : i32 to vector<16xi32>
    %add3A_706 = arith.addi %add3A_705, %iota3A : vector<16xi32>
    %get3A_707 = arith.constant 48 : index
    %get3A_708 = tpu.vector_load %arg6[%get3A_707] {strides = array<i32>} : memref<512xi32, #tpu.memory_space<vmem>>, vector<16xi32>,
    %add3A_709 = arith.constant 48 : i32
    %add3A_710 = vector.broadcast %add3A_709 : i32 to vector<16xi32>
    %add3A_711 = arith.addi %add3A_710, %iota3A : vector<16xi32>
    %and3A_712 = arith.constant 15 : i32
    %and3A_713 = vector.broadcast %and3A_712 : i32 to vector<16xi32>
    %and3A_714 = arith.andi %get3A_708, %and3A_713 : vector<16xi32>
    %mul3A_715 = arith.constant 8 : i32
    %mul3A_716 = vector.broadcast %mul3A_715 : i32 to vector<16xi32>
    %mul3A_717 = arith.muli %and3A_714, %mul3A_716 : vector<16xi32>
    %add3A_718 = arith.constant 0 : i32
    %add3A_719 = vector.broadcast %add3A_718 : i32 to vector<16xi32>
    %add3A_720 = arith.addi %mul3A_717, %add3A_719 : vector<16xi32>
    %gather3A_721 = arith.constant 0 : i32
    %gather3A_722 = arith.constant 0 : i32
    %gather3A_723 = arith.constant 0 : i32
    %gather3A_724 = tpu.memref_slice %arg8[%gather3A_721, %gather3A_722, %gather3A_723] : memref<2x128x128xf32, #tpu.memory_space<vmem>> -> memref<1x128x128xf32, #tpu.memory_space<vmem>>
    %gather3A_725 = tpu.memref_squeeze %gather3A_724 : memref<1x128x128xf32, #tpu.memory_space<vmem>> -> memref<128x128xf32, #tpu.memory_space<vmem>>
    %gather3A_726 = tpu.vector_load_idx %gather3A_725[%add3A_706, %add3A_720] : memref<128x128xf32, #tpu.memory_space<vmem>>[vector<16xi32>, vector<16xi32>], vector<16xf32>,
    %mul3A_727 = arith.constant 0 : i32
    %mul3A_728 = vector.broadcast %mul3A_727 : i32 to vector<16xi32>
    %mul3A_729 = arith.muli %iota3A, %mul3A_728 : vector<16xi32>
    %add3A_730 = arith.constant 0 : i32
    %add3A_731 = vector.broadcast %add3A_730 : i32 to vector<16xi32>
    %add3A_732 = arith.addi %mul3A_729, %add3A_731 : vector<16xi32>
    tpu.vector_store_idx %arg9[%add3A_711, %add3A_732], %gather3A_726 : memref<512x4xf32, #tpu.memory_space<vmem>>[vector<16xi32>, vector<16xi32>], vector<16xf32>,
    %add3A_733 = arith.constant 1 : i32
    %add3A_734 = vector.broadcast %add3A_733 : i32 to vector<16xi32>
    %add3A_735 = arith.addi %mul3A_717, %add3A_734 : vector<16xi32>
    %gather3A_736 = arith.constant 0 : i32
    %gather3A_737 = arith.constant 0 : i32
    %gather3A_738 = arith.constant 0 : i32
    %gather3A_739 = tpu.memref_slice %arg8[%gather3A_736, %gather3A_737, %gather3A_738] : memref<2x128x128xf32, #tpu.memory_space<vmem>> -> memref<1x128x128xf32, #tpu.memory_space<vmem>>
    %gather3A_740 = tpu.memref_squeeze %gather3A_739 : memref<1x128x128xf32, #tpu.memory_space<vmem>> -> memref<128x128xf32, #tpu.memory_space<vmem>>
    %gather3A_741 = tpu.vector_load_idx %gather3A_740[%add3A_706, %add3A_735] : memref<128x128xf32, #tpu.memory_space<vmem>>[vector<16xi32>, vector<16xi32>], vector<16xf32>,
    %mul3A_742 = arith.constant 0 : i32
    %mul3A_743 = vector.broadcast %mul3A_742 : i32 to vector<16xi32>
    %mul3A_744 = arith.muli %iota3A, %mul3A_743 : vector<16xi32>
    %add3A_745 = arith.constant 1 : i32
    %add3A_746 = vector.broadcast %add3A_745 : i32 to vector<16xi32>
    %add3A_747 = arith.addi %mul3A_744, %add3A_746 : vector<16xi32>
    tpu.vector_store_idx %arg9[%add3A_711, %add3A_747], %gather3A_741 : memref<512x4xf32, #tpu.memory_space<vmem>>[vector<16xi32>, vector<16xi32>], vector<16xf32>,
    %add3A_748 = arith.constant 2 : i32
    %add3A_749 = vector.broadcast %add3A_748 : i32 to vector<16xi32>
    %add3A_750 = arith.addi %mul3A_717, %add3A_749 : vector<16xi32>
    %gather3A_751 = arith.constant 0 : i32
    %gather3A_752 = arith.constant 0 : i32
    %gather3A_753 = arith.constant 0 : i32
    %gather3A_754 = tpu.memref_slice %arg8[%gather3A_751, %gather3A_752, %gather3A_753] : memref<2x128x128xf32, #tpu.memory_space<vmem>> -> memref<1x128x128xf32, #tpu.memory_space<vmem>>
    %gather3A_755 = tpu.memref_squeeze %gather3A_754 : memref<1x128x128xf32, #tpu.memory_space<vmem>> -> memref<128x128xf32, #tpu.memory_space<vmem>>
    %gather3A_756 = tpu.vector_load_idx %gather3A_755[%add3A_706, %add3A_750] : memref<128x128xf32, #tpu.memory_space<vmem>>[vector<16xi32>, vector<16xi32>], vector<16xf32>,
    %mul3A_757 = arith.constant 0 : i32
    %mul3A_758 = vector.broadcast %mul3A_757 : i32 to vector<16xi32>
    %mul3A_759 = arith.muli %iota3A, %mul3A_758 : vector<16xi32>
    %add3A_760 = arith.constant 2 : i32
    %add3A_761 = vector.broadcast %add3A_760 : i32 to vector<16xi32>
    %add3A_762 = arith.addi %mul3A_759, %add3A_761 : vector<16xi32>
    tpu.vector_store_idx %arg9[%add3A_711, %add3A_762], %gather3A_756 : memref<512x4xf32, #tpu.memory_space<vmem>>[vector<16xi32>, vector<16xi32>], vector<16xf32>,
    %add3A_763 = arith.constant 3 : i32
    %add3A_764 = vector.broadcast %add3A_763 : i32 to vector<16xi32>
    %add3A_765 = arith.addi %mul3A_717, %add3A_764 : vector<16xi32>
    %gather3A_766 = arith.constant 0 : i32
    %gather3A_767 = arith.constant 0 : i32
    %gather3A_768 = arith.constant 0 : i32
    %gather3A_769 = tpu.memref_slice %arg8[%gather3A_766, %gather3A_767, %gather3A_768] : memref<2x128x128xf32, #tpu.memory_space<vmem>> -> memref<1x128x128xf32, #tpu.memory_space<vmem>>
    %gather3A_770 = tpu.memref_squeeze %gather3A_769 : memref<1x128x128xf32, #tpu.memory_space<vmem>> -> memref<128x128xf32, #tpu.memory_space<vmem>>
    %gather3A_771 = tpu.vector_load_idx %gather3A_770[%add3A_706, %add3A_765] : memref<128x128xf32, #tpu.memory_space<vmem>>[vector<16xi32>, vector<16xi32>], vector<16xf32>,
    %mul3A_772 = arith.constant 0 : i32
    %mul3A_773 = vector.broadcast %mul3A_772 : i32 to vector<16xi32>
    %mul3A_774 = arith.muli %iota3A, %mul3A_773 : vector<16xi32>
    %add3A_775 = arith.constant 3 : i32
    %add3A_776 = vector.broadcast %add3A_775 : i32 to vector<16xi32>
    %add3A_777 = arith.addi %mul3A_774, %add3A_776 : vector<16xi32>
    tpu.vector_store_idx %arg9[%add3A_711, %add3A_777], %gather3A_771 : memref<512x4xf32, #tpu.memory_space<vmem>>[vector<16xi32>, vector<16xi32>], vector<16xf32>,
    %add3A_778 = arith.constant 4 : i32
    %add3A_779 = vector.broadcast %add3A_778 : i32 to vector<16xi32>
    %add3A_780 = arith.addi %mul3A_717, %add3A_779 : vector<16xi32>
    %add3A_781 = arith.constant 0 : i32
    %add3A_782 = vector.broadcast %add3A_781 : i32 to vector<16xi32>
    %add3A_783 = arith.addi %add3A_780, %add3A_782 : vector<16xi32>
    %gather3A_784 = arith.constant 0 : i32
    %gather3A_785 = arith.constant 0 : i32
    %gather3A_786 = arith.constant 0 : i32
    %gather3A_787 = tpu.memref_slice %arg8[%gather3A_784, %gather3A_785, %gather3A_786] : memref<2x128x128xf32, #tpu.memory_space<vmem>> -> memref<1x128x128xf32, #tpu.memory_space<vmem>>
    %gather3A_788 = tpu.memref_squeeze %gather3A_787 : memref<1x128x128xf32, #tpu.memory_space<vmem>> -> memref<128x128xf32, #tpu.memory_space<vmem>>
    %gather3A_789 = tpu.vector_load_idx %gather3A_788[%add3A_706, %add3A_783] : memref<128x128xf32, #tpu.memory_space<vmem>>[vector<16xi32>, vector<16xi32>], vector<16xf32>,
    %mul3A_790 = arith.constant 0 : i32
    %mul3A_791 = vector.broadcast %mul3A_790 : i32 to vector<16xi32>
    %mul3A_792 = arith.muli %iota3A, %mul3A_791 : vector<16xi32>
    %add3A_793 = arith.constant 0 : i32
    %add3A_794 = vector.broadcast %add3A_793 : i32 to vector<16xi32>
    %add3A_795 = arith.addi %mul3A_792, %add3A_794 : vector<16xi32>
    tpu.vector_store_idx %arg10[%add3A_711, %add3A_795], %gather3A_789 : memref<512x3xf32, #tpu.memory_space<vmem>>[vector<16xi32>, vector<16xi32>], vector<16xf32>,
    %add3A_796 = arith.constant 4 : i32
    %add3A_797 = vector.broadcast %add3A_796 : i32 to vector<16xi32>
    %add3A_798 = arith.addi %mul3A_717, %add3A_797 : vector<16xi32>
    %add3A_799 = arith.constant 1 : i32
    %add3A_800 = vector.broadcast %add3A_799 : i32 to vector<16xi32>
    %add3A_801 = arith.addi %add3A_798, %add3A_800 : vector<16xi32>
    %gather3A_802 = arith.constant 0 : i32
    %gather3A_803 = arith.constant 0 : i32
    %gather3A_804 = arith.constant 0 : i32
    %gather3A_805 = tpu.memref_slice %arg8[%gather3A_802, %gather3A_803, %gather3A_804] : memref<2x128x128xf32, #tpu.memory_space<vmem>> -> memref<1x128x128xf32, #tpu.memory_space<vmem>>
    %gather3A_806 = tpu.memref_squeeze %gather3A_805 : memref<1x128x128xf32, #tpu.memory_space<vmem>> -> memref<128x128xf32, #tpu.memory_space<vmem>>
    %gather3A_807 = tpu.vector_load_idx %gather3A_806[%add3A_706, %add3A_801] : memref<128x128xf32, #tpu.memory_space<vmem>>[vector<16xi32>, vector<16xi32>], vector<16xf32>,
    %mul3A_808 = arith.constant 0 : i32
    %mul3A_809 = vector.broadcast %mul3A_808 : i32 to vector<16xi32>
    %mul3A_810 = arith.muli %iota3A, %mul3A_809 : vector<16xi32>
    %add3A_811 = arith.constant 1 : i32
    %add3A_812 = vector.broadcast %add3A_811 : i32 to vector<16xi32>
    %add3A_813 = arith.addi %mul3A_810, %add3A_812 : vector<16xi32>
    tpu.vector_store_idx %arg10[%add3A_711, %add3A_813], %gather3A_807 : memref<512x3xf32, #tpu.memory_space<vmem>>[vector<16xi32>, vector<16xi32>], vector<16xf32>,
    %add3A_814 = arith.constant 4 : i32
    %add3A_815 = vector.broadcast %add3A_814 : i32 to vector<16xi32>
    %add3A_816 = arith.addi %mul3A_717, %add3A_815 : vector<16xi32>
    %add3A_817 = arith.constant 2 : i32
    %add3A_818 = vector.broadcast %add3A_817 : i32 to vector<16xi32>
    %add3A_819 = arith.addi %add3A_816, %add3A_818 : vector<16xi32>
    %gather3A_820 = arith.constant 0 : i32
    %gather3A_821 = arith.constant 0 : i32
    %gather3A_822 = arith.constant 0 : i32
    %gather3A_823 = tpu.memref_slice %arg8[%gather3A_820, %gather3A_821, %gather3A_822] : memref<2x128x128xf32, #tpu.memory_space<vmem>> -> memref<1x128x128xf32, #tpu.memory_space<vmem>>
    %gather3A_824 = tpu.memref_squeeze %gather3A_823 : memref<1x128x128xf32, #tpu.memory_space<vmem>> -> memref<128x128xf32, #tpu.memory_space<vmem>>
    %gather3A_825 = tpu.vector_load_idx %gather3A_824[%add3A_706, %add3A_819] : memref<128x128xf32, #tpu.memory_space<vmem>>[vector<16xi32>, vector<16xi32>], vector<16xf32>,
    %mul3A_826 = arith.constant 0 : i32
    %mul3A_827 = vector.broadcast %mul3A_826 : i32 to vector<16xi32>
    %mul3A_828 = arith.muli %iota3A, %mul3A_827 : vector<16xi32>
    %add3A_829 = arith.constant 2 : i32
    %add3A_830 = vector.broadcast %add3A_829 : i32 to vector<16xi32>
    %add3A_831 = arith.addi %mul3A_828, %add3A_830 : vector<16xi32>
    tpu.vector_store_idx %arg10[%add3A_711, %add3A_831], %gather3A_825 : memref<512x3xf32, #tpu.memory_space<vmem>>[vector<16xi32>, vector<16xi32>], vector<16xf32>,
    %add3A_832 = arith.constant 64 : i32
    %add3A_833 = vector.broadcast %add3A_832 : i32 to vector<16xi32>
    %add3A_834 = arith.addi %add3A_833, %iota3A : vector<16xi32>
    %get3A_835 = arith.constant 64 : index
    %get3A_836 = tpu.vector_load %arg6[%get3A_835] {strides = array<i32>} : memref<512xi32, #tpu.memory_space<vmem>>, vector<16xi32>,
    %add3A_837 = arith.constant 64 : i32
    %add3A_838 = vector.broadcast %add3A_837 : i32 to vector<16xi32>
    %add3A_839 = arith.addi %add3A_838, %iota3A : vector<16xi32>
    %and3A_840 = arith.constant 15 : i32
    %and3A_841 = vector.broadcast %and3A_840 : i32 to vector<16xi32>
    %and3A_842 = arith.andi %get3A_836, %and3A_841 : vector<16xi32>
    %mul3A_843 = arith.constant 8 : i32
    %mul3A_844 = vector.broadcast %mul3A_843 : i32 to vector<16xi32>
    %mul3A_845 = arith.muli %and3A_842, %mul3A_844 : vector<16xi32>
    %add3A_846 = arith.constant 0 : i32
    %add3A_847 = vector.broadcast %add3A_846 : i32 to vector<16xi32>
    %add3A_848 = arith.addi %mul3A_845, %add3A_847 : vector<16xi32>
    %gather3A_849 = arith.constant 0 : i32
    %gather3A_850 = arith.constant 0 : i32
    %gather3A_851 = arith.constant 0 : i32
    %gather3A_852 = tpu.memref_slice %arg8[%gather3A_849, %gather3A_850, %gather3A_851] : memref<2x128x128xf32, #tpu.memory_space<vmem>> -> memref<1x128x128xf32, #tpu.memory_space<vmem>>
    %gather3A_853 = tpu.memref_squeeze %gather3A_852 : memref<1x128x128xf32, #tpu.memory_space<vmem>> -> memref<128x128xf32, #tpu.memory_space<vmem>>
    %gather3A_854 = tpu.vector_load_idx %gather3A_853[%add3A_834, %add3A_848] : memref<128x128xf32, #tpu.memory_space<vmem>>[vector<16xi32>, vector<16xi32>], vector<16xf32>,
    %mul3A_855 = arith.constant 0 : i32
    %mul3A_856 = vector.broadcast %mul3A_855 : i32 to vector<16xi32>
    %mul3A_857 = arith.muli %iota3A, %mul3A_856 : vector<16xi32>
    %add3A_858 = arith.constant 0 : i32
    %add3A_859 = vector.broadcast %add3A_858 : i32 to vector<16xi32>
    %add3A_860 = arith.addi %mul3A_857, %add3A_859 : vector<16xi32>
    tpu.vector_store_idx %arg9[%add3A_839, %add3A_860], %gather3A_854 : memref<512x4xf32, #tpu.memory_space<vmem>>[vector<16xi32>, vector<16xi32>], vector<16xf32>,
    %add3A_861 = arith.constant 1 : i32
    %add3A_862 = vector.broadcast %add3A_861 : i32 to vector<16xi32>
    %add3A_863 = arith.addi %mul3A_845, %add3A_862 : vector<16xi32>
    %gather3A_864 = arith.constant 0 : i32
    %gather3A_865 = arith.constant 0 : i32
    %gather3A_866 = arith.constant 0 : i32
    %gather3A_867 = tpu.memref_slice %arg8[%gather3A_864, %gather3A_865, %gather3A_866] : memref<2x128x128xf32, #tpu.memory_space<vmem>> -> memref<1x128x128xf32, #tpu.memory_space<vmem>>
    %gather3A_868 = tpu.memref_squeeze %gather3A_867 : memref<1x128x128xf32, #tpu.memory_space<vmem>> -> memref<128x128xf32, #tpu.memory_space<vmem>>
    %gather3A_869 = tpu.vector_load_idx %gather3A_868[%add3A_834, %add3A_863] : memref<128x128xf32, #tpu.memory_space<vmem>>[vector<16xi32>, vector<16xi32>], vector<16xf32>,
    %mul3A_870 = arith.constant 0 : i32
    %mul3A_871 = vector.broadcast %mul3A_870 : i32 to vector<16xi32>
    %mul3A_872 = arith.muli %iota3A, %mul3A_871 : vector<16xi32>
    %add3A_873 = arith.constant 1 : i32
    %add3A_874 = vector.broadcast %add3A_873 : i32 to vector<16xi32>
    %add3A_875 = arith.addi %mul3A_872, %add3A_874 : vector<16xi32>
    tpu.vector_store_idx %arg9[%add3A_839, %add3A_875], %gather3A_869 : memref<512x4xf32, #tpu.memory_space<vmem>>[vector<16xi32>, vector<16xi32>], vector<16xf32>,
    %add3A_876 = arith.constant 2 : i32
    %add3A_877 = vector.broadcast %add3A_876 : i32 to vector<16xi32>
    %add3A_878 = arith.addi %mul3A_845, %add3A_877 : vector<16xi32>
    %gather3A_879 = arith.constant 0 : i32
    %gather3A_880 = arith.constant 0 : i32
    %gather3A_881 = arith.constant 0 : i32
    %gather3A_882 = tpu.memref_slice %arg8[%gather3A_879, %gather3A_880, %gather3A_881] : memref<2x128x128xf32, #tpu.memory_space<vmem>> -> memref<1x128x128xf32, #tpu.memory_space<vmem>>
    %gather3A_883 = tpu.memref_squeeze %gather3A_882 : memref<1x128x128xf32, #tpu.memory_space<vmem>> -> memref<128x128xf32, #tpu.memory_space<vmem>>
    %gather3A_884 = tpu.vector_load_idx %gather3A_883[%add3A_834, %add3A_878] : memref<128x128xf32, #tpu.memory_space<vmem>>[vector<16xi32>, vector<16xi32>], vector<16xf32>,
    %mul3A_885 = arith.constant 0 : i32
    %mul3A_886 = vector.broadcast %mul3A_885 : i32 to vector<16xi32>
    %mul3A_887 = arith.muli %iota3A, %mul3A_886 : vector<16xi32>
    %add3A_888 = arith.constant 2 : i32
    %add3A_889 = vector.broadcast %add3A_888 : i32 to vector<16xi32>
    %add3A_890 = arith.addi %mul3A_887, %add3A_889 : vector<16xi32>
    tpu.vector_store_idx %arg9[%add3A_839, %add3A_890], %gather3A_884 : memref<512x4xf32, #tpu.memory_space<vmem>>[vector<16xi32>, vector<16xi32>], vector<16xf32>,
    %add3A_891 = arith.constant 3 : i32
    %add3A_892 = vector.broadcast %add3A_891 : i32 to vector<16xi32>
    %add3A_893 = arith.addi %mul3A_845, %add3A_892 : vector<16xi32>
    %gather3A_894 = arith.constant 0 : i32
    %gather3A_895 = arith.constant 0 : i32
    %gather3A_896 = arith.constant 0 : i32
    %gather3A_897 = tpu.memref_slice %arg8[%gather3A_894, %gather3A_895, %gather3A_896] : memref<2x128x128xf32, #tpu.memory_space<vmem>> -> memref<1x128x128xf32, #tpu.memory_space<vmem>>
    %gather3A_898 = tpu.memref_squeeze %gather3A_897 : memref<1x128x128xf32, #tpu.memory_space<vmem>> -> memref<128x128xf32, #tpu.memory_space<vmem>>
    %gather3A_899 = tpu.vector_load_idx %gather3A_898[%add3A_834, %add3A_893] : memref<128x128xf32, #tpu.memory_space<vmem>>[vector<16xi32>, vector<16xi32>], vector<16xf32>,
    %mul3A_900 = arith.constant 0 : i32
    %mul3A_901 = vector.broadcast %mul3A_900 : i32 to vector<16xi32>
    %mul3A_902 = arith.muli %iota3A, %mul3A_901 : vector<16xi32>
    %add3A_903 = arith.constant 3 : i32
    %add3A_904 = vector.broadcast %add3A_903 : i32 to vector<16xi32>
    %add3A_905 = arith.addi %mul3A_902, %add3A_904 : vector<16xi32>
    tpu.vector_store_idx %arg9[%add3A_839, %add3A_905], %gather3A_899 : memref<512x4xf32, #tpu.memory_space<vmem>>[vector<16xi32>, vector<16xi32>], vector<16xf32>,
    %add3A_906 = arith.constant 4 : i32
    %add3A_907 = vector.broadcast %add3A_906 : i32 to vector<16xi32>
    %add3A_908 = arith.addi %mul3A_845, %add3A_907 : vector<16xi32>
    %add3A_909 = arith.constant 0 : i32
    %add3A_910 = vector.broadcast %add3A_909 : i32 to vector<16xi32>
    %add3A_911 = arith.addi %add3A_908, %add3A_910 : vector<16xi32>
    %gather3A_912 = arith.constant 0 : i32
    %gather3A_913 = arith.constant 0 : i32
    %gather3A_914 = arith.constant 0 : i32
    %gather3A_915 = tpu.memref_slice %arg8[%gather3A_912, %gather3A_913, %gather3A_914] : memref<2x128x128xf32, #tpu.memory_space<vmem>> -> memref<1x128x128xf32, #tpu.memory_space<vmem>>
    %gather3A_916 = tpu.memref_squeeze %gather3A_915 : memref<1x128x128xf32, #tpu.memory_space<vmem>> -> memref<128x128xf32, #tpu.memory_space<vmem>>
    %gather3A_917 = tpu.vector_load_idx %gather3A_916[%add3A_834, %add3A_911] : memref<128x128xf32, #tpu.memory_space<vmem>>[vector<16xi32>, vector<16xi32>], vector<16xf32>,
    %mul3A_918 = arith.constant 0 : i32
    %mul3A_919 = vector.broadcast %mul3A_918 : i32 to vector<16xi32>
    %mul3A_920 = arith.muli %iota3A, %mul3A_919 : vector<16xi32>
    %add3A_921 = arith.constant 0 : i32
    %add3A_922 = vector.broadcast %add3A_921 : i32 to vector<16xi32>
    %add3A_923 = arith.addi %mul3A_920, %add3A_922 : vector<16xi32>
    tpu.vector_store_idx %arg10[%add3A_839, %add3A_923], %gather3A_917 : memref<512x3xf32, #tpu.memory_space<vmem>>[vector<16xi32>, vector<16xi32>], vector<16xf32>,
    %add3A_924 = arith.constant 4 : i32
    %add3A_925 = vector.broadcast %add3A_924 : i32 to vector<16xi32>
    %add3A_926 = arith.addi %mul3A_845, %add3A_925 : vector<16xi32>
    %add3A_927 = arith.constant 1 : i32
    %add3A_928 = vector.broadcast %add3A_927 : i32 to vector<16xi32>
    %add3A_929 = arith.addi %add3A_926, %add3A_928 : vector<16xi32>
    %gather3A_930 = arith.constant 0 : i32
    %gather3A_931 = arith.constant 0 : i32
    %gather3A_932 = arith.constant 0 : i32
    %gather3A_933 = tpu.memref_slice %arg8[%gather3A_930, %gather3A_931, %gather3A_932] : memref<2x128x128xf32, #tpu.memory_space<vmem>> -> memref<1x128x128xf32, #tpu.memory_space<vmem>>
    %gather3A_934 = tpu.memref_squeeze %gather3A_933 : memref<1x128x128xf32, #tpu.memory_space<vmem>> -> memref<128x128xf32, #tpu.memory_space<vmem>>
    %gather3A_935 = tpu.vector_load_idx %gather3A_934[%add3A_834, %add3A_929] : memref<128x128xf32, #tpu.memory_space<vmem>>[vector<16xi32>, vector<16xi32>], vector<16xf32>,
    %mul3A_936 = arith.constant 0 : i32
    %mul3A_937 = vector.broadcast %mul3A_936 : i32 to vector<16xi32>
    %mul3A_938 = arith.muli %iota3A, %mul3A_937 : vector<16xi32>
    %add3A_939 = arith.constant 1 : i32
    %add3A_940 = vector.broadcast %add3A_939 : i32 to vector<16xi32>
    %add3A_941 = arith.addi %mul3A_938, %add3A_940 : vector<16xi32>
    tpu.vector_store_idx %arg10[%add3A_839, %add3A_941], %gather3A_935 : memref<512x3xf32, #tpu.memory_space<vmem>>[vector<16xi32>, vector<16xi32>], vector<16xf32>,
    %add3A_942 = arith.constant 4 : i32
    %add3A_943 = vector.broadcast %add3A_942 : i32 to vector<16xi32>
    %add3A_944 = arith.addi %mul3A_845, %add3A_943 : vector<16xi32>
    %add3A_945 = arith.constant 2 : i32
    %add3A_946 = vector.broadcast %add3A_945 : i32 to vector<16xi32>
    %add3A_947 = arith.addi %add3A_944, %add3A_946 : vector<16xi32>
    %gather3A_948 = arith.constant 0 : i32
    %gather3A_949 = arith.constant 0 : i32
    %gather3A_950 = arith.constant 0 : i32
    %gather3A_951 = tpu.memref_slice %arg8[%gather3A_948, %gather3A_949, %gather3A_950] : memref<2x128x128xf32, #tpu.memory_space<vmem>> -> memref<1x128x128xf32, #tpu.memory_space<vmem>>
    %gather3A_952 = tpu.memref_squeeze %gather3A_951 : memref<1x128x128xf32, #tpu.memory_space<vmem>> -> memref<128x128xf32, #tpu.memory_space<vmem>>
    %gather3A_953 = tpu.vector_load_idx %gather3A_952[%add3A_834, %add3A_947] : memref<128x128xf32, #tpu.memory_space<vmem>>[vector<16xi32>, vector<16xi32>], vector<16xf32>,
    %mul3A_954 = arith.constant 0 : i32
    %mul3A_955 = vector.broadcast %mul3A_954 : i32 to vector<16xi32>
    %mul3A_956 = arith.muli %iota3A, %mul3A_955 : vector<16xi32>
    %add3A_957 = arith.constant 2 : i32
    %add3A_958 = vector.broadcast %add3A_957 : i32 to vector<16xi32>
    %add3A_959 = arith.addi %mul3A_956, %add3A_958 : vector<16xi32>
    tpu.vector_store_idx %arg10[%add3A_839, %add3A_959], %gather3A_953 : memref<512x3xf32, #tpu.memory_space<vmem>>[vector<16xi32>, vector<16xi32>], vector<16xf32>,
    %add3A_960 = arith.constant 80 : i32
    %add3A_961 = vector.broadcast %add3A_960 : i32 to vector<16xi32>
    %add3A_962 = arith.addi %add3A_961, %iota3A : vector<16xi32>
    %get3A_963 = arith.constant 80 : index
    %get3A_964 = tpu.vector_load %arg6[%get3A_963] {strides = array<i32>} : memref<512xi32, #tpu.memory_space<vmem>>, vector<16xi32>,
    %add3A_965 = arith.constant 80 : i32
    %add3A_966 = vector.broadcast %add3A_965 : i32 to vector<16xi32>
    %add3A_967 = arith.addi %add3A_966, %iota3A : vector<16xi32>
    %and3A_968 = arith.constant 15 : i32
    %and3A_969 = vector.broadcast %and3A_968 : i32 to vector<16xi32>
    %and3A_970 = arith.andi %get3A_964, %and3A_969 : vector<16xi32>
    %mul3A_971 = arith.constant 8 : i32
    %mul3A_972 = vector.broadcast %mul3A_971 : i32 to vector<16xi32>
    %mul3A_973 = arith.muli %and3A_970, %mul3A_972 : vector<16xi32>
    %add3A_974 = arith.constant 0 : i32
    %add3A_975 = vector.broadcast %add3A_974 : i32 to vector<16xi32>
    %add3A_976 = arith.addi %mul3A_973, %add3A_975 : vector<16xi32>
    %gather3A_977 = arith.constant 0 : i32
    %gather3A_978 = arith.constant 0 : i32
    %gather3A_979 = arith.constant 0 : i32
    %gather3A_980 = tpu.memref_slice %arg8[%gather3A_977, %gather3A_978, %gather3A_979] : memref<2x128x128xf32, #tpu.memory_space<vmem>> -> memref<1x128x128xf32, #tpu.memory_space<vmem>>
    %gather3A_981 = tpu.memref_squeeze %gather3A_980 : memref<1x128x128xf32, #tpu.memory_space<vmem>> -> memref<128x128xf32, #tpu.memory_space<vmem>>
    %gather3A_982 = tpu.vector_load_idx %gather3A_981[%add3A_962, %add3A_976] : memref<128x128xf32, #tpu.memory_space<vmem>>[vector<16xi32>, vector<16xi32>], vector<16xf32>,
    %mul3A_983 = arith.constant 0 : i32
    %mul3A_984 = vector.broadcast %mul3A_983 : i32 to vector<16xi32>
    %mul3A_985 = arith.muli %iota3A, %mul3A_984 : vector<16xi32>
    %add3A_986 = arith.constant 0 : i32
    %add3A_987 = vector.broadcast %add3A_986 : i32 to vector<16xi32>
    %add3A_988 = arith.addi %mul3A_985, %add3A_987 : vector<16xi32>
    tpu.vector_store_idx %arg9[%add3A_967, %add3A_988], %gather3A_982 : memref<512x4xf32, #tpu.memory_space<vmem>>[vector<16xi32>, vector<16xi32>], vector<16xf32>,
    %add3A_989 = arith.constant 1 : i32
    %add3A_990 = vector.broadcast %add3A_989 : i32 to vector<16xi32>
    %add3A_991 = arith.addi %mul3A_973, %add3A_990 : vector<16xi32>
    %gather3A_992 = arith.constant 0 : i32
    %gather3A_993 = arith.constant 0 : i32
    %gather3A_994 = arith.constant 0 : i32
    %gather3A_995 = tpu.memref_slice %arg8[%gather3A_992, %gather3A_993, %gather3A_994] : memref<2x128x128xf32, #tpu.memory_space<vmem>> -> memref<1x128x128xf32, #tpu.memory_space<vmem>>
    %gather3A_996 = tpu.memref_squeeze %gather3A_995 : memref<1x128x128xf32, #tpu.memory_space<vmem>> -> memref<128x128xf32, #tpu.memory_space<vmem>>
    %gather3A_997 = tpu.vector_load_idx %gather3A_996[%add3A_962, %add3A_991] : memref<128x128xf32, #tpu.memory_space<vmem>>[vector<16xi32>, vector<16xi32>], vector<16xf32>,
    %mul3A_998 = arith.constant 0 : i32
    %mul3A_999 = vector.broadcast %mul3A_998 : i32 to vector<16xi32>
    %mul3A_1000 = arith.muli %iota3A, %mul3A_999 : vector<16xi32>
    %add3A_1001 = arith.constant 1 : i32
    %add3A_1002 = vector.broadcast %add3A_1001 : i32 to vector<16xi32>
    %add3A_1003 = arith.addi %mul3A_1000, %add3A_1002 : vector<16xi32>
    tpu.vector_store_idx %arg9[%add3A_967, %add3A_1003], %gather3A_997 : memref<512x4xf32, #tpu.memory_space<vmem>>[vector<16xi32>, vector<16xi32>], vector<16xf32>,
    %add3A_1004 = arith.constant 2 : i32
    %add3A_1005 = vector.broadcast %add3A_1004 : i32 to vector<16xi32>
    %add3A_1006 = arith.addi %mul3A_973, %add3A_1005 : vector<16xi32>
    %gather3A_1007 = arith.constant 0 : i32
    %gather3A_1008 = arith.constant 0 : i32
    %gather3A_1009 = arith.constant 0 : i32
    %gather3A_1010 = tpu.memref_slice %arg8[%gather3A_1007, %gather3A_1008, %gather3A_1009] : memref<2x128x128xf32, #tpu.memory_space<vmem>> -> memref<1x128x128xf32, #tpu.memory_space<vmem>>
    %gather3A_1011 = tpu.memref_squeeze %gather3A_1010 : memref<1x128x128xf32, #tpu.memory_space<vmem>> -> memref<128x128xf32, #tpu.memory_space<vmem>>
    %gather3A_1012 = tpu.vector_load_idx %gather3A_1011[%add3A_962, %add3A_1006] : memref<128x128xf32, #tpu.memory_space<vmem>>[vector<16xi32>, vector<16xi32>], vector<16xf32>,
    %mul3A_1013 = arith.constant 0 : i32
    %mul3A_1014 = vector.broadcast %mul3A_1013 : i32 to vector<16xi32>
    %mul3A_1015 = arith.muli %iota3A, %mul3A_1014 : vector<16xi32>
    %add3A_1016 = arith.constant 2 : i32
    %add3A_1017 = vector.broadcast %add3A_1016 : i32 to vector<16xi32>
    %add3A_1018 = arith.addi %mul3A_1015, %add3A_1017 : vector<16xi32>
    tpu.vector_store_idx %arg9[%add3A_967, %add3A_1018], %gather3A_1012 : memref<512x4xf32, #tpu.memory_space<vmem>>[vector<16xi32>, vector<16xi32>], vector<16xf32>,
    %add3A_1019 = arith.constant 3 : i32
    %add3A_1020 = vector.broadcast %add3A_1019 : i32 to vector<16xi32>
    %add3A_1021 = arith.addi %mul3A_973, %add3A_1020 : vector<16xi32>
    %gather3A_1022 = arith.constant 0 : i32
    %gather3A_1023 = arith.constant 0 : i32
    %gather3A_1024 = arith.constant 0 : i32
    %gather3A_1025 = tpu.memref_slice %arg8[%gather3A_1022, %gather3A_1023, %gather3A_1024] : memref<2x128x128xf32, #tpu.memory_space<vmem>> -> memref<1x128x128xf32, #tpu.memory_space<vmem>>
    %gather3A_1026 = tpu.memref_squeeze %gather3A_1025 : memref<1x128x128xf32, #tpu.memory_space<vmem>> -> memref<128x128xf32, #tpu.memory_space<vmem>>
    %gather3A_1027 = tpu.vector_load_idx %gather3A_1026[%add3A_962, %add3A_1021] : memref<128x128xf32, #tpu.memory_space<vmem>>[vector<16xi32>, vector<16xi32>], vector<16xf32>,
    %mul3A_1028 = arith.constant 0 : i32
    %mul3A_1029 = vector.broadcast %mul3A_1028 : i32 to vector<16xi32>
    %mul3A_1030 = arith.muli %iota3A, %mul3A_1029 : vector<16xi32>
    %add3A_1031 = arith.constant 3 : i32
    %add3A_1032 = vector.broadcast %add3A_1031 : i32 to vector<16xi32>
    %add3A_1033 = arith.addi %mul3A_1030, %add3A_1032 : vector<16xi32>
    tpu.vector_store_idx %arg9[%add3A_967, %add3A_1033], %gather3A_1027 : memref<512x4xf32, #tpu.memory_space<vmem>>[vector<16xi32>, vector<16xi32>], vector<16xf32>,
    %add3A_1034 = arith.constant 4 : i32
    %add3A_1035 = vector.broadcast %add3A_1034 : i32 to vector<16xi32>
    %add3A_1036 = arith.addi %mul3A_973, %add3A_1035 : vector<16xi32>
    %add3A_1037 = arith.constant 0 : i32
    %add3A_1038 = vector.broadcast %add3A_1037 : i32 to vector<16xi32>
    %add3A_1039 = arith.addi %add3A_1036, %add3A_1038 : vector<16xi32>
    %gather3A_1040 = arith.constant 0 : i32
    %gather3A_1041 = arith.constant 0 : i32
    %gather3A_1042 = arith.constant 0 : i32
    %gather3A_1043 = tpu.memref_slice %arg8[%gather3A_1040, %gather3A_1041, %gather3A_1042] : memref<2x128x128xf32, #tpu.memory_space<vmem>> -> memref<1x128x128xf32, #tpu.memory_space<vmem>>
    %gather3A_1044 = tpu.memref_squeeze %gather3A_1043 : memref<1x128x128xf32, #tpu.memory_space<vmem>> -> memref<128x128xf32, #tpu.memory_space<vmem>>
    %gather3A_1045 = tpu.vector_load_idx %gather3A_1044[%add3A_962, %add3A_1039] : memref<128x128xf32, #tpu.memory_space<vmem>>[vector<16xi32>, vector<16xi32>], vector<16xf32>,
    %mul3A_1046 = arith.constant 0 : i32
    %mul3A_1047 = vector.broadcast %mul3A_1046 : i32 to vector<16xi32>
    %mul3A_1048 = arith.muli %iota3A, %mul3A_1047 : vector<16xi32>
    %add3A_1049 = arith.constant 0 : i32
    %add3A_1050 = vector.broadcast %add3A_1049 : i32 to vector<16xi32>
    %add3A_1051 = arith.addi %mul3A_1048, %add3A_1050 : vector<16xi32>
    tpu.vector_store_idx %arg10[%add3A_967, %add3A_1051], %gather3A_1045 : memref<512x3xf32, #tpu.memory_space<vmem>>[vector<16xi32>, vector<16xi32>], vector<16xf32>,
    %add3A_1052 = arith.constant 4 : i32
    %add3A_1053 = vector.broadcast %add3A_1052 : i32 to vector<16xi32>
    %add3A_1054 = arith.addi %mul3A_973, %add3A_1053 : vector<16xi32>
    %add3A_1055 = arith.constant 1 : i32
    %add3A_1056 = vector.broadcast %add3A_1055 : i32 to vector<16xi32>
    %add3A_1057 = arith.addi %add3A_1054, %add3A_1056 : vector<16xi32>
    %gather3A_1058 = arith.constant 0 : i32
    %gather3A_1059 = arith.constant 0 : i32
    %gather3A_1060 = arith.constant 0 : i32
    %gather3A_1061 = tpu.memref_slice %arg8[%gather3A_1058, %gather3A_1059, %gather3A_1060] : memref<2x128x128xf32, #tpu.memory_space<vmem>> -> memref<1x128x128xf32, #tpu.memory_space<vmem>>
    %gather3A_1062 = tpu.memref_squeeze %gather3A_1061 : memref<1x128x128xf32, #tpu.memory_space<vmem>> -> memref<128x128xf32, #tpu.memory_space<vmem>>
    %gather3A_1063 = tpu.vector_load_idx %gather3A_1062[%add3A_962, %add3A_1057] : memref<128x128xf32, #tpu.memory_space<vmem>>[vector<16xi32>, vector<16xi32>], vector<16xf32>,
    %mul3A_1064 = arith.constant 0 : i32
    %mul3A_1065 = vector.broadcast %mul3A_1064 : i32 to vector<16xi32>
    %mul3A_1066 = arith.muli %iota3A, %mul3A_1065 : vector<16xi32>
    %add3A_1067 = arith.constant 1 : i32
    %add3A_1068 = vector.broadcast %add3A_1067 : i32 to vector<16xi32>
    %add3A_1069 = arith.addi %mul3A_1066, %add3A_1068 : vector<16xi32>
    tpu.vector_store_idx %arg10[%add3A_967, %add3A_1069], %gather3A_1063 : memref<512x3xf32, #tpu.memory_space<vmem>>[vector<16xi32>, vector<16xi32>], vector<16xf32>,
    %add3A_1070 = arith.constant 4 : i32
    %add3A_1071 = vector.broadcast %add3A_1070 : i32 to vector<16xi32>
    %add3A_1072 = arith.addi %mul3A_973, %add3A_1071 : vector<16xi32>
    %add3A_1073 = arith.constant 2 : i32
    %add3A_1074 = vector.broadcast %add3A_1073 : i32 to vector<16xi32>
    %add3A_1075 = arith.addi %add3A_1072, %add3A_1074 : vector<16xi32>
    %gather3A_1076 = arith.constant 0 : i32
    %gather3A_1077 = arith.constant 0 : i32
    %gather3A_1078 = arith.constant 0 : i32
    %gather3A_1079 = tpu.memref_slice %arg8[%gather3A_1076, %gather3A_1077, %gather3A_1078] : memref<2x128x128xf32, #tpu.memory_space<vmem>> -> memref<1x128x128xf32, #tpu.memory_space<vmem>>
    %gather3A_1080 = tpu.memref_squeeze %gather3A_1079 : memref<1x128x128xf32, #tpu.memory_space<vmem>> -> memref<128x128xf32, #tpu.memory_space<vmem>>
    %gather3A_1081 = tpu.vector_load_idx %gather3A_1080[%add3A_962, %add3A_1075] : memref<128x128xf32, #tpu.memory_space<vmem>>[vector<16xi32>, vector<16xi32>], vector<16xf32>,
    %mul3A_1082 = arith.constant 0 : i32
    %mul3A_1083 = vector.broadcast %mul3A_1082 : i32 to vector<16xi32>
    %mul3A_1084 = arith.muli %iota3A, %mul3A_1083 : vector<16xi32>
    %add3A_1085 = arith.constant 2 : i32
    %add3A_1086 = vector.broadcast %add3A_1085 : i32 to vector<16xi32>
    %add3A_1087 = arith.addi %mul3A_1084, %add3A_1086 : vector<16xi32>
    tpu.vector_store_idx %arg10[%add3A_967, %add3A_1087], %gather3A_1081 : memref<512x3xf32, #tpu.memory_space<vmem>>[vector<16xi32>, vector<16xi32>], vector<16xf32>,
    %add3A_1088 = arith.constant 96 : i32
    %add3A_1089 = vector.broadcast %add3A_1088 : i32 to vector<16xi32>
    %add3A_1090 = arith.addi %add3A_1089, %iota3A : vector<16xi32>
    %get3A_1091 = arith.constant 96 : index
    %get3A_1092 = tpu.vector_load %arg6[%get3A_1091] {strides = array<i32>} : memref<512xi32, #tpu.memory_space<vmem>>, vector<16xi32>,
    %add3A_1093 = arith.constant 96 : i32
    %add3A_1094 = vector.broadcast %add3A_1093 : i32 to vector<16xi32>
    %add3A_1095 = arith.addi %add3A_1094, %iota3A : vector<16xi32>
    %and3A_1096 = arith.constant 15 : i32
    %and3A_1097 = vector.broadcast %and3A_1096 : i32 to vector<16xi32>
    %and3A_1098 = arith.andi %get3A_1092, %and3A_1097 : vector<16xi32>
    %mul3A_1099 = arith.constant 8 : i32
    %mul3A_1100 = vector.broadcast %mul3A_1099 : i32 to vector<16xi32>
    %mul3A_1101 = arith.muli %and3A_1098, %mul3A_1100 : vector<16xi32>
    %add3A_1102 = arith.constant 0 : i32
    %add3A_1103 = vector.broadcast %add3A_1102 : i32 to vector<16xi32>
    %add3A_1104 = arith.addi %mul3A_1101, %add3A_1103 : vector<16xi32>
    %gather3A_1105 = arith.constant 0 : i32
    %gather3A_1106 = arith.constant 0 : i32
    %gather3A_1107 = arith.constant 0 : i32
    %gather3A_1108 = tpu.memref_slice %arg8[%gather3A_1105, %gather3A_1106, %gather3A_1107] : memref<2x128x128xf32, #tpu.memory_space<vmem>> -> memref<1x128x128xf32, #tpu.memory_space<vmem>>
    %gather3A_1109 = tpu.memref_squeeze %gather3A_1108 : memref<1x128x128xf32, #tpu.memory_space<vmem>> -> memref<128x128xf32, #tpu.memory_space<vmem>>
    %gather3A_1110 = tpu.vector_load_idx %gather3A_1109[%add3A_1090, %add3A_1104] : memref<128x128xf32, #tpu.memory_space<vmem>>[vector<16xi32>, vector<16xi32>], vector<16xf32>,
    %mul3A_1111 = arith.constant 0 : i32
    %mul3A_1112 = vector.broadcast %mul3A_1111 : i32 to vector<16xi32>
    %mul3A_1113 = arith.muli %iota3A, %mul3A_1112 : vector<16xi32>
    %add3A_1114 = arith.constant 0 : i32
    %add3A_1115 = vector.broadcast %add3A_1114 : i32 to vector<16xi32>
    %add3A_1116 = arith.addi %mul3A_1113, %add3A_1115 : vector<16xi32>
    tpu.vector_store_idx %arg9[%add3A_1095, %add3A_1116], %gather3A_1110 : memref<512x4xf32, #tpu.memory_space<vmem>>[vector<16xi32>, vector<16xi32>], vector<16xf32>,
    %add3A_1117 = arith.constant 1 : i32
    %add3A_1118 = vector.broadcast %add3A_1117 : i32 to vector<16xi32>
    %add3A_1119 = arith.addi %mul3A_1101, %add3A_1118 : vector<16xi32>
    %gather3A_1120 = arith.constant 0 : i32
    %gather3A_1121 = arith.constant 0 : i32
    %gather3A_1122 = arith.constant 0 : i32
    %gather3A_1123 = tpu.memref_slice %arg8[%gather3A_1120, %gather3A_1121, %gather3A_1122] : memref<2x128x128xf32, #tpu.memory_space<vmem>> -> memref<1x128x128xf32, #tpu.memory_space<vmem>>
    %gather3A_1124 = tpu.memref_squeeze %gather3A_1123 : memref<1x128x128xf32, #tpu.memory_space<vmem>> -> memref<128x128xf32, #tpu.memory_space<vmem>>
    %gather3A_1125 = tpu.vector_load_idx %gather3A_1124[%add3A_1090, %add3A_1119] : memref<128x128xf32, #tpu.memory_space<vmem>>[vector<16xi32>, vector<16xi32>], vector<16xf32>,
    %mul3A_1126 = arith.constant 0 : i32
    %mul3A_1127 = vector.broadcast %mul3A_1126 : i32 to vector<16xi32>
    %mul3A_1128 = arith.muli %iota3A, %mul3A_1127 : vector<16xi32>
    %add3A_1129 = arith.constant 1 : i32
    %add3A_1130 = vector.broadcast %add3A_1129 : i32 to vector<16xi32>
    %add3A_1131 = arith.addi %mul3A_1128, %add3A_1130 : vector<16xi32>
    tpu.vector_store_idx %arg9[%add3A_1095, %add3A_1131], %gather3A_1125 : memref<512x4xf32, #tpu.memory_space<vmem>>[vector<16xi32>, vector<16xi32>], vector<16xf32>,
    %add3A_1132 = arith.constant 2 : i32
    %add3A_1133 = vector.broadcast %add3A_1132 : i32 to vector<16xi32>
    %add3A_1134 = arith.addi %mul3A_1101, %add3A_1133 : vector<16xi32>
    %gather3A_1135 = arith.constant 0 : i32
    %gather3A_1136 = arith.constant 0 : i32
    %gather3A_1137 = arith.constant 0 : i32
    %gather3A_1138 = tpu.memref_slice %arg8[%gather3A_1135, %gather3A_1136, %gather3A_1137] : memref<2x128x128xf32, #tpu.memory_space<vmem>> -> memref<1x128x128xf32, #tpu.memory_space<vmem>>
    %gather3A_1139 = tpu.memref_squeeze %gather3A_1138 : memref<1x128x128xf32, #tpu.memory_space<vmem>> -> memref<128x128xf32, #tpu.memory_space<vmem>>
    %gather3A_1140 = tpu.vector_load_idx %gather3A_1139[%add3A_1090, %add3A_1134] : memref<128x128xf32, #tpu.memory_space<vmem>>[vector<16xi32>, vector<16xi32>], vector<16xf32>,
    %mul3A_1141 = arith.constant 0 : i32
    %mul3A_1142 = vector.broadcast %mul3A_1141 : i32 to vector<16xi32>
    %mul3A_1143 = arith.muli %iota3A, %mul3A_1142 : vector<16xi32>
    %add3A_1144 = arith.constant 2 : i32
    %add3A_1145 = vector.broadcast %add3A_1144 : i32 to vector<16xi32>
    %add3A_1146 = arith.addi %mul3A_1143, %add3A_1145 : vector<16xi32>
    tpu.vector_store_idx %arg9[%add3A_1095, %add3A_1146], %gather3A_1140 : memref<512x4xf32, #tpu.memory_space<vmem>>[vector<16xi32>, vector<16xi32>], vector<16xf32>,
    %add3A_1147 = arith.constant 3 : i32
    %add3A_1148 = vector.broadcast %add3A_1147 : i32 to vector<16xi32>
    %add3A_1149 = arith.addi %mul3A_1101, %add3A_1148 : vector<16xi32>
    %gather3A_1150 = arith.constant 0 : i32
    %gather3A_1151 = arith.constant 0 : i32
    %gather3A_1152 = arith.constant 0 : i32
    %gather3A_1153 = tpu.memref_slice %arg8[%gather3A_1150, %gather3A_1151, %gather3A_1152] : memref<2x128x128xf32, #tpu.memory_space<vmem>> -> memref<1x128x128xf32, #tpu.memory_space<vmem>>
    %gather3A_1154 = tpu.memref_squeeze %gather3A_1153 : memref<1x128x128xf32, #tpu.memory_space<vmem>> -> memref<128x128xf32, #tpu.memory_space<vmem>>
    %gather3A_1155 = tpu.vector_load_idx %gather3A_1154[%add3A_1090, %add3A_1149] : memref<128x128xf32, #tpu.memory_space<vmem>>[vector<16xi32>, vector<16xi32>], vector<16xf32>,
    %mul3A_1156 = arith.constant 0 : i32
    %mul3A_1157 = vector.broadcast %mul3A_1156 : i32 to vector<16xi32>
    %mul3A_1158 = arith.muli %iota3A, %mul3A_1157 : vector<16xi32>
    %add3A_1159 = arith.constant 3 : i32
    %add3A_1160 = vector.broadcast %add3A_1159 : i32 to vector<16xi32>
    %add3A_1161 = arith.addi %mul3A_1158, %add3A_1160 : vector<16xi32>
    tpu.vector_store_idx %arg9[%add3A_1095, %add3A_1161], %gather3A_1155 : memref<512x4xf32, #tpu.memory_space<vmem>>[vector<16xi32>, vector<16xi32>], vector<16xf32>,
    %add3A_1162 = arith.constant 4 : i32
    %add3A_1163 = vector.broadcast %add3A_1162 : i32 to vector<16xi32>
    %add3A_1164 = arith.addi %mul3A_1101, %add3A_1163 : vector<16xi32>
    %add3A_1165 = arith.constant 0 : i32
    %add3A_1166 = vector.broadcast %add3A_1165 : i32 to vector<16xi32>
    %add3A_1167 = arith.addi %add3A_1164, %add3A_1166 : vector<16xi32>
    %gather3A_1168 = arith.constant 0 : i32
    %gather3A_1169 = arith.constant 0 : i32
    %gather3A_1170 = arith.constant 0 : i32
    %gather3A_1171 = tpu.memref_slice %arg8[%gather3A_1168, %gather3A_1169, %gather3A_1170] : memref<2x128x128xf32, #tpu.memory_space<vmem>> -> memref<1x128x128xf32, #tpu.memory_space<vmem>>
    %gather3A_1172 = tpu.memref_squeeze %gather3A_1171 : memref<1x128x128xf32, #tpu.memory_space<vmem>> -> memref<128x128xf32, #tpu.memory_space<vmem>>
    %gather3A_1173 = tpu.vector_load_idx %gather3A_1172[%add3A_1090, %add3A_1167] : memref<128x128xf32, #tpu.memory_space<vmem>>[vector<16xi32>, vector<16xi32>], vector<16xf32>,
    %mul3A_1174 = arith.constant 0 : i32
    %mul3A_1175 = vector.broadcast %mul3A_1174 : i32 to vector<16xi32>
    %mul3A_1176 = arith.muli %iota3A, %mul3A_1175 : vector<16xi32>
    %add3A_1177 = arith.constant 0 : i32
    %add3A_1178 = vector.broadcast %add3A_1177 : i32 to vector<16xi32>
    %add3A_1179 = arith.addi %mul3A_1176, %add3A_1178 : vector<16xi32>
    tpu.vector_store_idx %arg10[%add3A_1095, %add3A_1179], %gather3A_1173 : memref<512x3xf32, #tpu.memory_space<vmem>>[vector<16xi32>, vector<16xi32>], vector<16xf32>,
    %add3A_1180 = arith.constant 4 : i32
    %add3A_1181 = vector.broadcast %add3A_1180 : i32 to vector<16xi32>
    %add3A_1182 = arith.addi %mul3A_1101, %add3A_1181 : vector<16xi32>
    %add3A_1183 = arith.constant 1 : i32
    %add3A_1184 = vector.broadcast %add3A_1183 : i32 to vector<16xi32>
    %add3A_1185 = arith.addi %add3A_1182, %add3A_1184 : vector<16xi32>
    %gather3A_1186 = arith.constant 0 : i32
    %gather3A_1187 = arith.constant 0 : i32
    %gather3A_1188 = arith.constant 0 : i32
    %gather3A_1189 = tpu.memref_slice %arg8[%gather3A_1186, %gather3A_1187, %gather3A_1188] : memref<2x128x128xf32, #tpu.memory_space<vmem>> -> memref<1x128x128xf32, #tpu.memory_space<vmem>>
    %gather3A_1190 = tpu.memref_squeeze %gather3A_1189 : memref<1x128x128xf32, #tpu.memory_space<vmem>> -> memref<128x128xf32, #tpu.memory_space<vmem>>
    %gather3A_1191 = tpu.vector_load_idx %gather3A_1190[%add3A_1090, %add3A_1185] : memref<128x128xf32, #tpu.memory_space<vmem>>[vector<16xi32>, vector<16xi32>], vector<16xf32>,
    %mul3A_1192 = arith.constant 0 : i32
    %mul3A_1193 = vector.broadcast %mul3A_1192 : i32 to vector<16xi32>
    %mul3A_1194 = arith.muli %iota3A, %mul3A_1193 : vector<16xi32>
    %add3A_1195 = arith.constant 1 : i32
    %add3A_1196 = vector.broadcast %add3A_1195 : i32 to vector<16xi32>
    %add3A_1197 = arith.addi %mul3A_1194, %add3A_1196 : vector<16xi32>
    tpu.vector_store_idx %arg10[%add3A_1095, %add3A_1197], %gather3A_1191 : memref<512x3xf32, #tpu.memory_space<vmem>>[vector<16xi32>, vector<16xi32>], vector<16xf32>,
    %add3A_1198 = arith.constant 4 : i32
    %add3A_1199 = vector.broadcast %add3A_1198 : i32 to vector<16xi32>
    %add3A_1200 = arith.addi %mul3A_1101, %add3A_1199 : vector<16xi32>
    %add3A_1201 = arith.constant 2 : i32
    %add3A_1202 = vector.broadcast %add3A_1201 : i32 to vector<16xi32>
    %add3A_1203 = arith.addi %add3A_1200, %add3A_1202 : vector<16xi32>
    %gather3A_1204 = arith.constant 0 : i32
    %gather3A_1205 = arith.constant 0 : i32
    %gather3A_1206 = arith.constant 0 : i32
    %gather3A_1207 = tpu.memref_slice %arg8[%gather3A_1204, %gather3A_1205, %gather3A_1206] : memref<2x128x128xf32, #tpu.memory_space<vmem>> -> memref<1x128x128xf32, #tpu.memory_space<vmem>>
    %gather3A_1208 = tpu.memref_squeeze %gather3A_1207 : memref<1x128x128xf32, #tpu.memory_space<vmem>> -> memref<128x128xf32, #tpu.memory_space<vmem>>
    %gather3A_1209 = tpu.vector_load_idx %gather3A_1208[%add3A_1090, %add3A_1203] : memref<128x128xf32, #tpu.memory_space<vmem>>[vector<16xi32>, vector<16xi32>], vector<16xf32>,
    %mul3A_1210 = arith.constant 0 : i32
    %mul3A_1211 = vector.broadcast %mul3A_1210 : i32 to vector<16xi32>
    %mul3A_1212 = arith.muli %iota3A, %mul3A_1211 : vector<16xi32>
    %add3A_1213 = arith.constant 2 : i32
    %add3A_1214 = vector.broadcast %add3A_1213 : i32 to vector<16xi32>
    %add3A_1215 = arith.addi %mul3A_1212, %add3A_1214 : vector<16xi32>
    tpu.vector_store_idx %arg10[%add3A_1095, %add3A_1215], %gather3A_1209 : memref<512x3xf32, #tpu.memory_space<vmem>>[vector<16xi32>, vector<16xi32>], vector<16xf32>,
    %add3A_1216 = arith.constant 112 : i32
    %add3A_1217 = vector.broadcast %add3A_1216 : i32 to vector<16xi32>
    %add3A_1218 = arith.addi %add3A_1217, %iota3A : vector<16xi32>
    %get3A_1219 = arith.constant 112 : index
    %get3A_1220 = tpu.vector_load %arg6[%get3A_1219] {strides = array<i32>} : memref<512xi32, #tpu.memory_space<vmem>>, vector<16xi32>,
    %add3A_1221 = arith.constant 112 : i32
    %add3A_1222 = vector.broadcast %add3A_1221 : i32 to vector<16xi32>
    %add3A_1223 = arith.addi %add3A_1222, %iota3A : vector<16xi32>
    %and3A_1224 = arith.constant 15 : i32
    %and3A_1225 = vector.broadcast %and3A_1224 : i32 to vector<16xi32>
    %and3A_1226 = arith.andi %get3A_1220, %and3A_1225 : vector<16xi32>
    %mul3A_1227 = arith.constant 8 : i32
    %mul3A_1228 = vector.broadcast %mul3A_1227 : i32 to vector<16xi32>
    %mul3A_1229 = arith.muli %and3A_1226, %mul3A_1228 : vector<16xi32>
    %add3A_1230 = arith.constant 0 : i32
    %add3A_1231 = vector.broadcast %add3A_1230 : i32 to vector<16xi32>
    %add3A_1232 = arith.addi %mul3A_1229, %add3A_1231 : vector<16xi32>
    %gather3A_1233 = arith.constant 0 : i32
    %gather3A_1234 = arith.constant 0 : i32
    %gather3A_1235 = arith.constant 0 : i32
    %gather3A_1236 = tpu.memref_slice %arg8[%gather3A_1233, %gather3A_1234, %gather3A_1235] : memref<2x128x128xf32, #tpu.memory_space<vmem>> -> memref<1x128x128xf32, #tpu.memory_space<vmem>>
    %gather3A_1237 = tpu.memref_squeeze %gather3A_1236 : memref<1x128x128xf32, #tpu.memory_space<vmem>> -> memref<128x128xf32, #tpu.memory_space<vmem>>
    %gather3A_1238 = tpu.vector_load_idx %gather3A_1237[%add3A_1218, %add3A_1232] : memref<128x128xf32, #tpu.memory_space<vmem>>[vector<16xi32>, vector<16xi32>], vector<16xf32>,
    %mul3A_1239 = arith.constant 0 : i32
    %mul3A_1240 = vector.broadcast %mul3A_1239 : i32 to vector<16xi32>
    %mul3A_1241 = arith.muli %iota3A, %mul3A_1240 : vector<16xi32>
    %add3A_1242 = arith.constant 0 : i32
    %add3A_1243 = vector.broadcast %add3A_1242 : i32 to vector<16xi32>
    %add3A_1244 = arith.addi %mul3A_1241, %add3A_1243 : vector<16xi32>
    tpu.vector_store_idx %arg9[%add3A_1223, %add3A_1244], %gather3A_1238 : memref<512x4xf32, #tpu.memory_space<vmem>>[vector<16xi32>, vector<16xi32>], vector<16xf32>,
    %add3A_1245 = arith.constant 1 : i32
    %add3A_1246 = vector.broadcast %add3A_1245 : i32 to vector<16xi32>
    %add3A_1247 = arith.addi %mul3A_1229, %add3A_1246 : vector<16xi32>
    %gather3A_1248 = arith.constant 0 : i32
    %gather3A_1249 = arith.constant 0 : i32
    %gather3A_1250 = arith.constant 0 : i32
    %gather3A_1251 = tpu.memref_slice %arg8[%gather3A_1248, %gather3A_1249, %gather3A_1250] : memref<2x128x128xf32, #tpu.memory_space<vmem>> -> memref<1x128x128xf32, #tpu.memory_space<vmem>>
    %gather3A_1252 = tpu.memref_squeeze %gather3A_1251 : memref<1x128x128xf32, #tpu.memory_space<vmem>> -> memref<128x128xf32, #tpu.memory_space<vmem>>
    %gather3A_1253 = tpu.vector_load_idx %gather3A_1252[%add3A_1218, %add3A_1247] : memref<128x128xf32, #tpu.memory_space<vmem>>[vector<16xi32>, vector<16xi32>], vector<16xf32>,
    %mul3A_1254 = arith.constant 0 : i32
    %mul3A_1255 = vector.broadcast %mul3A_1254 : i32 to vector<16xi32>
    %mul3A_1256 = arith.muli %iota3A, %mul3A_1255 : vector<16xi32>
    %add3A_1257 = arith.constant 1 : i32
    %add3A_1258 = vector.broadcast %add3A_1257 : i32 to vector<16xi32>
    %add3A_1259 = arith.addi %mul3A_1256, %add3A_1258 : vector<16xi32>
    tpu.vector_store_idx %arg9[%add3A_1223, %add3A_1259], %gather3A_1253 : memref<512x4xf32, #tpu.memory_space<vmem>>[vector<16xi32>, vector<16xi32>], vector<16xf32>,
    %add3A_1260 = arith.constant 2 : i32
    %add3A_1261 = vector.broadcast %add3A_1260 : i32 to vector<16xi32>
    %add3A_1262 = arith.addi %mul3A_1229, %add3A_1261 : vector<16xi32>
    %gather3A_1263 = arith.constant 0 : i32
    %gather3A_1264 = arith.constant 0 : i32
    %gather3A_1265 = arith.constant 0 : i32
    %gather3A_1266 = tpu.memref_slice %arg8[%gather3A_1263, %gather3A_1264, %gather3A_1265] : memref<2x128x128xf32, #tpu.memory_space<vmem>> -> memref<1x128x128xf32, #tpu.memory_space<vmem>>
    %gather3A_1267 = tpu.memref_squeeze %gather3A_1266 : memref<1x128x128xf32, #tpu.memory_space<vmem>> -> memref<128x128xf32, #tpu.memory_space<vmem>>
    %gather3A_1268 = tpu.vector_load_idx %gather3A_1267[%add3A_1218, %add3A_1262] : memref<128x128xf32, #tpu.memory_space<vmem>>[vector<16xi32>, vector<16xi32>], vector<16xf32>,
    %mul3A_1269 = arith.constant 0 : i32
    %mul3A_1270 = vector.broadcast %mul3A_1269 : i32 to vector<16xi32>
    %mul3A_1271 = arith.muli %iota3A, %mul3A_1270 : vector<16xi32>
    %add3A_1272 = arith.constant 2 : i32
    %add3A_1273 = vector.broadcast %add3A_1272 : i32 to vector<16xi32>
    %add3A_1274 = arith.addi %mul3A_1271, %add3A_1273 : vector<16xi32>
    tpu.vector_store_idx %arg9[%add3A_1223, %add3A_1274], %gather3A_1268 : memref<512x4xf32, #tpu.memory_space<vmem>>[vector<16xi32>, vector<16xi32>], vector<16xf32>,
    %add3A_1275 = arith.constant 3 : i32
    %add3A_1276 = vector.broadcast %add3A_1275 : i32 to vector<16xi32>
    %add3A_1277 = arith.addi %mul3A_1229, %add3A_1276 : vector<16xi32>
    %gather3A_1278 = arith.constant 0 : i32
    %gather3A_1279 = arith.constant 0 : i32
    %gather3A_1280 = arith.constant 0 : i32
    %gather3A_1281 = tpu.memref_slice %arg8[%gather3A_1278, %gather3A_1279, %gather3A_1280] : memref<2x128x128xf32, #tpu.memory_space<vmem>> -> memref<1x128x128xf32, #tpu.memory_space<vmem>>
    %gather3A_1282 = tpu.memref_squeeze %gather3A_1281 : memref<1x128x128xf32, #tpu.memory_space<vmem>> -> memref<128x128xf32, #tpu.memory_space<vmem>>
    %gather3A_1283 = tpu.vector_load_idx %gather3A_1282[%add3A_1218, %add3A_1277] : memref<128x128xf32, #tpu.memory_space<vmem>>[vector<16xi32>, vector<16xi32>], vector<16xf32>,
    %mul3A_1284 = arith.constant 0 : i32
    %mul3A_1285 = vector.broadcast %mul3A_1284 : i32 to vector<16xi32>
    %mul3A_1286 = arith.muli %iota3A, %mul3A_1285 : vector<16xi32>
    %add3A_1287 = arith.constant 3 : i32
    %add3A_1288 = vector.broadcast %add3A_1287 : i32 to vector<16xi32>
    %add3A_1289 = arith.addi %mul3A_1286, %add3A_1288 : vector<16xi32>
    tpu.vector_store_idx %arg9[%add3A_1223, %add3A_1289], %gather3A_1283 : memref<512x4xf32, #tpu.memory_space<vmem>>[vector<16xi32>, vector<16xi32>], vector<16xf32>,
    %add3A_1290 = arith.constant 4 : i32
    %add3A_1291 = vector.broadcast %add3A_1290 : i32 to vector<16xi32>
    %add3A_1292 = arith.addi %mul3A_1229, %add3A_1291 : vector<16xi32>
    %add3A_1293 = arith.constant 0 : i32
    %add3A_1294 = vector.broadcast %add3A_1293 : i32 to vector<16xi32>
    %add3A_1295 = arith.addi %add3A_1292, %add3A_1294 : vector<16xi32>
    %gather3A_1296 = arith.constant 0 : i32
    %gather3A_1297 = arith.constant 0 : i32
    %gather3A_1298 = arith.constant 0 : i32
    %gather3A_1299 = tpu.memref_slice %arg8[%gather3A_1296, %gather3A_1297, %gather3A_1298] : memref<2x128x128xf32, #tpu.memory_space<vmem>> -> memref<1x128x128xf32, #tpu.memory_space<vmem>>
    %gather3A_1300 = tpu.memref_squeeze %gather3A_1299 : memref<1x128x128xf32, #tpu.memory_space<vmem>> -> memref<128x128xf32, #tpu.memory_space<vmem>>
    %gather3A_1301 = tpu.vector_load_idx %gather3A_1300[%add3A_1218, %add3A_1295] : memref<128x128xf32, #tpu.memory_space<vmem>>[vector<16xi32>, vector<16xi32>], vector<16xf32>,
    %mul3A_1302 = arith.constant 0 : i32
    %mul3A_1303 = vector.broadcast %mul3A_1302 : i32 to vector<16xi32>
    %mul3A_1304 = arith.muli %iota3A, %mul3A_1303 : vector<16xi32>
    %add3A_1305 = arith.constant 0 : i32
    %add3A_1306 = vector.broadcast %add3A_1305 : i32 to vector<16xi32>
    %add3A_1307 = arith.addi %mul3A_1304, %add3A_1306 : vector<16xi32>
    tpu.vector_store_idx %arg10[%add3A_1223, %add3A_1307], %gather3A_1301 : memref<512x3xf32, #tpu.memory_space<vmem>>[vector<16xi32>, vector<16xi32>], vector<16xf32>,
    %add3A_1308 = arith.constant 4 : i32
    %add3A_1309 = vector.broadcast %add3A_1308 : i32 to vector<16xi32>
    %add3A_1310 = arith.addi %mul3A_1229, %add3A_1309 : vector<16xi32>
    %add3A_1311 = arith.constant 1 : i32
    %add3A_1312 = vector.broadcast %add3A_1311 : i32 to vector<16xi32>
    %add3A_1313 = arith.addi %add3A_1310, %add3A_1312 : vector<16xi32>
    %gather3A_1314 = arith.constant 0 : i32
    %gather3A_1315 = arith.constant 0 : i32
    %gather3A_1316 = arith.constant 0 : i32
    %gather3A_1317 = tpu.memref_slice %arg8[%gather3A_1314, %gather3A_1315, %gather3A_1316] : memref<2x128x128xf32, #tpu.memory_space<vmem>> -> memref<1x128x128xf32, #tpu.memory_space<vmem>>
    %gather3A_1318 = tpu.memref_squeeze %gather3A_1317 : memref<1x128x128xf32, #tpu.memory_space<vmem>> -> memref<128x128xf32, #tpu.memory_space<vmem>>
    %gather3A_1319 = tpu.vector_load_idx %gather3A_1318[%add3A_1218, %add3A_1313] : memref<128x128xf32, #tpu.memory_space<vmem>>[vector<16xi32>, vector<16xi32>], vector<16xf32>,
    %mul3A_1320 = arith.constant 0 : i32
    %mul3A_1321 = vector.broadcast %mul3A_1320 : i32 to vector<16xi32>
    %mul3A_1322 = arith.muli %iota3A, %mul3A_1321 : vector<16xi32>
    %add3A_1323 = arith.constant 1 : i32
    %add3A_1324 = vector.broadcast %add3A_1323 : i32 to vector<16xi32>
    %add3A_1325 = arith.addi %mul3A_1322, %add3A_1324 : vector<16xi32>
    tpu.vector_store_idx %arg10[%add3A_1223, %add3A_1325], %gather3A_1319 : memref<512x3xf32, #tpu.memory_space<vmem>>[vector<16xi32>, vector<16xi32>], vector<16xf32>,
    %add3A_1326 = arith.constant 4 : i32
    %add3A_1327 = vector.broadcast %add3A_1326 : i32 to vector<16xi32>
    %add3A_1328 = arith.addi %mul3A_1229, %add3A_1327 : vector<16xi32>
    %add3A_1329 = arith.constant 2 : i32
    %add3A_1330 = vector.broadcast %add3A_1329 : i32 to vector<16xi32>
    %add3A_1331 = arith.addi %add3A_1328, %add3A_1330 : vector<16xi32>
    %gather3A_1332 = arith.constant 0 : i32
    %gather3A_1333 = arith.constant 0 : i32
    %gather3A_1334 = arith.constant 0 : i32
    %gather3A_1335 = tpu.memref_slice %arg8[%gather3A_1332, %gather3A_1333, %gather3A_1334] : memref<2x128x128xf32, #tpu.memory_space<vmem>> -> memref<1x128x128xf32, #tpu.memory_space<vmem>>
    %gather3A_1336 = tpu.memref_squeeze %gather3A_1335 : memref<1x128x128xf32, #tpu.memory_space<vmem>> -> memref<128x128xf32, #tpu.memory_space<vmem>>
    %gather3A_1337 = tpu.vector_load_idx %gather3A_1336[%add3A_1218, %add3A_1331] : memref<128x128xf32, #tpu.memory_space<vmem>>[vector<16xi32>, vector<16xi32>], vector<16xf32>,
    %mul3A_1338 = arith.constant 0 : i32
    %mul3A_1339 = vector.broadcast %mul3A_1338 : i32 to vector<16xi32>
    %mul3A_1340 = arith.muli %iota3A, %mul3A_1339 : vector<16xi32>
    %add3A_1341 = arith.constant 2 : i32
    %add3A_1342 = vector.broadcast %add3A_1341 : i32 to vector<16xi32>
    %add3A_1343 = arith.addi %mul3A_1340, %add3A_1342 : vector<16xi32>
    tpu.vector_store_idx %arg10[%add3A_1223, %add3A_1343], %gather3A_1337 : memref<512x3xf32, #tpu.memory_space<vmem>>[vector<16xi32>, vector<16xi32>], vector<16xf32>,
    %dma_start3A_1344 = arith.constant 2 : i32
    %dma_start3A_1345 = arith.constant 0 : i32
    %dma_start3A_1346 = arith.constant 0 : i32
    %dma_start3A_1347 = arith.constant 0 : i32
    %dma_start3A_1348 = tpu.memref_slice %arg8[%dma_start3A_1345, %dma_start3A_1346, %dma_start3A_1347] : memref<2x128x128xf32, #tpu.memory_space<vmem>> -> memref<1x128x128xf32, #tpu.memory_space<vmem>>
    %dma_start3A_1349 = tpu.memref_squeeze %dma_start3A_1348 : memref<1x128x128xf32, #tpu.memory_space<vmem>> -> memref<128x128xf32, #tpu.memory_space<vmem>>
    %dma_start3A_1350 = arith.constant 0 : i32
    %dma_start3A_1351 = tpu.memref_slice %arg7[%dma_start3A_1344, %dma_start3A_1350] : memref<4x128xi32, #tpu.memory_space<vmem>> -> memref<1x128xi32, #tpu.memory_space<vmem>>
    %dma_start3A_1352 = tpu.memref_squeeze %dma_start3A_1351 : memref<1x128xi32, #tpu.memory_space<vmem>> -> memref<128xi32, #tpu.memory_space<vmem>>
    %dma_start3A_1353 = arith.constant 0 : i32
    %dma_start3A_1354 = arith.constant 0 : i32
    %dma_start3A_1355 = tpu.memref_slice %arg3[%dma_start3A_1353, %dma_start3A_1354] : memref<62500x128xf32, #tpu.memory_space<hbm>> -> memref<62500x128xf32, #tpu.memory_space<hbm>>
    tpu.enqueue_indirect_dma source(%dma_start3A_1355 : memref<62500x128xf32, #tpu.memory_space<hbm>>) target(%dma_start3A_1349 : memref<128x128xf32, #tpu.memory_space<vmem>>) offsets(%dma_start3A_1352 : memref<128xi32, #tpu.memory_space<vmem>>) semaphore(%arg11 : memref<!tpu.dma_semaphore, #tpu.memory_space<semaphore_mem>>)
    %dma_wait3A_1356 = arith.constant 1 : i32
    %dma_wait3A_1357 = arith.constant 1 : i32
    %dma_wait3A_1358 = arith.constant 0 : i32
    %dma_wait3A_1359 = arith.constant 0 : i32
    %dma_wait3A_1360 = tpu.memref_slice %arg8[%dma_wait3A_1357, %dma_wait3A_1358, %dma_wait3A_1359] : memref<2x128x128xf32, #tpu.memory_space<vmem>> -> memref<1x128x128xf32, #tpu.memory_space<vmem>>
    %dma_wait3A_1361 = tpu.memref_squeeze %dma_wait3A_1360 : memref<1x128x128xf32, #tpu.memory_space<vmem>> -> memref<128x128xf32, #tpu.memory_space<vmem>>
    %dma_wait3A_1362 = arith.constant 0 : i32
    %dma_wait3A_1363 = tpu.memref_slice %arg7[%dma_wait3A_1356, %dma_wait3A_1362] : memref<4x128xi32, #tpu.memory_space<vmem>> -> memref<1x128xi32, #tpu.memory_space<vmem>>
    %dma_wait3A_1364 = tpu.memref_squeeze %dma_wait3A_1363 : memref<1x128xi32, #tpu.memory_space<vmem>> -> memref<128xi32, #tpu.memory_space<vmem>>
    %dma_wait3A_1365 = arith.constant 0 : i32
    %dma_wait3A_1366 = arith.constant 0 : i32
    %dma_wait3A_1367 = tpu.memref_slice %arg3[%dma_wait3A_1365, %dma_wait3A_1366] : memref<62500x128xf32, #tpu.memory_space<hbm>> -> memref<62500x128xf32, #tpu.memory_space<hbm>>
    tpu.wait_indirect_dma semaphore(%arg12 : memref<!tpu.dma_semaphore, #tpu.memory_space<semaphore_mem>>) src(%dma_wait3A_1367 : memref<62500x128xf32, #tpu.memory_space<hbm>>) dst(%dma_wait3A_1361 : memref<128x128xf32, #tpu.memory_space<vmem>>)
    %add3A_1368 = arith.constant 0 : i32
    %add3A_1369 = vector.broadcast %add3A_1368 : i32 to vector<16xi32>
    %add3A_1370 = arith.addi %add3A_1369, %iota3A : vector<16xi32>
    %get3A_1371 = arith.constant 128 : index
    %get3A_1372 = tpu.vector_load %arg6[%get3A_1371] {strides = array<i32>} : memref<512xi32, #tpu.memory_space<vmem>>, vector<16xi32>,
    %add3A_1373 = arith.constant 128 : i32
    %add3A_1374 = vector.broadcast %add3A_1373 : i32 to vector<16xi32>
    %add3A_1375 = arith.addi %add3A_1374, %iota3A : vector<16xi32>
    %and3A_1376 = arith.constant 15 : i32
    %and3A_1377 = vector.broadcast %and3A_1376 : i32 to vector<16xi32>
    %and3A_1378 = arith.andi %get3A_1372, %and3A_1377 : vector<16xi32>
    %mul3A_1379 = arith.constant 8 : i32
    %mul3A_1380 = vector.broadcast %mul3A_1379 : i32 to vector<16xi32>
    %mul3A_1381 = arith.muli %and3A_1378, %mul3A_1380 : vector<16xi32>
    %add3A_1382 = arith.constant 0 : i32
    %add3A_1383 = vector.broadcast %add3A_1382 : i32 to vector<16xi32>
    %add3A_1384 = arith.addi %mul3A_1381, %add3A_1383 : vector<16xi32>
    %gather3A_1385 = arith.constant 1 : i32
    %gather3A_1386 = arith.constant 0 : i32
    %gather3A_1387 = arith.constant 0 : i32
    %gather3A_1388 = tpu.memref_slice %arg8[%gather3A_1385, %gather3A_1386, %gather3A_1387] : memref<2x128x128xf32, #tpu.memory_space<vmem>> -> memref<1x128x128xf32, #tpu.memory_space<vmem>>
    %gather3A_1389 = tpu.memref_squeeze %gather3A_1388 : memref<1x128x128xf32, #tpu.memory_space<vmem>> -> memref<128x128xf32, #tpu.memory_space<vmem>>
    %gather3A_1390 = tpu.vector_load_idx %gather3A_1389[%add3A_1370, %add3A_1384] : memref<128x128xf32, #tpu.memory_space<vmem>>[vector<16xi32>, vector<16xi32>], vector<16xf32>,
    %mul3A_1391 = arith.constant 0 : i32
    %mul3A_1392 = vector.broadcast %mul3A_1391 : i32 to vector<16xi32>
    %mul3A_1393 = arith.muli %iota3A, %mul3A_1392 : vector<16xi32>
    %add3A_1394 = arith.constant 0 : i32
    %add3A_1395 = vector.broadcast %add3A_1394 : i32 to vector<16xi32>
    %add3A_1396 = arith.addi %mul3A_1393, %add3A_1395 : vector<16xi32>
    tpu.vector_store_idx %arg9[%add3A_1375, %add3A_1396], %gather3A_1390 : memref<512x4xf32, #tpu.memory_space<vmem>>[vector<16xi32>, vector<16xi32>], vector<16xf32>,
    %add3A_1397 = arith.constant 1 : i32
    %add3A_1398 = vector.broadcast %add3A_1397 : i32 to vector<16xi32>
    %add3A_1399 = arith.addi %mul3A_1381, %add3A_1398 : vector<16xi32>
    %gather3A_1400 = arith.constant 1 : i32
    %gather3A_1401 = arith.constant 0 : i32
    %gather3A_1402 = arith.constant 0 : i32
    %gather3A_1403 = tpu.memref_slice %arg8[%gather3A_1400, %gather3A_1401, %gather3A_1402] : memref<2x128x128xf32, #tpu.memory_space<vmem>> -> memref<1x128x128xf32, #tpu.memory_space<vmem>>
    %gather3A_1404 = tpu.memref_squeeze %gather3A_1403 : memref<1x128x128xf32, #tpu.memory_space<vmem>> -> memref<128x128xf32, #tpu.memory_space<vmem>>
    %gather3A_1405 = tpu.vector_load_idx %gather3A_1404[%add3A_1370, %add3A_1399] : memref<128x128xf32, #tpu.memory_space<vmem>>[vector<16xi32>, vector<16xi32>], vector<16xf32>,
    %mul3A_1406 = arith.constant 0 : i32
    %mul3A_1407 = vector.broadcast %mul3A_1406 : i32 to vector<16xi32>
    %mul3A_1408 = arith.muli %iota3A, %mul3A_1407 : vector<16xi32>
    %add3A_1409 = arith.constant 1 : i32
    %add3A_1410 = vector.broadcast %add3A_1409 : i32 to vector<16xi32>
    %add3A_1411 = arith.addi %mul3A_1408, %add3A_1410 : vector<16xi32>
    tpu.vector_store_idx %arg9[%add3A_1375, %add3A_1411], %gather3A_1405 : memref<512x4xf32, #tpu.memory_space<vmem>>[vector<16xi32>, vector<16xi32>], vector<16xf32>,
    %add3A_1412 = arith.constant 2 : i32
    %add3A_1413 = vector.broadcast %add3A_1412 : i32 to vector<16xi32>
    %add3A_1414 = arith.addi %mul3A_1381, %add3A_1413 : vector<16xi32>
    %gather3A_1415 = arith.constant 1 : i32
    %gather3A_1416 = arith.constant 0 : i32
    %gather3A_1417 = arith.constant 0 : i32
    %gather3A_1418 = tpu.memref_slice %arg8[%gather3A_1415, %gather3A_1416, %gather3A_1417] : memref<2x128x128xf32, #tpu.memory_space<vmem>> -> memref<1x128x128xf32, #tpu.memory_space<vmem>>
    %gather3A_1419 = tpu.memref_squeeze %gather3A_1418 : memref<1x128x128xf32, #tpu.memory_space<vmem>> -> memref<128x128xf32, #tpu.memory_space<vmem>>
    %gather3A_1420 = tpu.vector_load_idx %gather3A_1419[%add3A_1370, %add3A_1414] : memref<128x128xf32, #tpu.memory_space<vmem>>[vector<16xi32>, vector<16xi32>], vector<16xf32>,
    %mul3A_1421 = arith.constant 0 : i32
    %mul3A_1422 = vector.broadcast %mul3A_1421 : i32 to vector<16xi32>
    %mul3A_1423 = arith.muli %iota3A, %mul3A_1422 : vector<16xi32>
    %add3A_1424 = arith.constant 2 : i32
    %add3A_1425 = vector.broadcast %add3A_1424 : i32 to vector<16xi32>
    %add3A_1426 = arith.addi %mul3A_1423, %add3A_1425 : vector<16xi32>
    tpu.vector_store_idx %arg9[%add3A_1375, %add3A_1426], %gather3A_1420 : memref<512x4xf32, #tpu.memory_space<vmem>>[vector<16xi32>, vector<16xi32>], vector<16xf32>,
    %add3A_1427 = arith.constant 3 : i32
    %add3A_1428 = vector.broadcast %add3A_1427 : i32 to vector<16xi32>
    %add3A_1429 = arith.addi %mul3A_1381, %add3A_1428 : vector<16xi32>
    %gather3A_1430 = arith.constant 1 : i32
    %gather3A_1431 = arith.constant 0 : i32
    %gather3A_1432 = arith.constant 0 : i32
    %gather3A_1433 = tpu.memref_slice %arg8[%gather3A_1430, %gather3A_1431, %gather3A_1432] : memref<2x128x128xf32, #tpu.memory_space<vmem>> -> memref<1x128x128xf32, #tpu.memory_space<vmem>>
    %gather3A_1434 = tpu.memref_squeeze %gather3A_1433 : memref<1x128x128xf32, #tpu.memory_space<vmem>> -> memref<128x128xf32, #tpu.memory_space<vmem>>
    %gather3A_1435 = tpu.vector_load_idx %gather3A_1434[%add3A_1370, %add3A_1429] : memref<128x128xf32, #tpu.memory_space<vmem>>[vector<16xi32>, vector<16xi32>], vector<16xf32>,
    %mul3A_1436 = arith.constant 0 : i32
    %mul3A_1437 = vector.broadcast %mul3A_1436 : i32 to vector<16xi32>
    %mul3A_1438 = arith.muli %iota3A, %mul3A_1437 : vector<16xi32>
    %add3A_1439 = arith.constant 3 : i32
    %add3A_1440 = vector.broadcast %add3A_1439 : i32 to vector<16xi32>
    %add3A_1441 = arith.addi %mul3A_1438, %add3A_1440 : vector<16xi32>
    tpu.vector_store_idx %arg9[%add3A_1375, %add3A_1441], %gather3A_1435 : memref<512x4xf32, #tpu.memory_space<vmem>>[vector<16xi32>, vector<16xi32>], vector<16xf32>,
    %add3A_1442 = arith.constant 4 : i32
    %add3A_1443 = vector.broadcast %add3A_1442 : i32 to vector<16xi32>
    %add3A_1444 = arith.addi %mul3A_1381, %add3A_1443 : vector<16xi32>
    %add3A_1445 = arith.constant 0 : i32
    %add3A_1446 = vector.broadcast %add3A_1445 : i32 to vector<16xi32>
    %add3A_1447 = arith.addi %add3A_1444, %add3A_1446 : vector<16xi32>
    %gather3A_1448 = arith.constant 1 : i32
    %gather3A_1449 = arith.constant 0 : i32
    %gather3A_1450 = arith.constant 0 : i32
    %gather3A_1451 = tpu.memref_slice %arg8[%gather3A_1448, %gather3A_1449, %gather3A_1450] : memref<2x128x128xf32, #tpu.memory_space<vmem>> -> memref<1x128x128xf32, #tpu.memory_space<vmem>>
    %gather3A_1452 = tpu.memref_squeeze %gather3A_1451 : memref<1x128x128xf32, #tpu.memory_space<vmem>> -> memref<128x128xf32, #tpu.memory_space<vmem>>
    %gather3A_1453 = tpu.vector_load_idx %gather3A_1452[%add3A_1370, %add3A_1447] : memref<128x128xf32, #tpu.memory_space<vmem>>[vector<16xi32>, vector<16xi32>], vector<16xf32>,
    %mul3A_1454 = arith.constant 0 : i32
    %mul3A_1455 = vector.broadcast %mul3A_1454 : i32 to vector<16xi32>
    %mul3A_1456 = arith.muli %iota3A, %mul3A_1455 : vector<16xi32>
    %add3A_1457 = arith.constant 0 : i32
    %add3A_1458 = vector.broadcast %add3A_1457 : i32 to vector<16xi32>
    %add3A_1459 = arith.addi %mul3A_1456, %add3A_1458 : vector<16xi32>
    tpu.vector_store_idx %arg10[%add3A_1375, %add3A_1459], %gather3A_1453 : memref<512x3xf32, #tpu.memory_space<vmem>>[vector<16xi32>, vector<16xi32>], vector<16xf32>,
    %add3A_1460 = arith.constant 4 : i32
    %add3A_1461 = vector.broadcast %add3A_1460 : i32 to vector<16xi32>
    %add3A_1462 = arith.addi %mul3A_1381, %add3A_1461 : vector<16xi32>
    %add3A_1463 = arith.constant 1 : i32
    %add3A_1464 = vector.broadcast %add3A_1463 : i32 to vector<16xi32>
    %add3A_1465 = arith.addi %add3A_1462, %add3A_1464 : vector<16xi32>
    %gather3A_1466 = arith.constant 1 : i32
    %gather3A_1467 = arith.constant 0 : i32
    %gather3A_1468 = arith.constant 0 : i32
    %gather3A_1469 = tpu.memref_slice %arg8[%gather3A_1466, %gather3A_1467, %gather3A_1468] : memref<2x128x128xf32, #tpu.memory_space<vmem>> -> memref<1x128x128xf32, #tpu.memory_space<vmem>>
    %gather3A_1470 = tpu.memref_squeeze %gather3A_1469 : memref<1x128x128xf32, #tpu.memory_space<vmem>> -> memref<128x128xf32, #tpu.memory_space<vmem>>
    %gather3A_1471 = tpu.vector_load_idx %gather3A_1470[%add3A_1370, %add3A_1465] : memref<128x128xf32, #tpu.memory_space<vmem>>[vector<16xi32>, vector<16xi32>], vector<16xf32>,
    %mul3A_1472 = arith.constant 0 : i32
    %mul3A_1473 = vector.broadcast %mul3A_1472 : i32 to vector<16xi32>
    %mul3A_1474 = arith.muli %iota3A, %mul3A_1473 : vector<16xi32>
    %add3A_1475 = arith.constant 1 : i32
    %add3A_1476 = vector.broadcast %add3A_1475 : i32 to vector<16xi32>
    %add3A_1477 = arith.addi %mul3A_1474, %add3A_1476 : vector<16xi32>
    tpu.vector_store_idx %arg10[%add3A_1375, %add3A_1477], %gather3A_1471 : memref<512x3xf32, #tpu.memory_space<vmem>>[vector<16xi32>, vector<16xi32>], vector<16xf32>,
    %add3A_1478 = arith.constant 4 : i32
    %add3A_1479 = vector.broadcast %add3A_1478 : i32 to vector<16xi32>
    %add3A_1480 = arith.addi %mul3A_1381, %add3A_1479 : vector<16xi32>
    %add3A_1481 = arith.constant 2 : i32
    %add3A_1482 = vector.broadcast %add3A_1481 : i32 to vector<16xi32>
    %add3A_1483 = arith.addi %add3A_1480, %add3A_1482 : vector<16xi32>
    %gather3A_1484 = arith.constant 1 : i32
    %gather3A_1485 = arith.constant 0 : i32
    %gather3A_1486 = arith.constant 0 : i32
    %gather3A_1487 = tpu.memref_slice %arg8[%gather3A_1484, %gather3A_1485, %gather3A_1486] : memref<2x128x128xf32, #tpu.memory_space<vmem>> -> memref<1x128x128xf32, #tpu.memory_space<vmem>>
    %gather3A_1488 = tpu.memref_squeeze %gather3A_1487 : memref<1x128x128xf32, #tpu.memory_space<vmem>> -> memref<128x128xf32, #tpu.memory_space<vmem>>
    %gather3A_1489 = tpu.vector_load_idx %gather3A_1488[%add3A_1370, %add3A_1483] : memref<128x128xf32, #tpu.memory_space<vmem>>[vector<16xi32>, vector<16xi32>], vector<16xf32>,
    %mul3A_1490 = arith.constant 0 : i32
    %mul3A_1491 = vector.broadcast %mul3A_1490 : i32 to vector<16xi32>
    %mul3A_1492 = arith.muli %iota3A, %mul3A_1491 : vector<16xi32>
    %add3A_1493 = arith.constant 2 : i32
    %add3A_1494 = vector.broadcast %add3A_1493 : i32 to vector<16xi32>
    %add3A_1495 = arith.addi %mul3A_1492, %add3A_1494 : vector<16xi32>
    tpu.vector_store_idx %arg10[%add3A_1375, %add3A_1495], %gather3A_1489 : memref<512x3xf32, #tpu.memory_space<vmem>>[vector<16xi32>, vector<16xi32>], vector<16xf32>,
    %add3A_1496 = arith.constant 16 : i32
    %add3A_1497 = vector.broadcast %add3A_1496 : i32 to vector<16xi32>
    %add3A_1498 = arith.addi %add3A_1497, %iota3A : vector<16xi32>
    %get3A_1499 = arith.constant 144 : index
    %get3A_1500 = tpu.vector_load %arg6[%get3A_1499] {strides = array<i32>} : memref<512xi32, #tpu.memory_space<vmem>>, vector<16xi32>,
    %add3A_1501 = arith.constant 144 : i32
    %add3A_1502 = vector.broadcast %add3A_1501 : i32 to vector<16xi32>
    %add3A_1503 = arith.addi %add3A_1502, %iota3A : vector<16xi32>
    %and3A_1504 = arith.constant 15 : i32
    %and3A_1505 = vector.broadcast %and3A_1504 : i32 to vector<16xi32>
    %and3A_1506 = arith.andi %get3A_1500, %and3A_1505 : vector<16xi32>
    %mul3A_1507 = arith.constant 8 : i32
    %mul3A_1508 = vector.broadcast %mul3A_1507 : i32 to vector<16xi32>
    %mul3A_1509 = arith.muli %and3A_1506, %mul3A_1508 : vector<16xi32>
    %add3A_1510 = arith.constant 0 : i32
    %add3A_1511 = vector.broadcast %add3A_1510 : i32 to vector<16xi32>
    %add3A_1512 = arith.addi %mul3A_1509, %add3A_1511 : vector<16xi32>
    %gather3A_1513 = arith.constant 1 : i32
    %gather3A_1514 = arith.constant 0 : i32
    %gather3A_1515 = arith.constant 0 : i32
    %gather3A_1516 = tpu.memref_slice %arg8[%gather3A_1513, %gather3A_1514, %gather3A_1515] : memref<2x128x128xf32, #tpu.memory_space<vmem>> -> memref<1x128x128xf32, #tpu.memory_space<vmem>>
    %gather3A_1517 = tpu.memref_squeeze %gather3A_1516 : memref<1x128x128xf32, #tpu.memory_space<vmem>> -> memref<128x128xf32, #tpu.memory_space<vmem>>
    %gather3A_1518 = tpu.vector_load_idx %gather3A_1517[%add3A_1498, %add3A_1512] : memref<128x128xf32, #tpu.memory_space<vmem>>[vector<16xi32>, vector<16xi32>], vector<16xf32>,
    %mul3A_1519 = arith.constant 0 : i32
    %mul3A_1520 = vector.broadcast %mul3A_1519 : i32 to vector<16xi32>
    %mul3A_1521 = arith.muli %iota3A, %mul3A_1520 : vector<16xi32>
    %add3A_1522 = arith.constant 0 : i32
    %add3A_1523 = vector.broadcast %add3A_1522 : i32 to vector<16xi32>
    %add3A_1524 = arith.addi %mul3A_1521, %add3A_1523 : vector<16xi32>
    tpu.vector_store_idx %arg9[%add3A_1503, %add3A_1524], %gather3A_1518 : memref<512x4xf32, #tpu.memory_space<vmem>>[vector<16xi32>, vector<16xi32>], vector<16xf32>,
    %add3A_1525 = arith.constant 1 : i32
    %add3A_1526 = vector.broadcast %add3A_1525 : i32 to vector<16xi32>
    %add3A_1527 = arith.addi %mul3A_1509, %add3A_1526 : vector<16xi32>
    %gather3A_1528 = arith.constant 1 : i32
    %gather3A_1529 = arith.constant 0 : i32
    %gather3A_1530 = arith.constant 0 : i32
    %gather3A_1531 = tpu.memref_slice %arg8[%gather3A_1528, %gather3A_1529, %gather3A_1530] : memref<2x128x128xf32, #tpu.memory_space<vmem>> -> memref<1x128x128xf32, #tpu.memory_space<vmem>>
    %gather3A_1532 = tpu.memref_squeeze %gather3A_1531 : memref<1x128x128xf32, #tpu.memory_space<vmem>> -> memref<128x128xf32, #tpu.memory_space<vmem>>
    %gather3A_1533 = tpu.vector_load_idx %gather3A_1532[%add3A_1498, %add3A_1527] : memref<128x128xf32, #tpu.memory_space<vmem>>[vector<16xi32>, vector<16xi32>], vector<16xf32>,
    %mul3A_1534 = arith.constant 0 : i32
    %mul3A_1535 = vector.broadcast %mul3A_1534 : i32 to vector<16xi32>
    %mul3A_1536 = arith.muli %iota3A, %mul3A_1535 : vector<16xi32>
    %add3A_1537 = arith.constant 1 : i32
    %add3A_1538 = vector.broadcast %add3A_1537 : i32 to vector<16xi32>
    %add3A_1539 = arith.addi %mul3A_1536, %add3A_1538 : vector<16xi32>
    tpu.vector_store_idx %arg9[%add3A_1503, %add3A_1539], %gather3A_1533 : memref<512x4xf32, #tpu.memory_space<vmem>>[vector<16xi32>, vector<16xi32>], vector<16xf32>,
    %add3A_1540 = arith.constant 2 : i32
    %add3A_1541 = vector.broadcast %add3A_1540 : i32 to vector<16xi32>
    %add3A_1542 = arith.addi %mul3A_1509, %add3A_1541 : vector<16xi32>
    %gather3A_1543 = arith.constant 1 : i32
    %gather3A_1544 = arith.constant 0 : i32
    %gather3A_1545 = arith.constant 0 : i32
    %gather3A_1546 = tpu.memref_slice %arg8[%gather3A_1543, %gather3A_1544, %gather3A_1545] : memref<2x128x128xf32, #tpu.memory_space<vmem>> -> memref<1x128x128xf32, #tpu.memory_space<vmem>>
    %gather3A_1547 = tpu.memref_squeeze %gather3A_1546 : memref<1x128x128xf32, #tpu.memory_space<vmem>> -> memref<128x128xf32, #tpu.memory_space<vmem>>
    %gather3A_1548 = tpu.vector_load_idx %gather3A_1547[%add3A_1498, %add3A_1542] : memref<128x128xf32, #tpu.memory_space<vmem>>[vector<16xi32>, vector<16xi32>], vector<16xf32>,
    %mul3A_1549 = arith.constant 0 : i32
    %mul3A_1550 = vector.broadcast %mul3A_1549 : i32 to vector<16xi32>
    %mul3A_1551 = arith.muli %iota3A, %mul3A_1550 : vector<16xi32>
    %add3A_1552 = arith.constant 2 : i32
    %add3A_1553 = vector.broadcast %add3A_1552 : i32 to vector<16xi32>
    %add3A_1554 = arith.addi %mul3A_1551, %add3A_1553 : vector<16xi32>
    tpu.vector_store_idx %arg9[%add3A_1503, %add3A_1554], %gather3A_1548 : memref<512x4xf32, #tpu.memory_space<vmem>>[vector<16xi32>, vector<16xi32>], vector<16xf32>,
    %add3A_1555 = arith.constant 3 : i32
    %add3A_1556 = vector.broadcast %add3A_1555 : i32 to vector<16xi32>
    %add3A_1557 = arith.addi %mul3A_1509, %add3A_1556 : vector<16xi32>
    %gather3A_1558 = arith.constant 1 : i32
    %gather3A_1559 = arith.constant 0 : i32
    %gather3A_1560 = arith.constant 0 : i32
    %gather3A_1561 = tpu.memref_slice %arg8[%gather3A_1558, %gather3A_1559, %gather3A_1560] : memref<2x128x128xf32, #tpu.memory_space<vmem>> -> memref<1x128x128xf32, #tpu.memory_space<vmem>>
    %gather3A_1562 = tpu.memref_squeeze %gather3A_1561 : memref<1x128x128xf32, #tpu.memory_space<vmem>> -> memref<128x128xf32, #tpu.memory_space<vmem>>
    %gather3A_1563 = tpu.vector_load_idx %gather3A_1562[%add3A_1498, %add3A_1557] : memref<128x128xf32, #tpu.memory_space<vmem>>[vector<16xi32>, vector<16xi32>], vector<16xf32>,
    %mul3A_1564 = arith.constant 0 : i32
    %mul3A_1565 = vector.broadcast %mul3A_1564 : i32 to vector<16xi32>
    %mul3A_1566 = arith.muli %iota3A, %mul3A_1565 : vector<16xi32>
    %add3A_1567 = arith.constant 3 : i32
    %add3A_1568 = vector.broadcast %add3A_1567 : i32 to vector<16xi32>
    %add3A_1569 = arith.addi %mul3A_1566, %add3A_1568 : vector<16xi32>
    tpu.vector_store_idx %arg9[%add3A_1503, %add3A_1569], %gather3A_1563 : memref<512x4xf32, #tpu.memory_space<vmem>>[vector<16xi32>, vector<16xi32>], vector<16xf32>,
    %add3A_1570 = arith.constant 4 : i32
    %add3A_1571 = vector.broadcast %add3A_1570 : i32 to vector<16xi32>
    %add3A_1572 = arith.addi %mul3A_1509, %add3A_1571 : vector<16xi32>
    %add3A_1573 = arith.constant 0 : i32
    %add3A_1574 = vector.broadcast %add3A_1573 : i32 to vector<16xi32>
    %add3A_1575 = arith.addi %add3A_1572, %add3A_1574 : vector<16xi32>
    %gather3A_1576 = arith.constant 1 : i32
    %gather3A_1577 = arith.constant 0 : i32
    %gather3A_1578 = arith.constant 0 : i32
    %gather3A_1579 = tpu.memref_slice %arg8[%gather3A_1576, %gather3A_1577, %gather3A_1578] : memref<2x128x128xf32, #tpu.memory_space<vmem>> -> memref<1x128x128xf32, #tpu.memory_space<vmem>>
    %gather3A_1580 = tpu.memref_squeeze %gather3A_1579 : memref<1x128x128xf32, #tpu.memory_space<vmem>> -> memref<128x128xf32, #tpu.memory_space<vmem>>
    %gather3A_1581 = tpu.vector_load_idx %gather3A_1580[%add3A_1498, %add3A_1575] : memref<128x128xf32, #tpu.memory_space<vmem>>[vector<16xi32>, vector<16xi32>], vector<16xf32>,
    %mul3A_1582 = arith.constant 0 : i32
    %mul3A_1583 = vector.broadcast %mul3A_1582 : i32 to vector<16xi32>
    %mul3A_1584 = arith.muli %iota3A, %mul3A_1583 : vector<16xi32>
    %add3A_1585 = arith.constant 0 : i32
    %add3A_1586 = vector.broadcast %add3A_1585 : i32 to vector<16xi32>
    %add3A_1587 = arith.addi %mul3A_1584, %add3A_1586 : vector<16xi32>
    tpu.vector_store_idx %arg10[%add3A_1503, %add3A_1587], %gather3A_1581 : memref<512x3xf32, #tpu.memory_space<vmem>>[vector<16xi32>, vector<16xi32>], vector<16xf32>,
    %add3A_1588 = arith.constant 4 : i32
    %add3A_1589 = vector.broadcast %add3A_1588 : i32 to vector<16xi32>
    %add3A_1590 = arith.addi %mul3A_1509, %add3A_1589 : vector<16xi32>
    %add3A_1591 = arith.constant 1 : i32
    %add3A_1592 = vector.broadcast %add3A_1591 : i32 to vector<16xi32>
    %add3A_1593 = arith.addi %add3A_1590, %add3A_1592 : vector<16xi32>
    %gather3A_1594 = arith.constant 1 : i32
    %gather3A_1595 = arith.constant 0 : i32
    %gather3A_1596 = arith.constant 0 : i32
    %gather3A_1597 = tpu.memref_slice %arg8[%gather3A_1594, %gather3A_1595, %gather3A_1596] : memref<2x128x128xf32, #tpu.memory_space<vmem>> -> memref<1x128x128xf32, #tpu.memory_space<vmem>>
    %gather3A_1598 = tpu.memref_squeeze %gather3A_1597 : memref<1x128x128xf32, #tpu.memory_space<vmem>> -> memref<128x128xf32, #tpu.memory_space<vmem>>
    %gather3A_1599 = tpu.vector_load_idx %gather3A_1598[%add3A_1498, %add3A_1593] : memref<128x128xf32, #tpu.memory_space<vmem>>[vector<16xi32>, vector<16xi32>], vector<16xf32>,
    %mul3A_1600 = arith.constant 0 : i32
    %mul3A_1601 = vector.broadcast %mul3A_1600 : i32 to vector<16xi32>
    %mul3A_1602 = arith.muli %iota3A, %mul3A_1601 : vector<16xi32>
    %add3A_1603 = arith.constant 1 : i32
    %add3A_1604 = vector.broadcast %add3A_1603 : i32 to vector<16xi32>
    %add3A_1605 = arith.addi %mul3A_1602, %add3A_1604 : vector<16xi32>
    tpu.vector_store_idx %arg10[%add3A_1503, %add3A_1605], %gather3A_1599 : memref<512x3xf32, #tpu.memory_space<vmem>>[vector<16xi32>, vector<16xi32>], vector<16xf32>,
    %add3A_1606 = arith.constant 4 : i32
    %add3A_1607 = vector.broadcast %add3A_1606 : i32 to vector<16xi32>
    %add3A_1608 = arith.addi %mul3A_1509, %add3A_1607 : vector<16xi32>
    %add3A_1609 = arith.constant 2 : i32
    %add3A_1610 = vector.broadcast %add3A_1609 : i32 to vector<16xi32>
    %add3A_1611 = arith.addi %add3A_1608, %add3A_1610 : vector<16xi32>
    %gather3A_1612 = arith.constant 1 : i32
    %gather3A_1613 = arith.constant 0 : i32
    %gather3A_1614 = arith.constant 0 : i32
    %gather3A_1615 = tpu.memref_slice %arg8[%gather3A_1612, %gather3A_1613, %gather3A_1614] : memref<2x128x128xf32, #tpu.memory_space<vmem>> -> memref<1x128x128xf32, #tpu.memory_space<vmem>>
    %gather3A_1616 = tpu.memref_squeeze %gather3A_1615 : memref<1x128x128xf32, #tpu.memory_space<vmem>> -> memref<128x128xf32, #tpu.memory_space<vmem>>
    %gather3A_1617 = tpu.vector_load_idx %gather3A_1616[%add3A_1498, %add3A_1611] : memref<128x128xf32, #tpu.memory_space<vmem>>[vector<16xi32>, vector<16xi32>], vector<16xf32>,
    %mul3A_1618 = arith.constant 0 : i32
    %mul3A_1619 = vector.broadcast %mul3A_1618 : i32 to vector<16xi32>
    %mul3A_1620 = arith.muli %iota3A, %mul3A_1619 : vector<16xi32>
    %add3A_1621 = arith.constant 2 : i32
    %add3A_1622 = vector.broadcast %add3A_1621 : i32 to vector<16xi32>
    %add3A_1623 = arith.addi %mul3A_1620, %add3A_1622 : vector<16xi32>
    tpu.vector_store_idx %arg10[%add3A_1503, %add3A_1623], %gather3A_1617 : memref<512x3xf32, #tpu.memory_space<vmem>>[vector<16xi32>, vector<16xi32>], vector<16xf32>,
    %add3A_1624 = arith.constant 32 : i32
    %add3A_1625 = vector.broadcast %add3A_1624 : i32 to vector<16xi32>
    %add3A_1626 = arith.addi %add3A_1625, %iota3A : vector<16xi32>
    %get3A_1627 = arith.constant 160 : index
    %get3A_1628 = tpu.vector_load %arg6[%get3A_1627] {strides = array<i32>} : memref<512xi32, #tpu.memory_space<vmem>>, vector<16xi32>,
    %add3A_1629 = arith.constant 160 : i32
    %add3A_1630 = vector.broadcast %add3A_1629 : i32 to vector<16xi32>
    %add3A_1631 = arith.addi %add3A_1630, %iota3A : vector<16xi32>
    %and3A_1632 = arith.constant 15 : i32
    %and3A_1633 = vector.broadcast %and3A_1632 : i32 to vector<16xi32>
    %and3A_1634 = arith.andi %get3A_1628, %and3A_1633 : vector<16xi32>
    %mul3A_1635 = arith.constant 8 : i32
    %mul3A_1636 = vector.broadcast %mul3A_1635 : i32 to vector<16xi32>
    %mul3A_1637 = arith.muli %and3A_1634, %mul3A_1636 : vector<16xi32>
    %add3A_1638 = arith.constant 0 : i32
    %add3A_1639 = vector.broadcast %add3A_1638 : i32 to vector<16xi32>
    %add3A_1640 = arith.addi %mul3A_1637, %add3A_1639 : vector<16xi32>
    %gather3A_1641 = arith.constant 1 : i32
    %gather3A_1642 = arith.constant 0 : i32
    %gather3A_1643 = arith.constant 0 : i32
    %gather3A_1644 = tpu.memref_slice %arg8[%gather3A_1641, %gather3A_1642, %gather3A_1643] : memref<2x128x128xf32, #tpu.memory_space<vmem>> -> memref<1x128x128xf32, #tpu.memory_space<vmem>>
    %gather3A_1645 = tpu.memref_squeeze %gather3A_1644 : memref<1x128x128xf32, #tpu.memory_space<vmem>> -> memref<128x128xf32, #tpu.memory_space<vmem>>
    %gather3A_1646 = tpu.vector_load_idx %gather3A_1645[%add3A_1626, %add3A_1640] : memref<128x128xf32, #tpu.memory_space<vmem>>[vector<16xi32>, vector<16xi32>], vector<16xf32>,
    %mul3A_1647 = arith.constant 0 : i32
    %mul3A_1648 = vector.broadcast %mul3A_1647 : i32 to vector<16xi32>
    %mul3A_1649 = arith.muli %iota3A, %mul3A_1648 : vector<16xi32>
    %add3A_1650 = arith.constant 0 : i32
    %add3A_1651 = vector.broadcast %add3A_1650 : i32 to vector<16xi32>
    %add3A_1652 = arith.addi %mul3A_1649, %add3A_1651 : vector<16xi32>
    tpu.vector_store_idx %arg9[%add3A_1631, %add3A_1652], %gather3A_1646 : memref<512x4xf32, #tpu.memory_space<vmem>>[vector<16xi32>, vector<16xi32>], vector<16xf32>,
    %add3A_1653 = arith.constant 1 : i32
    %add3A_1654 = vector.broadcast %add3A_1653 : i32 to vector<16xi32>
    %add3A_1655 = arith.addi %mul3A_1637, %add3A_1654 : vector<16xi32>
    %gather3A_1656 = arith.constant 1 : i32
    %gather3A_1657 = arith.constant 0 : i32
    %gather3A_1658 = arith.constant 0 : i32
    %gather3A_1659 = tpu.memref_slice %arg8[%gather3A_1656, %gather3A_1657, %gather3A_1658] : memref<2x128x128xf32, #tpu.memory_space<vmem>> -> memref<1x128x128xf32, #tpu.memory_space<vmem>>
    %gather3A_1660 = tpu.memref_squeeze %gather3A_1659 : memref<1x128x128xf32, #tpu.memory_space<vmem>> -> memref<128x128xf32, #tpu.memory_space<vmem>>
    %gather3A_1661 = tpu.vector_load_idx %gather3A_1660[%add3A_1626, %add3A_1655] : memref<128x128xf32, #tpu.memory_space<vmem>>[vector<16xi32>, vector<16xi32>], vector<16xf32>,
    %mul3A_1662 = arith.constant 0 : i32
    %mul3A_1663 = vector.broadcast %mul3A_1662 : i32 to vector<16xi32>
    %mul3A_1664 = arith.muli %iota3A, %mul3A_1663 : vector<16xi32>
    %add3A_1665 = arith.constant 1 : i32
    %add3A_1666 = vector.broadcast %add3A_1665 : i32 to vector<16xi32>
    %add3A_1667 = arith.addi %mul3A_1664, %add3A_1666 : vector<16xi32>
    tpu.vector_store_idx %arg9[%add3A_1631, %add3A_1667], %gather3A_1661 : memref<512x4xf32, #tpu.memory_space<vmem>>[vector<16xi32>, vector<16xi32>], vector<16xf32>,
    %add3A_1668 = arith.constant 2 : i32
    %add3A_1669 = vector.broadcast %add3A_1668 : i32 to vector<16xi32>
    %add3A_1670 = arith.addi %mul3A_1637, %add3A_1669 : vector<16xi32>
    %gather3A_1671 = arith.constant 1 : i32
    %gather3A_1672 = arith.constant 0 : i32
    %gather3A_1673 = arith.constant 0 : i32
    %gather3A_1674 = tpu.memref_slice %arg8[%gather3A_1671, %gather3A_1672, %gather3A_1673] : memref<2x128x128xf32, #tpu.memory_space<vmem>> -> memref<1x128x128xf32, #tpu.memory_space<vmem>>
    %gather3A_1675 = tpu.memref_squeeze %gather3A_1674 : memref<1x128x128xf32, #tpu.memory_space<vmem>> -> memref<128x128xf32, #tpu.memory_space<vmem>>
    %gather3A_1676 = tpu.vector_load_idx %gather3A_1675[%add3A_1626, %add3A_1670] : memref<128x128xf32, #tpu.memory_space<vmem>>[vector<16xi32>, vector<16xi32>], vector<16xf32>,
    %mul3A_1677 = arith.constant 0 : i32
    %mul3A_1678 = vector.broadcast %mul3A_1677 : i32 to vector<16xi32>
    %mul3A_1679 = arith.muli %iota3A, %mul3A_1678 : vector<16xi32>
    %add3A_1680 = arith.constant 2 : i32
    %add3A_1681 = vector.broadcast %add3A_1680 : i32 to vector<16xi32>
    %add3A_1682 = arith.addi %mul3A_1679, %add3A_1681 : vector<16xi32>
    tpu.vector_store_idx %arg9[%add3A_1631, %add3A_1682], %gather3A_1676 : memref<512x4xf32, #tpu.memory_space<vmem>>[vector<16xi32>, vector<16xi32>], vector<16xf32>,
    %add3A_1683 = arith.constant 3 : i32
    %add3A_1684 = vector.broadcast %add3A_1683 : i32 to vector<16xi32>
    %add3A_1685 = arith.addi %mul3A_1637, %add3A_1684 : vector<16xi32>
    %gather3A_1686 = arith.constant 1 : i32
    %gather3A_1687 = arith.constant 0 : i32
    %gather3A_1688 = arith.constant 0 : i32
    %gather3A_1689 = tpu.memref_slice %arg8[%gather3A_1686, %gather3A_1687, %gather3A_1688] : memref<2x128x128xf32, #tpu.memory_space<vmem>> -> memref<1x128x128xf32, #tpu.memory_space<vmem>>
    %gather3A_1690 = tpu.memref_squeeze %gather3A_1689 : memref<1x128x128xf32, #tpu.memory_space<vmem>> -> memref<128x128xf32, #tpu.memory_space<vmem>>
    %gather3A_1691 = tpu.vector_load_idx %gather3A_1690[%add3A_1626, %add3A_1685] : memref<128x128xf32, #tpu.memory_space<vmem>>[vector<16xi32>, vector<16xi32>], vector<16xf32>,
    %mul3A_1692 = arith.constant 0 : i32
    %mul3A_1693 = vector.broadcast %mul3A_1692 : i32 to vector<16xi32>
    %mul3A_1694 = arith.muli %iota3A, %mul3A_1693 : vector<16xi32>
    %add3A_1695 = arith.constant 3 : i32
    %add3A_1696 = vector.broadcast %add3A_1695 : i32 to vector<16xi32>
    %add3A_1697 = arith.addi %mul3A_1694, %add3A_1696 : vector<16xi32>
    tpu.vector_store_idx %arg9[%add3A_1631, %add3A_1697], %gather3A_1691 : memref<512x4xf32, #tpu.memory_space<vmem>>[vector<16xi32>, vector<16xi32>], vector<16xf32>,
    %add3A_1698 = arith.constant 4 : i32
    %add3A_1699 = vector.broadcast %add3A_1698 : i32 to vector<16xi32>
    %add3A_1700 = arith.addi %mul3A_1637, %add3A_1699 : vector<16xi32>
    %add3A_1701 = arith.constant 0 : i32
    %add3A_1702 = vector.broadcast %add3A_1701 : i32 to vector<16xi32>
    %add3A_1703 = arith.addi %add3A_1700, %add3A_1702 : vector<16xi32>
    %gather3A_1704 = arith.constant 1 : i32
    %gather3A_1705 = arith.constant 0 : i32
    %gather3A_1706 = arith.constant 0 : i32
    %gather3A_1707 = tpu.memref_slice %arg8[%gather3A_1704, %gather3A_1705, %gather3A_1706] : memref<2x128x128xf32, #tpu.memory_space<vmem>> -> memref<1x128x128xf32, #tpu.memory_space<vmem>>
    %gather3A_1708 = tpu.memref_squeeze %gather3A_1707 : memref<1x128x128xf32, #tpu.memory_space<vmem>> -> memref<128x128xf32, #tpu.memory_space<vmem>>
    %gather3A_1709 = tpu.vector_load_idx %gather3A_1708[%add3A_1626, %add3A_1703] : memref<128x128xf32, #tpu.memory_space<vmem>>[vector<16xi32>, vector<16xi32>], vector<16xf32>,
    %mul3A_1710 = arith.constant 0 : i32
    %mul3A_1711 = vector.broadcast %mul3A_1710 : i32 to vector<16xi32>
    %mul3A_1712 = arith.muli %iota3A, %mul3A_1711 : vector<16xi32>
    %add3A_1713 = arith.constant 0 : i32
    %add3A_1714 = vector.broadcast %add3A_1713 : i32 to vector<16xi32>
    %add3A_1715 = arith.addi %mul3A_1712, %add3A_1714 : vector<16xi32>
    tpu.vector_store_idx %arg10[%add3A_1631, %add3A_1715], %gather3A_1709 : memref<512x3xf32, #tpu.memory_space<vmem>>[vector<16xi32>, vector<16xi32>], vector<16xf32>,
    %add3A_1716 = arith.constant 4 : i32
    %add3A_1717 = vector.broadcast %add3A_1716 : i32 to vector<16xi32>
    %add3A_1718 = arith.addi %mul3A_1637, %add3A_1717 : vector<16xi32>
    %add3A_1719 = arith.constant 1 : i32
    %add3A_1720 = vector.broadcast %add3A_1719 : i32 to vector<16xi32>
    %add3A_1721 = arith.addi %add3A_1718, %add3A_1720 : vector<16xi32>
    %gather3A_1722 = arith.constant 1 : i32
    %gather3A_1723 = arith.constant 0 : i32
    %gather3A_1724 = arith.constant 0 : i32
    %gather3A_1725 = tpu.memref_slice %arg8[%gather3A_1722, %gather3A_1723, %gather3A_1724] : memref<2x128x128xf32, #tpu.memory_space<vmem>> -> memref<1x128x128xf32, #tpu.memory_space<vmem>>
    %gather3A_1726 = tpu.memref_squeeze %gather3A_1725 : memref<1x128x128xf32, #tpu.memory_space<vmem>> -> memref<128x128xf32, #tpu.memory_space<vmem>>
    %gather3A_1727 = tpu.vector_load_idx %gather3A_1726[%add3A_1626, %add3A_1721] : memref<128x128xf32, #tpu.memory_space<vmem>>[vector<16xi32>, vector<16xi32>], vector<16xf32>,
    %mul3A_1728 = arith.constant 0 : i32
    %mul3A_1729 = vector.broadcast %mul3A_1728 : i32 to vector<16xi32>
    %mul3A_1730 = arith.muli %iota3A, %mul3A_1729 : vector<16xi32>
    %add3A_1731 = arith.constant 1 : i32
    %add3A_1732 = vector.broadcast %add3A_1731 : i32 to vector<16xi32>
    %add3A_1733 = arith.addi %mul3A_1730, %add3A_1732 : vector<16xi32>
    tpu.vector_store_idx %arg10[%add3A_1631, %add3A_1733], %gather3A_1727 : memref<512x3xf32, #tpu.memory_space<vmem>>[vector<16xi32>, vector<16xi32>], vector<16xf32>,
    %add3A_1734 = arith.constant 4 : i32
    %add3A_1735 = vector.broadcast %add3A_1734 : i32 to vector<16xi32>
    %add3A_1736 = arith.addi %mul3A_1637, %add3A_1735 : vector<16xi32>
    %add3A_1737 = arith.constant 2 : i32
    %add3A_1738 = vector.broadcast %add3A_1737 : i32 to vector<16xi32>
    %add3A_1739 = arith.addi %add3A_1736, %add3A_1738 : vector<16xi32>
    %gather3A_1740 = arith.constant 1 : i32
    %gather3A_1741 = arith.constant 0 : i32
    %gather3A_1742 = arith.constant 0 : i32
    %gather3A_1743 = tpu.memref_slice %arg8[%gather3A_1740, %gather3A_1741, %gather3A_1742] : memref<2x128x128xf32, #tpu.memory_space<vmem>> -> memref<1x128x128xf32, #tpu.memory_space<vmem>>
    %gather3A_1744 = tpu.memref_squeeze %gather3A_1743 : memref<1x128x128xf32, #tpu.memory_space<vmem>> -> memref<128x128xf32, #tpu.memory_space<vmem>>
    %gather3A_1745 = tpu.vector_load_idx %gather3A_1744[%add3A_1626, %add3A_1739] : memref<128x128xf32, #tpu.memory_space<vmem>>[vector<16xi32>, vector<16xi32>], vector<16xf32>,
    %mul3A_1746 = arith.constant 0 : i32
    %mul3A_1747 = vector.broadcast %mul3A_1746 : i32 to vector<16xi32>
    %mul3A_1748 = arith.muli %iota3A, %mul3A_1747 : vector<16xi32>
    %add3A_1749 = arith.constant 2 : i32
    %add3A_1750 = vector.broadcast %add3A_1749 : i32 to vector<16xi32>
    %add3A_1751 = arith.addi %mul3A_1748, %add3A_1750 : vector<16xi32>
    tpu.vector_store_idx %arg10[%add3A_1631, %add3A_1751], %gather3A_1745 : memref<512x3xf32, #tpu.memory_space<vmem>>[vector<16xi32>, vector<16xi32>], vector<16xf32>,
    %add3A_1752 = arith.constant 48 : i32
    %add3A_1753 = vector.broadcast %add3A_1752 : i32 to vector<16xi32>
    %add3A_1754 = arith.addi %add3A_1753, %iota3A : vector<16xi32>
    %get3A_1755 = arith.constant 176 : index
    %get3A_1756 = tpu.vector_load %arg6[%get3A_1755] {strides = array<i32>} : memref<512xi32, #tpu.memory_space<vmem>>, vector<16xi32>,
    %add3A_1757 = arith.constant 176 : i32
    %add3A_1758 = vector.broadcast %add3A_1757 : i32 to vector<16xi32>
    %add3A_1759 = arith.addi %add3A_1758, %iota3A : vector<16xi32>
    %and3A_1760 = arith.constant 15 : i32
    %and3A_1761 = vector.broadcast %and3A_1760 : i32 to vector<16xi32>
    %and3A_1762 = arith.andi %get3A_1756, %and3A_1761 : vector<16xi32>
    %mul3A_1763 = arith.constant 8 : i32
    %mul3A_1764 = vector.broadcast %mul3A_1763 : i32 to vector<16xi32>
    %mul3A_1765 = arith.muli %and3A_1762, %mul3A_1764 : vector<16xi32>
    %add3A_1766 = arith.constant 0 : i32
    %add3A_1767 = vector.broadcast %add3A_1766 : i32 to vector<16xi32>
    %add3A_1768 = arith.addi %mul3A_1765, %add3A_1767 : vector<16xi32>
    %gather3A_1769 = arith.constant 1 : i32
    %gather3A_1770 = arith.constant 0 : i32
    %gather3A_1771 = arith.constant 0 : i32
    %gather3A_1772 = tpu.memref_slice %arg8[%gather3A_1769, %gather3A_1770, %gather3A_1771] : memref<2x128x128xf32, #tpu.memory_space<vmem>> -> memref<1x128x128xf32, #tpu.memory_space<vmem>>
    %gather3A_1773 = tpu.memref_squeeze %gather3A_1772 : memref<1x128x128xf32, #tpu.memory_space<vmem>> -> memref<128x128xf32, #tpu.memory_space<vmem>>
    %gather3A_1774 = tpu.vector_load_idx %gather3A_1773[%add3A_1754, %add3A_1768] : memref<128x128xf32, #tpu.memory_space<vmem>>[vector<16xi32>, vector<16xi32>], vector<16xf32>,
    %mul3A_1775 = arith.constant 0 : i32
    %mul3A_1776 = vector.broadcast %mul3A_1775 : i32 to vector<16xi32>
    %mul3A_1777 = arith.muli %iota3A, %mul3A_1776 : vector<16xi32>
    %add3A_1778 = arith.constant 0 : i32
    %add3A_1779 = vector.broadcast %add3A_1778 : i32 to vector<16xi32>
    %add3A_1780 = arith.addi %mul3A_1777, %add3A_1779 : vector<16xi32>
    tpu.vector_store_idx %arg9[%add3A_1759, %add3A_1780], %gather3A_1774 : memref<512x4xf32, #tpu.memory_space<vmem>>[vector<16xi32>, vector<16xi32>], vector<16xf32>,
    %add3A_1781 = arith.constant 1 : i32
    %add3A_1782 = vector.broadcast %add3A_1781 : i32 to vector<16xi32>
    %add3A_1783 = arith.addi %mul3A_1765, %add3A_1782 : vector<16xi32>
    %gather3A_1784 = arith.constant 1 : i32
    %gather3A_1785 = arith.constant 0 : i32
    %gather3A_1786 = arith.constant 0 : i32
    %gather3A_1787 = tpu.memref_slice %arg8[%gather3A_1784, %gather3A_1785, %gather3A_1786] : memref<2x128x128xf32, #tpu.memory_space<vmem>> -> memref<1x128x128xf32, #tpu.memory_space<vmem>>
    %gather3A_1788 = tpu.memref_squeeze %gather3A_1787 : memref<1x128x128xf32, #tpu.memory_space<vmem>> -> memref<128x128xf32, #tpu.memory_space<vmem>>
    %gather3A_1789 = tpu.vector_load_idx %gather3A_1788[%add3A_1754, %add3A_1783] : memref<128x128xf32, #tpu.memory_space<vmem>>[vector<16xi32>, vector<16xi32>], vector<16xf32>,
    %mul3A_1790 = arith.constant 0 : i32
    %mul3A_1791 = vector.broadcast %mul3A_1790 : i32 to vector<16xi32>
    %mul3A_1792 = arith.muli %iota3A, %mul3A_1791 : vector<16xi32>
    %add3A_1793 = arith.constant 1 : i32
    %add3A_1794 = vector.broadcast %add3A_1793 : i32 to vector<16xi32>
    %add3A_1795 = arith.addi %mul3A_1792, %add3A_1794 : vector<16xi32>
    tpu.vector_store_idx %arg9[%add3A_1759, %add3A_1795], %gather3A_1789 : memref<512x4xf32, #tpu.memory_space<vmem>>[vector<16xi32>, vector<16xi32>], vector<16xf32>,
    %add3A_1796 = arith.constant 2 : i32
    %add3A_1797 = vector.broadcast %add3A_1796 : i32 to vector<16xi32>
    %add3A_1798 = arith.addi %mul3A_1765, %add3A_1797 : vector<16xi32>
    %gather3A_1799 = arith.constant 1 : i32
    %gather3A_1800 = arith.constant 0 : i32
    %gather3A_1801 = arith.constant 0 : i32
    %gather3A_1802 = tpu.memref_slice %arg8[%gather3A_1799, %gather3A_1800, %gather3A_1801] : memref<2x128x128xf32, #tpu.memory_space<vmem>> -> memref<1x128x128xf32, #tpu.memory_space<vmem>>
    %gather3A_1803 = tpu.memref_squeeze %gather3A_1802 : memref<1x128x128xf32, #tpu.memory_space<vmem>> -> memref<128x128xf32, #tpu.memory_space<vmem>>
    %gather3A_1804 = tpu.vector_load_idx %gather3A_1803[%add3A_1754, %add3A_1798] : memref<128x128xf32, #tpu.memory_space<vmem>>[vector<16xi32>, vector<16xi32>], vector<16xf32>,
    %mul3A_1805 = arith.constant 0 : i32
    %mul3A_1806 = vector.broadcast %mul3A_1805 : i32 to vector<16xi32>
    %mul3A_1807 = arith.muli %iota3A, %mul3A_1806 : vector<16xi32>
    %add3A_1808 = arith.constant 2 : i32
    %add3A_1809 = vector.broadcast %add3A_1808 : i32 to vector<16xi32>
    %add3A_1810 = arith.addi %mul3A_1807, %add3A_1809 : vector<16xi32>
    tpu.vector_store_idx %arg9[%add3A_1759, %add3A_1810], %gather3A_1804 : memref<512x4xf32, #tpu.memory_space<vmem>>[vector<16xi32>, vector<16xi32>], vector<16xf32>,
    %add3A_1811 = arith.constant 3 : i32
    %add3A_1812 = vector.broadcast %add3A_1811 : i32 to vector<16xi32>
    %add3A_1813 = arith.addi %mul3A_1765, %add3A_1812 : vector<16xi32>
    %gather3A_1814 = arith.constant 1 : i32
    %gather3A_1815 = arith.constant 0 : i32
    %gather3A_1816 = arith.constant 0 : i32
    %gather3A_1817 = tpu.memref_slice %arg8[%gather3A_1814, %gather3A_1815, %gather3A_1816] : memref<2x128x128xf32, #tpu.memory_space<vmem>> -> memref<1x128x128xf32, #tpu.memory_space<vmem>>
    %gather3A_1818 = tpu.memref_squeeze %gather3A_1817 : memref<1x128x128xf32, #tpu.memory_space<vmem>> -> memref<128x128xf32, #tpu.memory_space<vmem>>
    %gather3A_1819 = tpu.vector_load_idx %gather3A_1818[%add3A_1754, %add3A_1813] : memref<128x128xf32, #tpu.memory_space<vmem>>[vector<16xi32>, vector<16xi32>], vector<16xf32>,
    %mul3A_1820 = arith.constant 0 : i32
    %mul3A_1821 = vector.broadcast %mul3A_1820 : i32 to vector<16xi32>
    %mul3A_1822 = arith.muli %iota3A, %mul3A_1821 : vector<16xi32>
    %add3A_1823 = arith.constant 3 : i32
    %add3A_1824 = vector.broadcast %add3A_1823 : i32 to vector<16xi32>
    %add3A_1825 = arith.addi %mul3A_1822, %add3A_1824 : vector<16xi32>
    tpu.vector_store_idx %arg9[%add3A_1759, %add3A_1825], %gather3A_1819 : memref<512x4xf32, #tpu.memory_space<vmem>>[vector<16xi32>, vector<16xi32>], vector<16xf32>,
    %add3A_1826 = arith.constant 4 : i32
    %add3A_1827 = vector.broadcast %add3A_1826 : i32 to vector<16xi32>
    %add3A_1828 = arith.addi %mul3A_1765, %add3A_1827 : vector<16xi32>
    %add3A_1829 = arith.constant 0 : i32
    %add3A_1830 = vector.broadcast %add3A_1829 : i32 to vector<16xi32>
    %add3A_1831 = arith.addi %add3A_1828, %add3A_1830 : vector<16xi32>
    %gather3A_1832 = arith.constant 1 : i32
    %gather3A_1833 = arith.constant 0 : i32
    %gather3A_1834 = arith.constant 0 : i32
    %gather3A_1835 = tpu.memref_slice %arg8[%gather3A_1832, %gather3A_1833, %gather3A_1834] : memref<2x128x128xf32, #tpu.memory_space<vmem>> -> memref<1x128x128xf32, #tpu.memory_space<vmem>>
    %gather3A_1836 = tpu.memref_squeeze %gather3A_1835 : memref<1x128x128xf32, #tpu.memory_space<vmem>> -> memref<128x128xf32, #tpu.memory_space<vmem>>
    %gather3A_1837 = tpu.vector_load_idx %gather3A_1836[%add3A_1754, %add3A_1831] : memref<128x128xf32, #tpu.memory_space<vmem>>[vector<16xi32>, vector<16xi32>], vector<16xf32>,
    %mul3A_1838 = arith.constant 0 : i32
    %mul3A_1839 = vector.broadcast %mul3A_1838 : i32 to vector<16xi32>
    %mul3A_1840 = arith.muli %iota3A, %mul3A_1839 : vector<16xi32>
    %add3A_1841 = arith.constant 0 : i32
    %add3A_1842 = vector.broadcast %add3A_1841 : i32 to vector<16xi32>
    %add3A_1843 = arith.addi %mul3A_1840, %add3A_1842 : vector<16xi32>
    tpu.vector_store_idx %arg10[%add3A_1759, %add3A_1843], %gather3A_1837 : memref<512x3xf32, #tpu.memory_space<vmem>>[vector<16xi32>, vector<16xi32>], vector<16xf32>,
    %add3A_1844 = arith.constant 4 : i32
    %add3A_1845 = vector.broadcast %add3A_1844 : i32 to vector<16xi32>
    %add3A_1846 = arith.addi %mul3A_1765, %add3A_1845 : vector<16xi32>
    %add3A_1847 = arith.constant 1 : i32
    %add3A_1848 = vector.broadcast %add3A_1847 : i32 to vector<16xi32>
    %add3A_1849 = arith.addi %add3A_1846, %add3A_1848 : vector<16xi32>
    %gather3A_1850 = arith.constant 1 : i32
    %gather3A_1851 = arith.constant 0 : i32
    %gather3A_1852 = arith.constant 0 : i32
    %gather3A_1853 = tpu.memref_slice %arg8[%gather3A_1850, %gather3A_1851, %gather3A_1852] : memref<2x128x128xf32, #tpu.memory_space<vmem>> -> memref<1x128x128xf32, #tpu.memory_space<vmem>>
    %gather3A_1854 = tpu.memref_squeeze %gather3A_1853 : memref<1x128x128xf32, #tpu.memory_space<vmem>> -> memref<128x128xf32, #tpu.memory_space<vmem>>
    %gather3A_1855 = tpu.vector_load_idx %gather3A_1854[%add3A_1754, %add3A_1849] : memref<128x128xf32, #tpu.memory_space<vmem>>[vector<16xi32>, vector<16xi32>], vector<16xf32>,
    %mul3A_1856 = arith.constant 0 : i32
    %mul3A_1857 = vector.broadcast %mul3A_1856 : i32 to vector<16xi32>
    %mul3A_1858 = arith.muli %iota3A, %mul3A_1857 : vector<16xi32>
    %add3A_1859 = arith.constant 1 : i32
    %add3A_1860 = vector.broadcast %add3A_1859 : i32 to vector<16xi32>
    %add3A_1861 = arith.addi %mul3A_1858, %add3A_1860 : vector<16xi32>
    tpu.vector_store_idx %arg10[%add3A_1759, %add3A_1861], %gather3A_1855 : memref<512x3xf32, #tpu.memory_space<vmem>>[vector<16xi32>, vector<16xi32>], vector<16xf32>,
    %add3A_1862 = arith.constant 4 : i32
    %add3A_1863 = vector.broadcast %add3A_1862 : i32 to vector<16xi32>
    %add3A_1864 = arith.addi %mul3A_1765, %add3A_1863 : vector<16xi32>
    %add3A_1865 = arith.constant 2 : i32
    %add3A_1866 = vector.broadcast %add3A_1865 : i32 to vector<16xi32>
    %add3A_1867 = arith.addi %add3A_1864, %add3A_1866 : vector<16xi32>
    %gather3A_1868 = arith.constant 1 : i32
    %gather3A_1869 = arith.constant 0 : i32
    %gather3A_1870 = arith.constant 0 : i32
    %gather3A_1871 = tpu.memref_slice %arg8[%gather3A_1868, %gather3A_1869, %gather3A_1870] : memref<2x128x128xf32, #tpu.memory_space<vmem>> -> memref<1x128x128xf32, #tpu.memory_space<vmem>>
    %gather3A_1872 = tpu.memref_squeeze %gather3A_1871 : memref<1x128x128xf32, #tpu.memory_space<vmem>> -> memref<128x128xf32, #tpu.memory_space<vmem>>
    %gather3A_1873 = tpu.vector_load_idx %gather3A_1872[%add3A_1754, %add3A_1867] : memref<128x128xf32, #tpu.memory_space<vmem>>[vector<16xi32>, vector<16xi32>], vector<16xf32>,
    %mul3A_1874 = arith.constant 0 : i32
    %mul3A_1875 = vector.broadcast %mul3A_1874 : i32 to vector<16xi32>
    %mul3A_1876 = arith.muli %iota3A, %mul3A_1875 : vector<16xi32>
    %add3A_1877 = arith.constant 2 : i32
    %add3A_1878 = vector.broadcast %add3A_1877 : i32 to vector<16xi32>
    %add3A_1879 = arith.addi %mul3A_1876, %add3A_1878 : vector<16xi32>
    tpu.vector_store_idx %arg10[%add3A_1759, %add3A_1879], %gather3A_1873 : memref<512x3xf32, #tpu.memory_space<vmem>>[vector<16xi32>, vector<16xi32>], vector<16xf32>,
    %add3A_1880 = arith.constant 64 : i32
    %add3A_1881 = vector.broadcast %add3A_1880 : i32 to vector<16xi32>
    %add3A_1882 = arith.addi %add3A_1881, %iota3A : vector<16xi32>
    %get3A_1883 = arith.constant 192 : index
    %get3A_1884 = tpu.vector_load %arg6[%get3A_1883] {strides = array<i32>} : memref<512xi32, #tpu.memory_space<vmem>>, vector<16xi32>,
    %add3A_1885 = arith.constant 192 : i32
    %add3A_1886 = vector.broadcast %add3A_1885 : i32 to vector<16xi32>
    %add3A_1887 = arith.addi %add3A_1886, %iota3A : vector<16xi32>
    %and3A_1888 = arith.constant 15 : i32
    %and3A_1889 = vector.broadcast %and3A_1888 : i32 to vector<16xi32>
    %and3A_1890 = arith.andi %get3A_1884, %and3A_1889 : vector<16xi32>
    %mul3A_1891 = arith.constant 8 : i32
    %mul3A_1892 = vector.broadcast %mul3A_1891 : i32 to vector<16xi32>
    %mul3A_1893 = arith.muli %and3A_1890, %mul3A_1892 : vector<16xi32>
    %add3A_1894 = arith.constant 0 : i32
    %add3A_1895 = vector.broadcast %add3A_1894 : i32 to vector<16xi32>
    %add3A_1896 = arith.addi %mul3A_1893, %add3A_1895 : vector<16xi32>
    %gather3A_1897 = arith.constant 1 : i32
    %gather3A_1898 = arith.constant 0 : i32
    %gather3A_1899 = arith.constant 0 : i32
    %gather3A_1900 = tpu.memref_slice %arg8[%gather3A_1897, %gather3A_1898, %gather3A_1899] : memref<2x128x128xf32, #tpu.memory_space<vmem>> -> memref<1x128x128xf32, #tpu.memory_space<vmem>>
    %gather3A_1901 = tpu.memref_squeeze %gather3A_1900 : memref<1x128x128xf32, #tpu.memory_space<vmem>> -> memref<128x128xf32, #tpu.memory_space<vmem>>
    %gather3A_1902 = tpu.vector_load_idx %gather3A_1901[%add3A_1882, %add3A_1896] : memref<128x128xf32, #tpu.memory_space<vmem>>[vector<16xi32>, vector<16xi32>], vector<16xf32>,
    %mul3A_1903 = arith.constant 0 : i32
    %mul3A_1904 = vector.broadcast %mul3A_1903 : i32 to vector<16xi32>
    %mul3A_1905 = arith.muli %iota3A, %mul3A_1904 : vector<16xi32>
    %add3A_1906 = arith.constant 0 : i32
    %add3A_1907 = vector.broadcast %add3A_1906 : i32 to vector<16xi32>
    %add3A_1908 = arith.addi %mul3A_1905, %add3A_1907 : vector<16xi32>
    tpu.vector_store_idx %arg9[%add3A_1887, %add3A_1908], %gather3A_1902 : memref<512x4xf32, #tpu.memory_space<vmem>>[vector<16xi32>, vector<16xi32>], vector<16xf32>,
    %add3A_1909 = arith.constant 1 : i32
    %add3A_1910 = vector.broadcast %add3A_1909 : i32 to vector<16xi32>
    %add3A_1911 = arith.addi %mul3A_1893, %add3A_1910 : vector<16xi32>
    %gather3A_1912 = arith.constant 1 : i32
    %gather3A_1913 = arith.constant 0 : i32
    %gather3A_1914 = arith.constant 0 : i32
    %gather3A_1915 = tpu.memref_slice %arg8[%gather3A_1912, %gather3A_1913, %gather3A_1914] : memref<2x128x128xf32, #tpu.memory_space<vmem>> -> memref<1x128x128xf32, #tpu.memory_space<vmem>>
    %gather3A_1916 = tpu.memref_squeeze %gather3A_1915 : memref<1x128x128xf32, #tpu.memory_space<vmem>> -> memref<128x128xf32, #tpu.memory_space<vmem>>
    %gather3A_1917 = tpu.vector_load_idx %gather3A_1916[%add3A_1882, %add3A_1911] : memref<128x128xf32, #tpu.memory_space<vmem>>[vector<16xi32>, vector<16xi32>], vector<16xf32>,
    %mul3A_1918 = arith.constant 0 : i32
    %mul3A_1919 = vector.broadcast %mul3A_1918 : i32 to vector<16xi32>
    %mul3A_1920 = arith.muli %iota3A, %mul3A_1919 : vector<16xi32>
    %add3A_1921 = arith.constant 1 : i32
    %add3A_1922 = vector.broadcast %add3A_1921 : i32 to vector<16xi32>
    %add3A_1923 = arith.addi %mul3A_1920, %add3A_1922 : vector<16xi32>
    tpu.vector_store_idx %arg9[%add3A_1887, %add3A_1923], %gather3A_1917 : memref<512x4xf32, #tpu.memory_space<vmem>>[vector<16xi32>, vector<16xi32>], vector<16xf32>,
    %add3A_1924 = arith.constant 2 : i32
    %add3A_1925 = vector.broadcast %add3A_1924 : i32 to vector<16xi32>
    %add3A_1926 = arith.addi %mul3A_1893, %add3A_1925 : vector<16xi32>
    %gather3A_1927 = arith.constant 1 : i32
    %gather3A_1928 = arith.constant 0 : i32
    %gather3A_1929 = arith.constant 0 : i32
    %gather3A_1930 = tpu.memref_slice %arg8[%gather3A_1927, %gather3A_1928, %gather3A_1929] : memref<2x128x128xf32, #tpu.memory_space<vmem>> -> memref<1x128x128xf32, #tpu.memory_space<vmem>>
    %gather3A_1931 = tpu.memref_squeeze %gather3A_1930 : memref<1x128x128xf32, #tpu.memory_space<vmem>> -> memref<128x128xf32, #tpu.memory_space<vmem>>
    %gather3A_1932 = tpu.vector_load_idx %gather3A_1931[%add3A_1882, %add3A_1926] : memref<128x128xf32, #tpu.memory_space<vmem>>[vector<16xi32>, vector<16xi32>], vector<16xf32>,
    %mul3A_1933 = arith.constant 0 : i32
    %mul3A_1934 = vector.broadcast %mul3A_1933 : i32 to vector<16xi32>
    %mul3A_1935 = arith.muli %iota3A, %mul3A_1934 : vector<16xi32>
    %add3A_1936 = arith.constant 2 : i32
    %add3A_1937 = vector.broadcast %add3A_1936 : i32 to vector<16xi32>
    %add3A_1938 = arith.addi %mul3A_1935, %add3A_1937 : vector<16xi32>
    tpu.vector_store_idx %arg9[%add3A_1887, %add3A_1938], %gather3A_1932 : memref<512x4xf32, #tpu.memory_space<vmem>>[vector<16xi32>, vector<16xi32>], vector<16xf32>,
    %add3A_1939 = arith.constant 3 : i32
    %add3A_1940 = vector.broadcast %add3A_1939 : i32 to vector<16xi32>
    %add3A_1941 = arith.addi %mul3A_1893, %add3A_1940 : vector<16xi32>
    %gather3A_1942 = arith.constant 1 : i32
    %gather3A_1943 = arith.constant 0 : i32
    %gather3A_1944 = arith.constant 0 : i32
    %gather3A_1945 = tpu.memref_slice %arg8[%gather3A_1942, %gather3A_1943, %gather3A_1944] : memref<2x128x128xf32, #tpu.memory_space<vmem>> -> memref<1x128x128xf32, #tpu.memory_space<vmem>>
    %gather3A_1946 = tpu.memref_squeeze %gather3A_1945 : memref<1x128x128xf32, #tpu.memory_space<vmem>> -> memref<128x128xf32, #tpu.memory_space<vmem>>
    %gather3A_1947 = tpu.vector_load_idx %gather3A_1946[%add3A_1882, %add3A_1941] : memref<128x128xf32, #tpu.memory_space<vmem>>[vector<16xi32>, vector<16xi32>], vector<16xf32>,
    %mul3A_1948 = arith.constant 0 : i32
    %mul3A_1949 = vector.broadcast %mul3A_1948 : i32 to vector<16xi32>
    %mul3A_1950 = arith.muli %iota3A, %mul3A_1949 : vector<16xi32>
    %add3A_1951 = arith.constant 3 : i32
    %add3A_1952 = vector.broadcast %add3A_1951 : i32 to vector<16xi32>
    %add3A_1953 = arith.addi %mul3A_1950, %add3A_1952 : vector<16xi32>
    tpu.vector_store_idx %arg9[%add3A_1887, %add3A_1953], %gather3A_1947 : memref<512x4xf32, #tpu.memory_space<vmem>>[vector<16xi32>, vector<16xi32>], vector<16xf32>,
    %add3A_1954 = arith.constant 4 : i32
    %add3A_1955 = vector.broadcast %add3A_1954 : i32 to vector<16xi32>
    %add3A_1956 = arith.addi %mul3A_1893, %add3A_1955 : vector<16xi32>
    %add3A_1957 = arith.constant 0 : i32
    %add3A_1958 = vector.broadcast %add3A_1957 : i32 to vector<16xi32>
    %add3A_1959 = arith.addi %add3A_1956, %add3A_1958 : vector<16xi32>
    %gather3A_1960 = arith.constant 1 : i32
    %gather3A_1961 = arith.constant 0 : i32
    %gather3A_1962 = arith.constant 0 : i32
    %gather3A_1963 = tpu.memref_slice %arg8[%gather3A_1960, %gather3A_1961, %gather3A_1962] : memref<2x128x128xf32, #tpu.memory_space<vmem>> -> memref<1x128x128xf32, #tpu.memory_space<vmem>>
    %gather3A_1964 = tpu.memref_squeeze %gather3A_1963 : memref<1x128x128xf32, #tpu.memory_space<vmem>> -> memref<128x128xf32, #tpu.memory_space<vmem>>
    %gather3A_1965 = tpu.vector_load_idx %gather3A_1964[%add3A_1882, %add3A_1959] : memref<128x128xf32, #tpu.memory_space<vmem>>[vector<16xi32>, vector<16xi32>], vector<16xf32>,
    %mul3A_1966 = arith.constant 0 : i32
    %mul3A_1967 = vector.broadcast %mul3A_1966 : i32 to vector<16xi32>
    %mul3A_1968 = arith.muli %iota3A, %mul3A_1967 : vector<16xi32>
    %add3A_1969 = arith.constant 0 : i32
    %add3A_1970 = vector.broadcast %add3A_1969 : i32 to vector<16xi32>
    %add3A_1971 = arith.addi %mul3A_1968, %add3A_1970 : vector<16xi32>
    tpu.vector_store_idx %arg10[%add3A_1887, %add3A_1971], %gather3A_1965 : memref<512x3xf32, #tpu.memory_space<vmem>>[vector<16xi32>, vector<16xi32>], vector<16xf32>,
    %add3A_1972 = arith.constant 4 : i32
    %add3A_1973 = vector.broadcast %add3A_1972 : i32 to vector<16xi32>
    %add3A_1974 = arith.addi %mul3A_1893, %add3A_1973 : vector<16xi32>
    %add3A_1975 = arith.constant 1 : i32
    %add3A_1976 = vector.broadcast %add3A_1975 : i32 to vector<16xi32>
    %add3A_1977 = arith.addi %add3A_1974, %add3A_1976 : vector<16xi32>
    %gather3A_1978 = arith.constant 1 : i32
    %gather3A_1979 = arith.constant 0 : i32
    %gather3A_1980 = arith.constant 0 : i32
    %gather3A_1981 = tpu.memref_slice %arg8[%gather3A_1978, %gather3A_1979, %gather3A_1980] : memref<2x128x128xf32, #tpu.memory_space<vmem>> -> memref<1x128x128xf32, #tpu.memory_space<vmem>>
    %gather3A_1982 = tpu.memref_squeeze %gather3A_1981 : memref<1x128x128xf32, #tpu.memory_space<vmem>> -> memref<128x128xf32, #tpu.memory_space<vmem>>
    %gather3A_1983 = tpu.vector_load_idx %gather3A_1982[%add3A_1882, %add3A_1977] : memref<128x128xf32, #tpu.memory_space<vmem>>[vector<16xi32>, vector<16xi32>], vector<16xf32>,
    %mul3A_1984 = arith.constant 0 : i32
    %mul3A_1985 = vector.broadcast %mul3A_1984 : i32 to vector<16xi32>
    %mul3A_1986 = arith.muli %iota3A, %mul3A_1985 : vector<16xi32>
    %add3A_1987 = arith.constant 1 : i32
    %add3A_1988 = vector.broadcast %add3A_1987 : i32 to vector<16xi32>
    %add3A_1989 = arith.addi %mul3A_1986, %add3A_1988 : vector<16xi32>
    tpu.vector_store_idx %arg10[%add3A_1887, %add3A_1989], %gather3A_1983 : memref<512x3xf32, #tpu.memory_space<vmem>>[vector<16xi32>, vector<16xi32>], vector<16xf32>,
    %add3A_1990 = arith.constant 4 : i32
    %add3A_1991 = vector.broadcast %add3A_1990 : i32 to vector<16xi32>
    %add3A_1992 = arith.addi %mul3A_1893, %add3A_1991 : vector<16xi32>
    %add3A_1993 = arith.constant 2 : i32
    %add3A_1994 = vector.broadcast %add3A_1993 : i32 to vector<16xi32>
    %add3A_1995 = arith.addi %add3A_1992, %add3A_1994 : vector<16xi32>
    %gather3A_1996 = arith.constant 1 : i32
    %gather3A_1997 = arith.constant 0 : i32
    %gather3A_1998 = arith.constant 0 : i32
    %gather3A_1999 = tpu.memref_slice %arg8[%gather3A_1996, %gather3A_1997, %gather3A_1998] : memref<2x128x128xf32, #tpu.memory_space<vmem>> -> memref<1x128x128xf32, #tpu.memory_space<vmem>>
    %gather3A_2000 = tpu.memref_squeeze %gather3A_1999 : memref<1x128x128xf32, #tpu.memory_space<vmem>> -> memref<128x128xf32, #tpu.memory_space<vmem>>
    %gather3A_2001 = tpu.vector_load_idx %gather3A_2000[%add3A_1882, %add3A_1995] : memref<128x128xf32, #tpu.memory_space<vmem>>[vector<16xi32>, vector<16xi32>], vector<16xf32>,
    %mul3A_2002 = arith.constant 0 : i32
    %mul3A_2003 = vector.broadcast %mul3A_2002 : i32 to vector<16xi32>
    %mul3A_2004 = arith.muli %iota3A, %mul3A_2003 : vector<16xi32>
    %add3A_2005 = arith.constant 2 : i32
    %add3A_2006 = vector.broadcast %add3A_2005 : i32 to vector<16xi32>
    %add3A_2007 = arith.addi %mul3A_2004, %add3A_2006 : vector<16xi32>
    tpu.vector_store_idx %arg10[%add3A_1887, %add3A_2007], %gather3A_2001 : memref<512x3xf32, #tpu.memory_space<vmem>>[vector<16xi32>, vector<16xi32>], vector<16xf32>,
    %add3A_2008 = arith.constant 80 : i32
    %add3A_2009 = vector.broadcast %add3A_2008 : i32 to vector<16xi32>
    %add3A_2010 = arith.addi %add3A_2009, %iota3A : vector<16xi32>
    %get3A_2011 = arith.constant 208 : index
    %get3A_2012 = tpu.vector_load %arg6[%get3A_2011] {strides = array<i32>} : memref<512xi32, #tpu.memory_space<vmem>>, vector<16xi32>,
    %add3A_2013 = arith.constant 208 : i32
    %add3A_2014 = vector.broadcast %add3A_2013 : i32 to vector<16xi32>
    %add3A_2015 = arith.addi %add3A_2014, %iota3A : vector<16xi32>
    %and3A_2016 = arith.constant 15 : i32
    %and3A_2017 = vector.broadcast %and3A_2016 : i32 to vector<16xi32>
    %and3A_2018 = arith.andi %get3A_2012, %and3A_2017 : vector<16xi32>
    %mul3A_2019 = arith.constant 8 : i32
    %mul3A_2020 = vector.broadcast %mul3A_2019 : i32 to vector<16xi32>
    %mul3A_2021 = arith.muli %and3A_2018, %mul3A_2020 : vector<16xi32>
    %add3A_2022 = arith.constant 0 : i32
    %add3A_2023 = vector.broadcast %add3A_2022 : i32 to vector<16xi32>
    %add3A_2024 = arith.addi %mul3A_2021, %add3A_2023 : vector<16xi32>
    %gather3A_2025 = arith.constant 1 : i32
    %gather3A_2026 = arith.constant 0 : i32
    %gather3A_2027 = arith.constant 0 : i32
    %gather3A_2028 = tpu.memref_slice %arg8[%gather3A_2025, %gather3A_2026, %gather3A_2027] : memref<2x128x128xf32, #tpu.memory_space<vmem>> -> memref<1x128x128xf32, #tpu.memory_space<vmem>>
    %gather3A_2029 = tpu.memref_squeeze %gather3A_2028 : memref<1x128x128xf32, #tpu.memory_space<vmem>> -> memref<128x128xf32, #tpu.memory_space<vmem>>
    %gather3A_2030 = tpu.vector_load_idx %gather3A_2029[%add3A_2010, %add3A_2024] : memref<128x128xf32, #tpu.memory_space<vmem>>[vector<16xi32>, vector<16xi32>], vector<16xf32>,
    %mul3A_2031 = arith.constant 0 : i32
    %mul3A_2032 = vector.broadcast %mul3A_2031 : i32 to vector<16xi32>
    %mul3A_2033 = arith.muli %iota3A, %mul3A_2032 : vector<16xi32>
    %add3A_2034 = arith.constant 0 : i32
    %add3A_2035 = vector.broadcast %add3A_2034 : i32 to vector<16xi32>
    %add3A_2036 = arith.addi %mul3A_2033, %add3A_2035 : vector<16xi32>
    tpu.vector_store_idx %arg9[%add3A_2015, %add3A_2036], %gather3A_2030 : memref<512x4xf32, #tpu.memory_space<vmem>>[vector<16xi32>, vector<16xi32>], vector<16xf32>,
    %add3A_2037 = arith.constant 1 : i32
    %add3A_2038 = vector.broadcast %add3A_2037 : i32 to vector<16xi32>
    %add3A_2039 = arith.addi %mul3A_2021, %add3A_2038 : vector<16xi32>
    %gather3A_2040 = arith.constant 1 : i32
    %gather3A_2041 = arith.constant 0 : i32
    %gather3A_2042 = arith.constant 0 : i32
    %gather3A_2043 = tpu.memref_slice %arg8[%gather3A_2040, %gather3A_2041, %gather3A_2042] : memref<2x128x128xf32, #tpu.memory_space<vmem>> -> memref<1x128x128xf32, #tpu.memory_space<vmem>>
    %gather3A_2044 = tpu.memref_squeeze %gather3A_2043 : memref<1x128x128xf32, #tpu.memory_space<vmem>> -> memref<128x128xf32, #tpu.memory_space<vmem>>
    %gather3A_2045 = tpu.vector_load_idx %gather3A_2044[%add3A_2010, %add3A_2039] : memref<128x128xf32, #tpu.memory_space<vmem>>[vector<16xi32>, vector<16xi32>], vector<16xf32>,
    %mul3A_2046 = arith.constant 0 : i32
    %mul3A_2047 = vector.broadcast %mul3A_2046 : i32 to vector<16xi32>
    %mul3A_2048 = arith.muli %iota3A, %mul3A_2047 : vector<16xi32>
    %add3A_2049 = arith.constant 1 : i32
    %add3A_2050 = vector.broadcast %add3A_2049 : i32 to vector<16xi32>
    %add3A_2051 = arith.addi %mul3A_2048, %add3A_2050 : vector<16xi32>
    tpu.vector_store_idx %arg9[%add3A_2015, %add3A_2051], %gather3A_2045 : memref<512x4xf32, #tpu.memory_space<vmem>>[vector<16xi32>, vector<16xi32>], vector<16xf32>,
    %add3A_2052 = arith.constant 2 : i32
    %add3A_2053 = vector.broadcast %add3A_2052 : i32 to vector<16xi32>
    %add3A_2054 = arith.addi %mul3A_2021, %add3A_2053 : vector<16xi32>
    %gather3A_2055 = arith.constant 1 : i32
    %gather3A_2056 = arith.constant 0 : i32
    %gather3A_2057 = arith.constant 0 : i32
    %gather3A_2058 = tpu.memref_slice %arg8[%gather3A_2055, %gather3A_2056, %gather3A_2057] : memref<2x128x128xf32, #tpu.memory_space<vmem>> -> memref<1x128x128xf32, #tpu.memory_space<vmem>>
    %gather3A_2059 = tpu.memref_squeeze %gather3A_2058 : memref<1x128x128xf32, #tpu.memory_space<vmem>> -> memref<128x128xf32, #tpu.memory_space<vmem>>
    %gather3A_2060 = tpu.vector_load_idx %gather3A_2059[%add3A_2010, %add3A_2054] : memref<128x128xf32, #tpu.memory_space<vmem>>[vector<16xi32>, vector<16xi32>], vector<16xf32>,
    %mul3A_2061 = arith.constant 0 : i32
    %mul3A_2062 = vector.broadcast %mul3A_2061 : i32 to vector<16xi32>
    %mul3A_2063 = arith.muli %iota3A, %mul3A_2062 : vector<16xi32>
    %add3A_2064 = arith.constant 2 : i32
    %add3A_2065 = vector.broadcast %add3A_2064 : i32 to vector<16xi32>
    %add3A_2066 = arith.addi %mul3A_2063, %add3A_2065 : vector<16xi32>
    tpu.vector_store_idx %arg9[%add3A_2015, %add3A_2066], %gather3A_2060 : memref<512x4xf32, #tpu.memory_space<vmem>>[vector<16xi32>, vector<16xi32>], vector<16xf32>,
    %add3A_2067 = arith.constant 3 : i32
    %add3A_2068 = vector.broadcast %add3A_2067 : i32 to vector<16xi32>
    %add3A_2069 = arith.addi %mul3A_2021, %add3A_2068 : vector<16xi32>
    %gather3A_2070 = arith.constant 1 : i32
    %gather3A_2071 = arith.constant 0 : i32
    %gather3A_2072 = arith.constant 0 : i32
    %gather3A_2073 = tpu.memref_slice %arg8[%gather3A_2070, %gather3A_2071, %gather3A_2072] : memref<2x128x128xf32, #tpu.memory_space<vmem>> -> memref<1x128x128xf32, #tpu.memory_space<vmem>>
    %gather3A_2074 = tpu.memref_squeeze %gather3A_2073 : memref<1x128x128xf32, #tpu.memory_space<vmem>> -> memref<128x128xf32, #tpu.memory_space<vmem>>
    %gather3A_2075 = tpu.vector_load_idx %gather3A_2074[%add3A_2010, %add3A_2069] : memref<128x128xf32, #tpu.memory_space<vmem>>[vector<16xi32>, vector<16xi32>], vector<16xf32>,
    %mul3A_2076 = arith.constant 0 : i32
    %mul3A_2077 = vector.broadcast %mul3A_2076 : i32 to vector<16xi32>
    %mul3A_2078 = arith.muli %iota3A, %mul3A_2077 : vector<16xi32>
    %add3A_2079 = arith.constant 3 : i32
    %add3A_2080 = vector.broadcast %add3A_2079 : i32 to vector<16xi32>
    %add3A_2081 = arith.addi %mul3A_2078, %add3A_2080 : vector<16xi32>
    tpu.vector_store_idx %arg9[%add3A_2015, %add3A_2081], %gather3A_2075 : memref<512x4xf32, #tpu.memory_space<vmem>>[vector<16xi32>, vector<16xi32>], vector<16xf32>,
    %add3A_2082 = arith.constant 4 : i32
    %add3A_2083 = vector.broadcast %add3A_2082 : i32 to vector<16xi32>
    %add3A_2084 = arith.addi %mul3A_2021, %add3A_2083 : vector<16xi32>
    %add3A_2085 = arith.constant 0 : i32
    %add3A_2086 = vector.broadcast %add3A_2085 : i32 to vector<16xi32>
    %add3A_2087 = arith.addi %add3A_2084, %add3A_2086 : vector<16xi32>
    %gather3A_2088 = arith.constant 1 : i32
    %gather3A_2089 = arith.constant 0 : i32
    %gather3A_2090 = arith.constant 0 : i32
    %gather3A_2091 = tpu.memref_slice %arg8[%gather3A_2088, %gather3A_2089, %gather3A_2090] : memref<2x128x128xf32, #tpu.memory_space<vmem>> -> memref<1x128x128xf32, #tpu.memory_space<vmem>>
    %gather3A_2092 = tpu.memref_squeeze %gather3A_2091 : memref<1x128x128xf32, #tpu.memory_space<vmem>> -> memref<128x128xf32, #tpu.memory_space<vmem>>
    %gather3A_2093 = tpu.vector_load_idx %gather3A_2092[%add3A_2010, %add3A_2087] : memref<128x128xf32, #tpu.memory_space<vmem>>[vector<16xi32>, vector<16xi32>], vector<16xf32>,
    %mul3A_2094 = arith.constant 0 : i32
    %mul3A_2095 = vector.broadcast %mul3A_2094 : i32 to vector<16xi32>
    %mul3A_2096 = arith.muli %iota3A, %mul3A_2095 : vector<16xi32>
    %add3A_2097 = arith.constant 0 : i32
    %add3A_2098 = vector.broadcast %add3A_2097 : i32 to vector<16xi32>
    %add3A_2099 = arith.addi %mul3A_2096, %add3A_2098 : vector<16xi32>
    tpu.vector_store_idx %arg10[%add3A_2015, %add3A_2099], %gather3A_2093 : memref<512x3xf32, #tpu.memory_space<vmem>>[vector<16xi32>, vector<16xi32>], vector<16xf32>,
    %add3A_2100 = arith.constant 4 : i32
    %add3A_2101 = vector.broadcast %add3A_2100 : i32 to vector<16xi32>
    %add3A_2102 = arith.addi %mul3A_2021, %add3A_2101 : vector<16xi32>
    %add3A_2103 = arith.constant 1 : i32
    %add3A_2104 = vector.broadcast %add3A_2103 : i32 to vector<16xi32>
    %add3A_2105 = arith.addi %add3A_2102, %add3A_2104 : vector<16xi32>
    %gather3A_2106 = arith.constant 1 : i32
    %gather3A_2107 = arith.constant 0 : i32
    %gather3A_2108 = arith.constant 0 : i32
    %gather3A_2109 = tpu.memref_slice %arg8[%gather3A_2106, %gather3A_2107, %gather3A_2108] : memref<2x128x128xf32, #tpu.memory_space<vmem>> -> memref<1x128x128xf32, #tpu.memory_space<vmem>>
    %gather3A_2110 = tpu.memref_squeeze %gather3A_2109 : memref<1x128x128xf32, #tpu.memory_space<vmem>> -> memref<128x128xf32, #tpu.memory_space<vmem>>
    %gather3A_2111 = tpu.vector_load_idx %gather3A_2110[%add3A_2010, %add3A_2105] : memref<128x128xf32, #tpu.memory_space<vmem>>[vector<16xi32>, vector<16xi32>], vector<16xf32>,
    %mul3A_2112 = arith.constant 0 : i32
    %mul3A_2113 = vector.broadcast %mul3A_2112 : i32 to vector<16xi32>
    %mul3A_2114 = arith.muli %iota3A, %mul3A_2113 : vector<16xi32>
    %add3A_2115 = arith.constant 1 : i32
    %add3A_2116 = vector.broadcast %add3A_2115 : i32 to vector<16xi32>
    %add3A_2117 = arith.addi %mul3A_2114, %add3A_2116 : vector<16xi32>
    tpu.vector_store_idx %arg10[%add3A_2015, %add3A_2117], %gather3A_2111 : memref<512x3xf32, #tpu.memory_space<vmem>>[vector<16xi32>, vector<16xi32>], vector<16xf32>,
    %add3A_2118 = arith.constant 4 : i32
    %add3A_2119 = vector.broadcast %add3A_2118 : i32 to vector<16xi32>
    %add3A_2120 = arith.addi %mul3A_2021, %add3A_2119 : vector<16xi32>
    %add3A_2121 = arith.constant 2 : i32
    %add3A_2122 = vector.broadcast %add3A_2121 : i32 to vector<16xi32>
    %add3A_2123 = arith.addi %add3A_2120, %add3A_2122 : vector<16xi32>
    %gather3A_2124 = arith.constant 1 : i32
    %gather3A_2125 = arith.constant 0 : i32
    %gather3A_2126 = arith.constant 0 : i32
    %gather3A_2127 = tpu.memref_slice %arg8[%gather3A_2124, %gather3A_2125, %gather3A_2126] : memref<2x128x128xf32, #tpu.memory_space<vmem>> -> memref<1x128x128xf32, #tpu.memory_space<vmem>>
    %gather3A_2128 = tpu.memref_squeeze %gather3A_2127 : memref<1x128x128xf32, #tpu.memory_space<vmem>> -> memref<128x128xf32, #tpu.memory_space<vmem>>
    %gather3A_2129 = tpu.vector_load_idx %gather3A_2128[%add3A_2010, %add3A_2123] : memref<128x128xf32, #tpu.memory_space<vmem>>[vector<16xi32>, vector<16xi32>], vector<16xf32>,
    %mul3A_2130 = arith.constant 0 : i32
    %mul3A_2131 = vector.broadcast %mul3A_2130 : i32 to vector<16xi32>
    %mul3A_2132 = arith.muli %iota3A, %mul3A_2131 : vector<16xi32>
    %add3A_2133 = arith.constant 2 : i32
    %add3A_2134 = vector.broadcast %add3A_2133 : i32 to vector<16xi32>
    %add3A_2135 = arith.addi %mul3A_2132, %add3A_2134 : vector<16xi32>
    tpu.vector_store_idx %arg10[%add3A_2015, %add3A_2135], %gather3A_2129 : memref<512x3xf32, #tpu.memory_space<vmem>>[vector<16xi32>, vector<16xi32>], vector<16xf32>,
    %add3A_2136 = arith.constant 96 : i32
    %add3A_2137 = vector.broadcast %add3A_2136 : i32 to vector<16xi32>
    %add3A_2138 = arith.addi %add3A_2137, %iota3A : vector<16xi32>
    %get3A_2139 = arith.constant 224 : index
    %get3A_2140 = tpu.vector_load %arg6[%get3A_2139] {strides = array<i32>} : memref<512xi32, #tpu.memory_space<vmem>>, vector<16xi32>,
    %add3A_2141 = arith.constant 224 : i32
    %add3A_2142 = vector.broadcast %add3A_2141 : i32 to vector<16xi32>
    %add3A_2143 = arith.addi %add3A_2142, %iota3A : vector<16xi32>
    %and3A_2144 = arith.constant 15 : i32
    %and3A_2145 = vector.broadcast %and3A_2144 : i32 to vector<16xi32>
    %and3A_2146 = arith.andi %get3A_2140, %and3A_2145 : vector<16xi32>
    %mul3A_2147 = arith.constant 8 : i32
    %mul3A_2148 = vector.broadcast %mul3A_2147 : i32 to vector<16xi32>
    %mul3A_2149 = arith.muli %and3A_2146, %mul3A_2148 : vector<16xi32>
    %add3A_2150 = arith.constant 0 : i32
    %add3A_2151 = vector.broadcast %add3A_2150 : i32 to vector<16xi32>
    %add3A_2152 = arith.addi %mul3A_2149, %add3A_2151 : vector<16xi32>
    %gather3A_2153 = arith.constant 1 : i32
    %gather3A_2154 = arith.constant 0 : i32
    %gather3A_2155 = arith.constant 0 : i32
    %gather3A_2156 = tpu.memref_slice %arg8[%gather3A_2153, %gather3A_2154, %gather3A_2155] : memref<2x128x128xf32, #tpu.memory_space<vmem>> -> memref<1x128x128xf32, #tpu.memory_space<vmem>>
    %gather3A_2157 = tpu.memref_squeeze %gather3A_2156 : memref<1x128x128xf32, #tpu.memory_space<vmem>> -> memref<128x128xf32, #tpu.memory_space<vmem>>
    %gather3A_2158 = tpu.vector_load_idx %gather3A_2157[%add3A_2138, %add3A_2152] : memref<128x128xf32, #tpu.memory_space<vmem>>[vector<16xi32>, vector<16xi32>], vector<16xf32>,
    %mul3A_2159 = arith.constant 0 : i32
    %mul3A_2160 = vector.broadcast %mul3A_2159 : i32 to vector<16xi32>
    %mul3A_2161 = arith.muli %iota3A, %mul3A_2160 : vector<16xi32>
    %add3A_2162 = arith.constant 0 : i32
    %add3A_2163 = vector.broadcast %add3A_2162 : i32 to vector<16xi32>
    %add3A_2164 = arith.addi %mul3A_2161, %add3A_2163 : vector<16xi32>
    tpu.vector_store_idx %arg9[%add3A_2143, %add3A_2164], %gather3A_2158 : memref<512x4xf32, #tpu.memory_space<vmem>>[vector<16xi32>, vector<16xi32>], vector<16xf32>,
    %add3A_2165 = arith.constant 1 : i32
    %add3A_2166 = vector.broadcast %add3A_2165 : i32 to vector<16xi32>
    %add3A_2167 = arith.addi %mul3A_2149, %add3A_2166 : vector<16xi32>
    %gather3A_2168 = arith.constant 1 : i32
    %gather3A_2169 = arith.constant 0 : i32
    %gather3A_2170 = arith.constant 0 : i32
    %gather3A_2171 = tpu.memref_slice %arg8[%gather3A_2168, %gather3A_2169, %gather3A_2170] : memref<2x128x128xf32, #tpu.memory_space<vmem>> -> memref<1x128x128xf32, #tpu.memory_space<vmem>>
    %gather3A_2172 = tpu.memref_squeeze %gather3A_2171 : memref<1x128x128xf32, #tpu.memory_space<vmem>> -> memref<128x128xf32, #tpu.memory_space<vmem>>
    %gather3A_2173 = tpu.vector_load_idx %gather3A_2172[%add3A_2138, %add3A_2167] : memref<128x128xf32, #tpu.memory_space<vmem>>[vector<16xi32>, vector<16xi32>], vector<16xf32>,
    %mul3A_2174 = arith.constant 0 : i32
    %mul3A_2175 = vector.broadcast %mul3A_2174 : i32 to vector<16xi32>
    %mul3A_2176 = arith.muli %iota3A, %mul3A_2175 : vector<16xi32>
    %add3A_2177 = arith.constant 1 : i32
    %add3A_2178 = vector.broadcast %add3A_2177 : i32 to vector<16xi32>
    %add3A_2179 = arith.addi %mul3A_2176, %add3A_2178 : vector<16xi32>
    tpu.vector_store_idx %arg9[%add3A_2143, %add3A_2179], %gather3A_2173 : memref<512x4xf32, #tpu.memory_space<vmem>>[vector<16xi32>, vector<16xi32>], vector<16xf32>,
    %add3A_2180 = arith.constant 2 : i32
    %add3A_2181 = vector.broadcast %add3A_2180 : i32 to vector<16xi32>
    %add3A_2182 = arith.addi %mul3A_2149, %add3A_2181 : vector<16xi32>
    %gather3A_2183 = arith.constant 1 : i32
    %gather3A_2184 = arith.constant 0 : i32
    %gather3A_2185 = arith.constant 0 : i32
    %gather3A_2186 = tpu.memref_slice %arg8[%gather3A_2183, %gather3A_2184, %gather3A_2185] : memref<2x128x128xf32, #tpu.memory_space<vmem>> -> memref<1x128x128xf32, #tpu.memory_space<vmem>>
    %gather3A_2187 = tpu.memref_squeeze %gather3A_2186 : memref<1x128x128xf32, #tpu.memory_space<vmem>> -> memref<128x128xf32, #tpu.memory_space<vmem>>
    %gather3A_2188 = tpu.vector_load_idx %gather3A_2187[%add3A_2138, %add3A_2182] : memref<128x128xf32, #tpu.memory_space<vmem>>[vector<16xi32>, vector<16xi32>], vector<16xf32>,
    %mul3A_2189 = arith.constant 0 : i32
    %mul3A_2190 = vector.broadcast %mul3A_2189 : i32 to vector<16xi32>
    %mul3A_2191 = arith.muli %iota3A, %mul3A_2190 : vector<16xi32>
    %add3A_2192 = arith.constant 2 : i32
    %add3A_2193 = vector.broadcast %add3A_2192 : i32 to vector<16xi32>
    %add3A_2194 = arith.addi %mul3A_2191, %add3A_2193 : vector<16xi32>
    tpu.vector_store_idx %arg9[%add3A_2143, %add3A_2194], %gather3A_2188 : memref<512x4xf32, #tpu.memory_space<vmem>>[vector<16xi32>, vector<16xi32>], vector<16xf32>,
    %add3A_2195 = arith.constant 3 : i32
    %add3A_2196 = vector.broadcast %add3A_2195 : i32 to vector<16xi32>
    %add3A_2197 = arith.addi %mul3A_2149, %add3A_2196 : vector<16xi32>
    %gather3A_2198 = arith.constant 1 : i32
    %gather3A_2199 = arith.constant 0 : i32
    %gather3A_2200 = arith.constant 0 : i32
    %gather3A_2201 = tpu.memref_slice %arg8[%gather3A_2198, %gather3A_2199, %gather3A_2200] : memref<2x128x128xf32, #tpu.memory_space<vmem>> -> memref<1x128x128xf32, #tpu.memory_space<vmem>>
    %gather3A_2202 = tpu.memref_squeeze %gather3A_2201 : memref<1x128x128xf32, #tpu.memory_space<vmem>> -> memref<128x128xf32, #tpu.memory_space<vmem>>
    %gather3A_2203 = tpu.vector_load_idx %gather3A_2202[%add3A_2138, %add3A_2197] : memref<128x128xf32, #tpu.memory_space<vmem>>[vector<16xi32>, vector<16xi32>], vector<16xf32>,
    %mul3A_2204 = arith.constant 0 : i32
    %mul3A_2205 = vector.broadcast %mul3A_2204 : i32 to vector<16xi32>
    %mul3A_2206 = arith.muli %iota3A, %mul3A_2205 : vector<16xi32>
    %add3A_2207 = arith.constant 3 : i32
    %add3A_2208 = vector.broadcast %add3A_2207 : i32 to vector<16xi32>
    %add3A_2209 = arith.addi %mul3A_2206, %add3A_2208 : vector<16xi32>
    tpu.vector_store_idx %arg9[%add3A_2143, %add3A_2209], %gather3A_2203 : memref<512x4xf32, #tpu.memory_space<vmem>>[vector<16xi32>, vector<16xi32>], vector<16xf32>,
    %add3A_2210 = arith.constant 4 : i32
    %add3A_2211 = vector.broadcast %add3A_2210 : i32 to vector<16xi32>
    %add3A_2212 = arith.addi %mul3A_2149, %add3A_2211 : vector<16xi32>
    %add3A_2213 = arith.constant 0 : i32
    %add3A_2214 = vector.broadcast %add3A_2213 : i32 to vector<16xi32>
    %add3A_2215 = arith.addi %add3A_2212, %add3A_2214 : vector<16xi32>
    %gather3A_2216 = arith.constant 1 : i32
    %gather3A_2217 = arith.constant 0 : i32
    %gather3A_2218 = arith.constant 0 : i32
    %gather3A_2219 = tpu.memref_slice %arg8[%gather3A_2216, %gather3A_2217, %gather3A_2218] : memref<2x128x128xf32, #tpu.memory_space<vmem>> -> memref<1x128x128xf32, #tpu.memory_space<vmem>>
    %gather3A_2220 = tpu.memref_squeeze %gather3A_2219 : memref<1x128x128xf32, #tpu.memory_space<vmem>> -> memref<128x128xf32, #tpu.memory_space<vmem>>
    %gather3A_2221 = tpu.vector_load_idx %gather3A_2220[%add3A_2138, %add3A_2215] : memref<128x128xf32, #tpu.memory_space<vmem>>[vector<16xi32>, vector<16xi32>], vector<16xf32>,
    %mul3A_2222 = arith.constant 0 : i32
    %mul3A_2223 = vector.broadcast %mul3A_2222 : i32 to vector<16xi32>
    %mul3A_2224 = arith.muli %iota3A, %mul3A_2223 : vector<16xi32>
    %add3A_2225 = arith.constant 0 : i32
    %add3A_2226 = vector.broadcast %add3A_2225 : i32 to vector<16xi32>
    %add3A_2227 = arith.addi %mul3A_2224, %add3A_2226 : vector<16xi32>
    tpu.vector_store_idx %arg10[%add3A_2143, %add3A_2227], %gather3A_2221 : memref<512x3xf32, #tpu.memory_space<vmem>>[vector<16xi32>, vector<16xi32>], vector<16xf32>,
    %add3A_2228 = arith.constant 4 : i32
    %add3A_2229 = vector.broadcast %add3A_2228 : i32 to vector<16xi32>
    %add3A_2230 = arith.addi %mul3A_2149, %add3A_2229 : vector<16xi32>
    %add3A_2231 = arith.constant 1 : i32
    %add3A_2232 = vector.broadcast %add3A_2231 : i32 to vector<16xi32>
    %add3A_2233 = arith.addi %add3A_2230, %add3A_2232 : vector<16xi32>
    %gather3A_2234 = arith.constant 1 : i32
    %gather3A_2235 = arith.constant 0 : i32
    %gather3A_2236 = arith.constant 0 : i32
    %gather3A_2237 = tpu.memref_slice %arg8[%gather3A_2234, %gather3A_2235, %gather3A_2236] : memref<2x128x128xf32, #tpu.memory_space<vmem>> -> memref<1x128x128xf32, #tpu.memory_space<vmem>>
    %gather3A_2238 = tpu.memref_squeeze %gather3A_2237 : memref<1x128x128xf32, #tpu.memory_space<vmem>> -> memref<128x128xf32, #tpu.memory_space<vmem>>
    %gather3A_2239 = tpu.vector_load_idx %gather3A_2238[%add3A_2138, %add3A_2233] : memref<128x128xf32, #tpu.memory_space<vmem>>[vector<16xi32>, vector<16xi32>], vector<16xf32>,
    %mul3A_2240 = arith.constant 0 : i32
    %mul3A_2241 = vector.broadcast %mul3A_2240 : i32 to vector<16xi32>
    %mul3A_2242 = arith.muli %iota3A, %mul3A_2241 : vector<16xi32>
    %add3A_2243 = arith.constant 1 : i32
    %add3A_2244 = vector.broadcast %add3A_2243 : i32 to vector<16xi32>
    %add3A_2245 = arith.addi %mul3A_2242, %add3A_2244 : vector<16xi32>
    tpu.vector_store_idx %arg10[%add3A_2143, %add3A_2245], %gather3A_2239 : memref<512x3xf32, #tpu.memory_space<vmem>>[vector<16xi32>, vector<16xi32>], vector<16xf32>,
    %add3A_2246 = arith.constant 4 : i32
    %add3A_2247 = vector.broadcast %add3A_2246 : i32 to vector<16xi32>
    %add3A_2248 = arith.addi %mul3A_2149, %add3A_2247 : vector<16xi32>
    %add3A_2249 = arith.constant 2 : i32
    %add3A_2250 = vector.broadcast %add3A_2249 : i32 to vector<16xi32>
    %add3A_2251 = arith.addi %add3A_2248, %add3A_2250 : vector<16xi32>
    %gather3A_2252 = arith.constant 1 : i32
    %gather3A_2253 = arith.constant 0 : i32
    %gather3A_2254 = arith.constant 0 : i32
    %gather3A_2255 = tpu.memref_slice %arg8[%gather3A_2252, %gather3A_2253, %gather3A_2254] : memref<2x128x128xf32, #tpu.memory_space<vmem>> -> memref<1x128x128xf32, #tpu.memory_space<vmem>>
    %gather3A_2256 = tpu.memref_squeeze %gather3A_2255 : memref<1x128x128xf32, #tpu.memory_space<vmem>> -> memref<128x128xf32, #tpu.memory_space<vmem>>
    %gather3A_2257 = tpu.vector_load_idx %gather3A_2256[%add3A_2138, %add3A_2251] : memref<128x128xf32, #tpu.memory_space<vmem>>[vector<16xi32>, vector<16xi32>], vector<16xf32>,
    %mul3A_2258 = arith.constant 0 : i32
    %mul3A_2259 = vector.broadcast %mul3A_2258 : i32 to vector<16xi32>
    %mul3A_2260 = arith.muli %iota3A, %mul3A_2259 : vector<16xi32>
    %add3A_2261 = arith.constant 2 : i32
    %add3A_2262 = vector.broadcast %add3A_2261 : i32 to vector<16xi32>
    %add3A_2263 = arith.addi %mul3A_2260, %add3A_2262 : vector<16xi32>
    tpu.vector_store_idx %arg10[%add3A_2143, %add3A_2263], %gather3A_2257 : memref<512x3xf32, #tpu.memory_space<vmem>>[vector<16xi32>, vector<16xi32>], vector<16xf32>,
    %add3A_2264 = arith.constant 112 : i32
    %add3A_2265 = vector.broadcast %add3A_2264 : i32 to vector<16xi32>
    %add3A_2266 = arith.addi %add3A_2265, %iota3A : vector<16xi32>
    %get3A_2267 = arith.constant 240 : index
    %get3A_2268 = tpu.vector_load %arg6[%get3A_2267] {strides = array<i32>} : memref<512xi32, #tpu.memory_space<vmem>>, vector<16xi32>,
    %add3A_2269 = arith.constant 240 : i32
    %add3A_2270 = vector.broadcast %add3A_2269 : i32 to vector<16xi32>
    %add3A_2271 = arith.addi %add3A_2270, %iota3A : vector<16xi32>
    %and3A_2272 = arith.constant 15 : i32
    %and3A_2273 = vector.broadcast %and3A_2272 : i32 to vector<16xi32>
    %and3A_2274 = arith.andi %get3A_2268, %and3A_2273 : vector<16xi32>
    %mul3A_2275 = arith.constant 8 : i32
    %mul3A_2276 = vector.broadcast %mul3A_2275 : i32 to vector<16xi32>
    %mul3A_2277 = arith.muli %and3A_2274, %mul3A_2276 : vector<16xi32>
    %add3A_2278 = arith.constant 0 : i32
    %add3A_2279 = vector.broadcast %add3A_2278 : i32 to vector<16xi32>
    %add3A_2280 = arith.addi %mul3A_2277, %add3A_2279 : vector<16xi32>
    %gather3A_2281 = arith.constant 1 : i32
    %gather3A_2282 = arith.constant 0 : i32
    %gather3A_2283 = arith.constant 0 : i32
    %gather3A_2284 = tpu.memref_slice %arg8[%gather3A_2281, %gather3A_2282, %gather3A_2283] : memref<2x128x128xf32, #tpu.memory_space<vmem>> -> memref<1x128x128xf32, #tpu.memory_space<vmem>>
    %gather3A_2285 = tpu.memref_squeeze %gather3A_2284 : memref<1x128x128xf32, #tpu.memory_space<vmem>> -> memref<128x128xf32, #tpu.memory_space<vmem>>
    %gather3A_2286 = tpu.vector_load_idx %gather3A_2285[%add3A_2266, %add3A_2280] : memref<128x128xf32, #tpu.memory_space<vmem>>[vector<16xi32>, vector<16xi32>], vector<16xf32>,
    %mul3A_2287 = arith.constant 0 : i32
    %mul3A_2288 = vector.broadcast %mul3A_2287 : i32 to vector<16xi32>
    %mul3A_2289 = arith.muli %iota3A, %mul3A_2288 : vector<16xi32>
    %add3A_2290 = arith.constant 0 : i32
    %add3A_2291 = vector.broadcast %add3A_2290 : i32 to vector<16xi32>
    %add3A_2292 = arith.addi %mul3A_2289, %add3A_2291 : vector<16xi32>
    tpu.vector_store_idx %arg9[%add3A_2271, %add3A_2292], %gather3A_2286 : memref<512x4xf32, #tpu.memory_space<vmem>>[vector<16xi32>, vector<16xi32>], vector<16xf32>,
    %add3A_2293 = arith.constant 1 : i32
    %add3A_2294 = vector.broadcast %add3A_2293 : i32 to vector<16xi32>
    %add3A_2295 = arith.addi %mul3A_2277, %add3A_2294 : vector<16xi32>
    %gather3A_2296 = arith.constant 1 : i32
    %gather3A_2297 = arith.constant 0 : i32
    %gather3A_2298 = arith.constant 0 : i32
    %gather3A_2299 = tpu.memref_slice %arg8[%gather3A_2296, %gather3A_2297, %gather3A_2298] : memref<2x128x128xf32, #tpu.memory_space<vmem>> -> memref<1x128x128xf32, #tpu.memory_space<vmem>>
    %gather3A_2300 = tpu.memref_squeeze %gather3A_2299 : memref<1x128x128xf32, #tpu.memory_space<vmem>> -> memref<128x128xf32, #tpu.memory_space<vmem>>
    %gather3A_2301 = tpu.vector_load_idx %gather3A_2300[%add3A_2266, %add3A_2295] : memref<128x128xf32, #tpu.memory_space<vmem>>[vector<16xi32>, vector<16xi32>], vector<16xf32>,
    %mul3A_2302 = arith.constant 0 : i32
    %mul3A_2303 = vector.broadcast %mul3A_2302 : i32 to vector<16xi32>
    %mul3A_2304 = arith.muli %iota3A, %mul3A_2303 : vector<16xi32>
    %add3A_2305 = arith.constant 1 : i32
    %add3A_2306 = vector.broadcast %add3A_2305 : i32 to vector<16xi32>
    %add3A_2307 = arith.addi %mul3A_2304, %add3A_2306 : vector<16xi32>
    tpu.vector_store_idx %arg9[%add3A_2271, %add3A_2307], %gather3A_2301 : memref<512x4xf32, #tpu.memory_space<vmem>>[vector<16xi32>, vector<16xi32>], vector<16xf32>,
    %add3A_2308 = arith.constant 2 : i32
    %add3A_2309 = vector.broadcast %add3A_2308 : i32 to vector<16xi32>
    %add3A_2310 = arith.addi %mul3A_2277, %add3A_2309 : vector<16xi32>
    %gather3A_2311 = arith.constant 1 : i32
    %gather3A_2312 = arith.constant 0 : i32
    %gather3A_2313 = arith.constant 0 : i32
    %gather3A_2314 = tpu.memref_slice %arg8[%gather3A_2311, %gather3A_2312, %gather3A_2313] : memref<2x128x128xf32, #tpu.memory_space<vmem>> -> memref<1x128x128xf32, #tpu.memory_space<vmem>>
    %gather3A_2315 = tpu.memref_squeeze %gather3A_2314 : memref<1x128x128xf32, #tpu.memory_space<vmem>> -> memref<128x128xf32, #tpu.memory_space<vmem>>
    %gather3A_2316 = tpu.vector_load_idx %gather3A_2315[%add3A_2266, %add3A_2310] : memref<128x128xf32, #tpu.memory_space<vmem>>[vector<16xi32>, vector<16xi32>], vector<16xf32>,
    %mul3A_2317 = arith.constant 0 : i32
    %mul3A_2318 = vector.broadcast %mul3A_2317 : i32 to vector<16xi32>
    %mul3A_2319 = arith.muli %iota3A, %mul3A_2318 : vector<16xi32>
    %add3A_2320 = arith.constant 2 : i32
    %add3A_2321 = vector.broadcast %add3A_2320 : i32 to vector<16xi32>
    %add3A_2322 = arith.addi %mul3A_2319, %add3A_2321 : vector<16xi32>
    tpu.vector_store_idx %arg9[%add3A_2271, %add3A_2322], %gather3A_2316 : memref<512x4xf32, #tpu.memory_space<vmem>>[vector<16xi32>, vector<16xi32>], vector<16xf32>,
    %add3A_2323 = arith.constant 3 : i32
    %add3A_2324 = vector.broadcast %add3A_2323 : i32 to vector<16xi32>
    %add3A_2325 = arith.addi %mul3A_2277, %add3A_2324 : vector<16xi32>
    %gather3A_2326 = arith.constant 1 : i32
    %gather3A_2327 = arith.constant 0 : i32
    %gather3A_2328 = arith.constant 0 : i32
    %gather3A_2329 = tpu.memref_slice %arg8[%gather3A_2326, %gather3A_2327, %gather3A_2328] : memref<2x128x128xf32, #tpu.memory_space<vmem>> -> memref<1x128x128xf32, #tpu.memory_space<vmem>>
    %gather3A_2330 = tpu.memref_squeeze %gather3A_2329 : memref<1x128x128xf32, #tpu.memory_space<vmem>> -> memref<128x128xf32, #tpu.memory_space<vmem>>
    %gather3A_2331 = tpu.vector_load_idx %gather3A_2330[%add3A_2266, %add3A_2325] : memref<128x128xf32, #tpu.memory_space<vmem>>[vector<16xi32>, vector<16xi32>], vector<16xf32>,
    %mul3A_2332 = arith.constant 0 : i32
    %mul3A_2333 = vector.broadcast %mul3A_2332 : i32 to vector<16xi32>
    %mul3A_2334 = arith.muli %iota3A, %mul3A_2333 : vector<16xi32>
    %add3A_2335 = arith.constant 3 : i32
    %add3A_2336 = vector.broadcast %add3A_2335 : i32 to vector<16xi32>
    %add3A_2337 = arith.addi %mul3A_2334, %add3A_2336 : vector<16xi32>
    tpu.vector_store_idx %arg9[%add3A_2271, %add3A_2337], %gather3A_2331 : memref<512x4xf32, #tpu.memory_space<vmem>>[vector<16xi32>, vector<16xi32>], vector<16xf32>,
    %add3A_2338 = arith.constant 4 : i32
    %add3A_2339 = vector.broadcast %add3A_2338 : i32 to vector<16xi32>
    %add3A_2340 = arith.addi %mul3A_2277, %add3A_2339 : vector<16xi32>
    %add3A_2341 = arith.constant 0 : i32
    %add3A_2342 = vector.broadcast %add3A_2341 : i32 to vector<16xi32>
    %add3A_2343 = arith.addi %add3A_2340, %add3A_2342 : vector<16xi32>
    %gather3A_2344 = arith.constant 1 : i32
    %gather3A_2345 = arith.constant 0 : i32
    %gather3A_2346 = arith.constant 0 : i32
    %gather3A_2347 = tpu.memref_slice %arg8[%gather3A_2344, %gather3A_2345, %gather3A_2346] : memref<2x128x128xf32, #tpu.memory_space<vmem>> -> memref<1x128x128xf32, #tpu.memory_space<vmem>>
    %gather3A_2348 = tpu.memref_squeeze %gather3A_2347 : memref<1x128x128xf32, #tpu.memory_space<vmem>> -> memref<128x128xf32, #tpu.memory_space<vmem>>
    %gather3A_2349 = tpu.vector_load_idx %gather3A_2348[%add3A_2266, %add3A_2343] : memref<128x128xf32, #tpu.memory_space<vmem>>[vector<16xi32>, vector<16xi32>], vector<16xf32>,
    %mul3A_2350 = arith.constant 0 : i32
    %mul3A_2351 = vector.broadcast %mul3A_2350 : i32 to vector<16xi32>
    %mul3A_2352 = arith.muli %iota3A, %mul3A_2351 : vector<16xi32>
    %add3A_2353 = arith.constant 0 : i32
    %add3A_2354 = vector.broadcast %add3A_2353 : i32 to vector<16xi32>
    %add3A_2355 = arith.addi %mul3A_2352, %add3A_2354 : vector<16xi32>
    tpu.vector_store_idx %arg10[%add3A_2271, %add3A_2355], %gather3A_2349 : memref<512x3xf32, #tpu.memory_space<vmem>>[vector<16xi32>, vector<16xi32>], vector<16xf32>,
    %add3A_2356 = arith.constant 4 : i32
    %add3A_2357 = vector.broadcast %add3A_2356 : i32 to vector<16xi32>
    %add3A_2358 = arith.addi %mul3A_2277, %add3A_2357 : vector<16xi32>
    %add3A_2359 = arith.constant 1 : i32
    %add3A_2360 = vector.broadcast %add3A_2359 : i32 to vector<16xi32>
    %add3A_2361 = arith.addi %add3A_2358, %add3A_2360 : vector<16xi32>
    %gather3A_2362 = arith.constant 1 : i32
    %gather3A_2363 = arith.constant 0 : i32
    %gather3A_2364 = arith.constant 0 : i32
    %gather3A_2365 = tpu.memref_slice %arg8[%gather3A_2362, %gather3A_2363, %gather3A_2364] : memref<2x128x128xf32, #tpu.memory_space<vmem>> -> memref<1x128x128xf32, #tpu.memory_space<vmem>>
    %gather3A_2366 = tpu.memref_squeeze %gather3A_2365 : memref<1x128x128xf32, #tpu.memory_space<vmem>> -> memref<128x128xf32, #tpu.memory_space<vmem>>
    %gather3A_2367 = tpu.vector_load_idx %gather3A_2366[%add3A_2266, %add3A_2361] : memref<128x128xf32, #tpu.memory_space<vmem>>[vector<16xi32>, vector<16xi32>], vector<16xf32>,
    %mul3A_2368 = arith.constant 0 : i32
    %mul3A_2369 = vector.broadcast %mul3A_2368 : i32 to vector<16xi32>
    %mul3A_2370 = arith.muli %iota3A, %mul3A_2369 : vector<16xi32>
    %add3A_2371 = arith.constant 1 : i32
    %add3A_2372 = vector.broadcast %add3A_2371 : i32 to vector<16xi32>
    %add3A_2373 = arith.addi %mul3A_2370, %add3A_2372 : vector<16xi32>
    tpu.vector_store_idx %arg10[%add3A_2271, %add3A_2373], %gather3A_2367 : memref<512x3xf32, #tpu.memory_space<vmem>>[vector<16xi32>, vector<16xi32>], vector<16xf32>,
    %add3A_2374 = arith.constant 4 : i32
    %add3A_2375 = vector.broadcast %add3A_2374 : i32 to vector<16xi32>
    %add3A_2376 = arith.addi %mul3A_2277, %add3A_2375 : vector<16xi32>
    %add3A_2377 = arith.constant 2 : i32
    %add3A_2378 = vector.broadcast %add3A_2377 : i32 to vector<16xi32>
    %add3A_2379 = arith.addi %add3A_2376, %add3A_2378 : vector<16xi32>
    %gather3A_2380 = arith.constant 1 : i32
    %gather3A_2381 = arith.constant 0 : i32
    %gather3A_2382 = arith.constant 0 : i32
    %gather3A_2383 = tpu.memref_slice %arg8[%gather3A_2380, %gather3A_2381, %gather3A_2382] : memref<2x128x128xf32, #tpu.memory_space<vmem>> -> memref<1x128x128xf32, #tpu.memory_space<vmem>>
    %gather3A_2384 = tpu.memref_squeeze %gather3A_2383 : memref<1x128x128xf32, #tpu.memory_space<vmem>> -> memref<128x128xf32, #tpu.memory_space<vmem>>
    %gather3A_2385 = tpu.vector_load_idx %gather3A_2384[%add3A_2266, %add3A_2379] : memref<128x128xf32, #tpu.memory_space<vmem>>[vector<16xi32>, vector<16xi32>], vector<16xf32>,
    %mul3A_2386 = arith.constant 0 : i32
    %mul3A_2387 = vector.broadcast %mul3A_2386 : i32 to vector<16xi32>
    %mul3A_2388 = arith.muli %iota3A, %mul3A_2387 : vector<16xi32>
    %add3A_2389 = arith.constant 2 : i32
    %add3A_2390 = vector.broadcast %add3A_2389 : i32 to vector<16xi32>
    %add3A_2391 = arith.addi %mul3A_2388, %add3A_2390 : vector<16xi32>
    tpu.vector_store_idx %arg10[%add3A_2271, %add3A_2391], %gather3A_2385 : memref<512x3xf32, #tpu.memory_space<vmem>>[vector<16xi32>, vector<16xi32>], vector<16xf32>,
    %dma_start3A_2392 = arith.constant 3 : i32
    %dma_start3A_2393 = arith.constant 1 : i32
    %dma_start3A_2394 = arith.constant 0 : i32
    %dma_start3A_2395 = arith.constant 0 : i32
    %dma_start3A_2396 = tpu.memref_slice %arg8[%dma_start3A_2393, %dma_start3A_2394, %dma_start3A_2395] : memref<2x128x128xf32, #tpu.memory_space<vmem>> -> memref<1x128x128xf32, #tpu.memory_space<vmem>>
    %dma_start3A_2397 = tpu.memref_squeeze %dma_start3A_2396 : memref<1x128x128xf32, #tpu.memory_space<vmem>> -> memref<128x128xf32, #tpu.memory_space<vmem>>
    %dma_start3A_2398 = arith.constant 0 : i32
    %dma_start3A_2399 = tpu.memref_slice %arg7[%dma_start3A_2392, %dma_start3A_2398] : memref<4x128xi32, #tpu.memory_space<vmem>> -> memref<1x128xi32, #tpu.memory_space<vmem>>
    %dma_start3A_2400 = tpu.memref_squeeze %dma_start3A_2399 : memref<1x128xi32, #tpu.memory_space<vmem>> -> memref<128xi32, #tpu.memory_space<vmem>>
    %dma_start3A_2401 = arith.constant 0 : i32
    %dma_start3A_2402 = arith.constant 0 : i32
    %dma_start3A_2403 = tpu.memref_slice %arg3[%dma_start3A_2401, %dma_start3A_2402] : memref<62500x128xf32, #tpu.memory_space<hbm>> -> memref<62500x128xf32, #tpu.memory_space<hbm>>
    tpu.enqueue_indirect_dma source(%dma_start3A_2403 : memref<62500x128xf32, #tpu.memory_space<hbm>>) target(%dma_start3A_2397 : memref<128x128xf32, #tpu.memory_space<vmem>>) offsets(%dma_start3A_2400 : memref<128xi32, #tpu.memory_space<vmem>>) semaphore(%arg12 : memref<!tpu.dma_semaphore, #tpu.memory_space<semaphore_mem>>)
    %dma_wait3A_2404 = arith.constant 2 : i32
    %dma_wait3A_2405 = arith.constant 0 : i32
    %dma_wait3A_2406 = arith.constant 0 : i32
    %dma_wait3A_2407 = arith.constant 0 : i32
    %dma_wait3A_2408 = tpu.memref_slice %arg8[%dma_wait3A_2405, %dma_wait3A_2406, %dma_wait3A_2407] : memref<2x128x128xf32, #tpu.memory_space<vmem>> -> memref<1x128x128xf32, #tpu.memory_space<vmem>>
    %dma_wait3A_2409 = tpu.memref_squeeze %dma_wait3A_2408 : memref<1x128x128xf32, #tpu.memory_space<vmem>> -> memref<128x128xf32, #tpu.memory_space<vmem>>
    %dma_wait3A_2410 = arith.constant 0 : i32
    %dma_wait3A_2411 = tpu.memref_slice %arg7[%dma_wait3A_2404, %dma_wait3A_2410] : memref<4x128xi32, #tpu.memory_space<vmem>> -> memref<1x128xi32, #tpu.memory_space<vmem>>
    %dma_wait3A_2412 = tpu.memref_squeeze %dma_wait3A_2411 : memref<1x128xi32, #tpu.memory_space<vmem>> -> memref<128xi32, #tpu.memory_space<vmem>>
    %dma_wait3A_2413 = arith.constant 0 : i32
    %dma_wait3A_2414 = arith.constant 0 : i32
    %dma_wait3A_2415 = tpu.memref_slice %arg3[%dma_wait3A_2413, %dma_wait3A_2414] : memref<62500x128xf32, #tpu.memory_space<hbm>> -> memref<62500x128xf32, #tpu.memory_space<hbm>>
    tpu.wait_indirect_dma semaphore(%arg11 : memref<!tpu.dma_semaphore, #tpu.memory_space<semaphore_mem>>) src(%dma_wait3A_2415 : memref<62500x128xf32, #tpu.memory_space<hbm>>) dst(%dma_wait3A_2409 : memref<128x128xf32, #tpu.memory_space<vmem>>)
    %add3A_2416 = arith.constant 0 : i32
    %add3A_2417 = vector.broadcast %add3A_2416 : i32 to vector<16xi32>
    %add3A_2418 = arith.addi %add3A_2417, %iota3A : vector<16xi32>
    %get3A_2419 = arith.constant 256 : index
    %get3A_2420 = tpu.vector_load %arg6[%get3A_2419] {strides = array<i32>} : memref<512xi32, #tpu.memory_space<vmem>>, vector<16xi32>,
    %add3A_2421 = arith.constant 256 : i32
    %add3A_2422 = vector.broadcast %add3A_2421 : i32 to vector<16xi32>
    %add3A_2423 = arith.addi %add3A_2422, %iota3A : vector<16xi32>
    %and3A_2424 = arith.constant 15 : i32
    %and3A_2425 = vector.broadcast %and3A_2424 : i32 to vector<16xi32>
    %and3A_2426 = arith.andi %get3A_2420, %and3A_2425 : vector<16xi32>
    %mul3A_2427 = arith.constant 8 : i32
    %mul3A_2428 = vector.broadcast %mul3A_2427 : i32 to vector<16xi32>
    %mul3A_2429 = arith.muli %and3A_2426, %mul3A_2428 : vector<16xi32>
    %add3A_2430 = arith.constant 0 : i32
    %add3A_2431 = vector.broadcast %add3A_2430 : i32 to vector<16xi32>
    %add3A_2432 = arith.addi %mul3A_2429, %add3A_2431 : vector<16xi32>
    %gather3A_2433 = arith.constant 0 : i32
    %gather3A_2434 = arith.constant 0 : i32
    %gather3A_2435 = arith.constant 0 : i32
    %gather3A_2436 = tpu.memref_slice %arg8[%gather3A_2433, %gather3A_2434, %gather3A_2435] : memref<2x128x128xf32, #tpu.memory_space<vmem>> -> memref<1x128x128xf32, #tpu.memory_space<vmem>>
    %gather3A_2437 = tpu.memref_squeeze %gather3A_2436 : memref<1x128x128xf32, #tpu.memory_space<vmem>> -> memref<128x128xf32, #tpu.memory_space<vmem>>
    %gather3A_2438 = tpu.vector_load_idx %gather3A_2437[%add3A_2418, %add3A_2432] : memref<128x128xf32, #tpu.memory_space<vmem>>[vector<16xi32>, vector<16xi32>], vector<16xf32>,
    %mul3A_2439 = arith.constant 0 : i32
    %mul3A_2440 = vector.broadcast %mul3A_2439 : i32 to vector<16xi32>
    %mul3A_2441 = arith.muli %iota3A, %mul3A_2440 : vector<16xi32>
    %add3A_2442 = arith.constant 0 : i32
    %add3A_2443 = vector.broadcast %add3A_2442 : i32 to vector<16xi32>
    %add3A_2444 = arith.addi %mul3A_2441, %add3A_2443 : vector<16xi32>
    tpu.vector_store_idx %arg9[%add3A_2423, %add3A_2444], %gather3A_2438 : memref<512x4xf32, #tpu.memory_space<vmem>>[vector<16xi32>, vector<16xi32>], vector<16xf32>,
    %add3A_2445 = arith.constant 1 : i32
    %add3A_2446 = vector.broadcast %add3A_2445 : i32 to vector<16xi32>
    %add3A_2447 = arith.addi %mul3A_2429, %add3A_2446 : vector<16xi32>
    %gather3A_2448 = arith.constant 0 : i32
    %gather3A_2449 = arith.constant 0 : i32
    %gather3A_2450 = arith.constant 0 : i32
    %gather3A_2451 = tpu.memref_slice %arg8[%gather3A_2448, %gather3A_2449, %gather3A_2450] : memref<2x128x128xf32, #tpu.memory_space<vmem>> -> memref<1x128x128xf32, #tpu.memory_space<vmem>>
    %gather3A_2452 = tpu.memref_squeeze %gather3A_2451 : memref<1x128x128xf32, #tpu.memory_space<vmem>> -> memref<128x128xf32, #tpu.memory_space<vmem>>
    %gather3A_2453 = tpu.vector_load_idx %gather3A_2452[%add3A_2418, %add3A_2447] : memref<128x128xf32, #tpu.memory_space<vmem>>[vector<16xi32>, vector<16xi32>], vector<16xf32>,
    %mul3A_2454 = arith.constant 0 : i32
    %mul3A_2455 = vector.broadcast %mul3A_2454 : i32 to vector<16xi32>
    %mul3A_2456 = arith.muli %iota3A, %mul3A_2455 : vector<16xi32>
    %add3A_2457 = arith.constant 1 : i32
    %add3A_2458 = vector.broadcast %add3A_2457 : i32 to vector<16xi32>
    %add3A_2459 = arith.addi %mul3A_2456, %add3A_2458 : vector<16xi32>
    tpu.vector_store_idx %arg9[%add3A_2423, %add3A_2459], %gather3A_2453 : memref<512x4xf32, #tpu.memory_space<vmem>>[vector<16xi32>, vector<16xi32>], vector<16xf32>,
    %add3A_2460 = arith.constant 2 : i32
    %add3A_2461 = vector.broadcast %add3A_2460 : i32 to vector<16xi32>
    %add3A_2462 = arith.addi %mul3A_2429, %add3A_2461 : vector<16xi32>
    %gather3A_2463 = arith.constant 0 : i32
    %gather3A_2464 = arith.constant 0 : i32
    %gather3A_2465 = arith.constant 0 : i32
    %gather3A_2466 = tpu.memref_slice %arg8[%gather3A_2463, %gather3A_2464, %gather3A_2465] : memref<2x128x128xf32, #tpu.memory_space<vmem>> -> memref<1x128x128xf32, #tpu.memory_space<vmem>>
    %gather3A_2467 = tpu.memref_squeeze %gather3A_2466 : memref<1x128x128xf32, #tpu.memory_space<vmem>> -> memref<128x128xf32, #tpu.memory_space<vmem>>
    %gather3A_2468 = tpu.vector_load_idx %gather3A_2467[%add3A_2418, %add3A_2462] : memref<128x128xf32, #tpu.memory_space<vmem>>[vector<16xi32>, vector<16xi32>], vector<16xf32>,
    %mul3A_2469 = arith.constant 0 : i32
    %mul3A_2470 = vector.broadcast %mul3A_2469 : i32 to vector<16xi32>
    %mul3A_2471 = arith.muli %iota3A, %mul3A_2470 : vector<16xi32>
    %add3A_2472 = arith.constant 2 : i32
    %add3A_2473 = vector.broadcast %add3A_2472 : i32 to vector<16xi32>
    %add3A_2474 = arith.addi %mul3A_2471, %add3A_2473 : vector<16xi32>
    tpu.vector_store_idx %arg9[%add3A_2423, %add3A_2474], %gather3A_2468 : memref<512x4xf32, #tpu.memory_space<vmem>>[vector<16xi32>, vector<16xi32>], vector<16xf32>,
    %add3A_2475 = arith.constant 3 : i32
    %add3A_2476 = vector.broadcast %add3A_2475 : i32 to vector<16xi32>
    %add3A_2477 = arith.addi %mul3A_2429, %add3A_2476 : vector<16xi32>
    %gather3A_2478 = arith.constant 0 : i32
    %gather3A_2479 = arith.constant 0 : i32
    %gather3A_2480 = arith.constant 0 : i32
    %gather3A_2481 = tpu.memref_slice %arg8[%gather3A_2478, %gather3A_2479, %gather3A_2480] : memref<2x128x128xf32, #tpu.memory_space<vmem>> -> memref<1x128x128xf32, #tpu.memory_space<vmem>>
    %gather3A_2482 = tpu.memref_squeeze %gather3A_2481 : memref<1x128x128xf32, #tpu.memory_space<vmem>> -> memref<128x128xf32, #tpu.memory_space<vmem>>
    %gather3A_2483 = tpu.vector_load_idx %gather3A_2482[%add3A_2418, %add3A_2477] : memref<128x128xf32, #tpu.memory_space<vmem>>[vector<16xi32>, vector<16xi32>], vector<16xf32>,
    %mul3A_2484 = arith.constant 0 : i32
    %mul3A_2485 = vector.broadcast %mul3A_2484 : i32 to vector<16xi32>
    %mul3A_2486 = arith.muli %iota3A, %mul3A_2485 : vector<16xi32>
    %add3A_2487 = arith.constant 3 : i32
    %add3A_2488 = vector.broadcast %add3A_2487 : i32 to vector<16xi32>
    %add3A_2489 = arith.addi %mul3A_2486, %add3A_2488 : vector<16xi32>
    tpu.vector_store_idx %arg9[%add3A_2423, %add3A_2489], %gather3A_2483 : memref<512x4xf32, #tpu.memory_space<vmem>>[vector<16xi32>, vector<16xi32>], vector<16xf32>,
    %add3A_2490 = arith.constant 4 : i32
    %add3A_2491 = vector.broadcast %add3A_2490 : i32 to vector<16xi32>
    %add3A_2492 = arith.addi %mul3A_2429, %add3A_2491 : vector<16xi32>
    %add3A_2493 = arith.constant 0 : i32
    %add3A_2494 = vector.broadcast %add3A_2493 : i32 to vector<16xi32>
    %add3A_2495 = arith.addi %add3A_2492, %add3A_2494 : vector<16xi32>
    %gather3A_2496 = arith.constant 0 : i32
    %gather3A_2497 = arith.constant 0 : i32
    %gather3A_2498 = arith.constant 0 : i32
    %gather3A_2499 = tpu.memref_slice %arg8[%gather3A_2496, %gather3A_2497, %gather3A_2498] : memref<2x128x128xf32, #tpu.memory_space<vmem>> -> memref<1x128x128xf32, #tpu.memory_space<vmem>>
    %gather3A_2500 = tpu.memref_squeeze %gather3A_2499 : memref<1x128x128xf32, #tpu.memory_space<vmem>> -> memref<128x128xf32, #tpu.memory_space<vmem>>
    %gather3A_2501 = tpu.vector_load_idx %gather3A_2500[%add3A_2418, %add3A_2495] : memref<128x128xf32, #tpu.memory_space<vmem>>[vector<16xi32>, vector<16xi32>], vector<16xf32>,
    %mul3A_2502 = arith.constant 0 : i32
    %mul3A_2503 = vector.broadcast %mul3A_2502 : i32 to vector<16xi32>
    %mul3A_2504 = arith.muli %iota3A, %mul3A_2503 : vector<16xi32>
    %add3A_2505 = arith.constant 0 : i32
    %add3A_2506 = vector.broadcast %add3A_2505 : i32 to vector<16xi32>
    %add3A_2507 = arith.addi %mul3A_2504, %add3A_2506 : vector<16xi32>
    tpu.vector_store_idx %arg10[%add3A_2423, %add3A_2507], %gather3A_2501 : memref<512x3xf32, #tpu.memory_space<vmem>>[vector<16xi32>, vector<16xi32>], vector<16xf32>,
    %add3A_2508 = arith.constant 4 : i32
    %add3A_2509 = vector.broadcast %add3A_2508 : i32 to vector<16xi32>
    %add3A_2510 = arith.addi %mul3A_2429, %add3A_2509 : vector<16xi32>
    %add3A_2511 = arith.constant 1 : i32
    %add3A_2512 = vector.broadcast %add3A_2511 : i32 to vector<16xi32>
    %add3A_2513 = arith.addi %add3A_2510, %add3A_2512 : vector<16xi32>
    %gather3A_2514 = arith.constant 0 : i32
    %gather3A_2515 = arith.constant 0 : i32
    %gather3A_2516 = arith.constant 0 : i32
    %gather3A_2517 = tpu.memref_slice %arg8[%gather3A_2514, %gather3A_2515, %gather3A_2516] : memref<2x128x128xf32, #tpu.memory_space<vmem>> -> memref<1x128x128xf32, #tpu.memory_space<vmem>>
    %gather3A_2518 = tpu.memref_squeeze %gather3A_2517 : memref<1x128x128xf32, #tpu.memory_space<vmem>> -> memref<128x128xf32, #tpu.memory_space<vmem>>
    %gather3A_2519 = tpu.vector_load_idx %gather3A_2518[%add3A_2418, %add3A_2513] : memref<128x128xf32, #tpu.memory_space<vmem>>[vector<16xi32>, vector<16xi32>], vector<16xf32>,
    %mul3A_2520 = arith.constant 0 : i32
    %mul3A_2521 = vector.broadcast %mul3A_2520 : i32 to vector<16xi32>
    %mul3A_2522 = arith.muli %iota3A, %mul3A_2521 : vector<16xi32>
    %add3A_2523 = arith.constant 1 : i32
    %add3A_2524 = vector.broadcast %add3A_2523 : i32 to vector<16xi32>
    %add3A_2525 = arith.addi %mul3A_2522, %add3A_2524 : vector<16xi32>
    tpu.vector_store_idx %arg10[%add3A_2423, %add3A_2525], %gather3A_2519 : memref<512x3xf32, #tpu.memory_space<vmem>>[vector<16xi32>, vector<16xi32>], vector<16xf32>,
    %add3A_2526 = arith.constant 4 : i32
    %add3A_2527 = vector.broadcast %add3A_2526 : i32 to vector<16xi32>
    %add3A_2528 = arith.addi %mul3A_2429, %add3A_2527 : vector<16xi32>
    %add3A_2529 = arith.constant 2 : i32
    %add3A_2530 = vector.broadcast %add3A_2529 : i32 to vector<16xi32>
    %add3A_2531 = arith.addi %add3A_2528, %add3A_2530 : vector<16xi32>
    %gather3A_2532 = arith.constant 0 : i32
    %gather3A_2533 = arith.constant 0 : i32
    %gather3A_2534 = arith.constant 0 : i32
    %gather3A_2535 = tpu.memref_slice %arg8[%gather3A_2532, %gather3A_2533, %gather3A_2534] : memref<2x128x128xf32, #tpu.memory_space<vmem>> -> memref<1x128x128xf32, #tpu.memory_space<vmem>>
    %gather3A_2536 = tpu.memref_squeeze %gather3A_2535 : memref<1x128x128xf32, #tpu.memory_space<vmem>> -> memref<128x128xf32, #tpu.memory_space<vmem>>
    %gather3A_2537 = tpu.vector_load_idx %gather3A_2536[%add3A_2418, %add3A_2531] : memref<128x128xf32, #tpu.memory_space<vmem>>[vector<16xi32>, vector<16xi32>], vector<16xf32>,
    %mul3A_2538 = arith.constant 0 : i32
    %mul3A_2539 = vector.broadcast %mul3A_2538 : i32 to vector<16xi32>
    %mul3A_2540 = arith.muli %iota3A, %mul3A_2539 : vector<16xi32>
    %add3A_2541 = arith.constant 2 : i32
    %add3A_2542 = vector.broadcast %add3A_2541 : i32 to vector<16xi32>
    %add3A_2543 = arith.addi %mul3A_2540, %add3A_2542 : vector<16xi32>
    tpu.vector_store_idx %arg10[%add3A_2423, %add3A_2543], %gather3A_2537 : memref<512x3xf32, #tpu.memory_space<vmem>>[vector<16xi32>, vector<16xi32>], vector<16xf32>,
    %add3A_2544 = arith.constant 16 : i32
    %add3A_2545 = vector.broadcast %add3A_2544 : i32 to vector<16xi32>
    %add3A_2546 = arith.addi %add3A_2545, %iota3A : vector<16xi32>
    %get3A_2547 = arith.constant 272 : index
    %get3A_2548 = tpu.vector_load %arg6[%get3A_2547] {strides = array<i32>} : memref<512xi32, #tpu.memory_space<vmem>>, vector<16xi32>,
    %add3A_2549 = arith.constant 272 : i32
    %add3A_2550 = vector.broadcast %add3A_2549 : i32 to vector<16xi32>
    %add3A_2551 = arith.addi %add3A_2550, %iota3A : vector<16xi32>
    %and3A_2552 = arith.constant 15 : i32
    %and3A_2553 = vector.broadcast %and3A_2552 : i32 to vector<16xi32>
    %and3A_2554 = arith.andi %get3A_2548, %and3A_2553 : vector<16xi32>
    %mul3A_2555 = arith.constant 8 : i32
    %mul3A_2556 = vector.broadcast %mul3A_2555 : i32 to vector<16xi32>
    %mul3A_2557 = arith.muli %and3A_2554, %mul3A_2556 : vector<16xi32>
    %add3A_2558 = arith.constant 0 : i32
    %add3A_2559 = vector.broadcast %add3A_2558 : i32 to vector<16xi32>
    %add3A_2560 = arith.addi %mul3A_2557, %add3A_2559 : vector<16xi32>
    %gather3A_2561 = arith.constant 0 : i32
    %gather3A_2562 = arith.constant 0 : i32
    %gather3A_2563 = arith.constant 0 : i32
    %gather3A_2564 = tpu.memref_slice %arg8[%gather3A_2561, %gather3A_2562, %gather3A_2563] : memref<2x128x128xf32, #tpu.memory_space<vmem>> -> memref<1x128x128xf32, #tpu.memory_space<vmem>>
    %gather3A_2565 = tpu.memref_squeeze %gather3A_2564 : memref<1x128x128xf32, #tpu.memory_space<vmem>> -> memref<128x128xf32, #tpu.memory_space<vmem>>
    %gather3A_2566 = tpu.vector_load_idx %gather3A_2565[%add3A_2546, %add3A_2560] : memref<128x128xf32, #tpu.memory_space<vmem>>[vector<16xi32>, vector<16xi32>], vector<16xf32>,
    %mul3A_2567 = arith.constant 0 : i32
    %mul3A_2568 = vector.broadcast %mul3A_2567 : i32 to vector<16xi32>
    %mul3A_2569 = arith.muli %iota3A, %mul3A_2568 : vector<16xi32>
    %add3A_2570 = arith.constant 0 : i32
    %add3A_2571 = vector.broadcast %add3A_2570 : i32 to vector<16xi32>
    %add3A_2572 = arith.addi %mul3A_2569, %add3A_2571 : vector<16xi32>
    tpu.vector_store_idx %arg9[%add3A_2551, %add3A_2572], %gather3A_2566 : memref<512x4xf32, #tpu.memory_space<vmem>>[vector<16xi32>, vector<16xi32>], vector<16xf32>,
    %add3A_2573 = arith.constant 1 : i32
    %add3A_2574 = vector.broadcast %add3A_2573 : i32 to vector<16xi32>
    %add3A_2575 = arith.addi %mul3A_2557, %add3A_2574 : vector<16xi32>
    %gather3A_2576 = arith.constant 0 : i32
    %gather3A_2577 = arith.constant 0 : i32
    %gather3A_2578 = arith.constant 0 : i32
    %gather3A_2579 = tpu.memref_slice %arg8[%gather3A_2576, %gather3A_2577, %gather3A_2578] : memref<2x128x128xf32, #tpu.memory_space<vmem>> -> memref<1x128x128xf32, #tpu.memory_space<vmem>>
    %gather3A_2580 = tpu.memref_squeeze %gather3A_2579 : memref<1x128x128xf32, #tpu.memory_space<vmem>> -> memref<128x128xf32, #tpu.memory_space<vmem>>
    %gather3A_2581 = tpu.vector_load_idx %gather3A_2580[%add3A_2546, %add3A_2575] : memref<128x128xf32, #tpu.memory_space<vmem>>[vector<16xi32>, vector<16xi32>], vector<16xf32>,
    %mul3A_2582 = arith.constant 0 : i32
    %mul3A_2583 = vector.broadcast %mul3A_2582 : i32 to vector<16xi32>
    %mul3A_2584 = arith.muli %iota3A, %mul3A_2583 : vector<16xi32>
    %add3A_2585 = arith.constant 1 : i32
    %add3A_2586 = vector.broadcast %add3A_2585 : i32 to vector<16xi32>
    %add3A_2587 = arith.addi %mul3A_2584, %add3A_2586 : vector<16xi32>
    tpu.vector_store_idx %arg9[%add3A_2551, %add3A_2587], %gather3A_2581 : memref<512x4xf32, #tpu.memory_space<vmem>>[vector<16xi32>, vector<16xi32>], vector<16xf32>,
    %add3A_2588 = arith.constant 2 : i32
    %add3A_2589 = vector.broadcast %add3A_2588 : i32 to vector<16xi32>
    %add3A_2590 = arith.addi %mul3A_2557, %add3A_2589 : vector<16xi32>
    %gather3A_2591 = arith.constant 0 : i32
    %gather3A_2592 = arith.constant 0 : i32
    %gather3A_2593 = arith.constant 0 : i32
    %gather3A_2594 = tpu.memref_slice %arg8[%gather3A_2591, %gather3A_2592, %gather3A_2593] : memref<2x128x128xf32, #tpu.memory_space<vmem>> -> memref<1x128x128xf32, #tpu.memory_space<vmem>>
    %gather3A_2595 = tpu.memref_squeeze %gather3A_2594 : memref<1x128x128xf32, #tpu.memory_space<vmem>> -> memref<128x128xf32, #tpu.memory_space<vmem>>
    %gather3A_2596 = tpu.vector_load_idx %gather3A_2595[%add3A_2546, %add3A_2590] : memref<128x128xf32, #tpu.memory_space<vmem>>[vector<16xi32>, vector<16xi32>], vector<16xf32>,
    %mul3A_2597 = arith.constant 0 : i32
    %mul3A_2598 = vector.broadcast %mul3A_2597 : i32 to vector<16xi32>
    %mul3A_2599 = arith.muli %iota3A, %mul3A_2598 : vector<16xi32>
    %add3A_2600 = arith.constant 2 : i32
    %add3A_2601 = vector.broadcast %add3A_2600 : i32 to vector<16xi32>
    %add3A_2602 = arith.addi %mul3A_2599, %add3A_2601 : vector<16xi32>
    tpu.vector_store_idx %arg9[%add3A_2551, %add3A_2602], %gather3A_2596 : memref<512x4xf32, #tpu.memory_space<vmem>>[vector<16xi32>, vector<16xi32>], vector<16xf32>,
    %add3A_2603 = arith.constant 3 : i32
    %add3A_2604 = vector.broadcast %add3A_2603 : i32 to vector<16xi32>
    %add3A_2605 = arith.addi %mul3A_2557, %add3A_2604 : vector<16xi32>
    %gather3A_2606 = arith.constant 0 : i32
    %gather3A_2607 = arith.constant 0 : i32
    %gather3A_2608 = arith.constant 0 : i32
    %gather3A_2609 = tpu.memref_slice %arg8[%gather3A_2606, %gather3A_2607, %gather3A_2608] : memref<2x128x128xf32, #tpu.memory_space<vmem>> -> memref<1x128x128xf32, #tpu.memory_space<vmem>>
    %gather3A_2610 = tpu.memref_squeeze %gather3A_2609 : memref<1x128x128xf32, #tpu.memory_space<vmem>> -> memref<128x128xf32, #tpu.memory_space<vmem>>
    %gather3A_2611 = tpu.vector_load_idx %gather3A_2610[%add3A_2546, %add3A_2605] : memref<128x128xf32, #tpu.memory_space<vmem>>[vector<16xi32>, vector<16xi32>], vector<16xf32>,
    %mul3A_2612 = arith.constant 0 : i32
    %mul3A_2613 = vector.broadcast %mul3A_2612 : i32 to vector<16xi32>
    %mul3A_2614 = arith.muli %iota3A, %mul3A_2613 : vector<16xi32>
    %add3A_2615 = arith.constant 3 : i32
    %add3A_2616 = vector.broadcast %add3A_2615 : i32 to vector<16xi32>
    %add3A_2617 = arith.addi %mul3A_2614, %add3A_2616 : vector<16xi32>
    tpu.vector_store_idx %arg9[%add3A_2551, %add3A_2617], %gather3A_2611 : memref<512x4xf32, #tpu.memory_space<vmem>>[vector<16xi32>, vector<16xi32>], vector<16xf32>,
    %add3A_2618 = arith.constant 4 : i32
    %add3A_2619 = vector.broadcast %add3A_2618 : i32 to vector<16xi32>
    %add3A_2620 = arith.addi %mul3A_2557, %add3A_2619 : vector<16xi32>
    %add3A_2621 = arith.constant 0 : i32
    %add3A_2622 = vector.broadcast %add3A_2621 : i32 to vector<16xi32>
    %add3A_2623 = arith.addi %add3A_2620, %add3A_2622 : vector<16xi32>
    %gather3A_2624 = arith.constant 0 : i32
    %gather3A_2625 = arith.constant 0 : i32
    %gather3A_2626 = arith.constant 0 : i32
    %gather3A_2627 = tpu.memref_slice %arg8[%gather3A_2624, %gather3A_2625, %gather3A_2626] : memref<2x128x128xf32, #tpu.memory_space<vmem>> -> memref<1x128x128xf32, #tpu.memory_space<vmem>>
    %gather3A_2628 = tpu.memref_squeeze %gather3A_2627 : memref<1x128x128xf32, #tpu.memory_space<vmem>> -> memref<128x128xf32, #tpu.memory_space<vmem>>
    %gather3A_2629 = tpu.vector_load_idx %gather3A_2628[%add3A_2546, %add3A_2623] : memref<128x128xf32, #tpu.memory_space<vmem>>[vector<16xi32>, vector<16xi32>], vector<16xf32>,
    %mul3A_2630 = arith.constant 0 : i32
    %mul3A_2631 = vector.broadcast %mul3A_2630 : i32 to vector<16xi32>
    %mul3A_2632 = arith.muli %iota3A, %mul3A_2631 : vector<16xi32>
    %add3A_2633 = arith.constant 0 : i32
    %add3A_2634 = vector.broadcast %add3A_2633 : i32 to vector<16xi32>
    %add3A_2635 = arith.addi %mul3A_2632, %add3A_2634 : vector<16xi32>
    tpu.vector_store_idx %arg10[%add3A_2551, %add3A_2635], %gather3A_2629 : memref<512x3xf32, #tpu.memory_space<vmem>>[vector<16xi32>, vector<16xi32>], vector<16xf32>,
    %add3A_2636 = arith.constant 4 : i32
    %add3A_2637 = vector.broadcast %add3A_2636 : i32 to vector<16xi32>
    %add3A_2638 = arith.addi %mul3A_2557, %add3A_2637 : vector<16xi32>
    %add3A_2639 = arith.constant 1 : i32
    %add3A_2640 = vector.broadcast %add3A_2639 : i32 to vector<16xi32>
    %add3A_2641 = arith.addi %add3A_2638, %add3A_2640 : vector<16xi32>
    %gather3A_2642 = arith.constant 0 : i32
    %gather3A_2643 = arith.constant 0 : i32
    %gather3A_2644 = arith.constant 0 : i32
    %gather3A_2645 = tpu.memref_slice %arg8[%gather3A_2642, %gather3A_2643, %gather3A_2644] : memref<2x128x128xf32, #tpu.memory_space<vmem>> -> memref<1x128x128xf32, #tpu.memory_space<vmem>>
    %gather3A_2646 = tpu.memref_squeeze %gather3A_2645 : memref<1x128x128xf32, #tpu.memory_space<vmem>> -> memref<128x128xf32, #tpu.memory_space<vmem>>
    %gather3A_2647 = tpu.vector_load_idx %gather3A_2646[%add3A_2546, %add3A_2641] : memref<128x128xf32, #tpu.memory_space<vmem>>[vector<16xi32>, vector<16xi32>], vector<16xf32>,
    %mul3A_2648 = arith.constant 0 : i32
    %mul3A_2649 = vector.broadcast %mul3A_2648 : i32 to vector<16xi32>
    %mul3A_2650 = arith.muli %iota3A, %mul3A_2649 : vector<16xi32>
    %add3A_2651 = arith.constant 1 : i32
    %add3A_2652 = vector.broadcast %add3A_2651 : i32 to vector<16xi32>
    %add3A_2653 = arith.addi %mul3A_2650, %add3A_2652 : vector<16xi32>
    tpu.vector_store_idx %arg10[%add3A_2551, %add3A_2653], %gather3A_2647 : memref<512x3xf32, #tpu.memory_space<vmem>>[vector<16xi32>, vector<16xi32>], vector<16xf32>,
    %add3A_2654 = arith.constant 4 : i32
    %add3A_2655 = vector.broadcast %add3A_2654 : i32 to vector<16xi32>
    %add3A_2656 = arith.addi %mul3A_2557, %add3A_2655 : vector<16xi32>
    %add3A_2657 = arith.constant 2 : i32
    %add3A_2658 = vector.broadcast %add3A_2657 : i32 to vector<16xi32>
    %add3A_2659 = arith.addi %add3A_2656, %add3A_2658 : vector<16xi32>
    %gather3A_2660 = arith.constant 0 : i32
    %gather3A_2661 = arith.constant 0 : i32
    %gather3A_2662 = arith.constant 0 : i32
    %gather3A_2663 = tpu.memref_slice %arg8[%gather3A_2660, %gather3A_2661, %gather3A_2662] : memref<2x128x128xf32, #tpu.memory_space<vmem>> -> memref<1x128x128xf32, #tpu.memory_space<vmem>>
    %gather3A_2664 = tpu.memref_squeeze %gather3A_2663 : memref<1x128x128xf32, #tpu.memory_space<vmem>> -> memref<128x128xf32, #tpu.memory_space<vmem>>
    %gather3A_2665 = tpu.vector_load_idx %gather3A_2664[%add3A_2546, %add3A_2659] : memref<128x128xf32, #tpu.memory_space<vmem>>[vector<16xi32>, vector<16xi32>], vector<16xf32>,
    %mul3A_2666 = arith.constant 0 : i32
    %mul3A_2667 = vector.broadcast %mul3A_2666 : i32 to vector<16xi32>
    %mul3A_2668 = arith.muli %iota3A, %mul3A_2667 : vector<16xi32>
    %add3A_2669 = arith.constant 2 : i32
    %add3A_2670 = vector.broadcast %add3A_2669 : i32 to vector<16xi32>
    %add3A_2671 = arith.addi %mul3A_2668, %add3A_2670 : vector<16xi32>
    tpu.vector_store_idx %arg10[%add3A_2551, %add3A_2671], %gather3A_2665 : memref<512x3xf32, #tpu.memory_space<vmem>>[vector<16xi32>, vector<16xi32>], vector<16xf32>,
    %add3A_2672 = arith.constant 32 : i32
    %add3A_2673 = vector.broadcast %add3A_2672 : i32 to vector<16xi32>
    %add3A_2674 = arith.addi %add3A_2673, %iota3A : vector<16xi32>
    %get3A_2675 = arith.constant 288 : index
    %get3A_2676 = tpu.vector_load %arg6[%get3A_2675] {strides = array<i32>} : memref<512xi32, #tpu.memory_space<vmem>>, vector<16xi32>,
    %add3A_2677 = arith.constant 288 : i32
    %add3A_2678 = vector.broadcast %add3A_2677 : i32 to vector<16xi32>
    %add3A_2679 = arith.addi %add3A_2678, %iota3A : vector<16xi32>
    %and3A_2680 = arith.constant 15 : i32
    %and3A_2681 = vector.broadcast %and3A_2680 : i32 to vector<16xi32>
    %and3A_2682 = arith.andi %get3A_2676, %and3A_2681 : vector<16xi32>
    %mul3A_2683 = arith.constant 8 : i32
    %mul3A_2684 = vector.broadcast %mul3A_2683 : i32 to vector<16xi32>
    %mul3A_2685 = arith.muli %and3A_2682, %mul3A_2684 : vector<16xi32>
    %add3A_2686 = arith.constant 0 : i32
    %add3A_2687 = vector.broadcast %add3A_2686 : i32 to vector<16xi32>
    %add3A_2688 = arith.addi %mul3A_2685, %add3A_2687 : vector<16xi32>
    %gather3A_2689 = arith.constant 0 : i32
    %gather3A_2690 = arith.constant 0 : i32
    %gather3A_2691 = arith.constant 0 : i32
    %gather3A_2692 = tpu.memref_slice %arg8[%gather3A_2689, %gather3A_2690, %gather3A_2691] : memref<2x128x128xf32, #tpu.memory_space<vmem>> -> memref<1x128x128xf32, #tpu.memory_space<vmem>>
    %gather3A_2693 = tpu.memref_squeeze %gather3A_2692 : memref<1x128x128xf32, #tpu.memory_space<vmem>> -> memref<128x128xf32, #tpu.memory_space<vmem>>
    %gather3A_2694 = tpu.vector_load_idx %gather3A_2693[%add3A_2674, %add3A_2688] : memref<128x128xf32, #tpu.memory_space<vmem>>[vector<16xi32>, vector<16xi32>], vector<16xf32>,
    %mul3A_2695 = arith.constant 0 : i32
    %mul3A_2696 = vector.broadcast %mul3A_2695 : i32 to vector<16xi32>
    %mul3A_2697 = arith.muli %iota3A, %mul3A_2696 : vector<16xi32>
    %add3A_2698 = arith.constant 0 : i32
    %add3A_2699 = vector.broadcast %add3A_2698 : i32 to vector<16xi32>
    %add3A_2700 = arith.addi %mul3A_2697, %add3A_2699 : vector<16xi32>
    tpu.vector_store_idx %arg9[%add3A_2679, %add3A_2700], %gather3A_2694 : memref<512x4xf32, #tpu.memory_space<vmem>>[vector<16xi32>, vector<16xi32>], vector<16xf32>,
    %add3A_2701 = arith.constant 1 : i32
    %add3A_2702 = vector.broadcast %add3A_2701 : i32 to vector<16xi32>
    %add3A_2703 = arith.addi %mul3A_2685, %add3A_2702 : vector<16xi32>
    %gather3A_2704 = arith.constant 0 : i32
    %gather3A_2705 = arith.constant 0 : i32
    %gather3A_2706 = arith.constant 0 : i32
    %gather3A_2707 = tpu.memref_slice %arg8[%gather3A_2704, %gather3A_2705, %gather3A_2706] : memref<2x128x128xf32, #tpu.memory_space<vmem>> -> memref<1x128x128xf32, #tpu.memory_space<vmem>>
    %gather3A_2708 = tpu.memref_squeeze %gather3A_2707 : memref<1x128x128xf32, #tpu.memory_space<vmem>> -> memref<128x128xf32, #tpu.memory_space<vmem>>
    %gather3A_2709 = tpu.vector_load_idx %gather3A_2708[%add3A_2674, %add3A_2703] : memref<128x128xf32, #tpu.memory_space<vmem>>[vector<16xi32>, vector<16xi32>], vector<16xf32>,
    %mul3A_2710 = arith.constant 0 : i32
    %mul3A_2711 = vector.broadcast %mul3A_2710 : i32 to vector<16xi32>
    %mul3A_2712 = arith.muli %iota3A, %mul3A_2711 : vector<16xi32>
    %add3A_2713 = arith.constant 1 : i32
    %add3A_2714 = vector.broadcast %add3A_2713 : i32 to vector<16xi32>
    %add3A_2715 = arith.addi %mul3A_2712, %add3A_2714 : vector<16xi32>
    tpu.vector_store_idx %arg9[%add3A_2679, %add3A_2715], %gather3A_2709 : memref<512x4xf32, #tpu.memory_space<vmem>>[vector<16xi32>, vector<16xi32>], vector<16xf32>,
    %add3A_2716 = arith.constant 2 : i32
    %add3A_2717 = vector.broadcast %add3A_2716 : i32 to vector<16xi32>
    %add3A_2718 = arith.addi %mul3A_2685, %add3A_2717 : vector<16xi32>
    %gather3A_2719 = arith.constant 0 : i32
    %gather3A_2720 = arith.constant 0 : i32
    %gather3A_2721 = arith.constant 0 : i32
    %gather3A_2722 = tpu.memref_slice %arg8[%gather3A_2719, %gather3A_2720, %gather3A_2721] : memref<2x128x128xf32, #tpu.memory_space<vmem>> -> memref<1x128x128xf32, #tpu.memory_space<vmem>>
    %gather3A_2723 = tpu.memref_squeeze %gather3A_2722 : memref<1x128x128xf32, #tpu.memory_space<vmem>> -> memref<128x128xf32, #tpu.memory_space<vmem>>
    %gather3A_2724 = tpu.vector_load_idx %gather3A_2723[%add3A_2674, %add3A_2718] : memref<128x128xf32, #tpu.memory_space<vmem>>[vector<16xi32>, vector<16xi32>], vector<16xf32>,
    %mul3A_2725 = arith.constant 0 : i32
    %mul3A_2726 = vector.broadcast %mul3A_2725 : i32 to vector<16xi32>
    %mul3A_2727 = arith.muli %iota3A, %mul3A_2726 : vector<16xi32>
    %add3A_2728 = arith.constant 2 : i32
    %add3A_2729 = vector.broadcast %add3A_2728 : i32 to vector<16xi32>
    %add3A_2730 = arith.addi %mul3A_2727, %add3A_2729 : vector<16xi32>
    tpu.vector_store_idx %arg9[%add3A_2679, %add3A_2730], %gather3A_2724 : memref<512x4xf32, #tpu.memory_space<vmem>>[vector<16xi32>, vector<16xi32>], vector<16xf32>,
    %add3A_2731 = arith.constant 3 : i32
    %add3A_2732 = vector.broadcast %add3A_2731 : i32 to vector<16xi32>
    %add3A_2733 = arith.addi %mul3A_2685, %add3A_2732 : vector<16xi32>
    %gather3A_2734 = arith.constant 0 : i32
    %gather3A_2735 = arith.constant 0 : i32
    %gather3A_2736 = arith.constant 0 : i32
    %gather3A_2737 = tpu.memref_slice %arg8[%gather3A_2734, %gather3A_2735, %gather3A_2736] : memref<2x128x128xf32, #tpu.memory_space<vmem>> -> memref<1x128x128xf32, #tpu.memory_space<vmem>>
    %gather3A_2738 = tpu.memref_squeeze %gather3A_2737 : memref<1x128x128xf32, #tpu.memory_space<vmem>> -> memref<128x128xf32, #tpu.memory_space<vmem>>
    %gather3A_2739 = tpu.vector_load_idx %gather3A_2738[%add3A_2674, %add3A_2733] : memref<128x128xf32, #tpu.memory_space<vmem>>[vector<16xi32>, vector<16xi32>], vector<16xf32>,
    %mul3A_2740 = arith.constant 0 : i32
    %mul3A_2741 = vector.broadcast %mul3A_2740 : i32 to vector<16xi32>
    %mul3A_2742 = arith.muli %iota3A, %mul3A_2741 : vector<16xi32>
    %add3A_2743 = arith.constant 3 : i32
    %add3A_2744 = vector.broadcast %add3A_2743 : i32 to vector<16xi32>
    %add3A_2745 = arith.addi %mul3A_2742, %add3A_2744 : vector<16xi32>
    tpu.vector_store_idx %arg9[%add3A_2679, %add3A_2745], %gather3A_2739 : memref<512x4xf32, #tpu.memory_space<vmem>>[vector<16xi32>, vector<16xi32>], vector<16xf32>,
    %add3A_2746 = arith.constant 4 : i32
    %add3A_2747 = vector.broadcast %add3A_2746 : i32 to vector<16xi32>
    %add3A_2748 = arith.addi %mul3A_2685, %add3A_2747 : vector<16xi32>
    %add3A_2749 = arith.constant 0 : i32
    %add3A_2750 = vector.broadcast %add3A_2749 : i32 to vector<16xi32>
    %add3A_2751 = arith.addi %add3A_2748, %add3A_2750 : vector<16xi32>
    %gather3A_2752 = arith.constant 0 : i32
    %gather3A_2753 = arith.constant 0 : i32
    %gather3A_2754 = arith.constant 0 : i32
    %gather3A_2755 = tpu.memref_slice %arg8[%gather3A_2752, %gather3A_2753, %gather3A_2754] : memref<2x128x128xf32, #tpu.memory_space<vmem>> -> memref<1x128x128xf32, #tpu.memory_space<vmem>>
    %gather3A_2756 = tpu.memref_squeeze %gather3A_2755 : memref<1x128x128xf32, #tpu.memory_space<vmem>> -> memref<128x128xf32, #tpu.memory_space<vmem>>
    %gather3A_2757 = tpu.vector_load_idx %gather3A_2756[%add3A_2674, %add3A_2751] : memref<128x128xf32, #tpu.memory_space<vmem>>[vector<16xi32>, vector<16xi32>], vector<16xf32>,
    %mul3A_2758 = arith.constant 0 : i32
    %mul3A_2759 = vector.broadcast %mul3A_2758 : i32 to vector<16xi32>
    %mul3A_2760 = arith.muli %iota3A, %mul3A_2759 : vector<16xi32>
    %add3A_2761 = arith.constant 0 : i32
    %add3A_2762 = vector.broadcast %add3A_2761 : i32 to vector<16xi32>
    %add3A_2763 = arith.addi %mul3A_2760, %add3A_2762 : vector<16xi32>
    tpu.vector_store_idx %arg10[%add3A_2679, %add3A_2763], %gather3A_2757 : memref<512x3xf32, #tpu.memory_space<vmem>>[vector<16xi32>, vector<16xi32>], vector<16xf32>,
    %add3A_2764 = arith.constant 4 : i32
    %add3A_2765 = vector.broadcast %add3A_2764 : i32 to vector<16xi32>
    %add3A_2766 = arith.addi %mul3A_2685, %add3A_2765 : vector<16xi32>
    %add3A_2767 = arith.constant 1 : i32
    %add3A_2768 = vector.broadcast %add3A_2767 : i32 to vector<16xi32>
    %add3A_2769 = arith.addi %add3A_2766, %add3A_2768 : vector<16xi32>
    %gather3A_2770 = arith.constant 0 : i32
    %gather3A_2771 = arith.constant 0 : i32
    %gather3A_2772 = arith.constant 0 : i32
    %gather3A_2773 = tpu.memref_slice %arg8[%gather3A_2770, %gather3A_2771, %gather3A_2772] : memref<2x128x128xf32, #tpu.memory_space<vmem>> -> memref<1x128x128xf32, #tpu.memory_space<vmem>>
    %gather3A_2774 = tpu.memref_squeeze %gather3A_2773 : memref<1x128x128xf32, #tpu.memory_space<vmem>> -> memref<128x128xf32, #tpu.memory_space<vmem>>
    %gather3A_2775 = tpu.vector_load_idx %gather3A_2774[%add3A_2674, %add3A_2769] : memref<128x128xf32, #tpu.memory_space<vmem>>[vector<16xi32>, vector<16xi32>], vector<16xf32>,
    %mul3A_2776 = arith.constant 0 : i32
    %mul3A_2777 = vector.broadcast %mul3A_2776 : i32 to vector<16xi32>
    %mul3A_2778 = arith.muli %iota3A, %mul3A_2777 : vector<16xi32>
    %add3A_2779 = arith.constant 1 : i32
    %add3A_2780 = vector.broadcast %add3A_2779 : i32 to vector<16xi32>
    %add3A_2781 = arith.addi %mul3A_2778, %add3A_2780 : vector<16xi32>
    tpu.vector_store_idx %arg10[%add3A_2679, %add3A_2781], %gather3A_2775 : memref<512x3xf32, #tpu.memory_space<vmem>>[vector<16xi32>, vector<16xi32>], vector<16xf32>,
    %add3A_2782 = arith.constant 4 : i32
    %add3A_2783 = vector.broadcast %add3A_2782 : i32 to vector<16xi32>
    %add3A_2784 = arith.addi %mul3A_2685, %add3A_2783 : vector<16xi32>
    %add3A_2785 = arith.constant 2 : i32
    %add3A_2786 = vector.broadcast %add3A_2785 : i32 to vector<16xi32>
    %add3A_2787 = arith.addi %add3A_2784, %add3A_2786 : vector<16xi32>
    %gather3A_2788 = arith.constant 0 : i32
    %gather3A_2789 = arith.constant 0 : i32
    %gather3A_2790 = arith.constant 0 : i32
    %gather3A_2791 = tpu.memref_slice %arg8[%gather3A_2788, %gather3A_2789, %gather3A_2790] : memref<2x128x128xf32, #tpu.memory_space<vmem>> -> memref<1x128x128xf32, #tpu.memory_space<vmem>>
    %gather3A_2792 = tpu.memref_squeeze %gather3A_2791 : memref<1x128x128xf32, #tpu.memory_space<vmem>> -> memref<128x128xf32, #tpu.memory_space<vmem>>
    %gather3A_2793 = tpu.vector_load_idx %gather3A_2792[%add3A_2674, %add3A_2787] : memref<128x128xf32, #tpu.memory_space<vmem>>[vector<16xi32>, vector<16xi32>], vector<16xf32>,
    %mul3A_2794 = arith.constant 0 : i32
    %mul3A_2795 = vector.broadcast %mul3A_2794 : i32 to vector<16xi32>
    %mul3A_2796 = arith.muli %iota3A, %mul3A_2795 : vector<16xi32>
    %add3A_2797 = arith.constant 2 : i32
    %add3A_2798 = vector.broadcast %add3A_2797 : i32 to vector<16xi32>
    %add3A_2799 = arith.addi %mul3A_2796, %add3A_2798 : vector<16xi32>
    tpu.vector_store_idx %arg10[%add3A_2679, %add3A_2799], %gather3A_2793 : memref<512x3xf32, #tpu.memory_space<vmem>>[vector<16xi32>, vector<16xi32>], vector<16xf32>,
    %add3A_2800 = arith.constant 48 : i32
    %add3A_2801 = vector.broadcast %add3A_2800 : i32 to vector<16xi32>
    %add3A_2802 = arith.addi %add3A_2801, %iota3A : vector<16xi32>
    %get3A_2803 = arith.constant 304 : index
    %get3A_2804 = tpu.vector_load %arg6[%get3A_2803] {strides = array<i32>} : memref<512xi32, #tpu.memory_space<vmem>>, vector<16xi32>,
    %add3A_2805 = arith.constant 304 : i32
    %add3A_2806 = vector.broadcast %add3A_2805 : i32 to vector<16xi32>
    %add3A_2807 = arith.addi %add3A_2806, %iota3A : vector<16xi32>
    %and3A_2808 = arith.constant 15 : i32
    %and3A_2809 = vector.broadcast %and3A_2808 : i32 to vector<16xi32>
    %and3A_2810 = arith.andi %get3A_2804, %and3A_2809 : vector<16xi32>
    %mul3A_2811 = arith.constant 8 : i32
    %mul3A_2812 = vector.broadcast %mul3A_2811 : i32 to vector<16xi32>
    %mul3A_2813 = arith.muli %and3A_2810, %mul3A_2812 : vector<16xi32>
    %add3A_2814 = arith.constant 0 : i32
    %add3A_2815 = vector.broadcast %add3A_2814 : i32 to vector<16xi32>
    %add3A_2816 = arith.addi %mul3A_2813, %add3A_2815 : vector<16xi32>
    %gather3A_2817 = arith.constant 0 : i32
    %gather3A_2818 = arith.constant 0 : i32
    %gather3A_2819 = arith.constant 0 : i32
    %gather3A_2820 = tpu.memref_slice %arg8[%gather3A_2817, %gather3A_2818, %gather3A_2819] : memref<2x128x128xf32, #tpu.memory_space<vmem>> -> memref<1x128x128xf32, #tpu.memory_space<vmem>>
    %gather3A_2821 = tpu.memref_squeeze %gather3A_2820 : memref<1x128x128xf32, #tpu.memory_space<vmem>> -> memref<128x128xf32, #tpu.memory_space<vmem>>
    %gather3A_2822 = tpu.vector_load_idx %gather3A_2821[%add3A_2802, %add3A_2816] : memref<128x128xf32, #tpu.memory_space<vmem>>[vector<16xi32>, vector<16xi32>], vector<16xf32>,
    %mul3A_2823 = arith.constant 0 : i32
    %mul3A_2824 = vector.broadcast %mul3A_2823 : i32 to vector<16xi32>
    %mul3A_2825 = arith.muli %iota3A, %mul3A_2824 : vector<16xi32>
    %add3A_2826 = arith.constant 0 : i32
    %add3A_2827 = vector.broadcast %add3A_2826 : i32 to vector<16xi32>
    %add3A_2828 = arith.addi %mul3A_2825, %add3A_2827 : vector<16xi32>
    tpu.vector_store_idx %arg9[%add3A_2807, %add3A_2828], %gather3A_2822 : memref<512x4xf32, #tpu.memory_space<vmem>>[vector<16xi32>, vector<16xi32>], vector<16xf32>,
    %add3A_2829 = arith.constant 1 : i32
    %add3A_2830 = vector.broadcast %add3A_2829 : i32 to vector<16xi32>
    %add3A_2831 = arith.addi %mul3A_2813, %add3A_2830 : vector<16xi32>
    %gather3A_2832 = arith.constant 0 : i32
    %gather3A_2833 = arith.constant 0 : i32
    %gather3A_2834 = arith.constant 0 : i32
    %gather3A_2835 = tpu.memref_slice %arg8[%gather3A_2832, %gather3A_2833, %gather3A_2834] : memref<2x128x128xf32, #tpu.memory_space<vmem>> -> memref<1x128x128xf32, #tpu.memory_space<vmem>>
    %gather3A_2836 = tpu.memref_squeeze %gather3A_2835 : memref<1x128x128xf32, #tpu.memory_space<vmem>> -> memref<128x128xf32, #tpu.memory_space<vmem>>
    %gather3A_2837 = tpu.vector_load_idx %gather3A_2836[%add3A_2802, %add3A_2831] : memref<128x128xf32, #tpu.memory_space<vmem>>[vector<16xi32>, vector<16xi32>], vector<16xf32>,
    %mul3A_2838 = arith.constant 0 : i32
    %mul3A_2839 = vector.broadcast %mul3A_2838 : i32 to vector<16xi32>
    %mul3A_2840 = arith.muli %iota3A, %mul3A_2839 : vector<16xi32>
    %add3A_2841 = arith.constant 1 : i32
    %add3A_2842 = vector.broadcast %add3A_2841 : i32 to vector<16xi32>
    %add3A_2843 = arith.addi %mul3A_2840, %add3A_2842 : vector<16xi32>
    tpu.vector_store_idx %arg9[%add3A_2807, %add3A_2843], %gather3A_2837 : memref<512x4xf32, #tpu.memory_space<vmem>>[vector<16xi32>, vector<16xi32>], vector<16xf32>,
    %add3A_2844 = arith.constant 2 : i32
    %add3A_2845 = vector.broadcast %add3A_2844 : i32 to vector<16xi32>
    %add3A_2846 = arith.addi %mul3A_2813, %add3A_2845 : vector<16xi32>
    %gather3A_2847 = arith.constant 0 : i32
    %gather3A_2848 = arith.constant 0 : i32
    %gather3A_2849 = arith.constant 0 : i32
    %gather3A_2850 = tpu.memref_slice %arg8[%gather3A_2847, %gather3A_2848, %gather3A_2849] : memref<2x128x128xf32, #tpu.memory_space<vmem>> -> memref<1x128x128xf32, #tpu.memory_space<vmem>>
    %gather3A_2851 = tpu.memref_squeeze %gather3A_2850 : memref<1x128x128xf32, #tpu.memory_space<vmem>> -> memref<128x128xf32, #tpu.memory_space<vmem>>
    %gather3A_2852 = tpu.vector_load_idx %gather3A_2851[%add3A_2802, %add3A_2846] : memref<128x128xf32, #tpu.memory_space<vmem>>[vector<16xi32>, vector<16xi32>], vector<16xf32>,
    %mul3A_2853 = arith.constant 0 : i32
    %mul3A_2854 = vector.broadcast %mul3A_2853 : i32 to vector<16xi32>
    %mul3A_2855 = arith.muli %iota3A, %mul3A_2854 : vector<16xi32>
    %add3A_2856 = arith.constant 2 : i32
    %add3A_2857 = vector.broadcast %add3A_2856 : i32 to vector<16xi32>
    %add3A_2858 = arith.addi %mul3A_2855, %add3A_2857 : vector<16xi32>
    tpu.vector_store_idx %arg9[%add3A_2807, %add3A_2858], %gather3A_2852 : memref<512x4xf32, #tpu.memory_space<vmem>>[vector<16xi32>, vector<16xi32>], vector<16xf32>,
    %add3A_2859 = arith.constant 3 : i32
    %add3A_2860 = vector.broadcast %add3A_2859 : i32 to vector<16xi32>
    %add3A_2861 = arith.addi %mul3A_2813, %add3A_2860 : vector<16xi32>
    %gather3A_2862 = arith.constant 0 : i32
    %gather3A_2863 = arith.constant 0 : i32
    %gather3A_2864 = arith.constant 0 : i32
    %gather3A_2865 = tpu.memref_slice %arg8[%gather3A_2862, %gather3A_2863, %gather3A_2864] : memref<2x128x128xf32, #tpu.memory_space<vmem>> -> memref<1x128x128xf32, #tpu.memory_space<vmem>>
    %gather3A_2866 = tpu.memref_squeeze %gather3A_2865 : memref<1x128x128xf32, #tpu.memory_space<vmem>> -> memref<128x128xf32, #tpu.memory_space<vmem>>
    %gather3A_2867 = tpu.vector_load_idx %gather3A_2866[%add3A_2802, %add3A_2861] : memref<128x128xf32, #tpu.memory_space<vmem>>[vector<16xi32>, vector<16xi32>], vector<16xf32>,
    %mul3A_2868 = arith.constant 0 : i32
    %mul3A_2869 = vector.broadcast %mul3A_2868 : i32 to vector<16xi32>
    %mul3A_2870 = arith.muli %iota3A, %mul3A_2869 : vector<16xi32>
    %add3A_2871 = arith.constant 3 : i32
    %add3A_2872 = vector.broadcast %add3A_2871 : i32 to vector<16xi32>
    %add3A_2873 = arith.addi %mul3A_2870, %add3A_2872 : vector<16xi32>
    tpu.vector_store_idx %arg9[%add3A_2807, %add3A_2873], %gather3A_2867 : memref<512x4xf32, #tpu.memory_space<vmem>>[vector<16xi32>, vector<16xi32>], vector<16xf32>,
    %add3A_2874 = arith.constant 4 : i32
    %add3A_2875 = vector.broadcast %add3A_2874 : i32 to vector<16xi32>
    %add3A_2876 = arith.addi %mul3A_2813, %add3A_2875 : vector<16xi32>
    %add3A_2877 = arith.constant 0 : i32
    %add3A_2878 = vector.broadcast %add3A_2877 : i32 to vector<16xi32>
    %add3A_2879 = arith.addi %add3A_2876, %add3A_2878 : vector<16xi32>
    %gather3A_2880 = arith.constant 0 : i32
    %gather3A_2881 = arith.constant 0 : i32
    %gather3A_2882 = arith.constant 0 : i32
    %gather3A_2883 = tpu.memref_slice %arg8[%gather3A_2880, %gather3A_2881, %gather3A_2882] : memref<2x128x128xf32, #tpu.memory_space<vmem>> -> memref<1x128x128xf32, #tpu.memory_space<vmem>>
    %gather3A_2884 = tpu.memref_squeeze %gather3A_2883 : memref<1x128x128xf32, #tpu.memory_space<vmem>> -> memref<128x128xf32, #tpu.memory_space<vmem>>
    %gather3A_2885 = tpu.vector_load_idx %gather3A_2884[%add3A_2802, %add3A_2879] : memref<128x128xf32, #tpu.memory_space<vmem>>[vector<16xi32>, vector<16xi32>], vector<16xf32>,
    %mul3A_2886 = arith.constant 0 : i32
    %mul3A_2887 = vector.broadcast %mul3A_2886 : i32 to vector<16xi32>
    %mul3A_2888 = arith.muli %iota3A, %mul3A_2887 : vector<16xi32>
    %add3A_2889 = arith.constant 0 : i32
    %add3A_2890 = vector.broadcast %add3A_2889 : i32 to vector<16xi32>
    %add3A_2891 = arith.addi %mul3A_2888, %add3A_2890 : vector<16xi32>
    tpu.vector_store_idx %arg10[%add3A_2807, %add3A_2891], %gather3A_2885 : memref<512x3xf32, #tpu.memory_space<vmem>>[vector<16xi32>, vector<16xi32>], vector<16xf32>,
    %add3A_2892 = arith.constant 4 : i32
    %add3A_2893 = vector.broadcast %add3A_2892 : i32 to vector<16xi32>
    %add3A_2894 = arith.addi %mul3A_2813, %add3A_2893 : vector<16xi32>
    %add3A_2895 = arith.constant 1 : i32
    %add3A_2896 = vector.broadcast %add3A_2895 : i32 to vector<16xi32>
    %add3A_2897 = arith.addi %add3A_2894, %add3A_2896 : vector<16xi32>
    %gather3A_2898 = arith.constant 0 : i32
    %gather3A_2899 = arith.constant 0 : i32
    %gather3A_2900 = arith.constant 0 : i32
    %gather3A_2901 = tpu.memref_slice %arg8[%gather3A_2898, %gather3A_2899, %gather3A_2900] : memref<2x128x128xf32, #tpu.memory_space<vmem>> -> memref<1x128x128xf32, #tpu.memory_space<vmem>>
    %gather3A_2902 = tpu.memref_squeeze %gather3A_2901 : memref<1x128x128xf32, #tpu.memory_space<vmem>> -> memref<128x128xf32, #tpu.memory_space<vmem>>
    %gather3A_2903 = tpu.vector_load_idx %gather3A_2902[%add3A_2802, %add3A_2897] : memref<128x128xf32, #tpu.memory_space<vmem>>[vector<16xi32>, vector<16xi32>], vector<16xf32>,
    %mul3A_2904 = arith.constant 0 : i32
    %mul3A_2905 = vector.broadcast %mul3A_2904 : i32 to vector<16xi32>
    %mul3A_2906 = arith.muli %iota3A, %mul3A_2905 : vector<16xi32>
    %add3A_2907 = arith.constant 1 : i32
    %add3A_2908 = vector.broadcast %add3A_2907 : i32 to vector<16xi32>
    %add3A_2909 = arith.addi %mul3A_2906, %add3A_2908 : vector<16xi32>
    tpu.vector_store_idx %arg10[%add3A_2807, %add3A_2909], %gather3A_2903 : memref<512x3xf32, #tpu.memory_space<vmem>>[vector<16xi32>, vector<16xi32>], vector<16xf32>,
    %add3A_2910 = arith.constant 4 : i32
    %add3A_2911 = vector.broadcast %add3A_2910 : i32 to vector<16xi32>
    %add3A_2912 = arith.addi %mul3A_2813, %add3A_2911 : vector<16xi32>
    %add3A_2913 = arith.constant 2 : i32
    %add3A_2914 = vector.broadcast %add3A_2913 : i32 to vector<16xi32>
    %add3A_2915 = arith.addi %add3A_2912, %add3A_2914 : vector<16xi32>
    %gather3A_2916 = arith.constant 0 : i32
    %gather3A_2917 = arith.constant 0 : i32
    %gather3A_2918 = arith.constant 0 : i32
    %gather3A_2919 = tpu.memref_slice %arg8[%gather3A_2916, %gather3A_2917, %gather3A_2918] : memref<2x128x128xf32, #tpu.memory_space<vmem>> -> memref<1x128x128xf32, #tpu.memory_space<vmem>>
    %gather3A_2920 = tpu.memref_squeeze %gather3A_2919 : memref<1x128x128xf32, #tpu.memory_space<vmem>> -> memref<128x128xf32, #tpu.memory_space<vmem>>
    %gather3A_2921 = tpu.vector_load_idx %gather3A_2920[%add3A_2802, %add3A_2915] : memref<128x128xf32, #tpu.memory_space<vmem>>[vector<16xi32>, vector<16xi32>], vector<16xf32>,
    %mul3A_2922 = arith.constant 0 : i32
    %mul3A_2923 = vector.broadcast %mul3A_2922 : i32 to vector<16xi32>
    %mul3A_2924 = arith.muli %iota3A, %mul3A_2923 : vector<16xi32>
    %add3A_2925 = arith.constant 2 : i32
    %add3A_2926 = vector.broadcast %add3A_2925 : i32 to vector<16xi32>
    %add3A_2927 = arith.addi %mul3A_2924, %add3A_2926 : vector<16xi32>
    tpu.vector_store_idx %arg10[%add3A_2807, %add3A_2927], %gather3A_2921 : memref<512x3xf32, #tpu.memory_space<vmem>>[vector<16xi32>, vector<16xi32>], vector<16xf32>,
    %add3A_2928 = arith.constant 64 : i32
    %add3A_2929 = vector.broadcast %add3A_2928 : i32 to vector<16xi32>
    %add3A_2930 = arith.addi %add3A_2929, %iota3A : vector<16xi32>
    %get3A_2931 = arith.constant 320 : index
    %get3A_2932 = tpu.vector_load %arg6[%get3A_2931] {strides = array<i32>} : memref<512xi32, #tpu.memory_space<vmem>>, vector<16xi32>,
    %add3A_2933 = arith.constant 320 : i32
    %add3A_2934 = vector.broadcast %add3A_2933 : i32 to vector<16xi32>
    %add3A_2935 = arith.addi %add3A_2934, %iota3A : vector<16xi32>
    %and3A_2936 = arith.constant 15 : i32
    %and3A_2937 = vector.broadcast %and3A_2936 : i32 to vector<16xi32>
    %and3A_2938 = arith.andi %get3A_2932, %and3A_2937 : vector<16xi32>
    %mul3A_2939 = arith.constant 8 : i32
    %mul3A_2940 = vector.broadcast %mul3A_2939 : i32 to vector<16xi32>
    %mul3A_2941 = arith.muli %and3A_2938, %mul3A_2940 : vector<16xi32>
    %add3A_2942 = arith.constant 0 : i32
    %add3A_2943 = vector.broadcast %add3A_2942 : i32 to vector<16xi32>
    %add3A_2944 = arith.addi %mul3A_2941, %add3A_2943 : vector<16xi32>
    %gather3A_2945 = arith.constant 0 : i32
    %gather3A_2946 = arith.constant 0 : i32
    %gather3A_2947 = arith.constant 0 : i32
    %gather3A_2948 = tpu.memref_slice %arg8[%gather3A_2945, %gather3A_2946, %gather3A_2947] : memref<2x128x128xf32, #tpu.memory_space<vmem>> -> memref<1x128x128xf32, #tpu.memory_space<vmem>>
    %gather3A_2949 = tpu.memref_squeeze %gather3A_2948 : memref<1x128x128xf32, #tpu.memory_space<vmem>> -> memref<128x128xf32, #tpu.memory_space<vmem>>
    %gather3A_2950 = tpu.vector_load_idx %gather3A_2949[%add3A_2930, %add3A_2944] : memref<128x128xf32, #tpu.memory_space<vmem>>[vector<16xi32>, vector<16xi32>], vector<16xf32>,
    %mul3A_2951 = arith.constant 0 : i32
    %mul3A_2952 = vector.broadcast %mul3A_2951 : i32 to vector<16xi32>
    %mul3A_2953 = arith.muli %iota3A, %mul3A_2952 : vector<16xi32>
    %add3A_2954 = arith.constant 0 : i32
    %add3A_2955 = vector.broadcast %add3A_2954 : i32 to vector<16xi32>
    %add3A_2956 = arith.addi %mul3A_2953, %add3A_2955 : vector<16xi32>
    tpu.vector_store_idx %arg9[%add3A_2935, %add3A_2956], %gather3A_2950 : memref<512x4xf32, #tpu.memory_space<vmem>>[vector<16xi32>, vector<16xi32>], vector<16xf32>,
    %add3A_2957 = arith.constant 1 : i32
    %add3A_2958 = vector.broadcast %add3A_2957 : i32 to vector<16xi32>
    %add3A_2959 = arith.addi %mul3A_2941, %add3A_2958 : vector<16xi32>
    %gather3A_2960 = arith.constant 0 : i32
    %gather3A_2961 = arith.constant 0 : i32
    %gather3A_2962 = arith.constant 0 : i32
    %gather3A_2963 = tpu.memref_slice %arg8[%gather3A_2960, %gather3A_2961, %gather3A_2962] : memref<2x128x128xf32, #tpu.memory_space<vmem>> -> memref<1x128x128xf32, #tpu.memory_space<vmem>>
    %gather3A_2964 = tpu.memref_squeeze %gather3A_2963 : memref<1x128x128xf32, #tpu.memory_space<vmem>> -> memref<128x128xf32, #tpu.memory_space<vmem>>
    %gather3A_2965 = tpu.vector_load_idx %gather3A_2964[%add3A_2930, %add3A_2959] : memref<128x128xf32, #tpu.memory_space<vmem>>[vector<16xi32>, vector<16xi32>], vector<16xf32>,
    %mul3A_2966 = arith.constant 0 : i32
    %mul3A_2967 = vector.broadcast %mul3A_2966 : i32 to vector<16xi32>
    %mul3A_2968 = arith.muli %iota3A, %mul3A_2967 : vector<16xi32>
    %add3A_2969 = arith.constant 1 : i32
    %add3A_2970 = vector.broadcast %add3A_2969 : i32 to vector<16xi32>
    %add3A_2971 = arith.addi %mul3A_2968, %add3A_2970 : vector<16xi32>
    tpu.vector_store_idx %arg9[%add3A_2935, %add3A_2971], %gather3A_2965 : memref<512x4xf32, #tpu.memory_space<vmem>>[vector<16xi32>, vector<16xi32>], vector<16xf32>,
    %add3A_2972 = arith.constant 2 : i32
    %add3A_2973 = vector.broadcast %add3A_2972 : i32 to vector<16xi32>
    %add3A_2974 = arith.addi %mul3A_2941, %add3A_2973 : vector<16xi32>
    %gather3A_2975 = arith.constant 0 : i32
    %gather3A_2976 = arith.constant 0 : i32
    %gather3A_2977 = arith.constant 0 : i32
    %gather3A_2978 = tpu.memref_slice %arg8[%gather3A_2975, %gather3A_2976, %gather3A_2977] : memref<2x128x128xf32, #tpu.memory_space<vmem>> -> memref<1x128x128xf32, #tpu.memory_space<vmem>>
    %gather3A_2979 = tpu.memref_squeeze %gather3A_2978 : memref<1x128x128xf32, #tpu.memory_space<vmem>> -> memref<128x128xf32, #tpu.memory_space<vmem>>
    %gather3A_2980 = tpu.vector_load_idx %gather3A_2979[%add3A_2930, %add3A_2974] : memref<128x128xf32, #tpu.memory_space<vmem>>[vector<16xi32>, vector<16xi32>], vector<16xf32>,
    %mul3A_2981 = arith.constant 0 : i32
    %mul3A_2982 = vector.broadcast %mul3A_2981 : i32 to vector<16xi32>
    %mul3A_2983 = arith.muli %iota3A, %mul3A_2982 : vector<16xi32>
    %add3A_2984 = arith.constant 2 : i32
    %add3A_2985 = vector.broadcast %add3A_2984 : i32 to vector<16xi32>
    %add3A_2986 = arith.addi %mul3A_2983, %add3A_2985 : vector<16xi32>
    tpu.vector_store_idx %arg9[%add3A_2935, %add3A_2986], %gather3A_2980 : memref<512x4xf32, #tpu.memory_space<vmem>>[vector<16xi32>, vector<16xi32>], vector<16xf32>,
    %add3A_2987 = arith.constant 3 : i32
    %add3A_2988 = vector.broadcast %add3A_2987 : i32 to vector<16xi32>
    %add3A_2989 = arith.addi %mul3A_2941, %add3A_2988 : vector<16xi32>
    %gather3A_2990 = arith.constant 0 : i32
    %gather3A_2991 = arith.constant 0 : i32
    %gather3A_2992 = arith.constant 0 : i32
    %gather3A_2993 = tpu.memref_slice %arg8[%gather3A_2990, %gather3A_2991, %gather3A_2992] : memref<2x128x128xf32, #tpu.memory_space<vmem>> -> memref<1x128x128xf32, #tpu.memory_space<vmem>>
    %gather3A_2994 = tpu.memref_squeeze %gather3A_2993 : memref<1x128x128xf32, #tpu.memory_space<vmem>> -> memref<128x128xf32, #tpu.memory_space<vmem>>
    %gather3A_2995 = tpu.vector_load_idx %gather3A_2994[%add3A_2930, %add3A_2989] : memref<128x128xf32, #tpu.memory_space<vmem>>[vector<16xi32>, vector<16xi32>], vector<16xf32>,
    %mul3A_2996 = arith.constant 0 : i32
    %mul3A_2997 = vector.broadcast %mul3A_2996 : i32 to vector<16xi32>
    %mul3A_2998 = arith.muli %iota3A, %mul3A_2997 : vector<16xi32>
    %add3A_2999 = arith.constant 3 : i32
    %add3A_3000 = vector.broadcast %add3A_2999 : i32 to vector<16xi32>
    %add3A_3001 = arith.addi %mul3A_2998, %add3A_3000 : vector<16xi32>
    tpu.vector_store_idx %arg9[%add3A_2935, %add3A_3001], %gather3A_2995 : memref<512x4xf32, #tpu.memory_space<vmem>>[vector<16xi32>, vector<16xi32>], vector<16xf32>,
    %add3A_3002 = arith.constant 4 : i32
    %add3A_3003 = vector.broadcast %add3A_3002 : i32 to vector<16xi32>
    %add3A_3004 = arith.addi %mul3A_2941, %add3A_3003 : vector<16xi32>
    %add3A_3005 = arith.constant 0 : i32
    %add3A_3006 = vector.broadcast %add3A_3005 : i32 to vector<16xi32>
    %add3A_3007 = arith.addi %add3A_3004, %add3A_3006 : vector<16xi32>
    %gather3A_3008 = arith.constant 0 : i32
    %gather3A_3009 = arith.constant 0 : i32
    %gather3A_3010 = arith.constant 0 : i32
    %gather3A_3011 = tpu.memref_slice %arg8[%gather3A_3008, %gather3A_3009, %gather3A_3010] : memref<2x128x128xf32, #tpu.memory_space<vmem>> -> memref<1x128x128xf32, #tpu.memory_space<vmem>>
    %gather3A_3012 = tpu.memref_squeeze %gather3A_3011 : memref<1x128x128xf32, #tpu.memory_space<vmem>> -> memref<128x128xf32, #tpu.memory_space<vmem>>
    %gather3A_3013 = tpu.vector_load_idx %gather3A_3012[%add3A_2930, %add3A_3007] : memref<128x128xf32, #tpu.memory_space<vmem>>[vector<16xi32>, vector<16xi32>], vector<16xf32>,
    %mul3A_3014 = arith.constant 0 : i32
    %mul3A_3015 = vector.broadcast %mul3A_3014 : i32 to vector<16xi32>
    %mul3A_3016 = arith.muli %iota3A, %mul3A_3015 : vector<16xi32>
    %add3A_3017 = arith.constant 0 : i32
    %add3A_3018 = vector.broadcast %add3A_3017 : i32 to vector<16xi32>
    %add3A_3019 = arith.addi %mul3A_3016, %add3A_3018 : vector<16xi32>
    tpu.vector_store_idx %arg10[%add3A_2935, %add3A_3019], %gather3A_3013 : memref<512x3xf32, #tpu.memory_space<vmem>>[vector<16xi32>, vector<16xi32>], vector<16xf32>,
    %add3A_3020 = arith.constant 4 : i32
    %add3A_3021 = vector.broadcast %add3A_3020 : i32 to vector<16xi32>
    %add3A_3022 = arith.addi %mul3A_2941, %add3A_3021 : vector<16xi32>
    %add3A_3023 = arith.constant 1 : i32
    %add3A_3024 = vector.broadcast %add3A_3023 : i32 to vector<16xi32>
    %add3A_3025 = arith.addi %add3A_3022, %add3A_3024 : vector<16xi32>
    %gather3A_3026 = arith.constant 0 : i32
    %gather3A_3027 = arith.constant 0 : i32
    %gather3A_3028 = arith.constant 0 : i32
    %gather3A_3029 = tpu.memref_slice %arg8[%gather3A_3026, %gather3A_3027, %gather3A_3028] : memref<2x128x128xf32, #tpu.memory_space<vmem>> -> memref<1x128x128xf32, #tpu.memory_space<vmem>>
    %gather3A_3030 = tpu.memref_squeeze %gather3A_3029 : memref<1x128x128xf32, #tpu.memory_space<vmem>> -> memref<128x128xf32, #tpu.memory_space<vmem>>
    %gather3A_3031 = tpu.vector_load_idx %gather3A_3030[%add3A_2930, %add3A_3025] : memref<128x128xf32, #tpu.memory_space<vmem>>[vector<16xi32>, vector<16xi32>], vector<16xf32>,
    %mul3A_3032 = arith.constant 0 : i32
    %mul3A_3033 = vector.broadcast %mul3A_3032 : i32 to vector<16xi32>
    %mul3A_3034 = arith.muli %iota3A, %mul3A_3033 : vector<16xi32>
    %add3A_3035 = arith.constant 1 : i32
    %add3A_3036 = vector.broadcast %add3A_3035 : i32 to vector<16xi32>
    %add3A_3037 = arith.addi %mul3A_3034, %add3A_3036 : vector<16xi32>
    tpu.vector_store_idx %arg10[%add3A_2935, %add3A_3037], %gather3A_3031 : memref<512x3xf32, #tpu.memory_space<vmem>>[vector<16xi32>, vector<16xi32>], vector<16xf32>,
    %add3A_3038 = arith.constant 4 : i32
    %add3A_3039 = vector.broadcast %add3A_3038 : i32 to vector<16xi32>
    %add3A_3040 = arith.addi %mul3A_2941, %add3A_3039 : vector<16xi32>
    %add3A_3041 = arith.constant 2 : i32
    %add3A_3042 = vector.broadcast %add3A_3041 : i32 to vector<16xi32>
    %add3A_3043 = arith.addi %add3A_3040, %add3A_3042 : vector<16xi32>
    %gather3A_3044 = arith.constant 0 : i32
    %gather3A_3045 = arith.constant 0 : i32
    %gather3A_3046 = arith.constant 0 : i32
    %gather3A_3047 = tpu.memref_slice %arg8[%gather3A_3044, %gather3A_3045, %gather3A_3046] : memref<2x128x128xf32, #tpu.memory_space<vmem>> -> memref<1x128x128xf32, #tpu.memory_space<vmem>>
    %gather3A_3048 = tpu.memref_squeeze %gather3A_3047 : memref<1x128x128xf32, #tpu.memory_space<vmem>> -> memref<128x128xf32, #tpu.memory_space<vmem>>
    %gather3A_3049 = tpu.vector_load_idx %gather3A_3048[%add3A_2930, %add3A_3043] : memref<128x128xf32, #tpu.memory_space<vmem>>[vector<16xi32>, vector<16xi32>], vector<16xf32>,
    %mul3A_3050 = arith.constant 0 : i32
    %mul3A_3051 = vector.broadcast %mul3A_3050 : i32 to vector<16xi32>
    %mul3A_3052 = arith.muli %iota3A, %mul3A_3051 : vector<16xi32>
    %add3A_3053 = arith.constant 2 : i32
    %add3A_3054 = vector.broadcast %add3A_3053 : i32 to vector<16xi32>
    %add3A_3055 = arith.addi %mul3A_3052, %add3A_3054 : vector<16xi32>
    tpu.vector_store_idx %arg10[%add3A_2935, %add3A_3055], %gather3A_3049 : memref<512x3xf32, #tpu.memory_space<vmem>>[vector<16xi32>, vector<16xi32>], vector<16xf32>,
    %add3A_3056 = arith.constant 80 : i32
    %add3A_3057 = vector.broadcast %add3A_3056 : i32 to vector<16xi32>
    %add3A_3058 = arith.addi %add3A_3057, %iota3A : vector<16xi32>
    %get3A_3059 = arith.constant 336 : index
    %get3A_3060 = tpu.vector_load %arg6[%get3A_3059] {strides = array<i32>} : memref<512xi32, #tpu.memory_space<vmem>>, vector<16xi32>,
    %add3A_3061 = arith.constant 336 : i32
    %add3A_3062 = vector.broadcast %add3A_3061 : i32 to vector<16xi32>
    %add3A_3063 = arith.addi %add3A_3062, %iota3A : vector<16xi32>
    %and3A_3064 = arith.constant 15 : i32
    %and3A_3065 = vector.broadcast %and3A_3064 : i32 to vector<16xi32>
    %and3A_3066 = arith.andi %get3A_3060, %and3A_3065 : vector<16xi32>
    %mul3A_3067 = arith.constant 8 : i32
    %mul3A_3068 = vector.broadcast %mul3A_3067 : i32 to vector<16xi32>
    %mul3A_3069 = arith.muli %and3A_3066, %mul3A_3068 : vector<16xi32>
    %add3A_3070 = arith.constant 0 : i32
    %add3A_3071 = vector.broadcast %add3A_3070 : i32 to vector<16xi32>
    %add3A_3072 = arith.addi %mul3A_3069, %add3A_3071 : vector<16xi32>
    %gather3A_3073 = arith.constant 0 : i32
    %gather3A_3074 = arith.constant 0 : i32
    %gather3A_3075 = arith.constant 0 : i32
    %gather3A_3076 = tpu.memref_slice %arg8[%gather3A_3073, %gather3A_3074, %gather3A_3075] : memref<2x128x128xf32, #tpu.memory_space<vmem>> -> memref<1x128x128xf32, #tpu.memory_space<vmem>>
    %gather3A_3077 = tpu.memref_squeeze %gather3A_3076 : memref<1x128x128xf32, #tpu.memory_space<vmem>> -> memref<128x128xf32, #tpu.memory_space<vmem>>
    %gather3A_3078 = tpu.vector_load_idx %gather3A_3077[%add3A_3058, %add3A_3072] : memref<128x128xf32, #tpu.memory_space<vmem>>[vector<16xi32>, vector<16xi32>], vector<16xf32>,
    %mul3A_3079 = arith.constant 0 : i32
    %mul3A_3080 = vector.broadcast %mul3A_3079 : i32 to vector<16xi32>
    %mul3A_3081 = arith.muli %iota3A, %mul3A_3080 : vector<16xi32>
    %add3A_3082 = arith.constant 0 : i32
    %add3A_3083 = vector.broadcast %add3A_3082 : i32 to vector<16xi32>
    %add3A_3084 = arith.addi %mul3A_3081, %add3A_3083 : vector<16xi32>
    tpu.vector_store_idx %arg9[%add3A_3063, %add3A_3084], %gather3A_3078 : memref<512x4xf32, #tpu.memory_space<vmem>>[vector<16xi32>, vector<16xi32>], vector<16xf32>,
    %add3A_3085 = arith.constant 1 : i32
    %add3A_3086 = vector.broadcast %add3A_3085 : i32 to vector<16xi32>
    %add3A_3087 = arith.addi %mul3A_3069, %add3A_3086 : vector<16xi32>
    %gather3A_3088 = arith.constant 0 : i32
    %gather3A_3089 = arith.constant 0 : i32
    %gather3A_3090 = arith.constant 0 : i32
    %gather3A_3091 = tpu.memref_slice %arg8[%gather3A_3088, %gather3A_3089, %gather3A_3090] : memref<2x128x128xf32, #tpu.memory_space<vmem>> -> memref<1x128x128xf32, #tpu.memory_space<vmem>>
    %gather3A_3092 = tpu.memref_squeeze %gather3A_3091 : memref<1x128x128xf32, #tpu.memory_space<vmem>> -> memref<128x128xf32, #tpu.memory_space<vmem>>
    %gather3A_3093 = tpu.vector_load_idx %gather3A_3092[%add3A_3058, %add3A_3087] : memref<128x128xf32, #tpu.memory_space<vmem>>[vector<16xi32>, vector<16xi32>], vector<16xf32>,
    %mul3A_3094 = arith.constant 0 : i32
    %mul3A_3095 = vector.broadcast %mul3A_3094 : i32 to vector<16xi32>
    %mul3A_3096 = arith.muli %iota3A, %mul3A_3095 : vector<16xi32>
    %add3A_3097 = arith.constant 1 : i32
    %add3A_3098 = vector.broadcast %add3A_3097 : i32 to vector<16xi32>
    %add3A_3099 = arith.addi %mul3A_3096, %add3A_3098 : vector<16xi32>
    tpu.vector_store_idx %arg9[%add3A_3063, %add3A_3099], %gather3A_3093 : memref<512x4xf32, #tpu.memory_space<vmem>>[vector<16xi32>, vector<16xi32>], vector<16xf32>,
    %add3A_3100 = arith.constant 2 : i32
    %add3A_3101 = vector.broadcast %add3A_3100 : i32 to vector<16xi32>
    %add3A_3102 = arith.addi %mul3A_3069, %add3A_3101 : vector<16xi32>
    %gather3A_3103 = arith.constant 0 : i32
    %gather3A_3104 = arith.constant 0 : i32
    %gather3A_3105 = arith.constant 0 : i32
    %gather3A_3106 = tpu.memref_slice %arg8[%gather3A_3103, %gather3A_3104, %gather3A_3105] : memref<2x128x128xf32, #tpu.memory_space<vmem>> -> memref<1x128x128xf32, #tpu.memory_space<vmem>>
    %gather3A_3107 = tpu.memref_squeeze %gather3A_3106 : memref<1x128x128xf32, #tpu.memory_space<vmem>> -> memref<128x128xf32, #tpu.memory_space<vmem>>
    %gather3A_3108 = tpu.vector_load_idx %gather3A_3107[%add3A_3058, %add3A_3102] : memref<128x128xf32, #tpu.memory_space<vmem>>[vector<16xi32>, vector<16xi32>], vector<16xf32>,
    %mul3A_3109 = arith.constant 0 : i32
    %mul3A_3110 = vector.broadcast %mul3A_3109 : i32 to vector<16xi32>
    %mul3A_3111 = arith.muli %iota3A, %mul3A_3110 : vector<16xi32>
    %add3A_3112 = arith.constant 2 : i32
    %add3A_3113 = vector.broadcast %add3A_3112 : i32 to vector<16xi32>
    %add3A_3114 = arith.addi %mul3A_3111, %add3A_3113 : vector<16xi32>
    tpu.vector_store_idx %arg9[%add3A_3063, %add3A_3114], %gather3A_3108 : memref<512x4xf32, #tpu.memory_space<vmem>>[vector<16xi32>, vector<16xi32>], vector<16xf32>,
    %add3A_3115 = arith.constant 3 : i32
    %add3A_3116 = vector.broadcast %add3A_3115 : i32 to vector<16xi32>
    %add3A_3117 = arith.addi %mul3A_3069, %add3A_3116 : vector<16xi32>
    %gather3A_3118 = arith.constant 0 : i32
    %gather3A_3119 = arith.constant 0 : i32
    %gather3A_3120 = arith.constant 0 : i32
    %gather3A_3121 = tpu.memref_slice %arg8[%gather3A_3118, %gather3A_3119, %gather3A_3120] : memref<2x128x128xf32, #tpu.memory_space<vmem>> -> memref<1x128x128xf32, #tpu.memory_space<vmem>>
    %gather3A_3122 = tpu.memref_squeeze %gather3A_3121 : memref<1x128x128xf32, #tpu.memory_space<vmem>> -> memref<128x128xf32, #tpu.memory_space<vmem>>
    %gather3A_3123 = tpu.vector_load_idx %gather3A_3122[%add3A_3058, %add3A_3117] : memref<128x128xf32, #tpu.memory_space<vmem>>[vector<16xi32>, vector<16xi32>], vector<16xf32>,
    %mul3A_3124 = arith.constant 0 : i32
    %mul3A_3125 = vector.broadcast %mul3A_3124 : i32 to vector<16xi32>
    %mul3A_3126 = arith.muli %iota3A, %mul3A_3125 : vector<16xi32>
    %add3A_3127 = arith.constant 3 : i32
    %add3A_3128 = vector.broadcast %add3A_3127 : i32 to vector<16xi32>
    %add3A_3129 = arith.addi %mul3A_3126, %add3A_3128 : vector<16xi32>
    tpu.vector_store_idx %arg9[%add3A_3063, %add3A_3129], %gather3A_3123 : memref<512x4xf32, #tpu.memory_space<vmem>>[vector<16xi32>, vector<16xi32>], vector<16xf32>,
    %add3A_3130 = arith.constant 4 : i32
    %add3A_3131 = vector.broadcast %add3A_3130 : i32 to vector<16xi32>
    %add3A_3132 = arith.addi %mul3A_3069, %add3A_3131 : vector<16xi32>
    %add3A_3133 = arith.constant 0 : i32
    %add3A_3134 = vector.broadcast %add3A_3133 : i32 to vector<16xi32>
    %add3A_3135 = arith.addi %add3A_3132, %add3A_3134 : vector<16xi32>
    %gather3A_3136 = arith.constant 0 : i32
    %gather3A_3137 = arith.constant 0 : i32
    %gather3A_3138 = arith.constant 0 : i32
    %gather3A_3139 = tpu.memref_slice %arg8[%gather3A_3136, %gather3A_3137, %gather3A_3138] : memref<2x128x128xf32, #tpu.memory_space<vmem>> -> memref<1x128x128xf32, #tpu.memory_space<vmem>>
    %gather3A_3140 = tpu.memref_squeeze %gather3A_3139 : memref<1x128x128xf32, #tpu.memory_space<vmem>> -> memref<128x128xf32, #tpu.memory_space<vmem>>
    %gather3A_3141 = tpu.vector_load_idx %gather3A_3140[%add3A_3058, %add3A_3135] : memref<128x128xf32, #tpu.memory_space<vmem>>[vector<16xi32>, vector<16xi32>], vector<16xf32>,
    %mul3A_3142 = arith.constant 0 : i32
    %mul3A_3143 = vector.broadcast %mul3A_3142 : i32 to vector<16xi32>
    %mul3A_3144 = arith.muli %iota3A, %mul3A_3143 : vector<16xi32>
    %add3A_3145 = arith.constant 0 : i32
    %add3A_3146 = vector.broadcast %add3A_3145 : i32 to vector<16xi32>
    %add3A_3147 = arith.addi %mul3A_3144, %add3A_3146 : vector<16xi32>
    tpu.vector_store_idx %arg10[%add3A_3063, %add3A_3147], %gather3A_3141 : memref<512x3xf32, #tpu.memory_space<vmem>>[vector<16xi32>, vector<16xi32>], vector<16xf32>,
    %add3A_3148 = arith.constant 4 : i32
    %add3A_3149 = vector.broadcast %add3A_3148 : i32 to vector<16xi32>
    %add3A_3150 = arith.addi %mul3A_3069, %add3A_3149 : vector<16xi32>
    %add3A_3151 = arith.constant 1 : i32
    %add3A_3152 = vector.broadcast %add3A_3151 : i32 to vector<16xi32>
    %add3A_3153 = arith.addi %add3A_3150, %add3A_3152 : vector<16xi32>
    %gather3A_3154 = arith.constant 0 : i32
    %gather3A_3155 = arith.constant 0 : i32
    %gather3A_3156 = arith.constant 0 : i32
    %gather3A_3157 = tpu.memref_slice %arg8[%gather3A_3154, %gather3A_3155, %gather3A_3156] : memref<2x128x128xf32, #tpu.memory_space<vmem>> -> memref<1x128x128xf32, #tpu.memory_space<vmem>>
    %gather3A_3158 = tpu.memref_squeeze %gather3A_3157 : memref<1x128x128xf32, #tpu.memory_space<vmem>> -> memref<128x128xf32, #tpu.memory_space<vmem>>
    %gather3A_3159 = tpu.vector_load_idx %gather3A_3158[%add3A_3058, %add3A_3153] : memref<128x128xf32, #tpu.memory_space<vmem>>[vector<16xi32>, vector<16xi32>], vector<16xf32>,
    %mul3A_3160 = arith.constant 0 : i32
    %mul3A_3161 = vector.broadcast %mul3A_3160 : i32 to vector<16xi32>
    %mul3A_3162 = arith.muli %iota3A, %mul3A_3161 : vector<16xi32>
    %add3A_3163 = arith.constant 1 : i32
    %add3A_3164 = vector.broadcast %add3A_3163 : i32 to vector<16xi32>
    %add3A_3165 = arith.addi %mul3A_3162, %add3A_3164 : vector<16xi32>
    tpu.vector_store_idx %arg10[%add3A_3063, %add3A_3165], %gather3A_3159 : memref<512x3xf32, #tpu.memory_space<vmem>>[vector<16xi32>, vector<16xi32>], vector<16xf32>,
    %add3A_3166 = arith.constant 4 : i32
    %add3A_3167 = vector.broadcast %add3A_3166 : i32 to vector<16xi32>
    %add3A_3168 = arith.addi %mul3A_3069, %add3A_3167 : vector<16xi32>
    %add3A_3169 = arith.constant 2 : i32
    %add3A_3170 = vector.broadcast %add3A_3169 : i32 to vector<16xi32>
    %add3A_3171 = arith.addi %add3A_3168, %add3A_3170 : vector<16xi32>
    %gather3A_3172 = arith.constant 0 : i32
    %gather3A_3173 = arith.constant 0 : i32
    %gather3A_3174 = arith.constant 0 : i32
    %gather3A_3175 = tpu.memref_slice %arg8[%gather3A_3172, %gather3A_3173, %gather3A_3174] : memref<2x128x128xf32, #tpu.memory_space<vmem>> -> memref<1x128x128xf32, #tpu.memory_space<vmem>>
    %gather3A_3176 = tpu.memref_squeeze %gather3A_3175 : memref<1x128x128xf32, #tpu.memory_space<vmem>> -> memref<128x128xf32, #tpu.memory_space<vmem>>
    %gather3A_3177 = tpu.vector_load_idx %gather3A_3176[%add3A_3058, %add3A_3171] : memref<128x128xf32, #tpu.memory_space<vmem>>[vector<16xi32>, vector<16xi32>], vector<16xf32>,
    %mul3A_3178 = arith.constant 0 : i32
    %mul3A_3179 = vector.broadcast %mul3A_3178 : i32 to vector<16xi32>
    %mul3A_3180 = arith.muli %iota3A, %mul3A_3179 : vector<16xi32>
    %add3A_3181 = arith.constant 2 : i32
    %add3A_3182 = vector.broadcast %add3A_3181 : i32 to vector<16xi32>
    %add3A_3183 = arith.addi %mul3A_3180, %add3A_3182 : vector<16xi32>
    tpu.vector_store_idx %arg10[%add3A_3063, %add3A_3183], %gather3A_3177 : memref<512x3xf32, #tpu.memory_space<vmem>>[vector<16xi32>, vector<16xi32>], vector<16xf32>,
    %add3A_3184 = arith.constant 96 : i32
    %add3A_3185 = vector.broadcast %add3A_3184 : i32 to vector<16xi32>
    %add3A_3186 = arith.addi %add3A_3185, %iota3A : vector<16xi32>
    %get3A_3187 = arith.constant 352 : index
    %get3A_3188 = tpu.vector_load %arg6[%get3A_3187] {strides = array<i32>} : memref<512xi32, #tpu.memory_space<vmem>>, vector<16xi32>,
    %add3A_3189 = arith.constant 352 : i32
    %add3A_3190 = vector.broadcast %add3A_3189 : i32 to vector<16xi32>
    %add3A_3191 = arith.addi %add3A_3190, %iota3A : vector<16xi32>
    %and3A_3192 = arith.constant 15 : i32
    %and3A_3193 = vector.broadcast %and3A_3192 : i32 to vector<16xi32>
    %and3A_3194 = arith.andi %get3A_3188, %and3A_3193 : vector<16xi32>
    %mul3A_3195 = arith.constant 8 : i32
    %mul3A_3196 = vector.broadcast %mul3A_3195 : i32 to vector<16xi32>
    %mul3A_3197 = arith.muli %and3A_3194, %mul3A_3196 : vector<16xi32>
    %add3A_3198 = arith.constant 0 : i32
    %add3A_3199 = vector.broadcast %add3A_3198 : i32 to vector<16xi32>
    %add3A_3200 = arith.addi %mul3A_3197, %add3A_3199 : vector<16xi32>
    %gather3A_3201 = arith.constant 0 : i32
    %gather3A_3202 = arith.constant 0 : i32
    %gather3A_3203 = arith.constant 0 : i32
    %gather3A_3204 = tpu.memref_slice %arg8[%gather3A_3201, %gather3A_3202, %gather3A_3203] : memref<2x128x128xf32, #tpu.memory_space<vmem>> -> memref<1x128x128xf32, #tpu.memory_space<vmem>>
    %gather3A_3205 = tpu.memref_squeeze %gather3A_3204 : memref<1x128x128xf32, #tpu.memory_space<vmem>> -> memref<128x128xf32, #tpu.memory_space<vmem>>
    %gather3A_3206 = tpu.vector_load_idx %gather3A_3205[%add3A_3186, %add3A_3200] : memref<128x128xf32, #tpu.memory_space<vmem>>[vector<16xi32>, vector<16xi32>], vector<16xf32>,
    %mul3A_3207 = arith.constant 0 : i32
    %mul3A_3208 = vector.broadcast %mul3A_3207 : i32 to vector<16xi32>
    %mul3A_3209 = arith.muli %iota3A, %mul3A_3208 : vector<16xi32>
    %add3A_3210 = arith.constant 0 : i32
    %add3A_3211 = vector.broadcast %add3A_3210 : i32 to vector<16xi32>
    %add3A_3212 = arith.addi %mul3A_3209, %add3A_3211 : vector<16xi32>
    tpu.vector_store_idx %arg9[%add3A_3191, %add3A_3212], %gather3A_3206 : memref<512x4xf32, #tpu.memory_space<vmem>>[vector<16xi32>, vector<16xi32>], vector<16xf32>,
    %add3A_3213 = arith.constant 1 : i32
    %add3A_3214 = vector.broadcast %add3A_3213 : i32 to vector<16xi32>
    %add3A_3215 = arith.addi %mul3A_3197, %add3A_3214 : vector<16xi32>
    %gather3A_3216 = arith.constant 0 : i32
    %gather3A_3217 = arith.constant 0 : i32
    %gather3A_3218 = arith.constant 0 : i32
    %gather3A_3219 = tpu.memref_slice %arg8[%gather3A_3216, %gather3A_3217, %gather3A_3218] : memref<2x128x128xf32, #tpu.memory_space<vmem>> -> memref<1x128x128xf32, #tpu.memory_space<vmem>>
    %gather3A_3220 = tpu.memref_squeeze %gather3A_3219 : memref<1x128x128xf32, #tpu.memory_space<vmem>> -> memref<128x128xf32, #tpu.memory_space<vmem>>
    %gather3A_3221 = tpu.vector_load_idx %gather3A_3220[%add3A_3186, %add3A_3215] : memref<128x128xf32, #tpu.memory_space<vmem>>[vector<16xi32>, vector<16xi32>], vector<16xf32>,
    %mul3A_3222 = arith.constant 0 : i32
    %mul3A_3223 = vector.broadcast %mul3A_3222 : i32 to vector<16xi32>
    %mul3A_3224 = arith.muli %iota3A, %mul3A_3223 : vector<16xi32>
    %add3A_3225 = arith.constant 1 : i32
    %add3A_3226 = vector.broadcast %add3A_3225 : i32 to vector<16xi32>
    %add3A_3227 = arith.addi %mul3A_3224, %add3A_3226 : vector<16xi32>
    tpu.vector_store_idx %arg9[%add3A_3191, %add3A_3227], %gather3A_3221 : memref<512x4xf32, #tpu.memory_space<vmem>>[vector<16xi32>, vector<16xi32>], vector<16xf32>,
    %add3A_3228 = arith.constant 2 : i32
    %add3A_3229 = vector.broadcast %add3A_3228 : i32 to vector<16xi32>
    %add3A_3230 = arith.addi %mul3A_3197, %add3A_3229 : vector<16xi32>
    %gather3A_3231 = arith.constant 0 : i32
    %gather3A_3232 = arith.constant 0 : i32
    %gather3A_3233 = arith.constant 0 : i32
    %gather3A_3234 = tpu.memref_slice %arg8[%gather3A_3231, %gather3A_3232, %gather3A_3233] : memref<2x128x128xf32, #tpu.memory_space<vmem>> -> memref<1x128x128xf32, #tpu.memory_space<vmem>>
    %gather3A_3235 = tpu.memref_squeeze %gather3A_3234 : memref<1x128x128xf32, #tpu.memory_space<vmem>> -> memref<128x128xf32, #tpu.memory_space<vmem>>
    %gather3A_3236 = tpu.vector_load_idx %gather3A_3235[%add3A_3186, %add3A_3230] : memref<128x128xf32, #tpu.memory_space<vmem>>[vector<16xi32>, vector<16xi32>], vector<16xf32>,
    %mul3A_3237 = arith.constant 0 : i32
    %mul3A_3238 = vector.broadcast %mul3A_3237 : i32 to vector<16xi32>
    %mul3A_3239 = arith.muli %iota3A, %mul3A_3238 : vector<16xi32>
    %add3A_3240 = arith.constant 2 : i32
    %add3A_3241 = vector.broadcast %add3A_3240 : i32 to vector<16xi32>
    %add3A_3242 = arith.addi %mul3A_3239, %add3A_3241 : vector<16xi32>
    tpu.vector_store_idx %arg9[%add3A_3191, %add3A_3242], %gather3A_3236 : memref<512x4xf32, #tpu.memory_space<vmem>>[vector<16xi32>, vector<16xi32>], vector<16xf32>,
    %add3A_3243 = arith.constant 3 : i32
    %add3A_3244 = vector.broadcast %add3A_3243 : i32 to vector<16xi32>
    %add3A_3245 = arith.addi %mul3A_3197, %add3A_3244 : vector<16xi32>
    %gather3A_3246 = arith.constant 0 : i32
    %gather3A_3247 = arith.constant 0 : i32
    %gather3A_3248 = arith.constant 0 : i32
    %gather3A_3249 = tpu.memref_slice %arg8[%gather3A_3246, %gather3A_3247, %gather3A_3248] : memref<2x128x128xf32, #tpu.memory_space<vmem>> -> memref<1x128x128xf32, #tpu.memory_space<vmem>>
    %gather3A_3250 = tpu.memref_squeeze %gather3A_3249 : memref<1x128x128xf32, #tpu.memory_space<vmem>> -> memref<128x128xf32, #tpu.memory_space<vmem>>
    %gather3A_3251 = tpu.vector_load_idx %gather3A_3250[%add3A_3186, %add3A_3245] : memref<128x128xf32, #tpu.memory_space<vmem>>[vector<16xi32>, vector<16xi32>], vector<16xf32>,
    %mul3A_3252 = arith.constant 0 : i32
    %mul3A_3253 = vector.broadcast %mul3A_3252 : i32 to vector<16xi32>
    %mul3A_3254 = arith.muli %iota3A, %mul3A_3253 : vector<16xi32>
    %add3A_3255 = arith.constant 3 : i32
    %add3A_3256 = vector.broadcast %add3A_3255 : i32 to vector<16xi32>
    %add3A_3257 = arith.addi %mul3A_3254, %add3A_3256 : vector<16xi32>
    tpu.vector_store_idx %arg9[%add3A_3191, %add3A_3257], %gather3A_3251 : memref<512x4xf32, #tpu.memory_space<vmem>>[vector<16xi32>, vector<16xi32>], vector<16xf32>,
    %add3A_3258 = arith.constant 4 : i32
    %add3A_3259 = vector.broadcast %add3A_3258 : i32 to vector<16xi32>
    %add3A_3260 = arith.addi %mul3A_3197, %add3A_3259 : vector<16xi32>
    %add3A_3261 = arith.constant 0 : i32
    %add3A_3262 = vector.broadcast %add3A_3261 : i32 to vector<16xi32>
    %add3A_3263 = arith.addi %add3A_3260, %add3A_3262 : vector<16xi32>
    %gather3A_3264 = arith.constant 0 : i32
    %gather3A_3265 = arith.constant 0 : i32
    %gather3A_3266 = arith.constant 0 : i32
    %gather3A_3267 = tpu.memref_slice %arg8[%gather3A_3264, %gather3A_3265, %gather3A_3266] : memref<2x128x128xf32, #tpu.memory_space<vmem>> -> memref<1x128x128xf32, #tpu.memory_space<vmem>>
    %gather3A_3268 = tpu.memref_squeeze %gather3A_3267 : memref<1x128x128xf32, #tpu.memory_space<vmem>> -> memref<128x128xf32, #tpu.memory_space<vmem>>
    %gather3A_3269 = tpu.vector_load_idx %gather3A_3268[%add3A_3186, %add3A_3263] : memref<128x128xf32, #tpu.memory_space<vmem>>[vector<16xi32>, vector<16xi32>], vector<16xf32>,
    %mul3A_3270 = arith.constant 0 : i32
    %mul3A_3271 = vector.broadcast %mul3A_3270 : i32 to vector<16xi32>
    %mul3A_3272 = arith.muli %iota3A, %mul3A_3271 : vector<16xi32>
    %add3A_3273 = arith.constant 0 : i32
    %add3A_3274 = vector.broadcast %add3A_3273 : i32 to vector<16xi32>
    %add3A_3275 = arith.addi %mul3A_3272, %add3A_3274 : vector<16xi32>
    tpu.vector_store_idx %arg10[%add3A_3191, %add3A_3275], %gather3A_3269 : memref<512x3xf32, #tpu.memory_space<vmem>>[vector<16xi32>, vector<16xi32>], vector<16xf32>,
    %add3A_3276 = arith.constant 4 : i32
    %add3A_3277 = vector.broadcast %add3A_3276 : i32 to vector<16xi32>
    %add3A_3278 = arith.addi %mul3A_3197, %add3A_3277 : vector<16xi32>
    %add3A_3279 = arith.constant 1 : i32
    %add3A_3280 = vector.broadcast %add3A_3279 : i32 to vector<16xi32>
    %add3A_3281 = arith.addi %add3A_3278, %add3A_3280 : vector<16xi32>
    %gather3A_3282 = arith.constant 0 : i32
    %gather3A_3283 = arith.constant 0 : i32
    %gather3A_3284 = arith.constant 0 : i32
    %gather3A_3285 = tpu.memref_slice %arg8[%gather3A_3282, %gather3A_3283, %gather3A_3284] : memref<2x128x128xf32, #tpu.memory_space<vmem>> -> memref<1x128x128xf32, #tpu.memory_space<vmem>>
    %gather3A_3286 = tpu.memref_squeeze %gather3A_3285 : memref<1x128x128xf32, #tpu.memory_space<vmem>> -> memref<128x128xf32, #tpu.memory_space<vmem>>
    %gather3A_3287 = tpu.vector_load_idx %gather3A_3286[%add3A_3186, %add3A_3281] : memref<128x128xf32, #tpu.memory_space<vmem>>[vector<16xi32>, vector<16xi32>], vector<16xf32>,
    %mul3A_3288 = arith.constant 0 : i32
    %mul3A_3289 = vector.broadcast %mul3A_3288 : i32 to vector<16xi32>
    %mul3A_3290 = arith.muli %iota3A, %mul3A_3289 : vector<16xi32>
    %add3A_3291 = arith.constant 1 : i32
    %add3A_3292 = vector.broadcast %add3A_3291 : i32 to vector<16xi32>
    %add3A_3293 = arith.addi %mul3A_3290, %add3A_3292 : vector<16xi32>
    tpu.vector_store_idx %arg10[%add3A_3191, %add3A_3293], %gather3A_3287 : memref<512x3xf32, #tpu.memory_space<vmem>>[vector<16xi32>, vector<16xi32>], vector<16xf32>,
    %add3A_3294 = arith.constant 4 : i32
    %add3A_3295 = vector.broadcast %add3A_3294 : i32 to vector<16xi32>
    %add3A_3296 = arith.addi %mul3A_3197, %add3A_3295 : vector<16xi32>
    %add3A_3297 = arith.constant 2 : i32
    %add3A_3298 = vector.broadcast %add3A_3297 : i32 to vector<16xi32>
    %add3A_3299 = arith.addi %add3A_3296, %add3A_3298 : vector<16xi32>
    %gather3A_3300 = arith.constant 0 : i32
    %gather3A_3301 = arith.constant 0 : i32
    %gather3A_3302 = arith.constant 0 : i32
    %gather3A_3303 = tpu.memref_slice %arg8[%gather3A_3300, %gather3A_3301, %gather3A_3302] : memref<2x128x128xf32, #tpu.memory_space<vmem>> -> memref<1x128x128xf32, #tpu.memory_space<vmem>>
    %gather3A_3304 = tpu.memref_squeeze %gather3A_3303 : memref<1x128x128xf32, #tpu.memory_space<vmem>> -> memref<128x128xf32, #tpu.memory_space<vmem>>
    %gather3A_3305 = tpu.vector_load_idx %gather3A_3304[%add3A_3186, %add3A_3299] : memref<128x128xf32, #tpu.memory_space<vmem>>[vector<16xi32>, vector<16xi32>], vector<16xf32>,
    %mul3A_3306 = arith.constant 0 : i32
    %mul3A_3307 = vector.broadcast %mul3A_3306 : i32 to vector<16xi32>
    %mul3A_3308 = arith.muli %iota3A, %mul3A_3307 : vector<16xi32>
    %add3A_3309 = arith.constant 2 : i32
    %add3A_3310 = vector.broadcast %add3A_3309 : i32 to vector<16xi32>
    %add3A_3311 = arith.addi %mul3A_3308, %add3A_3310 : vector<16xi32>
    tpu.vector_store_idx %arg10[%add3A_3191, %add3A_3311], %gather3A_3305 : memref<512x3xf32, #tpu.memory_space<vmem>>[vector<16xi32>, vector<16xi32>], vector<16xf32>,
    %add3A_3312 = arith.constant 112 : i32
    %add3A_3313 = vector.broadcast %add3A_3312 : i32 to vector<16xi32>
    %add3A_3314 = arith.addi %add3A_3313, %iota3A : vector<16xi32>
    %get3A_3315 = arith.constant 368 : index
    %get3A_3316 = tpu.vector_load %arg6[%get3A_3315] {strides = array<i32>} : memref<512xi32, #tpu.memory_space<vmem>>, vector<16xi32>,
    %add3A_3317 = arith.constant 368 : i32
    %add3A_3318 = vector.broadcast %add3A_3317 : i32 to vector<16xi32>
    %add3A_3319 = arith.addi %add3A_3318, %iota3A : vector<16xi32>
    %and3A_3320 = arith.constant 15 : i32
    %and3A_3321 = vector.broadcast %and3A_3320 : i32 to vector<16xi32>
    %and3A_3322 = arith.andi %get3A_3316, %and3A_3321 : vector<16xi32>
    %mul3A_3323 = arith.constant 8 : i32
    %mul3A_3324 = vector.broadcast %mul3A_3323 : i32 to vector<16xi32>
    %mul3A_3325 = arith.muli %and3A_3322, %mul3A_3324 : vector<16xi32>
    %add3A_3326 = arith.constant 0 : i32
    %add3A_3327 = vector.broadcast %add3A_3326 : i32 to vector<16xi32>
    %add3A_3328 = arith.addi %mul3A_3325, %add3A_3327 : vector<16xi32>
    %gather3A_3329 = arith.constant 0 : i32
    %gather3A_3330 = arith.constant 0 : i32
    %gather3A_3331 = arith.constant 0 : i32
    %gather3A_3332 = tpu.memref_slice %arg8[%gather3A_3329, %gather3A_3330, %gather3A_3331] : memref<2x128x128xf32, #tpu.memory_space<vmem>> -> memref<1x128x128xf32, #tpu.memory_space<vmem>>
    %gather3A_3333 = tpu.memref_squeeze %gather3A_3332 : memref<1x128x128xf32, #tpu.memory_space<vmem>> -> memref<128x128xf32, #tpu.memory_space<vmem>>
    %gather3A_3334 = tpu.vector_load_idx %gather3A_3333[%add3A_3314, %add3A_3328] : memref<128x128xf32, #tpu.memory_space<vmem>>[vector<16xi32>, vector<16xi32>], vector<16xf32>,
    %mul3A_3335 = arith.constant 0 : i32
    %mul3A_3336 = vector.broadcast %mul3A_3335 : i32 to vector<16xi32>
    %mul3A_3337 = arith.muli %iota3A, %mul3A_3336 : vector<16xi32>
    %add3A_3338 = arith.constant 0 : i32
    %add3A_3339 = vector.broadcast %add3A_3338 : i32 to vector<16xi32>
    %add3A_3340 = arith.addi %mul3A_3337, %add3A_3339 : vector<16xi32>
    tpu.vector_store_idx %arg9[%add3A_3319, %add3A_3340], %gather3A_3334 : memref<512x4xf32, #tpu.memory_space<vmem>>[vector<16xi32>, vector<16xi32>], vector<16xf32>,
    %add3A_3341 = arith.constant 1 : i32
    %add3A_3342 = vector.broadcast %add3A_3341 : i32 to vector<16xi32>
    %add3A_3343 = arith.addi %mul3A_3325, %add3A_3342 : vector<16xi32>
    %gather3A_3344 = arith.constant 0 : i32
    %gather3A_3345 = arith.constant 0 : i32
    %gather3A_3346 = arith.constant 0 : i32
    %gather3A_3347 = tpu.memref_slice %arg8[%gather3A_3344, %gather3A_3345, %gather3A_3346] : memref<2x128x128xf32, #tpu.memory_space<vmem>> -> memref<1x128x128xf32, #tpu.memory_space<vmem>>
    %gather3A_3348 = tpu.memref_squeeze %gather3A_3347 : memref<1x128x128xf32, #tpu.memory_space<vmem>> -> memref<128x128xf32, #tpu.memory_space<vmem>>
    %gather3A_3349 = tpu.vector_load_idx %gather3A_3348[%add3A_3314, %add3A_3343] : memref<128x128xf32, #tpu.memory_space<vmem>>[vector<16xi32>, vector<16xi32>], vector<16xf32>,
    %mul3A_3350 = arith.constant 0 : i32
    %mul3A_3351 = vector.broadcast %mul3A_3350 : i32 to vector<16xi32>
    %mul3A_3352 = arith.muli %iota3A, %mul3A_3351 : vector<16xi32>
    %add3A_3353 = arith.constant 1 : i32
    %add3A_3354 = vector.broadcast %add3A_3353 : i32 to vector<16xi32>
    %add3A_3355 = arith.addi %mul3A_3352, %add3A_3354 : vector<16xi32>
    tpu.vector_store_idx %arg9[%add3A_3319, %add3A_3355], %gather3A_3349 : memref<512x4xf32, #tpu.memory_space<vmem>>[vector<16xi32>, vector<16xi32>], vector<16xf32>,
    %add3A_3356 = arith.constant 2 : i32
    %add3A_3357 = vector.broadcast %add3A_3356 : i32 to vector<16xi32>
    %add3A_3358 = arith.addi %mul3A_3325, %add3A_3357 : vector<16xi32>
    %gather3A_3359 = arith.constant 0 : i32
    %gather3A_3360 = arith.constant 0 : i32
    %gather3A_3361 = arith.constant 0 : i32
    %gather3A_3362 = tpu.memref_slice %arg8[%gather3A_3359, %gather3A_3360, %gather3A_3361] : memref<2x128x128xf32, #tpu.memory_space<vmem>> -> memref<1x128x128xf32, #tpu.memory_space<vmem>>
    %gather3A_3363 = tpu.memref_squeeze %gather3A_3362 : memref<1x128x128xf32, #tpu.memory_space<vmem>> -> memref<128x128xf32, #tpu.memory_space<vmem>>
    %gather3A_3364 = tpu.vector_load_idx %gather3A_3363[%add3A_3314, %add3A_3358] : memref<128x128xf32, #tpu.memory_space<vmem>>[vector<16xi32>, vector<16xi32>], vector<16xf32>,
    %mul3A_3365 = arith.constant 0 : i32
    %mul3A_3366 = vector.broadcast %mul3A_3365 : i32 to vector<16xi32>
    %mul3A_3367 = arith.muli %iota3A, %mul3A_3366 : vector<16xi32>
    %add3A_3368 = arith.constant 2 : i32
    %add3A_3369 = vector.broadcast %add3A_3368 : i32 to vector<16xi32>
    %add3A_3370 = arith.addi %mul3A_3367, %add3A_3369 : vector<16xi32>
    tpu.vector_store_idx %arg9[%add3A_3319, %add3A_3370], %gather3A_3364 : memref<512x4xf32, #tpu.memory_space<vmem>>[vector<16xi32>, vector<16xi32>], vector<16xf32>,
    %add3A_3371 = arith.constant 3 : i32
    %add3A_3372 = vector.broadcast %add3A_3371 : i32 to vector<16xi32>
    %add3A_3373 = arith.addi %mul3A_3325, %add3A_3372 : vector<16xi32>
    %gather3A_3374 = arith.constant 0 : i32
    %gather3A_3375 = arith.constant 0 : i32
    %gather3A_3376 = arith.constant 0 : i32
    %gather3A_3377 = tpu.memref_slice %arg8[%gather3A_3374, %gather3A_3375, %gather3A_3376] : memref<2x128x128xf32, #tpu.memory_space<vmem>> -> memref<1x128x128xf32, #tpu.memory_space<vmem>>
    %gather3A_3378 = tpu.memref_squeeze %gather3A_3377 : memref<1x128x128xf32, #tpu.memory_space<vmem>> -> memref<128x128xf32, #tpu.memory_space<vmem>>
    %gather3A_3379 = tpu.vector_load_idx %gather3A_3378[%add3A_3314, %add3A_3373] : memref<128x128xf32, #tpu.memory_space<vmem>>[vector<16xi32>, vector<16xi32>], vector<16xf32>,
    %mul3A_3380 = arith.constant 0 : i32
    %mul3A_3381 = vector.broadcast %mul3A_3380 : i32 to vector<16xi32>
    %mul3A_3382 = arith.muli %iota3A, %mul3A_3381 : vector<16xi32>
    %add3A_3383 = arith.constant 3 : i32
    %add3A_3384 = vector.broadcast %add3A_3383 : i32 to vector<16xi32>
    %add3A_3385 = arith.addi %mul3A_3382, %add3A_3384 : vector<16xi32>
    tpu.vector_store_idx %arg9[%add3A_3319, %add3A_3385], %gather3A_3379 : memref<512x4xf32, #tpu.memory_space<vmem>>[vector<16xi32>, vector<16xi32>], vector<16xf32>,
    %add3A_3386 = arith.constant 4 : i32
    %add3A_3387 = vector.broadcast %add3A_3386 : i32 to vector<16xi32>
    %add3A_3388 = arith.addi %mul3A_3325, %add3A_3387 : vector<16xi32>
    %add3A_3389 = arith.constant 0 : i32
    %add3A_3390 = vector.broadcast %add3A_3389 : i32 to vector<16xi32>
    %add3A_3391 = arith.addi %add3A_3388, %add3A_3390 : vector<16xi32>
    %gather3A_3392 = arith.constant 0 : i32
    %gather3A_3393 = arith.constant 0 : i32
    %gather3A_3394 = arith.constant 0 : i32
    %gather3A_3395 = tpu.memref_slice %arg8[%gather3A_3392, %gather3A_3393, %gather3A_3394] : memref<2x128x128xf32, #tpu.memory_space<vmem>> -> memref<1x128x128xf32, #tpu.memory_space<vmem>>
    %gather3A_3396 = tpu.memref_squeeze %gather3A_3395 : memref<1x128x128xf32, #tpu.memory_space<vmem>> -> memref<128x128xf32, #tpu.memory_space<vmem>>
    %gather3A_3397 = tpu.vector_load_idx %gather3A_3396[%add3A_3314, %add3A_3391] : memref<128x128xf32, #tpu.memory_space<vmem>>[vector<16xi32>, vector<16xi32>], vector<16xf32>,
    %mul3A_3398 = arith.constant 0 : i32
    %mul3A_3399 = vector.broadcast %mul3A_3398 : i32 to vector<16xi32>
    %mul3A_3400 = arith.muli %iota3A, %mul3A_3399 : vector<16xi32>
    %add3A_3401 = arith.constant 0 : i32
    %add3A_3402 = vector.broadcast %add3A_3401 : i32 to vector<16xi32>
    %add3A_3403 = arith.addi %mul3A_3400, %add3A_3402 : vector<16xi32>
    tpu.vector_store_idx %arg10[%add3A_3319, %add3A_3403], %gather3A_3397 : memref<512x3xf32, #tpu.memory_space<vmem>>[vector<16xi32>, vector<16xi32>], vector<16xf32>,
    %add3A_3404 = arith.constant 4 : i32
    %add3A_3405 = vector.broadcast %add3A_3404 : i32 to vector<16xi32>
    %add3A_3406 = arith.addi %mul3A_3325, %add3A_3405 : vector<16xi32>
    %add3A_3407 = arith.constant 1 : i32
    %add3A_3408 = vector.broadcast %add3A_3407 : i32 to vector<16xi32>
    %add3A_3409 = arith.addi %add3A_3406, %add3A_3408 : vector<16xi32>
    %gather3A_3410 = arith.constant 0 : i32
    %gather3A_3411 = arith.constant 0 : i32
    %gather3A_3412 = arith.constant 0 : i32
    %gather3A_3413 = tpu.memref_slice %arg8[%gather3A_3410, %gather3A_3411, %gather3A_3412] : memref<2x128x128xf32, #tpu.memory_space<vmem>> -> memref<1x128x128xf32, #tpu.memory_space<vmem>>
    %gather3A_3414 = tpu.memref_squeeze %gather3A_3413 : memref<1x128x128xf32, #tpu.memory_space<vmem>> -> memref<128x128xf32, #tpu.memory_space<vmem>>
    %gather3A_3415 = tpu.vector_load_idx %gather3A_3414[%add3A_3314, %add3A_3409] : memref<128x128xf32, #tpu.memory_space<vmem>>[vector<16xi32>, vector<16xi32>], vector<16xf32>,
    %mul3A_3416 = arith.constant 0 : i32
    %mul3A_3417 = vector.broadcast %mul3A_3416 : i32 to vector<16xi32>
    %mul3A_3418 = arith.muli %iota3A, %mul3A_3417 : vector<16xi32>
    %add3A_3419 = arith.constant 1 : i32
    %add3A_3420 = vector.broadcast %add3A_3419 : i32 to vector<16xi32>
    %add3A_3421 = arith.addi %mul3A_3418, %add3A_3420 : vector<16xi32>
    tpu.vector_store_idx %arg10[%add3A_3319, %add3A_3421], %gather3A_3415 : memref<512x3xf32, #tpu.memory_space<vmem>>[vector<16xi32>, vector<16xi32>], vector<16xf32>,
    %add3A_3422 = arith.constant 4 : i32
    %add3A_3423 = vector.broadcast %add3A_3422 : i32 to vector<16xi32>
    %add3A_3424 = arith.addi %mul3A_3325, %add3A_3423 : vector<16xi32>
    %add3A_3425 = arith.constant 2 : i32
    %add3A_3426 = vector.broadcast %add3A_3425 : i32 to vector<16xi32>
    %add3A_3427 = arith.addi %add3A_3424, %add3A_3426 : vector<16xi32>
    %gather3A_3428 = arith.constant 0 : i32
    %gather3A_3429 = arith.constant 0 : i32
    %gather3A_3430 = arith.constant 0 : i32
    %gather3A_3431 = tpu.memref_slice %arg8[%gather3A_3428, %gather3A_3429, %gather3A_3430] : memref<2x128x128xf32, #tpu.memory_space<vmem>> -> memref<1x128x128xf32, #tpu.memory_space<vmem>>
    %gather3A_3432 = tpu.memref_squeeze %gather3A_3431 : memref<1x128x128xf32, #tpu.memory_space<vmem>> -> memref<128x128xf32, #tpu.memory_space<vmem>>
    %gather3A_3433 = tpu.vector_load_idx %gather3A_3432[%add3A_3314, %add3A_3427] : memref<128x128xf32, #tpu.memory_space<vmem>>[vector<16xi32>, vector<16xi32>], vector<16xf32>,
    %mul3A_3434 = arith.constant 0 : i32
    %mul3A_3435 = vector.broadcast %mul3A_3434 : i32 to vector<16xi32>
    %mul3A_3436 = arith.muli %iota3A, %mul3A_3435 : vector<16xi32>
    %add3A_3437 = arith.constant 2 : i32
    %add3A_3438 = vector.broadcast %add3A_3437 : i32 to vector<16xi32>
    %add3A_3439 = arith.addi %mul3A_3436, %add3A_3438 : vector<16xi32>
    tpu.vector_store_idx %arg10[%add3A_3319, %add3A_3439], %gather3A_3433 : memref<512x3xf32, #tpu.memory_space<vmem>>[vector<16xi32>, vector<16xi32>], vector<16xf32>,
    %dma_wait3A_3440 = arith.constant 3 : i32
    %dma_wait3A_3441 = arith.constant 1 : i32
    %dma_wait3A_3442 = arith.constant 0 : i32
    %dma_wait3A_3443 = arith.constant 0 : i32
    %dma_wait3A_3444 = tpu.memref_slice %arg8[%dma_wait3A_3441, %dma_wait3A_3442, %dma_wait3A_3443] : memref<2x128x128xf32, #tpu.memory_space<vmem>> -> memref<1x128x128xf32, #tpu.memory_space<vmem>>
    %dma_wait3A_3445 = tpu.memref_squeeze %dma_wait3A_3444 : memref<1x128x128xf32, #tpu.memory_space<vmem>> -> memref<128x128xf32, #tpu.memory_space<vmem>>
    %dma_wait3A_3446 = arith.constant 0 : i32
    %dma_wait3A_3447 = tpu.memref_slice %arg7[%dma_wait3A_3440, %dma_wait3A_3446] : memref<4x128xi32, #tpu.memory_space<vmem>> -> memref<1x128xi32, #tpu.memory_space<vmem>>
    %dma_wait3A_3448 = tpu.memref_squeeze %dma_wait3A_3447 : memref<1x128xi32, #tpu.memory_space<vmem>> -> memref<128xi32, #tpu.memory_space<vmem>>
    %dma_wait3A_3449 = arith.constant 0 : i32
    %dma_wait3A_3450 = arith.constant 0 : i32
    %dma_wait3A_3451 = tpu.memref_slice %arg3[%dma_wait3A_3449, %dma_wait3A_3450] : memref<62500x128xf32, #tpu.memory_space<hbm>> -> memref<62500x128xf32, #tpu.memory_space<hbm>>
    tpu.wait_indirect_dma semaphore(%arg12 : memref<!tpu.dma_semaphore, #tpu.memory_space<semaphore_mem>>) src(%dma_wait3A_3451 : memref<62500x128xf32, #tpu.memory_space<hbm>>) dst(%dma_wait3A_3445 : memref<128x128xf32, #tpu.memory_space<vmem>>)
    %add3A_3452 = arith.constant 0 : i32
    %add3A_3453 = vector.broadcast %add3A_3452 : i32 to vector<16xi32>
    %add3A_3454 = arith.addi %add3A_3453, %iota3A : vector<16xi32>
    %get3A_3455 = arith.constant 384 : index
    %get3A_3456 = tpu.vector_load %arg6[%get3A_3455] {strides = array<i32>} : memref<512xi32, #tpu.memory_space<vmem>>, vector<16xi32>,
    %add3A_3457 = arith.constant 384 : i32
    %add3A_3458 = vector.broadcast %add3A_3457 : i32 to vector<16xi32>
    %add3A_3459 = arith.addi %add3A_3458, %iota3A : vector<16xi32>
    %and3A_3460 = arith.constant 15 : i32
    %and3A_3461 = vector.broadcast %and3A_3460 : i32 to vector<16xi32>
    %and3A_3462 = arith.andi %get3A_3456, %and3A_3461 : vector<16xi32>
    %mul3A_3463 = arith.constant 8 : i32
    %mul3A_3464 = vector.broadcast %mul3A_3463 : i32 to vector<16xi32>
    %mul3A_3465 = arith.muli %and3A_3462, %mul3A_3464 : vector<16xi32>
    %add3A_3466 = arith.constant 0 : i32
    %add3A_3467 = vector.broadcast %add3A_3466 : i32 to vector<16xi32>
    %add3A_3468 = arith.addi %mul3A_3465, %add3A_3467 : vector<16xi32>
    %gather3A_3469 = arith.constant 1 : i32
    %gather3A_3470 = arith.constant 0 : i32
    %gather3A_3471 = arith.constant 0 : i32
    %gather3A_3472 = tpu.memref_slice %arg8[%gather3A_3469, %gather3A_3470, %gather3A_3471] : memref<2x128x128xf32, #tpu.memory_space<vmem>> -> memref<1x128x128xf32, #tpu.memory_space<vmem>>
    %gather3A_3473 = tpu.memref_squeeze %gather3A_3472 : memref<1x128x128xf32, #tpu.memory_space<vmem>> -> memref<128x128xf32, #tpu.memory_space<vmem>>
    %gather3A_3474 = tpu.vector_load_idx %gather3A_3473[%add3A_3454, %add3A_3468] : memref<128x128xf32, #tpu.memory_space<vmem>>[vector<16xi32>, vector<16xi32>], vector<16xf32>,
    %mul3A_3475 = arith.constant 0 : i32
    %mul3A_3476 = vector.broadcast %mul3A_3475 : i32 to vector<16xi32>
    %mul3A_3477 = arith.muli %iota3A, %mul3A_3476 : vector<16xi32>
    %add3A_3478 = arith.constant 0 : i32
    %add3A_3479 = vector.broadcast %add3A_3478 : i32 to vector<16xi32>
    %add3A_3480 = arith.addi %mul3A_3477, %add3A_3479 : vector<16xi32>
    tpu.vector_store_idx %arg9[%add3A_3459, %add3A_3480], %gather3A_3474 : memref<512x4xf32, #tpu.memory_space<vmem>>[vector<16xi32>, vector<16xi32>], vector<16xf32>,
    %add3A_3481 = arith.constant 1 : i32
    %add3A_3482 = vector.broadcast %add3A_3481 : i32 to vector<16xi32>
    %add3A_3483 = arith.addi %mul3A_3465, %add3A_3482 : vector<16xi32>
    %gather3A_3484 = arith.constant 1 : i32
    %gather3A_3485 = arith.constant 0 : i32
    %gather3A_3486 = arith.constant 0 : i32
    %gather3A_3487 = tpu.memref_slice %arg8[%gather3A_3484, %gather3A_3485, %gather3A_3486] : memref<2x128x128xf32, #tpu.memory_space<vmem>> -> memref<1x128x128xf32, #tpu.memory_space<vmem>>
    %gather3A_3488 = tpu.memref_squeeze %gather3A_3487 : memref<1x128x128xf32, #tpu.memory_space<vmem>> -> memref<128x128xf32, #tpu.memory_space<vmem>>
    %gather3A_3489 = tpu.vector_load_idx %gather3A_3488[%add3A_3454, %add3A_3483] : memref<128x128xf32, #tpu.memory_space<vmem>>[vector<16xi32>, vector<16xi32>], vector<16xf32>,
    %mul3A_3490 = arith.constant 0 : i32
    %mul3A_3491 = vector.broadcast %mul3A_3490 : i32 to vector<16xi32>
    %mul3A_3492 = arith.muli %iota3A, %mul3A_3491 : vector<16xi32>
    %add3A_3493 = arith.constant 1 : i32
    %add3A_3494 = vector.broadcast %add3A_3493 : i32 to vector<16xi32>
    %add3A_3495 = arith.addi %mul3A_3492, %add3A_3494 : vector<16xi32>
    tpu.vector_store_idx %arg9[%add3A_3459, %add3A_3495], %gather3A_3489 : memref<512x4xf32, #tpu.memory_space<vmem>>[vector<16xi32>, vector<16xi32>], vector<16xf32>,
    %add3A_3496 = arith.constant 2 : i32
    %add3A_3497 = vector.broadcast %add3A_3496 : i32 to vector<16xi32>
    %add3A_3498 = arith.addi %mul3A_3465, %add3A_3497 : vector<16xi32>
    %gather3A_3499 = arith.constant 1 : i32
    %gather3A_3500 = arith.constant 0 : i32
    %gather3A_3501 = arith.constant 0 : i32
    %gather3A_3502 = tpu.memref_slice %arg8[%gather3A_3499, %gather3A_3500, %gather3A_3501] : memref<2x128x128xf32, #tpu.memory_space<vmem>> -> memref<1x128x128xf32, #tpu.memory_space<vmem>>
    %gather3A_3503 = tpu.memref_squeeze %gather3A_3502 : memref<1x128x128xf32, #tpu.memory_space<vmem>> -> memref<128x128xf32, #tpu.memory_space<vmem>>
    %gather3A_3504 = tpu.vector_load_idx %gather3A_3503[%add3A_3454, %add3A_3498] : memref<128x128xf32, #tpu.memory_space<vmem>>[vector<16xi32>, vector<16xi32>], vector<16xf32>,
    %mul3A_3505 = arith.constant 0 : i32
    %mul3A_3506 = vector.broadcast %mul3A_3505 : i32 to vector<16xi32>
    %mul3A_3507 = arith.muli %iota3A, %mul3A_3506 : vector<16xi32>
    %add3A_3508 = arith.constant 2 : i32
    %add3A_3509 = vector.broadcast %add3A_3508 : i32 to vector<16xi32>
    %add3A_3510 = arith.addi %mul3A_3507, %add3A_3509 : vector<16xi32>
    tpu.vector_store_idx %arg9[%add3A_3459, %add3A_3510], %gather3A_3504 : memref<512x4xf32, #tpu.memory_space<vmem>>[vector<16xi32>, vector<16xi32>], vector<16xf32>,
    %add3A_3511 = arith.constant 3 : i32
    %add3A_3512 = vector.broadcast %add3A_3511 : i32 to vector<16xi32>
    %add3A_3513 = arith.addi %mul3A_3465, %add3A_3512 : vector<16xi32>
    %gather3A_3514 = arith.constant 1 : i32
    %gather3A_3515 = arith.constant 0 : i32
    %gather3A_3516 = arith.constant 0 : i32
    %gather3A_3517 = tpu.memref_slice %arg8[%gather3A_3514, %gather3A_3515, %gather3A_3516] : memref<2x128x128xf32, #tpu.memory_space<vmem>> -> memref<1x128x128xf32, #tpu.memory_space<vmem>>
    %gather3A_3518 = tpu.memref_squeeze %gather3A_3517 : memref<1x128x128xf32, #tpu.memory_space<vmem>> -> memref<128x128xf32, #tpu.memory_space<vmem>>
    %gather3A_3519 = tpu.vector_load_idx %gather3A_3518[%add3A_3454, %add3A_3513] : memref<128x128xf32, #tpu.memory_space<vmem>>[vector<16xi32>, vector<16xi32>], vector<16xf32>,
    %mul3A_3520 = arith.constant 0 : i32
    %mul3A_3521 = vector.broadcast %mul3A_3520 : i32 to vector<16xi32>
    %mul3A_3522 = arith.muli %iota3A, %mul3A_3521 : vector<16xi32>
    %add3A_3523 = arith.constant 3 : i32
    %add3A_3524 = vector.broadcast %add3A_3523 : i32 to vector<16xi32>
    %add3A_3525 = arith.addi %mul3A_3522, %add3A_3524 : vector<16xi32>
    tpu.vector_store_idx %arg9[%add3A_3459, %add3A_3525], %gather3A_3519 : memref<512x4xf32, #tpu.memory_space<vmem>>[vector<16xi32>, vector<16xi32>], vector<16xf32>,
    %add3A_3526 = arith.constant 4 : i32
    %add3A_3527 = vector.broadcast %add3A_3526 : i32 to vector<16xi32>
    %add3A_3528 = arith.addi %mul3A_3465, %add3A_3527 : vector<16xi32>
    %add3A_3529 = arith.constant 0 : i32
    %add3A_3530 = vector.broadcast %add3A_3529 : i32 to vector<16xi32>
    %add3A_3531 = arith.addi %add3A_3528, %add3A_3530 : vector<16xi32>
    %gather3A_3532 = arith.constant 1 : i32
    %gather3A_3533 = arith.constant 0 : i32
    %gather3A_3534 = arith.constant 0 : i32
    %gather3A_3535 = tpu.memref_slice %arg8[%gather3A_3532, %gather3A_3533, %gather3A_3534] : memref<2x128x128xf32, #tpu.memory_space<vmem>> -> memref<1x128x128xf32, #tpu.memory_space<vmem>>
    %gather3A_3536 = tpu.memref_squeeze %gather3A_3535 : memref<1x128x128xf32, #tpu.memory_space<vmem>> -> memref<128x128xf32, #tpu.memory_space<vmem>>
    %gather3A_3537 = tpu.vector_load_idx %gather3A_3536[%add3A_3454, %add3A_3531] : memref<128x128xf32, #tpu.memory_space<vmem>>[vector<16xi32>, vector<16xi32>], vector<16xf32>,
    %mul3A_3538 = arith.constant 0 : i32
    %mul3A_3539 = vector.broadcast %mul3A_3538 : i32 to vector<16xi32>
    %mul3A_3540 = arith.muli %iota3A, %mul3A_3539 : vector<16xi32>
    %add3A_3541 = arith.constant 0 : i32
    %add3A_3542 = vector.broadcast %add3A_3541 : i32 to vector<16xi32>
    %add3A_3543 = arith.addi %mul3A_3540, %add3A_3542 : vector<16xi32>
    tpu.vector_store_idx %arg10[%add3A_3459, %add3A_3543], %gather3A_3537 : memref<512x3xf32, #tpu.memory_space<vmem>>[vector<16xi32>, vector<16xi32>], vector<16xf32>,
    %add3A_3544 = arith.constant 4 : i32
    %add3A_3545 = vector.broadcast %add3A_3544 : i32 to vector<16xi32>
    %add3A_3546 = arith.addi %mul3A_3465, %add3A_3545 : vector<16xi32>
    %add3A_3547 = arith.constant 1 : i32
    %add3A_3548 = vector.broadcast %add3A_3547 : i32 to vector<16xi32>
    %add3A_3549 = arith.addi %add3A_3546, %add3A_3548 : vector<16xi32>
    %gather3A_3550 = arith.constant 1 : i32
    %gather3A_3551 = arith.constant 0 : i32
    %gather3A_3552 = arith.constant 0 : i32
    %gather3A_3553 = tpu.memref_slice %arg8[%gather3A_3550, %gather3A_3551, %gather3A_3552] : memref<2x128x128xf32, #tpu.memory_space<vmem>> -> memref<1x128x128xf32, #tpu.memory_space<vmem>>
    %gather3A_3554 = tpu.memref_squeeze %gather3A_3553 : memref<1x128x128xf32, #tpu.memory_space<vmem>> -> memref<128x128xf32, #tpu.memory_space<vmem>>
    %gather3A_3555 = tpu.vector_load_idx %gather3A_3554[%add3A_3454, %add3A_3549] : memref<128x128xf32, #tpu.memory_space<vmem>>[vector<16xi32>, vector<16xi32>], vector<16xf32>,
    %mul3A_3556 = arith.constant 0 : i32
    %mul3A_3557 = vector.broadcast %mul3A_3556 : i32 to vector<16xi32>
    %mul3A_3558 = arith.muli %iota3A, %mul3A_3557 : vector<16xi32>
    %add3A_3559 = arith.constant 1 : i32
    %add3A_3560 = vector.broadcast %add3A_3559 : i32 to vector<16xi32>
    %add3A_3561 = arith.addi %mul3A_3558, %add3A_3560 : vector<16xi32>
    tpu.vector_store_idx %arg10[%add3A_3459, %add3A_3561], %gather3A_3555 : memref<512x3xf32, #tpu.memory_space<vmem>>[vector<16xi32>, vector<16xi32>], vector<16xf32>,
    %add3A_3562 = arith.constant 4 : i32
    %add3A_3563 = vector.broadcast %add3A_3562 : i32 to vector<16xi32>
    %add3A_3564 = arith.addi %mul3A_3465, %add3A_3563 : vector<16xi32>
    %add3A_3565 = arith.constant 2 : i32
    %add3A_3566 = vector.broadcast %add3A_3565 : i32 to vector<16xi32>
    %add3A_3567 = arith.addi %add3A_3564, %add3A_3566 : vector<16xi32>
    %gather3A_3568 = arith.constant 1 : i32
    %gather3A_3569 = arith.constant 0 : i32
    %gather3A_3570 = arith.constant 0 : i32
    %gather3A_3571 = tpu.memref_slice %arg8[%gather3A_3568, %gather3A_3569, %gather3A_3570] : memref<2x128x128xf32, #tpu.memory_space<vmem>> -> memref<1x128x128xf32, #tpu.memory_space<vmem>>
    %gather3A_3572 = tpu.memref_squeeze %gather3A_3571 : memref<1x128x128xf32, #tpu.memory_space<vmem>> -> memref<128x128xf32, #tpu.memory_space<vmem>>
    %gather3A_3573 = tpu.vector_load_idx %gather3A_3572[%add3A_3454, %add3A_3567] : memref<128x128xf32, #tpu.memory_space<vmem>>[vector<16xi32>, vector<16xi32>], vector<16xf32>,
    %mul3A_3574 = arith.constant 0 : i32
    %mul3A_3575 = vector.broadcast %mul3A_3574 : i32 to vector<16xi32>
    %mul3A_3576 = arith.muli %iota3A, %mul3A_3575 : vector<16xi32>
    %add3A_3577 = arith.constant 2 : i32
    %add3A_3578 = vector.broadcast %add3A_3577 : i32 to vector<16xi32>
    %add3A_3579 = arith.addi %mul3A_3576, %add3A_3578 : vector<16xi32>
    tpu.vector_store_idx %arg10[%add3A_3459, %add3A_3579], %gather3A_3573 : memref<512x3xf32, #tpu.memory_space<vmem>>[vector<16xi32>, vector<16xi32>], vector<16xf32>,
    %add3A_3580 = arith.constant 16 : i32
    %add3A_3581 = vector.broadcast %add3A_3580 : i32 to vector<16xi32>
    %add3A_3582 = arith.addi %add3A_3581, %iota3A : vector<16xi32>
    %get3A_3583 = arith.constant 400 : index
    %get3A_3584 = tpu.vector_load %arg6[%get3A_3583] {strides = array<i32>} : memref<512xi32, #tpu.memory_space<vmem>>, vector<16xi32>,
    %add3A_3585 = arith.constant 400 : i32
    %add3A_3586 = vector.broadcast %add3A_3585 : i32 to vector<16xi32>
    %add3A_3587 = arith.addi %add3A_3586, %iota3A : vector<16xi32>
    %and3A_3588 = arith.constant 15 : i32
    %and3A_3589 = vector.broadcast %and3A_3588 : i32 to vector<16xi32>
    %and3A_3590 = arith.andi %get3A_3584, %and3A_3589 : vector<16xi32>
    %mul3A_3591 = arith.constant 8 : i32
    %mul3A_3592 = vector.broadcast %mul3A_3591 : i32 to vector<16xi32>
    %mul3A_3593 = arith.muli %and3A_3590, %mul3A_3592 : vector<16xi32>
    %add3A_3594 = arith.constant 0 : i32
    %add3A_3595 = vector.broadcast %add3A_3594 : i32 to vector<16xi32>
    %add3A_3596 = arith.addi %mul3A_3593, %add3A_3595 : vector<16xi32>
    %gather3A_3597 = arith.constant 1 : i32
    %gather3A_3598 = arith.constant 0 : i32
    %gather3A_3599 = arith.constant 0 : i32
    %gather3A_3600 = tpu.memref_slice %arg8[%gather3A_3597, %gather3A_3598, %gather3A_3599] : memref<2x128x128xf32, #tpu.memory_space<vmem>> -> memref<1x128x128xf32, #tpu.memory_space<vmem>>
    %gather3A_3601 = tpu.memref_squeeze %gather3A_3600 : memref<1x128x128xf32, #tpu.memory_space<vmem>> -> memref<128x128xf32, #tpu.memory_space<vmem>>
    %gather3A_3602 = tpu.vector_load_idx %gather3A_3601[%add3A_3582, %add3A_3596] : memref<128x128xf32, #tpu.memory_space<vmem>>[vector<16xi32>, vector<16xi32>], vector<16xf32>,
    %mul3A_3603 = arith.constant 0 : i32
    %mul3A_3604 = vector.broadcast %mul3A_3603 : i32 to vector<16xi32>
    %mul3A_3605 = arith.muli %iota3A, %mul3A_3604 : vector<16xi32>
    %add3A_3606 = arith.constant 0 : i32
    %add3A_3607 = vector.broadcast %add3A_3606 : i32 to vector<16xi32>
    %add3A_3608 = arith.addi %mul3A_3605, %add3A_3607 : vector<16xi32>
    tpu.vector_store_idx %arg9[%add3A_3587, %add3A_3608], %gather3A_3602 : memref<512x4xf32, #tpu.memory_space<vmem>>[vector<16xi32>, vector<16xi32>], vector<16xf32>,
    %add3A_3609 = arith.constant 1 : i32
    %add3A_3610 = vector.broadcast %add3A_3609 : i32 to vector<16xi32>
    %add3A_3611 = arith.addi %mul3A_3593, %add3A_3610 : vector<16xi32>
    %gather3A_3612 = arith.constant 1 : i32
    %gather3A_3613 = arith.constant 0 : i32
    %gather3A_3614 = arith.constant 0 : i32
    %gather3A_3615 = tpu.memref_slice %arg8[%gather3A_3612, %gather3A_3613, %gather3A_3614] : memref<2x128x128xf32, #tpu.memory_space<vmem>> -> memref<1x128x128xf32, #tpu.memory_space<vmem>>
    %gather3A_3616 = tpu.memref_squeeze %gather3A_3615 : memref<1x128x128xf32, #tpu.memory_space<vmem>> -> memref<128x128xf32, #tpu.memory_space<vmem>>
    %gather3A_3617 = tpu.vector_load_idx %gather3A_3616[%add3A_3582, %add3A_3611] : memref<128x128xf32, #tpu.memory_space<vmem>>[vector<16xi32>, vector<16xi32>], vector<16xf32>,
    %mul3A_3618 = arith.constant 0 : i32
    %mul3A_3619 = vector.broadcast %mul3A_3618 : i32 to vector<16xi32>
    %mul3A_3620 = arith.muli %iota3A, %mul3A_3619 : vector<16xi32>
    %add3A_3621 = arith.constant 1 : i32
    %add3A_3622 = vector.broadcast %add3A_3621 : i32 to vector<16xi32>
    %add3A_3623 = arith.addi %mul3A_3620, %add3A_3622 : vector<16xi32>
    tpu.vector_store_idx %arg9[%add3A_3587, %add3A_3623], %gather3A_3617 : memref<512x4xf32, #tpu.memory_space<vmem>>[vector<16xi32>, vector<16xi32>], vector<16xf32>,
    %add3A_3624 = arith.constant 2 : i32
    %add3A_3625 = vector.broadcast %add3A_3624 : i32 to vector<16xi32>
    %add3A_3626 = arith.addi %mul3A_3593, %add3A_3625 : vector<16xi32>
    %gather3A_3627 = arith.constant 1 : i32
    %gather3A_3628 = arith.constant 0 : i32
    %gather3A_3629 = arith.constant 0 : i32
    %gather3A_3630 = tpu.memref_slice %arg8[%gather3A_3627, %gather3A_3628, %gather3A_3629] : memref<2x128x128xf32, #tpu.memory_space<vmem>> -> memref<1x128x128xf32, #tpu.memory_space<vmem>>
    %gather3A_3631 = tpu.memref_squeeze %gather3A_3630 : memref<1x128x128xf32, #tpu.memory_space<vmem>> -> memref<128x128xf32, #tpu.memory_space<vmem>>
    %gather3A_3632 = tpu.vector_load_idx %gather3A_3631[%add3A_3582, %add3A_3626] : memref<128x128xf32, #tpu.memory_space<vmem>>[vector<16xi32>, vector<16xi32>], vector<16xf32>,
    %mul3A_3633 = arith.constant 0 : i32
    %mul3A_3634 = vector.broadcast %mul3A_3633 : i32 to vector<16xi32>
    %mul3A_3635 = arith.muli %iota3A, %mul3A_3634 : vector<16xi32>
    %add3A_3636 = arith.constant 2 : i32
    %add3A_3637 = vector.broadcast %add3A_3636 : i32 to vector<16xi32>
    %add3A_3638 = arith.addi %mul3A_3635, %add3A_3637 : vector<16xi32>
    tpu.vector_store_idx %arg9[%add3A_3587, %add3A_3638], %gather3A_3632 : memref<512x4xf32, #tpu.memory_space<vmem>>[vector<16xi32>, vector<16xi32>], vector<16xf32>,
    %add3A_3639 = arith.constant 3 : i32
    %add3A_3640 = vector.broadcast %add3A_3639 : i32 to vector<16xi32>
    %add3A_3641 = arith.addi %mul3A_3593, %add3A_3640 : vector<16xi32>
    %gather3A_3642 = arith.constant 1 : i32
    %gather3A_3643 = arith.constant 0 : i32
    %gather3A_3644 = arith.constant 0 : i32
    %gather3A_3645 = tpu.memref_slice %arg8[%gather3A_3642, %gather3A_3643, %gather3A_3644] : memref<2x128x128xf32, #tpu.memory_space<vmem>> -> memref<1x128x128xf32, #tpu.memory_space<vmem>>
    %gather3A_3646 = tpu.memref_squeeze %gather3A_3645 : memref<1x128x128xf32, #tpu.memory_space<vmem>> -> memref<128x128xf32, #tpu.memory_space<vmem>>
    %gather3A_3647 = tpu.vector_load_idx %gather3A_3646[%add3A_3582, %add3A_3641] : memref<128x128xf32, #tpu.memory_space<vmem>>[vector<16xi32>, vector<16xi32>], vector<16xf32>,
    %mul3A_3648 = arith.constant 0 : i32
    %mul3A_3649 = vector.broadcast %mul3A_3648 : i32 to vector<16xi32>
    %mul3A_3650 = arith.muli %iota3A, %mul3A_3649 : vector<16xi32>
    %add3A_3651 = arith.constant 3 : i32
    %add3A_3652 = vector.broadcast %add3A_3651 : i32 to vector<16xi32>
    %add3A_3653 = arith.addi %mul3A_3650, %add3A_3652 : vector<16xi32>
    tpu.vector_store_idx %arg9[%add3A_3587, %add3A_3653], %gather3A_3647 : memref<512x4xf32, #tpu.memory_space<vmem>>[vector<16xi32>, vector<16xi32>], vector<16xf32>,
    %add3A_3654 = arith.constant 4 : i32
    %add3A_3655 = vector.broadcast %add3A_3654 : i32 to vector<16xi32>
    %add3A_3656 = arith.addi %mul3A_3593, %add3A_3655 : vector<16xi32>
    %add3A_3657 = arith.constant 0 : i32
    %add3A_3658 = vector.broadcast %add3A_3657 : i32 to vector<16xi32>
    %add3A_3659 = arith.addi %add3A_3656, %add3A_3658 : vector<16xi32>
    %gather3A_3660 = arith.constant 1 : i32
    %gather3A_3661 = arith.constant 0 : i32
    %gather3A_3662 = arith.constant 0 : i32
    %gather3A_3663 = tpu.memref_slice %arg8[%gather3A_3660, %gather3A_3661, %gather3A_3662] : memref<2x128x128xf32, #tpu.memory_space<vmem>> -> memref<1x128x128xf32, #tpu.memory_space<vmem>>
    %gather3A_3664 = tpu.memref_squeeze %gather3A_3663 : memref<1x128x128xf32, #tpu.memory_space<vmem>> -> memref<128x128xf32, #tpu.memory_space<vmem>>
    %gather3A_3665 = tpu.vector_load_idx %gather3A_3664[%add3A_3582, %add3A_3659] : memref<128x128xf32, #tpu.memory_space<vmem>>[vector<16xi32>, vector<16xi32>], vector<16xf32>,
    %mul3A_3666 = arith.constant 0 : i32
    %mul3A_3667 = vector.broadcast %mul3A_3666 : i32 to vector<16xi32>
    %mul3A_3668 = arith.muli %iota3A, %mul3A_3667 : vector<16xi32>
    %add3A_3669 = arith.constant 0 : i32
    %add3A_3670 = vector.broadcast %add3A_3669 : i32 to vector<16xi32>
    %add3A_3671 = arith.addi %mul3A_3668, %add3A_3670 : vector<16xi32>
    tpu.vector_store_idx %arg10[%add3A_3587, %add3A_3671], %gather3A_3665 : memref<512x3xf32, #tpu.memory_space<vmem>>[vector<16xi32>, vector<16xi32>], vector<16xf32>,
    %add3A_3672 = arith.constant 4 : i32
    %add3A_3673 = vector.broadcast %add3A_3672 : i32 to vector<16xi32>
    %add3A_3674 = arith.addi %mul3A_3593, %add3A_3673 : vector<16xi32>
    %add3A_3675 = arith.constant 1 : i32
    %add3A_3676 = vector.broadcast %add3A_3675 : i32 to vector<16xi32>
    %add3A_3677 = arith.addi %add3A_3674, %add3A_3676 : vector<16xi32>
    %gather3A_3678 = arith.constant 1 : i32
    %gather3A_3679 = arith.constant 0 : i32
    %gather3A_3680 = arith.constant 0 : i32
    %gather3A_3681 = tpu.memref_slice %arg8[%gather3A_3678, %gather3A_3679, %gather3A_3680] : memref<2x128x128xf32, #tpu.memory_space<vmem>> -> memref<1x128x128xf32, #tpu.memory_space<vmem>>
    %gather3A_3682 = tpu.memref_squeeze %gather3A_3681 : memref<1x128x128xf32, #tpu.memory_space<vmem>> -> memref<128x128xf32, #tpu.memory_space<vmem>>
    %gather3A_3683 = tpu.vector_load_idx %gather3A_3682[%add3A_3582, %add3A_3677] : memref<128x128xf32, #tpu.memory_space<vmem>>[vector<16xi32>, vector<16xi32>], vector<16xf32>,
    %mul3A_3684 = arith.constant 0 : i32
    %mul3A_3685 = vector.broadcast %mul3A_3684 : i32 to vector<16xi32>
    %mul3A_3686 = arith.muli %iota3A, %mul3A_3685 : vector<16xi32>
    %add3A_3687 = arith.constant 1 : i32
    %add3A_3688 = vector.broadcast %add3A_3687 : i32 to vector<16xi32>
    %add3A_3689 = arith.addi %mul3A_3686, %add3A_3688 : vector<16xi32>
    tpu.vector_store_idx %arg10[%add3A_3587, %add3A_3689], %gather3A_3683 : memref<512x3xf32, #tpu.memory_space<vmem>>[vector<16xi32>, vector<16xi32>], vector<16xf32>,
    %add3A_3690 = arith.constant 4 : i32
    %add3A_3691 = vector.broadcast %add3A_3690 : i32 to vector<16xi32>
    %add3A_3692 = arith.addi %mul3A_3593, %add3A_3691 : vector<16xi32>
    %add3A_3693 = arith.constant 2 : i32
    %add3A_3694 = vector.broadcast %add3A_3693 : i32 to vector<16xi32>
    %add3A_3695 = arith.addi %add3A_3692, %add3A_3694 : vector<16xi32>
    %gather3A_3696 = arith.constant 1 : i32
    %gather3A_3697 = arith.constant 0 : i32
    %gather3A_3698 = arith.constant 0 : i32
    %gather3A_3699 = tpu.memref_slice %arg8[%gather3A_3696, %gather3A_3697, %gather3A_3698] : memref<2x128x128xf32, #tpu.memory_space<vmem>> -> memref<1x128x128xf32, #tpu.memory_space<vmem>>
    %gather3A_3700 = tpu.memref_squeeze %gather3A_3699 : memref<1x128x128xf32, #tpu.memory_space<vmem>> -> memref<128x128xf32, #tpu.memory_space<vmem>>
    %gather3A_3701 = tpu.vector_load_idx %gather3A_3700[%add3A_3582, %add3A_3695] : memref<128x128xf32, #tpu.memory_space<vmem>>[vector<16xi32>, vector<16xi32>], vector<16xf32>,
    %mul3A_3702 = arith.constant 0 : i32
    %mul3A_3703 = vector.broadcast %mul3A_3702 : i32 to vector<16xi32>
    %mul3A_3704 = arith.muli %iota3A, %mul3A_3703 : vector<16xi32>
    %add3A_3705 = arith.constant 2 : i32
    %add3A_3706 = vector.broadcast %add3A_3705 : i32 to vector<16xi32>
    %add3A_3707 = arith.addi %mul3A_3704, %add3A_3706 : vector<16xi32>
    tpu.vector_store_idx %arg10[%add3A_3587, %add3A_3707], %gather3A_3701 : memref<512x3xf32, #tpu.memory_space<vmem>>[vector<16xi32>, vector<16xi32>], vector<16xf32>,
    %add3A_3708 = arith.constant 32 : i32
    %add3A_3709 = vector.broadcast %add3A_3708 : i32 to vector<16xi32>
    %add3A_3710 = arith.addi %add3A_3709, %iota3A : vector<16xi32>
    %get3A_3711 = arith.constant 416 : index
    %get3A_3712 = tpu.vector_load %arg6[%get3A_3711] {strides = array<i32>} : memref<512xi32, #tpu.memory_space<vmem>>, vector<16xi32>,
    %add3A_3713 = arith.constant 416 : i32
    %add3A_3714 = vector.broadcast %add3A_3713 : i32 to vector<16xi32>
    %add3A_3715 = arith.addi %add3A_3714, %iota3A : vector<16xi32>
    %and3A_3716 = arith.constant 15 : i32
    %and3A_3717 = vector.broadcast %and3A_3716 : i32 to vector<16xi32>
    %and3A_3718 = arith.andi %get3A_3712, %and3A_3717 : vector<16xi32>
    %mul3A_3719 = arith.constant 8 : i32
    %mul3A_3720 = vector.broadcast %mul3A_3719 : i32 to vector<16xi32>
    %mul3A_3721 = arith.muli %and3A_3718, %mul3A_3720 : vector<16xi32>
    %add3A_3722 = arith.constant 0 : i32
    %add3A_3723 = vector.broadcast %add3A_3722 : i32 to vector<16xi32>
    %add3A_3724 = arith.addi %mul3A_3721, %add3A_3723 : vector<16xi32>
    %gather3A_3725 = arith.constant 1 : i32
    %gather3A_3726 = arith.constant 0 : i32
    %gather3A_3727 = arith.constant 0 : i32
    %gather3A_3728 = tpu.memref_slice %arg8[%gather3A_3725, %gather3A_3726, %gather3A_3727] : memref<2x128x128xf32, #tpu.memory_space<vmem>> -> memref<1x128x128xf32, #tpu.memory_space<vmem>>
    %gather3A_3729 = tpu.memref_squeeze %gather3A_3728 : memref<1x128x128xf32, #tpu.memory_space<vmem>> -> memref<128x128xf32, #tpu.memory_space<vmem>>
    %gather3A_3730 = tpu.vector_load_idx %gather3A_3729[%add3A_3710, %add3A_3724] : memref<128x128xf32, #tpu.memory_space<vmem>>[vector<16xi32>, vector<16xi32>], vector<16xf32>,
    %mul3A_3731 = arith.constant 0 : i32
    %mul3A_3732 = vector.broadcast %mul3A_3731 : i32 to vector<16xi32>
    %mul3A_3733 = arith.muli %iota3A, %mul3A_3732 : vector<16xi32>
    %add3A_3734 = arith.constant 0 : i32
    %add3A_3735 = vector.broadcast %add3A_3734 : i32 to vector<16xi32>
    %add3A_3736 = arith.addi %mul3A_3733, %add3A_3735 : vector<16xi32>
    tpu.vector_store_idx %arg9[%add3A_3715, %add3A_3736], %gather3A_3730 : memref<512x4xf32, #tpu.memory_space<vmem>>[vector<16xi32>, vector<16xi32>], vector<16xf32>,
    %add3A_3737 = arith.constant 1 : i32
    %add3A_3738 = vector.broadcast %add3A_3737 : i32 to vector<16xi32>
    %add3A_3739 = arith.addi %mul3A_3721, %add3A_3738 : vector<16xi32>
    %gather3A_3740 = arith.constant 1 : i32
    %gather3A_3741 = arith.constant 0 : i32
    %gather3A_3742 = arith.constant 0 : i32
    %gather3A_3743 = tpu.memref_slice %arg8[%gather3A_3740, %gather3A_3741, %gather3A_3742] : memref<2x128x128xf32, #tpu.memory_space<vmem>> -> memref<1x128x128xf32, #tpu.memory_space<vmem>>
    %gather3A_3744 = tpu.memref_squeeze %gather3A_3743 : memref<1x128x128xf32, #tpu.memory_space<vmem>> -> memref<128x128xf32, #tpu.memory_space<vmem>>
    %gather3A_3745 = tpu.vector_load_idx %gather3A_3744[%add3A_3710, %add3A_3739] : memref<128x128xf32, #tpu.memory_space<vmem>>[vector<16xi32>, vector<16xi32>], vector<16xf32>,
    %mul3A_3746 = arith.constant 0 : i32
    %mul3A_3747 = vector.broadcast %mul3A_3746 : i32 to vector<16xi32>
    %mul3A_3748 = arith.muli %iota3A, %mul3A_3747 : vector<16xi32>
    %add3A_3749 = arith.constant 1 : i32
    %add3A_3750 = vector.broadcast %add3A_3749 : i32 to vector<16xi32>
    %add3A_3751 = arith.addi %mul3A_3748, %add3A_3750 : vector<16xi32>
    tpu.vector_store_idx %arg9[%add3A_3715, %add3A_3751], %gather3A_3745 : memref<512x4xf32, #tpu.memory_space<vmem>>[vector<16xi32>, vector<16xi32>], vector<16xf32>,
    %add3A_3752 = arith.constant 2 : i32
    %add3A_3753 = vector.broadcast %add3A_3752 : i32 to vector<16xi32>
    %add3A_3754 = arith.addi %mul3A_3721, %add3A_3753 : vector<16xi32>
    %gather3A_3755 = arith.constant 1 : i32
    %gather3A_3756 = arith.constant 0 : i32
    %gather3A_3757 = arith.constant 0 : i32
    %gather3A_3758 = tpu.memref_slice %arg8[%gather3A_3755, %gather3A_3756, %gather3A_3757] : memref<2x128x128xf32, #tpu.memory_space<vmem>> -> memref<1x128x128xf32, #tpu.memory_space<vmem>>
    %gather3A_3759 = tpu.memref_squeeze %gather3A_3758 : memref<1x128x128xf32, #tpu.memory_space<vmem>> -> memref<128x128xf32, #tpu.memory_space<vmem>>
    %gather3A_3760 = tpu.vector_load_idx %gather3A_3759[%add3A_3710, %add3A_3754] : memref<128x128xf32, #tpu.memory_space<vmem>>[vector<16xi32>, vector<16xi32>], vector<16xf32>,
    %mul3A_3761 = arith.constant 0 : i32
    %mul3A_3762 = vector.broadcast %mul3A_3761 : i32 to vector<16xi32>
    %mul3A_3763 = arith.muli %iota3A, %mul3A_3762 : vector<16xi32>
    %add3A_3764 = arith.constant 2 : i32
    %add3A_3765 = vector.broadcast %add3A_3764 : i32 to vector<16xi32>
    %add3A_3766 = arith.addi %mul3A_3763, %add3A_3765 : vector<16xi32>
    tpu.vector_store_idx %arg9[%add3A_3715, %add3A_3766], %gather3A_3760 : memref<512x4xf32, #tpu.memory_space<vmem>>[vector<16xi32>, vector<16xi32>], vector<16xf32>,
    %add3A_3767 = arith.constant 3 : i32
    %add3A_3768 = vector.broadcast %add3A_3767 : i32 to vector<16xi32>
    %add3A_3769 = arith.addi %mul3A_3721, %add3A_3768 : vector<16xi32>
    %gather3A_3770 = arith.constant 1 : i32
    %gather3A_3771 = arith.constant 0 : i32
    %gather3A_3772 = arith.constant 0 : i32
    %gather3A_3773 = tpu.memref_slice %arg8[%gather3A_3770, %gather3A_3771, %gather3A_3772] : memref<2x128x128xf32, #tpu.memory_space<vmem>> -> memref<1x128x128xf32, #tpu.memory_space<vmem>>
    %gather3A_3774 = tpu.memref_squeeze %gather3A_3773 : memref<1x128x128xf32, #tpu.memory_space<vmem>> -> memref<128x128xf32, #tpu.memory_space<vmem>>
    %gather3A_3775 = tpu.vector_load_idx %gather3A_3774[%add3A_3710, %add3A_3769] : memref<128x128xf32, #tpu.memory_space<vmem>>[vector<16xi32>, vector<16xi32>], vector<16xf32>,
    %mul3A_3776 = arith.constant 0 : i32
    %mul3A_3777 = vector.broadcast %mul3A_3776 : i32 to vector<16xi32>
    %mul3A_3778 = arith.muli %iota3A, %mul3A_3777 : vector<16xi32>
    %add3A_3779 = arith.constant 3 : i32
    %add3A_3780 = vector.broadcast %add3A_3779 : i32 to vector<16xi32>
    %add3A_3781 = arith.addi %mul3A_3778, %add3A_3780 : vector<16xi32>
    tpu.vector_store_idx %arg9[%add3A_3715, %add3A_3781], %gather3A_3775 : memref<512x4xf32, #tpu.memory_space<vmem>>[vector<16xi32>, vector<16xi32>], vector<16xf32>,
    %add3A_3782 = arith.constant 4 : i32
    %add3A_3783 = vector.broadcast %add3A_3782 : i32 to vector<16xi32>
    %add3A_3784 = arith.addi %mul3A_3721, %add3A_3783 : vector<16xi32>
    %add3A_3785 = arith.constant 0 : i32
    %add3A_3786 = vector.broadcast %add3A_3785 : i32 to vector<16xi32>
    %add3A_3787 = arith.addi %add3A_3784, %add3A_3786 : vector<16xi32>
    %gather3A_3788 = arith.constant 1 : i32
    %gather3A_3789 = arith.constant 0 : i32
    %gather3A_3790 = arith.constant 0 : i32
    %gather3A_3791 = tpu.memref_slice %arg8[%gather3A_3788, %gather3A_3789, %gather3A_3790] : memref<2x128x128xf32, #tpu.memory_space<vmem>> -> memref<1x128x128xf32, #tpu.memory_space<vmem>>
    %gather3A_3792 = tpu.memref_squeeze %gather3A_3791 : memref<1x128x128xf32, #tpu.memory_space<vmem>> -> memref<128x128xf32, #tpu.memory_space<vmem>>
    %gather3A_3793 = tpu.vector_load_idx %gather3A_3792[%add3A_3710, %add3A_3787] : memref<128x128xf32, #tpu.memory_space<vmem>>[vector<16xi32>, vector<16xi32>], vector<16xf32>,
    %mul3A_3794 = arith.constant 0 : i32
    %mul3A_3795 = vector.broadcast %mul3A_3794 : i32 to vector<16xi32>
    %mul3A_3796 = arith.muli %iota3A, %mul3A_3795 : vector<16xi32>
    %add3A_3797 = arith.constant 0 : i32
    %add3A_3798 = vector.broadcast %add3A_3797 : i32 to vector<16xi32>
    %add3A_3799 = arith.addi %mul3A_3796, %add3A_3798 : vector<16xi32>
    tpu.vector_store_idx %arg10[%add3A_3715, %add3A_3799], %gather3A_3793 : memref<512x3xf32, #tpu.memory_space<vmem>>[vector<16xi32>, vector<16xi32>], vector<16xf32>,
    %add3A_3800 = arith.constant 4 : i32
    %add3A_3801 = vector.broadcast %add3A_3800 : i32 to vector<16xi32>
    %add3A_3802 = arith.addi %mul3A_3721, %add3A_3801 : vector<16xi32>
    %add3A_3803 = arith.constant 1 : i32
    %add3A_3804 = vector.broadcast %add3A_3803 : i32 to vector<16xi32>
    %add3A_3805 = arith.addi %add3A_3802, %add3A_3804 : vector<16xi32>
    %gather3A_3806 = arith.constant 1 : i32
    %gather3A_3807 = arith.constant 0 : i32
    %gather3A_3808 = arith.constant 0 : i32
    %gather3A_3809 = tpu.memref_slice %arg8[%gather3A_3806, %gather3A_3807, %gather3A_3808] : memref<2x128x128xf32, #tpu.memory_space<vmem>> -> memref<1x128x128xf32, #tpu.memory_space<vmem>>
    %gather3A_3810 = tpu.memref_squeeze %gather3A_3809 : memref<1x128x128xf32, #tpu.memory_space<vmem>> -> memref<128x128xf32, #tpu.memory_space<vmem>>
    %gather3A_3811 = tpu.vector_load_idx %gather3A_3810[%add3A_3710, %add3A_3805] : memref<128x128xf32, #tpu.memory_space<vmem>>[vector<16xi32>, vector<16xi32>], vector<16xf32>,
    %mul3A_3812 = arith.constant 0 : i32
    %mul3A_3813 = vector.broadcast %mul3A_3812 : i32 to vector<16xi32>
    %mul3A_3814 = arith.muli %iota3A, %mul3A_3813 : vector<16xi32>
    %add3A_3815 = arith.constant 1 : i32
    %add3A_3816 = vector.broadcast %add3A_3815 : i32 to vector<16xi32>
    %add3A_3817 = arith.addi %mul3A_3814, %add3A_3816 : vector<16xi32>
    tpu.vector_store_idx %arg10[%add3A_3715, %add3A_3817], %gather3A_3811 : memref<512x3xf32, #tpu.memory_space<vmem>>[vector<16xi32>, vector<16xi32>], vector<16xf32>,
    %add3A_3818 = arith.constant 4 : i32
    %add3A_3819 = vector.broadcast %add3A_3818 : i32 to vector<16xi32>
    %add3A_3820 = arith.addi %mul3A_3721, %add3A_3819 : vector<16xi32>
    %add3A_3821 = arith.constant 2 : i32
    %add3A_3822 = vector.broadcast %add3A_3821 : i32 to vector<16xi32>
    %add3A_3823 = arith.addi %add3A_3820, %add3A_3822 : vector<16xi32>
    %gather3A_3824 = arith.constant 1 : i32
    %gather3A_3825 = arith.constant 0 : i32
    %gather3A_3826 = arith.constant 0 : i32
    %gather3A_3827 = tpu.memref_slice %arg8[%gather3A_3824, %gather3A_3825, %gather3A_3826] : memref<2x128x128xf32, #tpu.memory_space<vmem>> -> memref<1x128x128xf32, #tpu.memory_space<vmem>>
    %gather3A_3828 = tpu.memref_squeeze %gather3A_3827 : memref<1x128x128xf32, #tpu.memory_space<vmem>> -> memref<128x128xf32, #tpu.memory_space<vmem>>
    %gather3A_3829 = tpu.vector_load_idx %gather3A_3828[%add3A_3710, %add3A_3823] : memref<128x128xf32, #tpu.memory_space<vmem>>[vector<16xi32>, vector<16xi32>], vector<16xf32>,
    %mul3A_3830 = arith.constant 0 : i32
    %mul3A_3831 = vector.broadcast %mul3A_3830 : i32 to vector<16xi32>
    %mul3A_3832 = arith.muli %iota3A, %mul3A_3831 : vector<16xi32>
    %add3A_3833 = arith.constant 2 : i32
    %add3A_3834 = vector.broadcast %add3A_3833 : i32 to vector<16xi32>
    %add3A_3835 = arith.addi %mul3A_3832, %add3A_3834 : vector<16xi32>
    tpu.vector_store_idx %arg10[%add3A_3715, %add3A_3835], %gather3A_3829 : memref<512x3xf32, #tpu.memory_space<vmem>>[vector<16xi32>, vector<16xi32>], vector<16xf32>,
    %add3A_3836 = arith.constant 48 : i32
    %add3A_3837 = vector.broadcast %add3A_3836 : i32 to vector<16xi32>
    %add3A_3838 = arith.addi %add3A_3837, %iota3A : vector<16xi32>
    %get3A_3839 = arith.constant 432 : index
    %get3A_3840 = tpu.vector_load %arg6[%get3A_3839] {strides = array<i32>} : memref<512xi32, #tpu.memory_space<vmem>>, vector<16xi32>,
    %add3A_3841 = arith.constant 432 : i32
    %add3A_3842 = vector.broadcast %add3A_3841 : i32 to vector<16xi32>
    %add3A_3843 = arith.addi %add3A_3842, %iota3A : vector<16xi32>
    %and3A_3844 = arith.constant 15 : i32
    %and3A_3845 = vector.broadcast %and3A_3844 : i32 to vector<16xi32>
    %and3A_3846 = arith.andi %get3A_3840, %and3A_3845 : vector<16xi32>
    %mul3A_3847 = arith.constant 8 : i32
    %mul3A_3848 = vector.broadcast %mul3A_3847 : i32 to vector<16xi32>
    %mul3A_3849 = arith.muli %and3A_3846, %mul3A_3848 : vector<16xi32>
    %add3A_3850 = arith.constant 0 : i32
    %add3A_3851 = vector.broadcast %add3A_3850 : i32 to vector<16xi32>
    %add3A_3852 = arith.addi %mul3A_3849, %add3A_3851 : vector<16xi32>
    %gather3A_3853 = arith.constant 1 : i32
    %gather3A_3854 = arith.constant 0 : i32
    %gather3A_3855 = arith.constant 0 : i32
    %gather3A_3856 = tpu.memref_slice %arg8[%gather3A_3853, %gather3A_3854, %gather3A_3855] : memref<2x128x128xf32, #tpu.memory_space<vmem>> -> memref<1x128x128xf32, #tpu.memory_space<vmem>>
    %gather3A_3857 = tpu.memref_squeeze %gather3A_3856 : memref<1x128x128xf32, #tpu.memory_space<vmem>> -> memref<128x128xf32, #tpu.memory_space<vmem>>
    %gather3A_3858 = tpu.vector_load_idx %gather3A_3857[%add3A_3838, %add3A_3852] : memref<128x128xf32, #tpu.memory_space<vmem>>[vector<16xi32>, vector<16xi32>], vector<16xf32>,
    %mul3A_3859 = arith.constant 0 : i32
    %mul3A_3860 = vector.broadcast %mul3A_3859 : i32 to vector<16xi32>
    %mul3A_3861 = arith.muli %iota3A, %mul3A_3860 : vector<16xi32>
    %add3A_3862 = arith.constant 0 : i32
    %add3A_3863 = vector.broadcast %add3A_3862 : i32 to vector<16xi32>
    %add3A_3864 = arith.addi %mul3A_3861, %add3A_3863 : vector<16xi32>
    tpu.vector_store_idx %arg9[%add3A_3843, %add3A_3864], %gather3A_3858 : memref<512x4xf32, #tpu.memory_space<vmem>>[vector<16xi32>, vector<16xi32>], vector<16xf32>,
    %add3A_3865 = arith.constant 1 : i32
    %add3A_3866 = vector.broadcast %add3A_3865 : i32 to vector<16xi32>
    %add3A_3867 = arith.addi %mul3A_3849, %add3A_3866 : vector<16xi32>
    %gather3A_3868 = arith.constant 1 : i32
    %gather3A_3869 = arith.constant 0 : i32
    %gather3A_3870 = arith.constant 0 : i32
    %gather3A_3871 = tpu.memref_slice %arg8[%gather3A_3868, %gather3A_3869, %gather3A_3870] : memref<2x128x128xf32, #tpu.memory_space<vmem>> -> memref<1x128x128xf32, #tpu.memory_space<vmem>>
    %gather3A_3872 = tpu.memref_squeeze %gather3A_3871 : memref<1x128x128xf32, #tpu.memory_space<vmem>> -> memref<128x128xf32, #tpu.memory_space<vmem>>
    %gather3A_3873 = tpu.vector_load_idx %gather3A_3872[%add3A_3838, %add3A_3867] : memref<128x128xf32, #tpu.memory_space<vmem>>[vector<16xi32>, vector<16xi32>], vector<16xf32>,
    %mul3A_3874 = arith.constant 0 : i32
    %mul3A_3875 = vector.broadcast %mul3A_3874 : i32 to vector<16xi32>
    %mul3A_3876 = arith.muli %iota3A, %mul3A_3875 : vector<16xi32>
    %add3A_3877 = arith.constant 1 : i32
    %add3A_3878 = vector.broadcast %add3A_3877 : i32 to vector<16xi32>
    %add3A_3879 = arith.addi %mul3A_3876, %add3A_3878 : vector<16xi32>
    tpu.vector_store_idx %arg9[%add3A_3843, %add3A_3879], %gather3A_3873 : memref<512x4xf32, #tpu.memory_space<vmem>>[vector<16xi32>, vector<16xi32>], vector<16xf32>,
    %add3A_3880 = arith.constant 2 : i32
    %add3A_3881 = vector.broadcast %add3A_3880 : i32 to vector<16xi32>
    %add3A_3882 = arith.addi %mul3A_3849, %add3A_3881 : vector<16xi32>
    %gather3A_3883 = arith.constant 1 : i32
    %gather3A_3884 = arith.constant 0 : i32
    %gather3A_3885 = arith.constant 0 : i32
    %gather3A_3886 = tpu.memref_slice %arg8[%gather3A_3883, %gather3A_3884, %gather3A_3885] : memref<2x128x128xf32, #tpu.memory_space<vmem>> -> memref<1x128x128xf32, #tpu.memory_space<vmem>>
    %gather3A_3887 = tpu.memref_squeeze %gather3A_3886 : memref<1x128x128xf32, #tpu.memory_space<vmem>> -> memref<128x128xf32, #tpu.memory_space<vmem>>
    %gather3A_3888 = tpu.vector_load_idx %gather3A_3887[%add3A_3838, %add3A_3882] : memref<128x128xf32, #tpu.memory_space<vmem>>[vector<16xi32>, vector<16xi32>], vector<16xf32>,
    %mul3A_3889 = arith.constant 0 : i32
    %mul3A_3890 = vector.broadcast %mul3A_3889 : i32 to vector<16xi32>
    %mul3A_3891 = arith.muli %iota3A, %mul3A_3890 : vector<16xi32>
    %add3A_3892 = arith.constant 2 : i32
    %add3A_3893 = vector.broadcast %add3A_3892 : i32 to vector<16xi32>
    %add3A_3894 = arith.addi %mul3A_3891, %add3A_3893 : vector<16xi32>
    tpu.vector_store_idx %arg9[%add3A_3843, %add3A_3894], %gather3A_3888 : memref<512x4xf32, #tpu.memory_space<vmem>>[vector<16xi32>, vector<16xi32>], vector<16xf32>,
    %add3A_3895 = arith.constant 3 : i32
    %add3A_3896 = vector.broadcast %add3A_3895 : i32 to vector<16xi32>
    %add3A_3897 = arith.addi %mul3A_3849, %add3A_3896 : vector<16xi32>
    %gather3A_3898 = arith.constant 1 : i32
    %gather3A_3899 = arith.constant 0 : i32
    %gather3A_3900 = arith.constant 0 : i32
    %gather3A_3901 = tpu.memref_slice %arg8[%gather3A_3898, %gather3A_3899, %gather3A_3900] : memref<2x128x128xf32, #tpu.memory_space<vmem>> -> memref<1x128x128xf32, #tpu.memory_space<vmem>>
    %gather3A_3902 = tpu.memref_squeeze %gather3A_3901 : memref<1x128x128xf32, #tpu.memory_space<vmem>> -> memref<128x128xf32, #tpu.memory_space<vmem>>
    %gather3A_3903 = tpu.vector_load_idx %gather3A_3902[%add3A_3838, %add3A_3897] : memref<128x128xf32, #tpu.memory_space<vmem>>[vector<16xi32>, vector<16xi32>], vector<16xf32>,
    %mul3A_3904 = arith.constant 0 : i32
    %mul3A_3905 = vector.broadcast %mul3A_3904 : i32 to vector<16xi32>
    %mul3A_3906 = arith.muli %iota3A, %mul3A_3905 : vector<16xi32>
    %add3A_3907 = arith.constant 3 : i32
    %add3A_3908 = vector.broadcast %add3A_3907 : i32 to vector<16xi32>
    %add3A_3909 = arith.addi %mul3A_3906, %add3A_3908 : vector<16xi32>
    tpu.vector_store_idx %arg9[%add3A_3843, %add3A_3909], %gather3A_3903 : memref<512x4xf32, #tpu.memory_space<vmem>>[vector<16xi32>, vector<16xi32>], vector<16xf32>,
    %add3A_3910 = arith.constant 4 : i32
    %add3A_3911 = vector.broadcast %add3A_3910 : i32 to vector<16xi32>
    %add3A_3912 = arith.addi %mul3A_3849, %add3A_3911 : vector<16xi32>
    %add3A_3913 = arith.constant 0 : i32
    %add3A_3914 = vector.broadcast %add3A_3913 : i32 to vector<16xi32>
    %add3A_3915 = arith.addi %add3A_3912, %add3A_3914 : vector<16xi32>
    %gather3A_3916 = arith.constant 1 : i32
    %gather3A_3917 = arith.constant 0 : i32
    %gather3A_3918 = arith.constant 0 : i32
    %gather3A_3919 = tpu.memref_slice %arg8[%gather3A_3916, %gather3A_3917, %gather3A_3918] : memref<2x128x128xf32, #tpu.memory_space<vmem>> -> memref<1x128x128xf32, #tpu.memory_space<vmem>>
    %gather3A_3920 = tpu.memref_squeeze %gather3A_3919 : memref<1x128x128xf32, #tpu.memory_space<vmem>> -> memref<128x128xf32, #tpu.memory_space<vmem>>
    %gather3A_3921 = tpu.vector_load_idx %gather3A_3920[%add3A_3838, %add3A_3915] : memref<128x128xf32, #tpu.memory_space<vmem>>[vector<16xi32>, vector<16xi32>], vector<16xf32>,
    %mul3A_3922 = arith.constant 0 : i32
    %mul3A_3923 = vector.broadcast %mul3A_3922 : i32 to vector<16xi32>
    %mul3A_3924 = arith.muli %iota3A, %mul3A_3923 : vector<16xi32>
    %add3A_3925 = arith.constant 0 : i32
    %add3A_3926 = vector.broadcast %add3A_3925 : i32 to vector<16xi32>
    %add3A_3927 = arith.addi %mul3A_3924, %add3A_3926 : vector<16xi32>
    tpu.vector_store_idx %arg10[%add3A_3843, %add3A_3927], %gather3A_3921 : memref<512x3xf32, #tpu.memory_space<vmem>>[vector<16xi32>, vector<16xi32>], vector<16xf32>,
    %add3A_3928 = arith.constant 4 : i32
    %add3A_3929 = vector.broadcast %add3A_3928 : i32 to vector<16xi32>
    %add3A_3930 = arith.addi %mul3A_3849, %add3A_3929 : vector<16xi32>
    %add3A_3931 = arith.constant 1 : i32
    %add3A_3932 = vector.broadcast %add3A_3931 : i32 to vector<16xi32>
    %add3A_3933 = arith.addi %add3A_3930, %add3A_3932 : vector<16xi32>
    %gather3A_3934 = arith.constant 1 : i32
    %gather3A_3935 = arith.constant 0 : i32
    %gather3A_3936 = arith.constant 0 : i32
    %gather3A_3937 = tpu.memref_slice %arg8[%gather3A_3934, %gather3A_3935, %gather3A_3936] : memref<2x128x128xf32, #tpu.memory_space<vmem>> -> memref<1x128x128xf32, #tpu.memory_space<vmem>>
    %gather3A_3938 = tpu.memref_squeeze %gather3A_3937 : memref<1x128x128xf32, #tpu.memory_space<vmem>> -> memref<128x128xf32, #tpu.memory_space<vmem>>
    %gather3A_3939 = tpu.vector_load_idx %gather3A_3938[%add3A_3838, %add3A_3933] : memref<128x128xf32, #tpu.memory_space<vmem>>[vector<16xi32>, vector<16xi32>], vector<16xf32>,
    %mul3A_3940 = arith.constant 0 : i32
    %mul3A_3941 = vector.broadcast %mul3A_3940 : i32 to vector<16xi32>
    %mul3A_3942 = arith.muli %iota3A, %mul3A_3941 : vector<16xi32>
    %add3A_3943 = arith.constant 1 : i32
    %add3A_3944 = vector.broadcast %add3A_3943 : i32 to vector<16xi32>
    %add3A_3945 = arith.addi %mul3A_3942, %add3A_3944 : vector<16xi32>
    tpu.vector_store_idx %arg10[%add3A_3843, %add3A_3945], %gather3A_3939 : memref<512x3xf32, #tpu.memory_space<vmem>>[vector<16xi32>, vector<16xi32>], vector<16xf32>,
    %add3A_3946 = arith.constant 4 : i32
    %add3A_3947 = vector.broadcast %add3A_3946 : i32 to vector<16xi32>
    %add3A_3948 = arith.addi %mul3A_3849, %add3A_3947 : vector<16xi32>
    %add3A_3949 = arith.constant 2 : i32
    %add3A_3950 = vector.broadcast %add3A_3949 : i32 to vector<16xi32>
    %add3A_3951 = arith.addi %add3A_3948, %add3A_3950 : vector<16xi32>
    %gather3A_3952 = arith.constant 1 : i32
    %gather3A_3953 = arith.constant 0 : i32
    %gather3A_3954 = arith.constant 0 : i32
    %gather3A_3955 = tpu.memref_slice %arg8[%gather3A_3952, %gather3A_3953, %gather3A_3954] : memref<2x128x128xf32, #tpu.memory_space<vmem>> -> memref<1x128x128xf32, #tpu.memory_space<vmem>>
    %gather3A_3956 = tpu.memref_squeeze %gather3A_3955 : memref<1x128x128xf32, #tpu.memory_space<vmem>> -> memref<128x128xf32, #tpu.memory_space<vmem>>
    %gather3A_3957 = tpu.vector_load_idx %gather3A_3956[%add3A_3838, %add3A_3951] : memref<128x128xf32, #tpu.memory_space<vmem>>[vector<16xi32>, vector<16xi32>], vector<16xf32>,
    %mul3A_3958 = arith.constant 0 : i32
    %mul3A_3959 = vector.broadcast %mul3A_3958 : i32 to vector<16xi32>
    %mul3A_3960 = arith.muli %iota3A, %mul3A_3959 : vector<16xi32>
    %add3A_3961 = arith.constant 2 : i32
    %add3A_3962 = vector.broadcast %add3A_3961 : i32 to vector<16xi32>
    %add3A_3963 = arith.addi %mul3A_3960, %add3A_3962 : vector<16xi32>
    tpu.vector_store_idx %arg10[%add3A_3843, %add3A_3963], %gather3A_3957 : memref<512x3xf32, #tpu.memory_space<vmem>>[vector<16xi32>, vector<16xi32>], vector<16xf32>,
    %add3A_3964 = arith.constant 64 : i32
    %add3A_3965 = vector.broadcast %add3A_3964 : i32 to vector<16xi32>
    %add3A_3966 = arith.addi %add3A_3965, %iota3A : vector<16xi32>
    %get3A_3967 = arith.constant 448 : index
    %get3A_3968 = tpu.vector_load %arg6[%get3A_3967] {strides = array<i32>} : memref<512xi32, #tpu.memory_space<vmem>>, vector<16xi32>,
    %add3A_3969 = arith.constant 448 : i32
    %add3A_3970 = vector.broadcast %add3A_3969 : i32 to vector<16xi32>
    %add3A_3971 = arith.addi %add3A_3970, %iota3A : vector<16xi32>
    %and3A_3972 = arith.constant 15 : i32
    %and3A_3973 = vector.broadcast %and3A_3972 : i32 to vector<16xi32>
    %and3A_3974 = arith.andi %get3A_3968, %and3A_3973 : vector<16xi32>
    %mul3A_3975 = arith.constant 8 : i32
    %mul3A_3976 = vector.broadcast %mul3A_3975 : i32 to vector<16xi32>
    %mul3A_3977 = arith.muli %and3A_3974, %mul3A_3976 : vector<16xi32>
    %add3A_3978 = arith.constant 0 : i32
    %add3A_3979 = vector.broadcast %add3A_3978 : i32 to vector<16xi32>
    %add3A_3980 = arith.addi %mul3A_3977, %add3A_3979 : vector<16xi32>
    %gather3A_3981 = arith.constant 1 : i32
    %gather3A_3982 = arith.constant 0 : i32
    %gather3A_3983 = arith.constant 0 : i32
    %gather3A_3984 = tpu.memref_slice %arg8[%gather3A_3981, %gather3A_3982, %gather3A_3983] : memref<2x128x128xf32, #tpu.memory_space<vmem>> -> memref<1x128x128xf32, #tpu.memory_space<vmem>>
    %gather3A_3985 = tpu.memref_squeeze %gather3A_3984 : memref<1x128x128xf32, #tpu.memory_space<vmem>> -> memref<128x128xf32, #tpu.memory_space<vmem>>
    %gather3A_3986 = tpu.vector_load_idx %gather3A_3985[%add3A_3966, %add3A_3980] : memref<128x128xf32, #tpu.memory_space<vmem>>[vector<16xi32>, vector<16xi32>], vector<16xf32>,
    %mul3A_3987 = arith.constant 0 : i32
    %mul3A_3988 = vector.broadcast %mul3A_3987 : i32 to vector<16xi32>
    %mul3A_3989 = arith.muli %iota3A, %mul3A_3988 : vector<16xi32>
    %add3A_3990 = arith.constant 0 : i32
    %add3A_3991 = vector.broadcast %add3A_3990 : i32 to vector<16xi32>
    %add3A_3992 = arith.addi %mul3A_3989, %add3A_3991 : vector<16xi32>
    tpu.vector_store_idx %arg9[%add3A_3971, %add3A_3992], %gather3A_3986 : memref<512x4xf32, #tpu.memory_space<vmem>>[vector<16xi32>, vector<16xi32>], vector<16xf32>,
    %add3A_3993 = arith.constant 1 : i32
    %add3A_3994 = vector.broadcast %add3A_3993 : i32 to vector<16xi32>
    %add3A_3995 = arith.addi %mul3A_3977, %add3A_3994 : vector<16xi32>
    %gather3A_3996 = arith.constant 1 : i32
    %gather3A_3997 = arith.constant 0 : i32
    %gather3A_3998 = arith.constant 0 : i32
    %gather3A_3999 = tpu.memref_slice %arg8[%gather3A_3996, %gather3A_3997, %gather3A_3998] : memref<2x128x128xf32, #tpu.memory_space<vmem>> -> memref<1x128x128xf32, #tpu.memory_space<vmem>>
    %gather3A_4000 = tpu.memref_squeeze %gather3A_3999 : memref<1x128x128xf32, #tpu.memory_space<vmem>> -> memref<128x128xf32, #tpu.memory_space<vmem>>
    %gather3A_4001 = tpu.vector_load_idx %gather3A_4000[%add3A_3966, %add3A_3995] : memref<128x128xf32, #tpu.memory_space<vmem>>[vector<16xi32>, vector<16xi32>], vector<16xf32>,
    %mul3A_4002 = arith.constant 0 : i32
    %mul3A_4003 = vector.broadcast %mul3A_4002 : i32 to vector<16xi32>
    %mul3A_4004 = arith.muli %iota3A, %mul3A_4003 : vector<16xi32>
    %add3A_4005 = arith.constant 1 : i32
    %add3A_4006 = vector.broadcast %add3A_4005 : i32 to vector<16xi32>
    %add3A_4007 = arith.addi %mul3A_4004, %add3A_4006 : vector<16xi32>
    tpu.vector_store_idx %arg9[%add3A_3971, %add3A_4007], %gather3A_4001 : memref<512x4xf32, #tpu.memory_space<vmem>>[vector<16xi32>, vector<16xi32>], vector<16xf32>,
    %add3A_4008 = arith.constant 2 : i32
    %add3A_4009 = vector.broadcast %add3A_4008 : i32 to vector<16xi32>
    %add3A_4010 = arith.addi %mul3A_3977, %add3A_4009 : vector<16xi32>
    %gather3A_4011 = arith.constant 1 : i32
    %gather3A_4012 = arith.constant 0 : i32
    %gather3A_4013 = arith.constant 0 : i32
    %gather3A_4014 = tpu.memref_slice %arg8[%gather3A_4011, %gather3A_4012, %gather3A_4013] : memref<2x128x128xf32, #tpu.memory_space<vmem>> -> memref<1x128x128xf32, #tpu.memory_space<vmem>>
    %gather3A_4015 = tpu.memref_squeeze %gather3A_4014 : memref<1x128x128xf32, #tpu.memory_space<vmem>> -> memref<128x128xf32, #tpu.memory_space<vmem>>
    %gather3A_4016 = tpu.vector_load_idx %gather3A_4015[%add3A_3966, %add3A_4010] : memref<128x128xf32, #tpu.memory_space<vmem>>[vector<16xi32>, vector<16xi32>], vector<16xf32>,
    %mul3A_4017 = arith.constant 0 : i32
    %mul3A_4018 = vector.broadcast %mul3A_4017 : i32 to vector<16xi32>
    %mul3A_4019 = arith.muli %iota3A, %mul3A_4018 : vector<16xi32>
    %add3A_4020 = arith.constant 2 : i32
    %add3A_4021 = vector.broadcast %add3A_4020 : i32 to vector<16xi32>
    %add3A_4022 = arith.addi %mul3A_4019, %add3A_4021 : vector<16xi32>
    tpu.vector_store_idx %arg9[%add3A_3971, %add3A_4022], %gather3A_4016 : memref<512x4xf32, #tpu.memory_space<vmem>>[vector<16xi32>, vector<16xi32>], vector<16xf32>,
    %add3A_4023 = arith.constant 3 : i32
    %add3A_4024 = vector.broadcast %add3A_4023 : i32 to vector<16xi32>
    %add3A_4025 = arith.addi %mul3A_3977, %add3A_4024 : vector<16xi32>
    %gather3A_4026 = arith.constant 1 : i32
    %gather3A_4027 = arith.constant 0 : i32
    %gather3A_4028 = arith.constant 0 : i32
    %gather3A_4029 = tpu.memref_slice %arg8[%gather3A_4026, %gather3A_4027, %gather3A_4028] : memref<2x128x128xf32, #tpu.memory_space<vmem>> -> memref<1x128x128xf32, #tpu.memory_space<vmem>>
    %gather3A_4030 = tpu.memref_squeeze %gather3A_4029 : memref<1x128x128xf32, #tpu.memory_space<vmem>> -> memref<128x128xf32, #tpu.memory_space<vmem>>
    %gather3A_4031 = tpu.vector_load_idx %gather3A_4030[%add3A_3966, %add3A_4025] : memref<128x128xf32, #tpu.memory_space<vmem>>[vector<16xi32>, vector<16xi32>], vector<16xf32>,
    %mul3A_4032 = arith.constant 0 : i32
    %mul3A_4033 = vector.broadcast %mul3A_4032 : i32 to vector<16xi32>
    %mul3A_4034 = arith.muli %iota3A, %mul3A_4033 : vector<16xi32>
    %add3A_4035 = arith.constant 3 : i32
    %add3A_4036 = vector.broadcast %add3A_4035 : i32 to vector<16xi32>
    %add3A_4037 = arith.addi %mul3A_4034, %add3A_4036 : vector<16xi32>
    tpu.vector_store_idx %arg9[%add3A_3971, %add3A_4037], %gather3A_4031 : memref<512x4xf32, #tpu.memory_space<vmem>>[vector<16xi32>, vector<16xi32>], vector<16xf32>,
    %add3A_4038 = arith.constant 4 : i32
    %add3A_4039 = vector.broadcast %add3A_4038 : i32 to vector<16xi32>
    %add3A_4040 = arith.addi %mul3A_3977, %add3A_4039 : vector<16xi32>
    %add3A_4041 = arith.constant 0 : i32
    %add3A_4042 = vector.broadcast %add3A_4041 : i32 to vector<16xi32>
    %add3A_4043 = arith.addi %add3A_4040, %add3A_4042 : vector<16xi32>
    %gather3A_4044 = arith.constant 1 : i32
    %gather3A_4045 = arith.constant 0 : i32
    %gather3A_4046 = arith.constant 0 : i32
    %gather3A_4047 = tpu.memref_slice %arg8[%gather3A_4044, %gather3A_4045, %gather3A_4046] : memref<2x128x128xf32, #tpu.memory_space<vmem>> -> memref<1x128x128xf32, #tpu.memory_space<vmem>>
    %gather3A_4048 = tpu.memref_squeeze %gather3A_4047 : memref<1x128x128xf32, #tpu.memory_space<vmem>> -> memref<128x128xf32, #tpu.memory_space<vmem>>
    %gather3A_4049 = tpu.vector_load_idx %gather3A_4048[%add3A_3966, %add3A_4043] : memref<128x128xf32, #tpu.memory_space<vmem>>[vector<16xi32>, vector<16xi32>], vector<16xf32>,
    %mul3A_4050 = arith.constant 0 : i32
    %mul3A_4051 = vector.broadcast %mul3A_4050 : i32 to vector<16xi32>
    %mul3A_4052 = arith.muli %iota3A, %mul3A_4051 : vector<16xi32>
    %add3A_4053 = arith.constant 0 : i32
    %add3A_4054 = vector.broadcast %add3A_4053 : i32 to vector<16xi32>
    %add3A_4055 = arith.addi %mul3A_4052, %add3A_4054 : vector<16xi32>
    tpu.vector_store_idx %arg10[%add3A_3971, %add3A_4055], %gather3A_4049 : memref<512x3xf32, #tpu.memory_space<vmem>>[vector<16xi32>, vector<16xi32>], vector<16xf32>,
    %add3A_4056 = arith.constant 4 : i32
    %add3A_4057 = vector.broadcast %add3A_4056 : i32 to vector<16xi32>
    %add3A_4058 = arith.addi %mul3A_3977, %add3A_4057 : vector<16xi32>
    %add3A_4059 = arith.constant 1 : i32
    %add3A_4060 = vector.broadcast %add3A_4059 : i32 to vector<16xi32>
    %add3A_4061 = arith.addi %add3A_4058, %add3A_4060 : vector<16xi32>
    %gather3A_4062 = arith.constant 1 : i32
    %gather3A_4063 = arith.constant 0 : i32
    %gather3A_4064 = arith.constant 0 : i32
    %gather3A_4065 = tpu.memref_slice %arg8[%gather3A_4062, %gather3A_4063, %gather3A_4064] : memref<2x128x128xf32, #tpu.memory_space<vmem>> -> memref<1x128x128xf32, #tpu.memory_space<vmem>>
    %gather3A_4066 = tpu.memref_squeeze %gather3A_4065 : memref<1x128x128xf32, #tpu.memory_space<vmem>> -> memref<128x128xf32, #tpu.memory_space<vmem>>
    %gather3A_4067 = tpu.vector_load_idx %gather3A_4066[%add3A_3966, %add3A_4061] : memref<128x128xf32, #tpu.memory_space<vmem>>[vector<16xi32>, vector<16xi32>], vector<16xf32>,
    %mul3A_4068 = arith.constant 0 : i32
    %mul3A_4069 = vector.broadcast %mul3A_4068 : i32 to vector<16xi32>
    %mul3A_4070 = arith.muli %iota3A, %mul3A_4069 : vector<16xi32>
    %add3A_4071 = arith.constant 1 : i32
    %add3A_4072 = vector.broadcast %add3A_4071 : i32 to vector<16xi32>
    %add3A_4073 = arith.addi %mul3A_4070, %add3A_4072 : vector<16xi32>
    tpu.vector_store_idx %arg10[%add3A_3971, %add3A_4073], %gather3A_4067 : memref<512x3xf32, #tpu.memory_space<vmem>>[vector<16xi32>, vector<16xi32>], vector<16xf32>,
    %add3A_4074 = arith.constant 4 : i32
    %add3A_4075 = vector.broadcast %add3A_4074 : i32 to vector<16xi32>
    %add3A_4076 = arith.addi %mul3A_3977, %add3A_4075 : vector<16xi32>
    %add3A_4077 = arith.constant 2 : i32
    %add3A_4078 = vector.broadcast %add3A_4077 : i32 to vector<16xi32>
    %add3A_4079 = arith.addi %add3A_4076, %add3A_4078 : vector<16xi32>
    %gather3A_4080 = arith.constant 1 : i32
    %gather3A_4081 = arith.constant 0 : i32
    %gather3A_4082 = arith.constant 0 : i32
    %gather3A_4083 = tpu.memref_slice %arg8[%gather3A_4080, %gather3A_4081, %gather3A_4082] : memref<2x128x128xf32, #tpu.memory_space<vmem>> -> memref<1x128x128xf32, #tpu.memory_space<vmem>>
    %gather3A_4084 = tpu.memref_squeeze %gather3A_4083 : memref<1x128x128xf32, #tpu.memory_space<vmem>> -> memref<128x128xf32, #tpu.memory_space<vmem>>
    %gather3A_4085 = tpu.vector_load_idx %gather3A_4084[%add3A_3966, %add3A_4079] : memref<128x128xf32, #tpu.memory_space<vmem>>[vector<16xi32>, vector<16xi32>], vector<16xf32>,
    %mul3A_4086 = arith.constant 0 : i32
    %mul3A_4087 = vector.broadcast %mul3A_4086 : i32 to vector<16xi32>
    %mul3A_4088 = arith.muli %iota3A, %mul3A_4087 : vector<16xi32>
    %add3A_4089 = arith.constant 2 : i32
    %add3A_4090 = vector.broadcast %add3A_4089 : i32 to vector<16xi32>
    %add3A_4091 = arith.addi %mul3A_4088, %add3A_4090 : vector<16xi32>
    tpu.vector_store_idx %arg10[%add3A_3971, %add3A_4091], %gather3A_4085 : memref<512x3xf32, #tpu.memory_space<vmem>>[vector<16xi32>, vector<16xi32>], vector<16xf32>,
    %add3A_4092 = arith.constant 80 : i32
    %add3A_4093 = vector.broadcast %add3A_4092 : i32 to vector<16xi32>
    %add3A_4094 = arith.addi %add3A_4093, %iota3A : vector<16xi32>
    %get3A_4095 = arith.constant 464 : index
    %get3A_4096 = tpu.vector_load %arg6[%get3A_4095] {strides = array<i32>} : memref<512xi32, #tpu.memory_space<vmem>>, vector<16xi32>,
    %add3A_4097 = arith.constant 464 : i32
    %add3A_4098 = vector.broadcast %add3A_4097 : i32 to vector<16xi32>
    %add3A_4099 = arith.addi %add3A_4098, %iota3A : vector<16xi32>
    %and3A_4100 = arith.constant 15 : i32
    %and3A_4101 = vector.broadcast %and3A_4100 : i32 to vector<16xi32>
    %and3A_4102 = arith.andi %get3A_4096, %and3A_4101 : vector<16xi32>
    %mul3A_4103 = arith.constant 8 : i32
    %mul3A_4104 = vector.broadcast %mul3A_4103 : i32 to vector<16xi32>
    %mul3A_4105 = arith.muli %and3A_4102, %mul3A_4104 : vector<16xi32>
    %add3A_4106 = arith.constant 0 : i32
    %add3A_4107 = vector.broadcast %add3A_4106 : i32 to vector<16xi32>
    %add3A_4108 = arith.addi %mul3A_4105, %add3A_4107 : vector<16xi32>
    %gather3A_4109 = arith.constant 1 : i32
    %gather3A_4110 = arith.constant 0 : i32
    %gather3A_4111 = arith.constant 0 : i32
    %gather3A_4112 = tpu.memref_slice %arg8[%gather3A_4109, %gather3A_4110, %gather3A_4111] : memref<2x128x128xf32, #tpu.memory_space<vmem>> -> memref<1x128x128xf32, #tpu.memory_space<vmem>>
    %gather3A_4113 = tpu.memref_squeeze %gather3A_4112 : memref<1x128x128xf32, #tpu.memory_space<vmem>> -> memref<128x128xf32, #tpu.memory_space<vmem>>
    %gather3A_4114 = tpu.vector_load_idx %gather3A_4113[%add3A_4094, %add3A_4108] : memref<128x128xf32, #tpu.memory_space<vmem>>[vector<16xi32>, vector<16xi32>], vector<16xf32>,
    %mul3A_4115 = arith.constant 0 : i32
    %mul3A_4116 = vector.broadcast %mul3A_4115 : i32 to vector<16xi32>
    %mul3A_4117 = arith.muli %iota3A, %mul3A_4116 : vector<16xi32>
    %add3A_4118 = arith.constant 0 : i32
    %add3A_4119 = vector.broadcast %add3A_4118 : i32 to vector<16xi32>
    %add3A_4120 = arith.addi %mul3A_4117, %add3A_4119 : vector<16xi32>
    tpu.vector_store_idx %arg9[%add3A_4099, %add3A_4120], %gather3A_4114 : memref<512x4xf32, #tpu.memory_space<vmem>>[vector<16xi32>, vector<16xi32>], vector<16xf32>,
    %add3A_4121 = arith.constant 1 : i32
    %add3A_4122 = vector.broadcast %add3A_4121 : i32 to vector<16xi32>
    %add3A_4123 = arith.addi %mul3A_4105, %add3A_4122 : vector<16xi32>
    %gather3A_4124 = arith.constant 1 : i32
    %gather3A_4125 = arith.constant 0 : i32
    %gather3A_4126 = arith.constant 0 : i32
    %gather3A_4127 = tpu.memref_slice %arg8[%gather3A_4124, %gather3A_4125, %gather3A_4126] : memref<2x128x128xf32, #tpu.memory_space<vmem>> -> memref<1x128x128xf32, #tpu.memory_space<vmem>>
    %gather3A_4128 = tpu.memref_squeeze %gather3A_4127 : memref<1x128x128xf32, #tpu.memory_space<vmem>> -> memref<128x128xf32, #tpu.memory_space<vmem>>
    %gather3A_4129 = tpu.vector_load_idx %gather3A_4128[%add3A_4094, %add3A_4123] : memref<128x128xf32, #tpu.memory_space<vmem>>[vector<16xi32>, vector<16xi32>], vector<16xf32>,
    %mul3A_4130 = arith.constant 0 : i32
    %mul3A_4131 = vector.broadcast %mul3A_4130 : i32 to vector<16xi32>
    %mul3A_4132 = arith.muli %iota3A, %mul3A_4131 : vector<16xi32>
    %add3A_4133 = arith.constant 1 : i32
    %add3A_4134 = vector.broadcast %add3A_4133 : i32 to vector<16xi32>
    %add3A_4135 = arith.addi %mul3A_4132, %add3A_4134 : vector<16xi32>
    tpu.vector_store_idx %arg9[%add3A_4099, %add3A_4135], %gather3A_4129 : memref<512x4xf32, #tpu.memory_space<vmem>>[vector<16xi32>, vector<16xi32>], vector<16xf32>,
    %add3A_4136 = arith.constant 2 : i32
    %add3A_4137 = vector.broadcast %add3A_4136 : i32 to vector<16xi32>
    %add3A_4138 = arith.addi %mul3A_4105, %add3A_4137 : vector<16xi32>
    %gather3A_4139 = arith.constant 1 : i32
    %gather3A_4140 = arith.constant 0 : i32
    %gather3A_4141 = arith.constant 0 : i32
    %gather3A_4142 = tpu.memref_slice %arg8[%gather3A_4139, %gather3A_4140, %gather3A_4141] : memref<2x128x128xf32, #tpu.memory_space<vmem>> -> memref<1x128x128xf32, #tpu.memory_space<vmem>>
    %gather3A_4143 = tpu.memref_squeeze %gather3A_4142 : memref<1x128x128xf32, #tpu.memory_space<vmem>> -> memref<128x128xf32, #tpu.memory_space<vmem>>
    %gather3A_4144 = tpu.vector_load_idx %gather3A_4143[%add3A_4094, %add3A_4138] : memref<128x128xf32, #tpu.memory_space<vmem>>[vector<16xi32>, vector<16xi32>], vector<16xf32>,
    %mul3A_4145 = arith.constant 0 : i32
    %mul3A_4146 = vector.broadcast %mul3A_4145 : i32 to vector<16xi32>
    %mul3A_4147 = arith.muli %iota3A, %mul3A_4146 : vector<16xi32>
    %add3A_4148 = arith.constant 2 : i32
    %add3A_4149 = vector.broadcast %add3A_4148 : i32 to vector<16xi32>
    %add3A_4150 = arith.addi %mul3A_4147, %add3A_4149 : vector<16xi32>
    tpu.vector_store_idx %arg9[%add3A_4099, %add3A_4150], %gather3A_4144 : memref<512x4xf32, #tpu.memory_space<vmem>>[vector<16xi32>, vector<16xi32>], vector<16xf32>,
    %add3A_4151 = arith.constant 3 : i32
    %add3A_4152 = vector.broadcast %add3A_4151 : i32 to vector<16xi32>
    %add3A_4153 = arith.addi %mul3A_4105, %add3A_4152 : vector<16xi32>
    %gather3A_4154 = arith.constant 1 : i32
    %gather3A_4155 = arith.constant 0 : i32
    %gather3A_4156 = arith.constant 0 : i32
    %gather3A_4157 = tpu.memref_slice %arg8[%gather3A_4154, %gather3A_4155, %gather3A_4156] : memref<2x128x128xf32, #tpu.memory_space<vmem>> -> memref<1x128x128xf32, #tpu.memory_space<vmem>>
    %gather3A_4158 = tpu.memref_squeeze %gather3A_4157 : memref<1x128x128xf32, #tpu.memory_space<vmem>> -> memref<128x128xf32, #tpu.memory_space<vmem>>
    %gather3A_4159 = tpu.vector_load_idx %gather3A_4158[%add3A_4094, %add3A_4153] : memref<128x128xf32, #tpu.memory_space<vmem>>[vector<16xi32>, vector<16xi32>], vector<16xf32>,
    %mul3A_4160 = arith.constant 0 : i32
    %mul3A_4161 = vector.broadcast %mul3A_4160 : i32 to vector<16xi32>
    %mul3A_4162 = arith.muli %iota3A, %mul3A_4161 : vector<16xi32>
    %add3A_4163 = arith.constant 3 : i32
    %add3A_4164 = vector.broadcast %add3A_4163 : i32 to vector<16xi32>
    %add3A_4165 = arith.addi %mul3A_4162, %add3A_4164 : vector<16xi32>
    tpu.vector_store_idx %arg9[%add3A_4099, %add3A_4165], %gather3A_4159 : memref<512x4xf32, #tpu.memory_space<vmem>>[vector<16xi32>, vector<16xi32>], vector<16xf32>,
    %add3A_4166 = arith.constant 4 : i32
    %add3A_4167 = vector.broadcast %add3A_4166 : i32 to vector<16xi32>
    %add3A_4168 = arith.addi %mul3A_4105, %add3A_4167 : vector<16xi32>
    %add3A_4169 = arith.constant 0 : i32
    %add3A_4170 = vector.broadcast %add3A_4169 : i32 to vector<16xi32>
    %add3A_4171 = arith.addi %add3A_4168, %add3A_4170 : vector<16xi32>
    %gather3A_4172 = arith.constant 1 : i32
    %gather3A_4173 = arith.constant 0 : i32
    %gather3A_4174 = arith.constant 0 : i32
    %gather3A_4175 = tpu.memref_slice %arg8[%gather3A_4172, %gather3A_4173, %gather3A_4174] : memref<2x128x128xf32, #tpu.memory_space<vmem>> -> memref<1x128x128xf32, #tpu.memory_space<vmem>>
    %gather3A_4176 = tpu.memref_squeeze %gather3A_4175 : memref<1x128x128xf32, #tpu.memory_space<vmem>> -> memref<128x128xf32, #tpu.memory_space<vmem>>
    %gather3A_4177 = tpu.vector_load_idx %gather3A_4176[%add3A_4094, %add3A_4171] : memref<128x128xf32, #tpu.memory_space<vmem>>[vector<16xi32>, vector<16xi32>], vector<16xf32>,
    %mul3A_4178 = arith.constant 0 : i32
    %mul3A_4179 = vector.broadcast %mul3A_4178 : i32 to vector<16xi32>
    %mul3A_4180 = arith.muli %iota3A, %mul3A_4179 : vector<16xi32>
    %add3A_4181 = arith.constant 0 : i32
    %add3A_4182 = vector.broadcast %add3A_4181 : i32 to vector<16xi32>
    %add3A_4183 = arith.addi %mul3A_4180, %add3A_4182 : vector<16xi32>
    tpu.vector_store_idx %arg10[%add3A_4099, %add3A_4183], %gather3A_4177 : memref<512x3xf32, #tpu.memory_space<vmem>>[vector<16xi32>, vector<16xi32>], vector<16xf32>,
    %add3A_4184 = arith.constant 4 : i32
    %add3A_4185 = vector.broadcast %add3A_4184 : i32 to vector<16xi32>
    %add3A_4186 = arith.addi %mul3A_4105, %add3A_4185 : vector<16xi32>
    %add3A_4187 = arith.constant 1 : i32
    %add3A_4188 = vector.broadcast %add3A_4187 : i32 to vector<16xi32>
    %add3A_4189 = arith.addi %add3A_4186, %add3A_4188 : vector<16xi32>
    %gather3A_4190 = arith.constant 1 : i32
    %gather3A_4191 = arith.constant 0 : i32
    %gather3A_4192 = arith.constant 0 : i32
    %gather3A_4193 = tpu.memref_slice %arg8[%gather3A_4190, %gather3A_4191, %gather3A_4192] : memref<2x128x128xf32, #tpu.memory_space<vmem>> -> memref<1x128x128xf32, #tpu.memory_space<vmem>>
    %gather3A_4194 = tpu.memref_squeeze %gather3A_4193 : memref<1x128x128xf32, #tpu.memory_space<vmem>> -> memref<128x128xf32, #tpu.memory_space<vmem>>
    %gather3A_4195 = tpu.vector_load_idx %gather3A_4194[%add3A_4094, %add3A_4189] : memref<128x128xf32, #tpu.memory_space<vmem>>[vector<16xi32>, vector<16xi32>], vector<16xf32>,
    %mul3A_4196 = arith.constant 0 : i32
    %mul3A_4197 = vector.broadcast %mul3A_4196 : i32 to vector<16xi32>
    %mul3A_4198 = arith.muli %iota3A, %mul3A_4197 : vector<16xi32>
    %add3A_4199 = arith.constant 1 : i32
    %add3A_4200 = vector.broadcast %add3A_4199 : i32 to vector<16xi32>
    %add3A_4201 = arith.addi %mul3A_4198, %add3A_4200 : vector<16xi32>
    tpu.vector_store_idx %arg10[%add3A_4099, %add3A_4201], %gather3A_4195 : memref<512x3xf32, #tpu.memory_space<vmem>>[vector<16xi32>, vector<16xi32>], vector<16xf32>,
    %add3A_4202 = arith.constant 4 : i32
    %add3A_4203 = vector.broadcast %add3A_4202 : i32 to vector<16xi32>
    %add3A_4204 = arith.addi %mul3A_4105, %add3A_4203 : vector<16xi32>
    %add3A_4205 = arith.constant 2 : i32
    %add3A_4206 = vector.broadcast %add3A_4205 : i32 to vector<16xi32>
    %add3A_4207 = arith.addi %add3A_4204, %add3A_4206 : vector<16xi32>
    %gather3A_4208 = arith.constant 1 : i32
    %gather3A_4209 = arith.constant 0 : i32
    %gather3A_4210 = arith.constant 0 : i32
    %gather3A_4211 = tpu.memref_slice %arg8[%gather3A_4208, %gather3A_4209, %gather3A_4210] : memref<2x128x128xf32, #tpu.memory_space<vmem>> -> memref<1x128x128xf32, #tpu.memory_space<vmem>>
    %gather3A_4212 = tpu.memref_squeeze %gather3A_4211 : memref<1x128x128xf32, #tpu.memory_space<vmem>> -> memref<128x128xf32, #tpu.memory_space<vmem>>
    %gather3A_4213 = tpu.vector_load_idx %gather3A_4212[%add3A_4094, %add3A_4207] : memref<128x128xf32, #tpu.memory_space<vmem>>[vector<16xi32>, vector<16xi32>], vector<16xf32>,
    %mul3A_4214 = arith.constant 0 : i32
    %mul3A_4215 = vector.broadcast %mul3A_4214 : i32 to vector<16xi32>
    %mul3A_4216 = arith.muli %iota3A, %mul3A_4215 : vector<16xi32>
    %add3A_4217 = arith.constant 2 : i32
    %add3A_4218 = vector.broadcast %add3A_4217 : i32 to vector<16xi32>
    %add3A_4219 = arith.addi %mul3A_4216, %add3A_4218 : vector<16xi32>
    tpu.vector_store_idx %arg10[%add3A_4099, %add3A_4219], %gather3A_4213 : memref<512x3xf32, #tpu.memory_space<vmem>>[vector<16xi32>, vector<16xi32>], vector<16xf32>,
    %add3A_4220 = arith.constant 96 : i32
    %add3A_4221 = vector.broadcast %add3A_4220 : i32 to vector<16xi32>
    %add3A_4222 = arith.addi %add3A_4221, %iota3A : vector<16xi32>
    %get3A_4223 = arith.constant 480 : index
    %get3A_4224 = tpu.vector_load %arg6[%get3A_4223] {strides = array<i32>} : memref<512xi32, #tpu.memory_space<vmem>>, vector<16xi32>,
    %add3A_4225 = arith.constant 480 : i32
    %add3A_4226 = vector.broadcast %add3A_4225 : i32 to vector<16xi32>
    %add3A_4227 = arith.addi %add3A_4226, %iota3A : vector<16xi32>
    %and3A_4228 = arith.constant 15 : i32
    %and3A_4229 = vector.broadcast %and3A_4228 : i32 to vector<16xi32>
    %and3A_4230 = arith.andi %get3A_4224, %and3A_4229 : vector<16xi32>
    %mul3A_4231 = arith.constant 8 : i32
    %mul3A_4232 = vector.broadcast %mul3A_4231 : i32 to vector<16xi32>
    %mul3A_4233 = arith.muli %and3A_4230, %mul3A_4232 : vector<16xi32>
    %add3A_4234 = arith.constant 0 : i32
    %add3A_4235 = vector.broadcast %add3A_4234 : i32 to vector<16xi32>
    %add3A_4236 = arith.addi %mul3A_4233, %add3A_4235 : vector<16xi32>
    %gather3A_4237 = arith.constant 1 : i32
    %gather3A_4238 = arith.constant 0 : i32
    %gather3A_4239 = arith.constant 0 : i32
    %gather3A_4240 = tpu.memref_slice %arg8[%gather3A_4237, %gather3A_4238, %gather3A_4239] : memref<2x128x128xf32, #tpu.memory_space<vmem>> -> memref<1x128x128xf32, #tpu.memory_space<vmem>>
    %gather3A_4241 = tpu.memref_squeeze %gather3A_4240 : memref<1x128x128xf32, #tpu.memory_space<vmem>> -> memref<128x128xf32, #tpu.memory_space<vmem>>
    %gather3A_4242 = tpu.vector_load_idx %gather3A_4241[%add3A_4222, %add3A_4236] : memref<128x128xf32, #tpu.memory_space<vmem>>[vector<16xi32>, vector<16xi32>], vector<16xf32>,
    %mul3A_4243 = arith.constant 0 : i32
    %mul3A_4244 = vector.broadcast %mul3A_4243 : i32 to vector<16xi32>
    %mul3A_4245 = arith.muli %iota3A, %mul3A_4244 : vector<16xi32>
    %add3A_4246 = arith.constant 0 : i32
    %add3A_4247 = vector.broadcast %add3A_4246 : i32 to vector<16xi32>
    %add3A_4248 = arith.addi %mul3A_4245, %add3A_4247 : vector<16xi32>
    tpu.vector_store_idx %arg9[%add3A_4227, %add3A_4248], %gather3A_4242 : memref<512x4xf32, #tpu.memory_space<vmem>>[vector<16xi32>, vector<16xi32>], vector<16xf32>,
    %add3A_4249 = arith.constant 1 : i32
    %add3A_4250 = vector.broadcast %add3A_4249 : i32 to vector<16xi32>
    %add3A_4251 = arith.addi %mul3A_4233, %add3A_4250 : vector<16xi32>
    %gather3A_4252 = arith.constant 1 : i32
    %gather3A_4253 = arith.constant 0 : i32
    %gather3A_4254 = arith.constant 0 : i32
    %gather3A_4255 = tpu.memref_slice %arg8[%gather3A_4252, %gather3A_4253, %gather3A_4254] : memref<2x128x128xf32, #tpu.memory_space<vmem>> -> memref<1x128x128xf32, #tpu.memory_space<vmem>>
    %gather3A_4256 = tpu.memref_squeeze %gather3A_4255 : memref<1x128x128xf32, #tpu.memory_space<vmem>> -> memref<128x128xf32, #tpu.memory_space<vmem>>
    %gather3A_4257 = tpu.vector_load_idx %gather3A_4256[%add3A_4222, %add3A_4251] : memref<128x128xf32, #tpu.memory_space<vmem>>[vector<16xi32>, vector<16xi32>], vector<16xf32>,
    %mul3A_4258 = arith.constant 0 : i32
    %mul3A_4259 = vector.broadcast %mul3A_4258 : i32 to vector<16xi32>
    %mul3A_4260 = arith.muli %iota3A, %mul3A_4259 : vector<16xi32>
    %add3A_4261 = arith.constant 1 : i32
    %add3A_4262 = vector.broadcast %add3A_4261 : i32 to vector<16xi32>
    %add3A_4263 = arith.addi %mul3A_4260, %add3A_4262 : vector<16xi32>
    tpu.vector_store_idx %arg9[%add3A_4227, %add3A_4263], %gather3A_4257 : memref<512x4xf32, #tpu.memory_space<vmem>>[vector<16xi32>, vector<16xi32>], vector<16xf32>,
    %add3A_4264 = arith.constant 2 : i32
    %add3A_4265 = vector.broadcast %add3A_4264 : i32 to vector<16xi32>
    %add3A_4266 = arith.addi %mul3A_4233, %add3A_4265 : vector<16xi32>
    %gather3A_4267 = arith.constant 1 : i32
    %gather3A_4268 = arith.constant 0 : i32
    %gather3A_4269 = arith.constant 0 : i32
    %gather3A_4270 = tpu.memref_slice %arg8[%gather3A_4267, %gather3A_4268, %gather3A_4269] : memref<2x128x128xf32, #tpu.memory_space<vmem>> -> memref<1x128x128xf32, #tpu.memory_space<vmem>>
    %gather3A_4271 = tpu.memref_squeeze %gather3A_4270 : memref<1x128x128xf32, #tpu.memory_space<vmem>> -> memref<128x128xf32, #tpu.memory_space<vmem>>
    %gather3A_4272 = tpu.vector_load_idx %gather3A_4271[%add3A_4222, %add3A_4266] : memref<128x128xf32, #tpu.memory_space<vmem>>[vector<16xi32>, vector<16xi32>], vector<16xf32>,
    %mul3A_4273 = arith.constant 0 : i32
    %mul3A_4274 = vector.broadcast %mul3A_4273 : i32 to vector<16xi32>
    %mul3A_4275 = arith.muli %iota3A, %mul3A_4274 : vector<16xi32>
    %add3A_4276 = arith.constant 2 : i32
    %add3A_4277 = vector.broadcast %add3A_4276 : i32 to vector<16xi32>
    %add3A_4278 = arith.addi %mul3A_4275, %add3A_4277 : vector<16xi32>
    tpu.vector_store_idx %arg9[%add3A_4227, %add3A_4278], %gather3A_4272 : memref<512x4xf32, #tpu.memory_space<vmem>>[vector<16xi32>, vector<16xi32>], vector<16xf32>,
    %add3A_4279 = arith.constant 3 : i32
    %add3A_4280 = vector.broadcast %add3A_4279 : i32 to vector<16xi32>
    %add3A_4281 = arith.addi %mul3A_4233, %add3A_4280 : vector<16xi32>
    %gather3A_4282 = arith.constant 1 : i32
    %gather3A_4283 = arith.constant 0 : i32
    %gather3A_4284 = arith.constant 0 : i32
    %gather3A_4285 = tpu.memref_slice %arg8[%gather3A_4282, %gather3A_4283, %gather3A_4284] : memref<2x128x128xf32, #tpu.memory_space<vmem>> -> memref<1x128x128xf32, #tpu.memory_space<vmem>>
    %gather3A_4286 = tpu.memref_squeeze %gather3A_4285 : memref<1x128x128xf32, #tpu.memory_space<vmem>> -> memref<128x128xf32, #tpu.memory_space<vmem>>
    %gather3A_4287 = tpu.vector_load_idx %gather3A_4286[%add3A_4222, %add3A_4281] : memref<128x128xf32, #tpu.memory_space<vmem>>[vector<16xi32>, vector<16xi32>], vector<16xf32>,
    %mul3A_4288 = arith.constant 0 : i32
    %mul3A_4289 = vector.broadcast %mul3A_4288 : i32 to vector<16xi32>
    %mul3A_4290 = arith.muli %iota3A, %mul3A_4289 : vector<16xi32>
    %add3A_4291 = arith.constant 3 : i32
    %add3A_4292 = vector.broadcast %add3A_4291 : i32 to vector<16xi32>
    %add3A_4293 = arith.addi %mul3A_4290, %add3A_4292 : vector<16xi32>
    tpu.vector_store_idx %arg9[%add3A_4227, %add3A_4293], %gather3A_4287 : memref<512x4xf32, #tpu.memory_space<vmem>>[vector<16xi32>, vector<16xi32>], vector<16xf32>,
    %add3A_4294 = arith.constant 4 : i32
    %add3A_4295 = vector.broadcast %add3A_4294 : i32 to vector<16xi32>
    %add3A_4296 = arith.addi %mul3A_4233, %add3A_4295 : vector<16xi32>
    %add3A_4297 = arith.constant 0 : i32
    %add3A_4298 = vector.broadcast %add3A_4297 : i32 to vector<16xi32>
    %add3A_4299 = arith.addi %add3A_4296, %add3A_4298 : vector<16xi32>
    %gather3A_4300 = arith.constant 1 : i32
    %gather3A_4301 = arith.constant 0 : i32
    %gather3A_4302 = arith.constant 0 : i32
    %gather3A_4303 = tpu.memref_slice %arg8[%gather3A_4300, %gather3A_4301, %gather3A_4302] : memref<2x128x128xf32, #tpu.memory_space<vmem>> -> memref<1x128x128xf32, #tpu.memory_space<vmem>>
    %gather3A_4304 = tpu.memref_squeeze %gather3A_4303 : memref<1x128x128xf32, #tpu.memory_space<vmem>> -> memref<128x128xf32, #tpu.memory_space<vmem>>
    %gather3A_4305 = tpu.vector_load_idx %gather3A_4304[%add3A_4222, %add3A_4299] : memref<128x128xf32, #tpu.memory_space<vmem>>[vector<16xi32>, vector<16xi32>], vector<16xf32>,
    %mul3A_4306 = arith.constant 0 : i32
    %mul3A_4307 = vector.broadcast %mul3A_4306 : i32 to vector<16xi32>
    %mul3A_4308 = arith.muli %iota3A, %mul3A_4307 : vector<16xi32>
    %add3A_4309 = arith.constant 0 : i32
    %add3A_4310 = vector.broadcast %add3A_4309 : i32 to vector<16xi32>
    %add3A_4311 = arith.addi %mul3A_4308, %add3A_4310 : vector<16xi32>
    tpu.vector_store_idx %arg10[%add3A_4227, %add3A_4311], %gather3A_4305 : memref<512x3xf32, #tpu.memory_space<vmem>>[vector<16xi32>, vector<16xi32>], vector<16xf32>,
    %add3A_4312 = arith.constant 4 : i32
    %add3A_4313 = vector.broadcast %add3A_4312 : i32 to vector<16xi32>
    %add3A_4314 = arith.addi %mul3A_4233, %add3A_4313 : vector<16xi32>
    %add3A_4315 = arith.constant 1 : i32
    %add3A_4316 = vector.broadcast %add3A_4315 : i32 to vector<16xi32>
    %add3A_4317 = arith.addi %add3A_4314, %add3A_4316 : vector<16xi32>
    %gather3A_4318 = arith.constant 1 : i32
    %gather3A_4319 = arith.constant 0 : i32
    %gather3A_4320 = arith.constant 0 : i32
    %gather3A_4321 = tpu.memref_slice %arg8[%gather3A_4318, %gather3A_4319, %gather3A_4320] : memref<2x128x128xf32, #tpu.memory_space<vmem>> -> memref<1x128x128xf32, #tpu.memory_space<vmem>>
    %gather3A_4322 = tpu.memref_squeeze %gather3A_4321 : memref<1x128x128xf32, #tpu.memory_space<vmem>> -> memref<128x128xf32, #tpu.memory_space<vmem>>
    %gather3A_4323 = tpu.vector_load_idx %gather3A_4322[%add3A_4222, %add3A_4317] : memref<128x128xf32, #tpu.memory_space<vmem>>[vector<16xi32>, vector<16xi32>], vector<16xf32>,
    %mul3A_4324 = arith.constant 0 : i32
    %mul3A_4325 = vector.broadcast %mul3A_4324 : i32 to vector<16xi32>
    %mul3A_4326 = arith.muli %iota3A, %mul3A_4325 : vector<16xi32>
    %add3A_4327 = arith.constant 1 : i32
    %add3A_4328 = vector.broadcast %add3A_4327 : i32 to vector<16xi32>
    %add3A_4329 = arith.addi %mul3A_4326, %add3A_4328 : vector<16xi32>
    tpu.vector_store_idx %arg10[%add3A_4227, %add3A_4329], %gather3A_4323 : memref<512x3xf32, #tpu.memory_space<vmem>>[vector<16xi32>, vector<16xi32>], vector<16xf32>,
    %add3A_4330 = arith.constant 4 : i32
    %add3A_4331 = vector.broadcast %add3A_4330 : i32 to vector<16xi32>
    %add3A_4332 = arith.addi %mul3A_4233, %add3A_4331 : vector<16xi32>
    %add3A_4333 = arith.constant 2 : i32
    %add3A_4334 = vector.broadcast %add3A_4333 : i32 to vector<16xi32>
    %add3A_4335 = arith.addi %add3A_4332, %add3A_4334 : vector<16xi32>
    %gather3A_4336 = arith.constant 1 : i32
    %gather3A_4337 = arith.constant 0 : i32
    %gather3A_4338 = arith.constant 0 : i32
    %gather3A_4339 = tpu.memref_slice %arg8[%gather3A_4336, %gather3A_4337, %gather3A_4338] : memref<2x128x128xf32, #tpu.memory_space<vmem>> -> memref<1x128x128xf32, #tpu.memory_space<vmem>>
    %gather3A_4340 = tpu.memref_squeeze %gather3A_4339 : memref<1x128x128xf32, #tpu.memory_space<vmem>> -> memref<128x128xf32, #tpu.memory_space<vmem>>
    %gather3A_4341 = tpu.vector_load_idx %gather3A_4340[%add3A_4222, %add3A_4335] : memref<128x128xf32, #tpu.memory_space<vmem>>[vector<16xi32>, vector<16xi32>], vector<16xf32>,
    %mul3A_4342 = arith.constant 0 : i32
    %mul3A_4343 = vector.broadcast %mul3A_4342 : i32 to vector<16xi32>
    %mul3A_4344 = arith.muli %iota3A, %mul3A_4343 : vector<16xi32>
    %add3A_4345 = arith.constant 2 : i32
    %add3A_4346 = vector.broadcast %add3A_4345 : i32 to vector<16xi32>
    %add3A_4347 = arith.addi %mul3A_4344, %add3A_4346 : vector<16xi32>
    tpu.vector_store_idx %arg10[%add3A_4227, %add3A_4347], %gather3A_4341 : memref<512x3xf32, #tpu.memory_space<vmem>>[vector<16xi32>, vector<16xi32>], vector<16xf32>,
    %add3A_4348 = arith.constant 112 : i32
    %add3A_4349 = vector.broadcast %add3A_4348 : i32 to vector<16xi32>
    %add3A_4350 = arith.addi %add3A_4349, %iota3A : vector<16xi32>
    %get3A_4351 = arith.constant 496 : index
    %get3A_4352 = tpu.vector_load %arg6[%get3A_4351] {strides = array<i32>} : memref<512xi32, #tpu.memory_space<vmem>>, vector<16xi32>,
    %add3A_4353 = arith.constant 496 : i32
    %add3A_4354 = vector.broadcast %add3A_4353 : i32 to vector<16xi32>
    %add3A_4355 = arith.addi %add3A_4354, %iota3A : vector<16xi32>
    %and3A_4356 = arith.constant 15 : i32
    %and3A_4357 = vector.broadcast %and3A_4356 : i32 to vector<16xi32>
    %and3A_4358 = arith.andi %get3A_4352, %and3A_4357 : vector<16xi32>
    %mul3A_4359 = arith.constant 8 : i32
    %mul3A_4360 = vector.broadcast %mul3A_4359 : i32 to vector<16xi32>
    %mul3A_4361 = arith.muli %and3A_4358, %mul3A_4360 : vector<16xi32>
    %add3A_4362 = arith.constant 0 : i32
    %add3A_4363 = vector.broadcast %add3A_4362 : i32 to vector<16xi32>
    %add3A_4364 = arith.addi %mul3A_4361, %add3A_4363 : vector<16xi32>
    %gather3A_4365 = arith.constant 1 : i32
    %gather3A_4366 = arith.constant 0 : i32
    %gather3A_4367 = arith.constant 0 : i32
    %gather3A_4368 = tpu.memref_slice %arg8[%gather3A_4365, %gather3A_4366, %gather3A_4367] : memref<2x128x128xf32, #tpu.memory_space<vmem>> -> memref<1x128x128xf32, #tpu.memory_space<vmem>>
    %gather3A_4369 = tpu.memref_squeeze %gather3A_4368 : memref<1x128x128xf32, #tpu.memory_space<vmem>> -> memref<128x128xf32, #tpu.memory_space<vmem>>
    %gather3A_4370 = tpu.vector_load_idx %gather3A_4369[%add3A_4350, %add3A_4364] : memref<128x128xf32, #tpu.memory_space<vmem>>[vector<16xi32>, vector<16xi32>], vector<16xf32>,
    %mul3A_4371 = arith.constant 0 : i32
    %mul3A_4372 = vector.broadcast %mul3A_4371 : i32 to vector<16xi32>
    %mul3A_4373 = arith.muli %iota3A, %mul3A_4372 : vector<16xi32>
    %add3A_4374 = arith.constant 0 : i32
    %add3A_4375 = vector.broadcast %add3A_4374 : i32 to vector<16xi32>
    %add3A_4376 = arith.addi %mul3A_4373, %add3A_4375 : vector<16xi32>
    tpu.vector_store_idx %arg9[%add3A_4355, %add3A_4376], %gather3A_4370 : memref<512x4xf32, #tpu.memory_space<vmem>>[vector<16xi32>, vector<16xi32>], vector<16xf32>,
    %add3A_4377 = arith.constant 1 : i32
    %add3A_4378 = vector.broadcast %add3A_4377 : i32 to vector<16xi32>
    %add3A_4379 = arith.addi %mul3A_4361, %add3A_4378 : vector<16xi32>
    %gather3A_4380 = arith.constant 1 : i32
    %gather3A_4381 = arith.constant 0 : i32
    %gather3A_4382 = arith.constant 0 : i32
    %gather3A_4383 = tpu.memref_slice %arg8[%gather3A_4380, %gather3A_4381, %gather3A_4382] : memref<2x128x128xf32, #tpu.memory_space<vmem>> -> memref<1x128x128xf32, #tpu.memory_space<vmem>>
    %gather3A_4384 = tpu.memref_squeeze %gather3A_4383 : memref<1x128x128xf32, #tpu.memory_space<vmem>> -> memref<128x128xf32, #tpu.memory_space<vmem>>
    %gather3A_4385 = tpu.vector_load_idx %gather3A_4384[%add3A_4350, %add3A_4379] : memref<128x128xf32, #tpu.memory_space<vmem>>[vector<16xi32>, vector<16xi32>], vector<16xf32>,
    %mul3A_4386 = arith.constant 0 : i32
    %mul3A_4387 = vector.broadcast %mul3A_4386 : i32 to vector<16xi32>
    %mul3A_4388 = arith.muli %iota3A, %mul3A_4387 : vector<16xi32>
    %add3A_4389 = arith.constant 1 : i32
    %add3A_4390 = vector.broadcast %add3A_4389 : i32 to vector<16xi32>
    %add3A_4391 = arith.addi %mul3A_4388, %add3A_4390 : vector<16xi32>
    tpu.vector_store_idx %arg9[%add3A_4355, %add3A_4391], %gather3A_4385 : memref<512x4xf32, #tpu.memory_space<vmem>>[vector<16xi32>, vector<16xi32>], vector<16xf32>,
    %add3A_4392 = arith.constant 2 : i32
    %add3A_4393 = vector.broadcast %add3A_4392 : i32 to vector<16xi32>
    %add3A_4394 = arith.addi %mul3A_4361, %add3A_4393 : vector<16xi32>
    %gather3A_4395 = arith.constant 1 : i32
    %gather3A_4396 = arith.constant 0 : i32
    %gather3A_4397 = arith.constant 0 : i32
    %gather3A_4398 = tpu.memref_slice %arg8[%gather3A_4395, %gather3A_4396, %gather3A_4397] : memref<2x128x128xf32, #tpu.memory_space<vmem>> -> memref<1x128x128xf32, #tpu.memory_space<vmem>>
    %gather3A_4399 = tpu.memref_squeeze %gather3A_4398 : memref<1x128x128xf32, #tpu.memory_space<vmem>> -> memref<128x128xf32, #tpu.memory_space<vmem>>
    %gather3A_4400 = tpu.vector_load_idx %gather3A_4399[%add3A_4350, %add3A_4394] : memref<128x128xf32, #tpu.memory_space<vmem>>[vector<16xi32>, vector<16xi32>], vector<16xf32>,
    %mul3A_4401 = arith.constant 0 : i32
    %mul3A_4402 = vector.broadcast %mul3A_4401 : i32 to vector<16xi32>
    %mul3A_4403 = arith.muli %iota3A, %mul3A_4402 : vector<16xi32>
    %add3A_4404 = arith.constant 2 : i32
    %add3A_4405 = vector.broadcast %add3A_4404 : i32 to vector<16xi32>
    %add3A_4406 = arith.addi %mul3A_4403, %add3A_4405 : vector<16xi32>
    tpu.vector_store_idx %arg9[%add3A_4355, %add3A_4406], %gather3A_4400 : memref<512x4xf32, #tpu.memory_space<vmem>>[vector<16xi32>, vector<16xi32>], vector<16xf32>,
    %add3A_4407 = arith.constant 3 : i32
    %add3A_4408 = vector.broadcast %add3A_4407 : i32 to vector<16xi32>
    %add3A_4409 = arith.addi %mul3A_4361, %add3A_4408 : vector<16xi32>
    %gather3A_4410 = arith.constant 1 : i32
    %gather3A_4411 = arith.constant 0 : i32
    %gather3A_4412 = arith.constant 0 : i32
    %gather3A_4413 = tpu.memref_slice %arg8[%gather3A_4410, %gather3A_4411, %gather3A_4412] : memref<2x128x128xf32, #tpu.memory_space<vmem>> -> memref<1x128x128xf32, #tpu.memory_space<vmem>>
    %gather3A_4414 = tpu.memref_squeeze %gather3A_4413 : memref<1x128x128xf32, #tpu.memory_space<vmem>> -> memref<128x128xf32, #tpu.memory_space<vmem>>
    %gather3A_4415 = tpu.vector_load_idx %gather3A_4414[%add3A_4350, %add3A_4409] : memref<128x128xf32, #tpu.memory_space<vmem>>[vector<16xi32>, vector<16xi32>], vector<16xf32>,
    %mul3A_4416 = arith.constant 0 : i32
    %mul3A_4417 = vector.broadcast %mul3A_4416 : i32 to vector<16xi32>
    %mul3A_4418 = arith.muli %iota3A, %mul3A_4417 : vector<16xi32>
    %add3A_4419 = arith.constant 3 : i32
    %add3A_4420 = vector.broadcast %add3A_4419 : i32 to vector<16xi32>
    %add3A_4421 = arith.addi %mul3A_4418, %add3A_4420 : vector<16xi32>
    tpu.vector_store_idx %arg9[%add3A_4355, %add3A_4421], %gather3A_4415 : memref<512x4xf32, #tpu.memory_space<vmem>>[vector<16xi32>, vector<16xi32>], vector<16xf32>,
    %add3A_4422 = arith.constant 4 : i32
    %add3A_4423 = vector.broadcast %add3A_4422 : i32 to vector<16xi32>
    %add3A_4424 = arith.addi %mul3A_4361, %add3A_4423 : vector<16xi32>
    %add3A_4425 = arith.constant 0 : i32
    %add3A_4426 = vector.broadcast %add3A_4425 : i32 to vector<16xi32>
    %add3A_4427 = arith.addi %add3A_4424, %add3A_4426 : vector<16xi32>
    %gather3A_4428 = arith.constant 1 : i32
    %gather3A_4429 = arith.constant 0 : i32
    %gather3A_4430 = arith.constant 0 : i32
    %gather3A_4431 = tpu.memref_slice %arg8[%gather3A_4428, %gather3A_4429, %gather3A_4430] : memref<2x128x128xf32, #tpu.memory_space<vmem>> -> memref<1x128x128xf32, #tpu.memory_space<vmem>>
    %gather3A_4432 = tpu.memref_squeeze %gather3A_4431 : memref<1x128x128xf32, #tpu.memory_space<vmem>> -> memref<128x128xf32, #tpu.memory_space<vmem>>
    %gather3A_4433 = tpu.vector_load_idx %gather3A_4432[%add3A_4350, %add3A_4427] : memref<128x128xf32, #tpu.memory_space<vmem>>[vector<16xi32>, vector<16xi32>], vector<16xf32>,
    %mul3A_4434 = arith.constant 0 : i32
    %mul3A_4435 = vector.broadcast %mul3A_4434 : i32 to vector<16xi32>
    %mul3A_4436 = arith.muli %iota3A, %mul3A_4435 : vector<16xi32>
    %add3A_4437 = arith.constant 0 : i32
    %add3A_4438 = vector.broadcast %add3A_4437 : i32 to vector<16xi32>
    %add3A_4439 = arith.addi %mul3A_4436, %add3A_4438 : vector<16xi32>
    tpu.vector_store_idx %arg10[%add3A_4355, %add3A_4439], %gather3A_4433 : memref<512x3xf32, #tpu.memory_space<vmem>>[vector<16xi32>, vector<16xi32>], vector<16xf32>,
    %add3A_4440 = arith.constant 4 : i32
    %add3A_4441 = vector.broadcast %add3A_4440 : i32 to vector<16xi32>
    %add3A_4442 = arith.addi %mul3A_4361, %add3A_4441 : vector<16xi32>
    %add3A_4443 = arith.constant 1 : i32
    %add3A_4444 = vector.broadcast %add3A_4443 : i32 to vector<16xi32>
    %add3A_4445 = arith.addi %add3A_4442, %add3A_4444 : vector<16xi32>
    %gather3A_4446 = arith.constant 1 : i32
    %gather3A_4447 = arith.constant 0 : i32
    %gather3A_4448 = arith.constant 0 : i32
    %gather3A_4449 = tpu.memref_slice %arg8[%gather3A_4446, %gather3A_4447, %gather3A_4448] : memref<2x128x128xf32, #tpu.memory_space<vmem>> -> memref<1x128x128xf32, #tpu.memory_space<vmem>>
    %gather3A_4450 = tpu.memref_squeeze %gather3A_4449 : memref<1x128x128xf32, #tpu.memory_space<vmem>> -> memref<128x128xf32, #tpu.memory_space<vmem>>
    %gather3A_4451 = tpu.vector_load_idx %gather3A_4450[%add3A_4350, %add3A_4445] : memref<128x128xf32, #tpu.memory_space<vmem>>[vector<16xi32>, vector<16xi32>], vector<16xf32>,
    %mul3A_4452 = arith.constant 0 : i32
    %mul3A_4453 = vector.broadcast %mul3A_4452 : i32 to vector<16xi32>
    %mul3A_4454 = arith.muli %iota3A, %mul3A_4453 : vector<16xi32>
    %add3A_4455 = arith.constant 1 : i32
    %add3A_4456 = vector.broadcast %add3A_4455 : i32 to vector<16xi32>
    %add3A_4457 = arith.addi %mul3A_4454, %add3A_4456 : vector<16xi32>
    tpu.vector_store_idx %arg10[%add3A_4355, %add3A_4457], %gather3A_4451 : memref<512x3xf32, #tpu.memory_space<vmem>>[vector<16xi32>, vector<16xi32>], vector<16xf32>,
    %add3A_4458 = arith.constant 4 : i32
    %add3A_4459 = vector.broadcast %add3A_4458 : i32 to vector<16xi32>
    %add3A_4460 = arith.addi %mul3A_4361, %add3A_4459 : vector<16xi32>
    %add3A_4461 = arith.constant 2 : i32
    %add3A_4462 = vector.broadcast %add3A_4461 : i32 to vector<16xi32>
    %add3A_4463 = arith.addi %add3A_4460, %add3A_4462 : vector<16xi32>
    %gather3A_4464 = arith.constant 1 : i32
    %gather3A_4465 = arith.constant 0 : i32
    %gather3A_4466 = arith.constant 0 : i32
    %gather3A_4467 = tpu.memref_slice %arg8[%gather3A_4464, %gather3A_4465, %gather3A_4466] : memref<2x128x128xf32, #tpu.memory_space<vmem>> -> memref<1x128x128xf32, #tpu.memory_space<vmem>>
    %gather3A_4468 = tpu.memref_squeeze %gather3A_4467 : memref<1x128x128xf32, #tpu.memory_space<vmem>> -> memref<128x128xf32, #tpu.memory_space<vmem>>
    %gather3A_4469 = tpu.vector_load_idx %gather3A_4468[%add3A_4350, %add3A_4463] : memref<128x128xf32, #tpu.memory_space<vmem>>[vector<16xi32>, vector<16xi32>], vector<16xf32>,
    %mul3A_4470 = arith.constant 0 : i32
    %mul3A_4471 = vector.broadcast %mul3A_4470 : i32 to vector<16xi32>
    %mul3A_4472 = arith.muli %iota3A, %mul3A_4471 : vector<16xi32>
    %add3A_4473 = arith.constant 2 : i32
    %add3A_4474 = vector.broadcast %add3A_4473 : i32 to vector<16xi32>
    %add3A_4475 = arith.addi %mul3A_4472, %add3A_4474 : vector<16xi32>
    tpu.vector_store_idx %arg10[%add3A_4355, %add3A_4475], %gather3A_4469 : memref<512x3xf32, #tpu.memory_space<vmem>>[vector<16xi32>, vector<16xi32>], vector<16xf32>,
    "tpu.region"() ({
      %run_scoped3A = tpu.sem_alloc : memref<!tpu.dma_semaphore, #tpu.memory_space<semaphore_mem>>
      %dma_start3A_4476 = arith.constant 0 : i32
      %dma_start3A_4477 = tpu.memref_slice %arg4[%mul3A_2, %dma_start3A_4476] : memref<16384x4xf32, #tpu.memory_space<hbm>> -> memref<512x4xf32, #tpu.memory_space<hbm>>
      %dma_start3A_4478 = arith.constant 0 : i32
      %dma_start3A_4479 = tpu.memref_slice %arg4[%mul3A_2, %dma_start3A_4478] : memref<16384x4xf32, #tpu.memory_space<hbm>> -> memref<512x4xf32, #tpu.memory_space<hbm>>
      tpu.enqueue_dma source(%arg9 : memref<512x4xf32, #tpu.memory_space<vmem>>) target(%dma_start3A_4479 : memref<512x4xf32, #tpu.memory_space<hbm>>) target_semaphore(%run_scoped3A : memref<!tpu.dma_semaphore, #tpu.memory_space<semaphore_mem>>)
      %dma_wait3A_4480 = arith.constant 0 : i32
      %dma_wait3A_4481 = tpu.memref_slice %arg4[%mul3A_2, %dma_wait3A_4480] : memref<16384x4xf32, #tpu.memory_space<hbm>> -> memref<512x4xf32, #tpu.memory_space<hbm>>
      %dma_wait3A_4482 = arith.constant 0 : i32
      %dma_wait3A_4483 = tpu.memref_slice %arg4[%mul3A_2, %dma_wait3A_4482] : memref<16384x4xf32, #tpu.memory_space<hbm>> -> memref<512x4xf32, #tpu.memory_space<hbm>>
      tpu.wait_dma2 semaphore(%run_scoped3A : memref<!tpu.dma_semaphore, #tpu.memory_space<semaphore_mem>>) src(%arg9 : memref<512x4xf32, #tpu.memory_space<vmem>>) dst(%dma_wait3A_4483 : memref<512x4xf32, #tpu.memory_space<hbm>>)
      tpu.yield
    }) : () -> ()
    "tpu.region"() ({
      %run_scoped3A = tpu.sem_alloc : memref<!tpu.dma_semaphore, #tpu.memory_space<semaphore_mem>>
      %dma_start3A_4476 = arith.constant 0 : i32
      %dma_start3A_4477 = tpu.memref_slice %arg5[%mul3A_2, %dma_start3A_4476] : memref<16384x3xf32, #tpu.memory_space<hbm>> -> memref<512x3xf32, #tpu.memory_space<hbm>>
      %dma_start3A_4478 = arith.constant 0 : i32
      %dma_start3A_4479 = tpu.memref_slice %arg5[%mul3A_2, %dma_start3A_4478] : memref<16384x3xf32, #tpu.memory_space<hbm>> -> memref<512x3xf32, #tpu.memory_space<hbm>>
      tpu.enqueue_dma source(%arg10 : memref<512x3xf32, #tpu.memory_space<vmem>>) target(%dma_start3A_4479 : memref<512x3xf32, #tpu.memory_space<hbm>>) target_semaphore(%run_scoped3A : memref<!tpu.dma_semaphore, #tpu.memory_space<semaphore_mem>>)
      %dma_wait3A_4480 = arith.constant 0 : i32
      %dma_wait3A_4481 = tpu.memref_slice %arg5[%mul3A_2, %dma_wait3A_4480] : memref<16384x3xf32, #tpu.memory_space<hbm>> -> memref<512x3xf32, #tpu.memory_space<hbm>>
      %dma_wait3A_4482 = arith.constant 0 : i32
      %dma_wait3A_4483 = tpu.memref_slice %arg5[%mul3A_2, %dma_wait3A_4482] : memref<16384x3xf32, #tpu.memory_space<hbm>> -> memref<512x3xf32, #tpu.memory_space<hbm>>
      tpu.wait_dma2 semaphore(%run_scoped3A : memref<!tpu.dma_semaphore, #tpu.memory_space<semaphore_mem>>) src(%arg10 : memref<512x3xf32, #tpu.memory_space<vmem>>) dst(%dma_wait3A_4483 : memref<512x3xf32, #tpu.memory_space<hbm>>)
      tpu.yield
    }) : () -> ()
    return
  }
}

</mosaic_0001>

<sc_bundles>
// kernel: kernel.3.cloned.1.call-start
scs
__scs_entry_jumppad:
0x0: {  	(pc) =	sbr.rel $0x88, $3  }
0x1: {  	(tag) =	ssettag $0x0;
	lr =	simm.s32 $0x1  }
0x2: {  	[smem:$0x3F9E] =	sst lr;
	_ =	strace $0xD0000000  }
0x3: {  	_ = 	snop  }
0x4: {  	_ = 	snop  }
0x5: {  	_ = 	snop  }
0x6: {  	_ = 	snop  }
0x7: {  	_ = 	snop  }
__scs_overlays_trampoline_lowered:
0x8: {  	[smem:$0x3FAD] =	sst s0  }
0x9: {  	[smem:$0x3FAE] =	sst s1  }
0xa: {  	[smem:$0x3FAF] =	sst s2  }
0xb: {  	[smem:$0x3FB0] =	sst s3  }
0xc: {  	[smem:$0x3FB1] =	sst s4  }
0xd: {  	[smem:$0x3FB2] =	sst s5  }
0xe: {  	[smem:$0x3FB3] =	sst s6  }
0xf: {  	[smem:$0x3FB4] =	sst s7  }
0x10: {  	[smem:$0x3FB5] =	sst s8  }
0x11: {  	[smem:$0x3FB6] =	sst s9;
	s0 =	simm.s32 @!p0 $0x0  }
0x12: {  	s1 =	sld [smem:$0x3F9C];
	s0 =	simm.s32 @p0 $0x1  }
0x13: {  	[smem:$0x3FB7] =	sst s0;
	s0 =	simm.s32 @!p1 $0x0  }
0x14: {  	s2 =	sld [smem:$0x3F9B];
	s0 =	simm.s32 @p1 $0x1  }
0x15: {  	[smem:$0x3FB8] =	sst s0;
	s0 =	simm.s32 @!p2 $0x0  }
0x16: {  	s3 =	sld [smem:$0x3FDB];
	s0 =	simm.s32 @p2 $0x1  }
0x17: {  	s4 =	simm.s32 $0x1BF5;
	[smem:$0x3FBA] =	sst s0  }
0x18: {  	s0 =	sld [smem:$0x3F9D];
	_ =	swait.ge [sflag:s4], $0x0  }
0x19: {  	s7 =	sld [smem:$0x3F9E]  }
0x1a: {  	s8 =	sadd.s32 $0xFFFFE003, lr  }
0x1b: {  	s9 =	sadd.s32 $0xFFFFFEF7, lr;
	s5 =	simm.s32 $0xFFFFFFFF;
	p2 =	slt.u32 s8, $0xFFFFF086  }
0x1c: {  	p1 =	slt.u32 s9, $0xF7A;
	s5 =	simm.s32 @!p2 $0x0  }
0x1d: {  	s5 =	simm.s32 @p1 $0x1;
	p0 =	seq.s32 s7, s2  }
0x1e: {  	s7 =	smul.u32 @!p0 $0xF7A, s2;
	p2 =	seq.s32 @!p0 s5, $0x0  }
0x1f: {  	s9 =	smul.u32 $0xF7A, s1;
	s8 =	simm.s32 @!p0 $0x1BF5;
	p2 =	por !p2, p0  }
0x20: {  	[sflag:s8] =	ssyncset.s32 @!p0 $0xFFFFF086;
	s6 =	sadd.s32 @!p0 s3, s7;
	s7 =	simm.s32 @!p0 $0x108  }
0x21: {  	s3 =	sadd.s32 s3, s9;
	s6 =	sadd.s32 @!p0 $0x88, s6;
	s7 =	simm.s32 @p2 $0x1082  }
0x22: {  	[simem:s7], [sflag:s8] =	dma.local @!p0 [hbm:s6], $0xF7A  }
0x23: {  	s9 =	sor.u32 $0xD0000000, s2;
	s6 =	simm.s32 $0x108;
	_ =	swait.ge @!p0 [sflag:s8], $0x0  }
0x24: {  	s3 =	sadd.s32 $0x88, s3;
	s6 =	simm.s32 @!p1 $0x1082;
	[sflag:s4] =	ssyncset.s32 $0xFFFFF086  }
0x25: {  	[simem:s6], [sflag:s4] =	dma.local [hbm:s3], $0xF7A  }
0x26: {  	[smem:$0x3F9E] =	sst s1;
	(tag) =	ssettag s2;
	_ =	strace s9  }
0x27: {  	s1 =	sld [smem:$0x3FAE]  }
0x28: {  	s2 =	sld [smem:$0x3FAF]  }
0x29: {  	s4 =	sld [smem:$0x3FB1]  }
0x2a: {  	p0 =	seq.s32 s5, $0x0;
	s5 =	sld [smem:$0x3FB2]  }
0x2b: {  	s6 =	sld [smem:$0x3FB3]  }
0x2c: {  	s7 =	sld [smem:$0x3FB4]  }
0x2d: {  	s3 =	simm.s32 $0x108;
	s8 =	sld [smem:$0x3FB5]  }
0x2e: {  	s3 =	simm.s32 @!p0 $0x1082;
	s9 =	sld [smem:$0x3FB6]  }
0x2f: {  	lr =	sadd.s32 s0, s3;
	s0 =	sld [smem:$0x3FAD]  }
0x30: {  	s3 =	sld [smem:$0x3FB0]  }
0x31: {  	[smem:$0x3FB9] =	sst s10  }
0x32: {  	s10 =	sld [smem:$0x3FB7];
	_ =	sdelay $0x3  }
0x33: {  	p0 =	seq.s32 s10, $0x1;
	s10 =	sld [smem:$0x3FB9];
	_ =	sdelay $0x3  }
0x34: {  	[smem:$0x3FB9] =	sst s10  }
0x35: {  	s10 =	sld [smem:$0x3FB8];
	_ =	sdelay $0x3  }
0x36: {  	p1 =	seq.s32 s10, $0x1;
	s10 =	sld [smem:$0x3FB9];
	_ =	sdelay $0x3  }
0x37: {  	[smem:$0x3FB9] =	sst s10  }
0x38: {  	s10 =	sld [smem:$0x3FBA]  }
0x39: {  	_ = 	snop;
	(pc) =	sbr.ind lr, $3  }
0x3a: {  	_ = 	snop  }
0x3b: {  	_ = 	snop  }
0x3c: {  	p2 =	seq.s32 s10, $0x1;
	s10 =	sld [smem:$0x3FB9]  }
0x3d: {  	_ =	shalt  }
0x3e: {  	_ =	shalt  }
0x3f: {  	_ =	shalt  }
0x40: {  	_ =	shalt  }
0x41: {  	_ =	shalt  }
0x42: {  	_ =	shalt  }
0x43: {  	_ =	shalt  }
0x44: {  	_ =	shalt  }
0x45: {  	_ =	shalt  }
0x46: {  	_ =	shalt  }
0x47: {  	_ =	shalt  }
0x48: {  	_ =	shalt  }
0x49: {  	_ =	shalt  }
0x4a: {  	_ =	shalt  }
0x4b: {  	_ =	shalt  }
0x4c: {  	_ =	shalt  }
0x4d: {  	_ =	shalt  }
0x4e: {  	_ =	shalt  }
0x4f: {  	_ =	shalt  }
0x50: {  	_ =	shalt  }
0x51: {  	_ =	shalt  }
0x52: {  	_ =	shalt  }
0x53: {  	_ =	shalt  }
0x54: {  	_ =	shalt  }
0x55: {  	_ =	shalt  }
0x56: {  	_ =	shalt  }
0x57: {  	_ =	shalt  }
0x58: {  	_ =	shalt  }
0x59: {  	_ =	shalt  }
0x5a: {  	_ =	shalt  }
0x5b: {  	_ =	shalt  }
0x5c: {  	_ =	shalt  }
0x5d: {  	_ =	shalt  }
0x5e: {  	_ =	shalt  }
0x5f: {  	_ =	shalt  }
0x60: {  	_ =	shalt  }
0x61: {  	_ =	shalt  }
0x62: {  	_ =	shalt  }
0x63: {  	_ =	shalt  }
0x64: {  	_ =	shalt  }
0x65: {  	_ =	shalt  }
0x66: {  	_ =	shalt  }
0x67: {  	_ =	shalt  }
0x68: {  	_ =	shalt  }
0x69: {  	_ =	shalt  }
0x6a: {  	_ =	shalt  }
0x6b: {  	_ =	shalt  }
0x6c: {  	_ =	shalt  }
0x6d: {  	_ =	shalt  }
0x6e: {  	_ =	shalt  }
0x6f: {  	_ =	shalt  }
0x70: {  	_ =	shalt  }
0x71: {  	_ =	shalt  }
0x72: {  	_ =	shalt  }
0x73: {  	_ =	shalt  }
0x74: {  	_ =	shalt  }
0x75: {  	_ =	shalt  }
0x76: {  	_ =	shalt  }
0x77: {  	_ =	shalt  }
0x78: {  	_ =	shalt  }
0x79: {  	_ =	shalt  }
0x7a: {  	_ =	shalt  }
0x7b: {  	_ =	shalt  }
0x7c: {  	_ =	shalt  }
0x7d: {  	_ =	shalt  }
0x7e: {  	_ =	shalt  }
0x7f: {  	_ =	shalt  }
0x80: {  	_ =	shalt  }
0x81: {  	_ =	shalt  }
0x82: {  	_ =	shalt  }
0x83: {  	_ =	shalt  }
0x84: {  	_ =	shalt  }
0x85: {  	_ =	shalt  }
0x86: {  	_ =	shalt  }
0x87: {  	_ =	shalt  }
.Lfunc_end0:
.L_simem_size_0:
called_computation_lowered:
.L_overlay_start_0:
0x88: {  	s2 =	sld [smem:$0x3FD9]  }
0x89: {  	s3 =	sld [smem:$0x3FFE];
	_ =	sdelay $0x1  }
0x8a: {  	s1 =	srdreg.scid  }
0x8b: {  	s0 =	sand.u32 $0x1, s1  }
0x8c: {  	s17 =	sshll.u32 s0, $0xA;
	s2 =	sadd.s32 s3, s2  }
0x8d: {  	s2 =	sadd.s32 s2, s17  }
0x8e: {  	[smem:$0x3FC5] =	sst s2  }
0x8f: {  	_ = 	snop  }
0x90: {  	s2 =	sld [smem:$0x3FC9];
	(tm) =	ssettm $0x1  }
0x91: {  	s18 =	sld [smem:$0x3FFB];
	_ =	sdelay $0x3  }
0x92: {  	_ =	strace s18  }
0x93: {  	s3 =	sld [smem:$0x3FFC];
	_ =	sdelay $0x3  }
0x94: {  	_ =	strace s3  }
0x95: {  	s3 =	sld [smem:$0x3FFD];
	_ =	sdelay $0x3  }
0x96: {  	_ =	strace s3  }
0x97: {  	_ =	strace $0x8FFFFFFF  }
0x98: {  	s19 =	sld [smem:$0x3FDB];
	_ =	sdelay $0x1  }
0x99: {  	s4 =	simm.s32 $_scs_section_size  }
0x9a: {  	s5 =	simm.s32 $_size__tile_overlayer_lowered;
	s6 =	simm.s32 $_tile_overlayer_lowered  }
0x9b: {  	s22 =	simm.s32 $0x1BFF;
	s21 =	sshll.u32 s6, $0x1;
	s3 =	sadd.s32 s4, s19  }
0x9c: {  	s7 =	simm.s32 $0x0;
	s20 =	sshll.u32 s5, $0x1;
	s5 =	sadd.s32 s21, s3  }
0x9d: {  	[timem:s7], [sflag:s22] =	dma.local [hbm:s5], s20  }
0x9e: {  	_ =	swait.ge [sflag:s22], s20  }
0x9f: {  	s4 =	ssub.s32 $0x0, s20;
	[sflag:s22] =	ssyncset.done $0x0  }
0xa0: {  	[sflag:s22] =	ssyncadd.s32 s4;
	_ =	sdelay $0x1  }
0xa1: {  	s23 =	simm.s32 $0x1B8B  }
0xa2: {  	_ =	swait.ge [sflag:s23], $0x1  }
0xa3: {  	[sflag:s23] =	ssyncset.done $0x0  }
0xa4: {  	s25 =	simm.s32 $0x1B8E;
	s24 =	sld [smem:$0x3FFE];
	[sflag:s23] =	ssyncadd.s32 $0xFFFFFFFF  }
0xa5: {  	s26 =	simm.s32 $execute0_lowered;
	[smem:$0x3FD2] =	sst s25  }
0xa6: {  	s5 =	sshll.u32 s26, $0x1;
	_ =	strace $0x80000046;
	[dreg:$0x1] =	wrdreg $0xFFFFFFFF  }
0xa7: {  	s28 =	simm.s32 $_size_execute0_lowered;
	s3 =	sadd.s32 s3, s5;
	[dreg:$0x0] =	wrdreg $0x0  }
0xa8: {  	s5 =	sshll.u32 s28, $0x1;
	[dreg:$0x2] =	wrdreg s3  }
0xa9: {  	[dreg:$0x3] =	wrdreg s5  }
0xaa: {  	[dreg:$0x4] =	wrdreg $0xC0  }
0xab: {  	_ =	task [dreg:s7], $0x5FFFF  }
0xac: {  	[dreg:$0x1] =	wrdreg $0xFFFFFFFF  }
0xad: {  	[dreg:$0x0] =	wrdreg $0x60  }
0xae: {  	[dreg:$0x2] =	wrdreg s2  }
0xaf: {  	[dreg:$0x3] =	wrdreg s24  }
0xb0: {  	[dreg:$0x4] =	wrdreg $0x9  }
0xb1: {  	_ =	task.clear_ibuf [dreg:s7], $0x5FFFF;
	_ =	strace $0x90000046  }
0xb2: {  	s29 =	simm.s32 $0x9;
	_ =	strace $0x80000048  }
0xb3: {  	_ =	swait.ge [sflag:s29], $0x1  }
0xb4: {  	[sflag:s29] =	ssyncadd.s32 $0xFFFFFFFF  }
0xb5: {  	_ =	strace $0x90000048  }
0xb6: {  	_ =	sfence  }
0xb7: {  	s30 =	sld [smem:$0x0];
	_ =	sdelay $0x2  }
0xb8: {  	s31 =	sshll.u32 s1, $0xD;
	s1 =	sshrl.u32 s1, $0x2  }
0xb9: {  	s3 =	sand.u32 $0x4000, s31;
	s1 =	sadd.s32 s1, s30  }
0xba: {  	s0 =	sor.u32 s3, s0;
	s1 =	sshll.u32 s1, $0x11  }
0xbb: {  	s0 =	sor.u32 s1, s0  }
0xbc: {  	s0 =	sadd.s32 $0x8F2B, s0  }
0xbd: {  	[sflag:s0] =	ssyncadd.remote.s32 $0x1  }
0xbe: {  	_ =	sfence.sel $0xFFFF  }
0xbf: {  	[dreg:$0x0] =	wrdreg $0xFFFFFFFF;
	(pc) =	sbr.abs _section_cstart, $3  }
0xc0: {  	[dreg:$0x1] =	wrdreg $0xFFFFFFFF  }
0xc1: {  	_ =	task.clear_ibuf [dreg:s7], $0x2FFFF;
	_ =	strace $0x9FFFFFFF  }
0xc2: {  	(tm) =	ssettm $0x7FFFFFFF  }
0xc3: {  	_ =	shalt  }
tec
execute0_lowered:
.L_overlay_start_1:
0x0: {  	(tag) =	ssettag $0x1  }
0x1: {  	v1 =	vlaneseq.u32  }
0x2: {  	v0 =	vmul.u32 $0x80, v1;
	v1 =	vmul.u32 $0x8, v1;
	_ =	sdelay $0x1  }
0x3: {  	v3 =	vor.u32 $0x1, v1  }
0x4: {  	[tilespmem:$0x1FE90] =	vst v3;
	v3 =	vor.u32 $0x2, v1  }
0x5: {  	[tilespmem:$0x1FEA0] =	vst v3;
	v3 =	vor.u32 $0x3, v1  }
0x6: {  	[tilespmem:$0x1FEB0] =	vst v3;
	v3 =	vor.u32 $0x80, v1  }
0x7: {  	[tilespmem:$0x1FEC0] =	vst v3;
	v3 =	vor.u32 $0x81, v1  }
0x8: {  	v2 =	vor.u32 $0x1, v0;
	[tilespmem:$0x1FED0] =	vst v3;
	v3 =	vor.u32 $0x82, v1  }
0x9: {  	v4 =	vor.u32 $0x2, v0;
	v6 =	vor.u32 $0x3, v0;
	[tilespmem:$0x1FEE0] =	vst v3;
	v3 =	vor.u32 $0x83, v1  }
0xa: {  	v8 =	vor.u32 $0x4, v0;
	v9 =	vor.u32 $0x5, v0;
	[tilespmem:$0x1FEF0] =	vst v3;
	v3 =	vor.u32 $0x100, v1  }
0xb: {  	v10 =	vor.u32 $0x6, v0;
	v11 =	vor.u32 $0x800, v0;
	[tilespmem:$0x1FF00] =	vst v3;
	v3 =	vor.u32 $0x101, v1  }
0xc: {  	v13 =	vor.u32 $0x801, v0;
	v15 =	vor.u32 $0x802, v0;
	[tilespmem:$0x1FF10] =	vst v3;
	v3 =	vor.u32 $0x102, v1  }
0xd: {  	v17 =	vor.u32 $0x803, v0;
	v19 =	vor.u32 $0x804, v0;
	[tilespmem:$0x1FF20] =	vst v3;
	v3 =	vor.u32 $0x103, v1  }
0xe: {  	s4 =	rddreg [dreg:$0x0];
	v20 =	vor.u32 $0x805, v0;
	v21 =	vor.u32 $0x806, v0;
	[tilespmem:$0x1FF30] =	vst v3;
	v3 =	vor.u32 $0x180, v1  }
0xf: {  	s5 =	rddreg [dreg:$0x1];
	v22 =	vor.u32 $0x1000, v0;
	v24 =	vor.u32 $0x1001, v0;
	[tilespmem:$0x1FF40] =	vst v3;
	v3 =	vor.u32 $0x181, v1  }
0x10: {  	s2 =	simm.s32 $0x0;
	s10 =	simm.s32 $0x200;
	s11 =	simm.s32 $0x400;
	v26 =	vor.u32 $0x1002, v0;
	v28 =	vor.u32 $0x1003, v0;
	[tilespmem:$0x1FF50] =	vst v3;
	v3 =	vor.u32 $0x182, v1  }
0x11: {  	s12 =	simm.s32 $0x280;
	[smem:$0x7FF] =	sst s2;
	v30 =	vor.u32 $0x1004, v0;
	v31 =	vor.u32 $0x1005, v0;
	[tilespmem:$0x1FF60] =	vst v3;
	v3 =	vor.u32 $0x183, v1  }
0x12: {  	s0 =	rddreg [dreg:$0x2];
	s3 =	srdreg.scid;
	v32 =	vor.u32 $0x1006, v0;
	v33 =	vor.u32 $0x1800, v0;
	_ =	strace $0x80000047;
	[tilespmem:$0x1FF70] =	vst v3;
	v3 =	vor.u32 $0x200, v1  }
0x13: {  	s1 =	stileid.u32;
	s13 =	simm.s32 $0x4400;
	s15 =	simm.s32 $0x8400;
	v35 =	vor.u32 $0x1801, v0;
	v37 =	vor.u32 $0x1802, v0;
	[tilespmem:$0x1FF80] =	vst v3;
	v3 =	vor.u32 $0x201, v1  }
0x14: {  	s14 =	simm.s32 $0x1;
	s16 =	simm.s32 $0x9400;
	s17 =	simm.s32 $0x300;
	v39 =	vor.u32 $0x1803, v0;
	v41 =	vor.u32 $0x1804, v0;
	[tilespmem:$0x1FF90] =	vst v3;
	v3 =	vor.u32 $0x202, v1  }
0x15: {  	s18 =	simm.s32 $0x2;
	s19 =	simm.s32 $0x380;
	s3 =	sand.u32 $0x1, s3;
	v42 =	vor.u32 $0x1805, v0;
	v43 =	vor.u32 $0x1806, v0;
	[tilespmem:$0x1FFA0] =	vst v3;
	v3 =	vor.u32 $0x203, v1  }
0x16: {  	s6 =	sshll.u32 s1, $0xA;
	s7 =	sshll.u32 s3, $0x9;
	s31 =	ssub.s32 $0x2, s3;
	v44 =	vor.u32 $0x2000, v0;
	v46 =	vor.u32 $0x2001, v0;
	[tilespmem:$0x1FFB0] =	vst v3;
	v3 =	vor.u32 $0x280, v1  }
0x17: {  	s3 =	sadd.s32 $0x1000, s5;
	s6 =	sor.u32 s7, s6;
	s8 =	sshrl.u32 s31, $0x1;
	v48 =	vor.u32 $0x2002, v0;
	v50 =	vor.u32 $0x2003, v0;
	[tilespmem:$0x1FFC0] =	vst v3;
	v3 =	vor.u32 $0x281, v1  }
0x18: {  	v52 =	vor.u32 $0x2004, v0;
	v53 =	vor.u32 $0x2005, v0;
	s9 =	sshrl.u32 s6, $0x3;
	s6 =	sadd.s32 s6, s5;
	s7 =	ssub.s32 s31, s8;
	[tilespmem:$0x1FFD0] =	vst v3;
	v3 =	vor.u32 $0x282, v1  }
0x19: {  	v54 =	vor.u32 $0x2006, v0;
	v55 =	vor.u32 $0x2800, v0;
	s8 =	simm.s32 $0x3;
	s4 =	sadd.s32 s4, s9;
	s5 =	sadd.s32 $0xF9400, s6;
	[tilespmem:$0x1FFE0] =	vst v3;
	v3 =	vor.u32 $0x283, v1  }
0x1a: {  	v57 =	vor.u32 $0x2801, v0;
	v59 =	vor.u32 $0x2802, v0;
	v61 =	vor.u32 $0x2803, v0;
	s6 =	sadd.s32 $0xF5400, s6;
	s7 =	smax.u32 s7, $0x1;
	s9 =	simm.s32 $0x80;
	[tilespmem:$0x1FFF0] =	vst v3  }
.LBB2_1:
0x1b: {  	[tilespmem:s2], [sflag:$0x3] =	stream.linear.gather [hbm4b:s4+s2], $0x200, $0x38;
	[tilespmem:$0xA400] =	vst v63  }
0x1c: {  	_ =	swait.ge [sflag:s8], $0x200  }
0x1d: {  	[sflag:s8] =	ssyncset.done $0x0  }
0x1e: {  	[sflag:s8] =	ssyncadd.s32 $0xFFFFFE00  }
0x1f: {  	v3 =	vld [tilespmem:$0x0]  }
0x20: {  	v5 =	vld [tilespmem:$0x10]  }
0x21: {  	v7 =	vld [tilespmem:$0x20]  }
0x22: {  	v12 =	vld [tilespmem:$0x30]  }
0x23: {  	v14 =	vld [tilespmem:$0x40]  }
0x24: {  	v16 =	vld [tilespmem:$0x50];
	v3 =	vshrl.u32 v3, $0x4  }
0x25: {  	[tilespmem:$0x200] =	vst v3;
	v3 =	vshrl.u32 v5, $0x4;
	v5 =	vld [tilespmem:$0x60]  }
0x26: {  	[tilespmem:$0x210] =	vst v3;
	v3 =	vshrl.u32 v7, $0x4;
	v7 =	vld [tilespmem:$0x70]  }
0x27: {  	[tilespmem:$0x220] =	vst v3;
	v3 =	vshrl.u32 v12, $0x4;
	v12 =	vld [tilespmem:$0x80]  }
0x28: {  	[tilespmem:$0x230] =	vst v3;
	v3 =	vshrl.u32 v14, $0x4;
	v14 =	vld [tilespmem:$0x90]  }
0x29: {  	[tilespmem:$0x240] =	vst v3;
	v3 =	vshrl.u32 v16, $0x4;
	v16 =	vld [tilespmem:$0xA0]  }
0x2a: {  	[tilespmem:$0x250] =	vst v3;
	v3 =	vshrl.u32 v5, $0x4;
	v5 =	vld [tilespmem:$0xB0]  }
0x2b: {  	[tilespmem:$0x260] =	vst v3;
	v3 =	vshrl.u32 v7, $0x4;
	v7 =	vld [tilespmem:$0xC0]  }
0x2c: {  	[tilespmem:$0x270] =	vst v3;
	v3 =	vshrl.u32 v12, $0x4;
	v12 =	vld [tilespmem:$0xD0]  }
0x2d: {  	[tilespmem:$0x280] =	vst v3;
	v3 =	vshrl.u32 v14, $0x4;
	v14 =	vld [tilespmem:$0xE0]  }
0x2e: {  	[tilespmem:$0x290] =	vst v3;
	v3 =	vshrl.u32 v16, $0x4;
	v16 =	vld [tilespmem:$0xF0]  }
0x2f: {  	[tilespmem:$0x2A0] =	vst v3;
	v3 =	vshrl.u32 v5, $0x4;
	v5 =	vld [tilespmem:$0x100]  }
0x30: {  	[tilespmem:$0x2B0] =	vst v3;
	v3 =	vshrl.u32 v7, $0x4;
	v7 =	vld [tilespmem:$0x110]  }
0x31: {  	[tilespmem:$0x2C0] =	vst v3;
	v3 =	vshrl.u32 v12, $0x4;
	v12 =	vld [tilespmem:$0x120]  }
0x32: {  	[tilespmem:$0x2D0] =	vst v3;
	v3 =	vshrl.u32 v14, $0x4;
	v14 =	vld [tilespmem:$0x130]  }
0x33: {  	[tilespmem:$0x2E0] =	vst v3;
	v3 =	vshrl.u32 v16, $0x4;
	v16 =	vld [tilespmem:$0x140]  }
0x34: {  	[tilespmem:$0x2F0] =	vst v3;
	v3 =	vshrl.u32 v5, $0x4;
	v5 =	vld [tilespmem:$0x150]  }
0x35: {  	[tilespmem:$0x300] =	vst v3;
	v3 =	vshrl.u32 v7, $0x4;
	v7 =	vld [tilespmem:$0x160]  }
0x36: {  	[tilespmem:$0x310] =	vst v3;
	v3 =	vshrl.u32 v12, $0x4;
	v12 =	vld [tilespmem:$0x170]  }
0x37: {  	[tilespmem:$0x320] =	vst v3;
	v3 =	vshrl.u32 v14, $0x4;
	v14 =	vld [tilespmem:$0x180]  }
0x38: {  	[tilespmem:$0x330] =	vst v3;
	v3 =	vshrl.u32 v16, $0x4;
	v16 =	vld [tilespmem:$0x190]  }
0x39: {  	[tilespmem:$0x340] =	vst v3;
	v3 =	vshrl.u32 v5, $0x4;
	v5 =	vld [tilespmem:$0x1A0]  }
0x3a: {  	[tilespmem:$0x350] =	vst v3;
	v3 =	vshrl.u32 v7, $0x4;
	v7 =	vld [tilespmem:$0x1B0]  }
0x3b: {  	[tilespmem:$0x360] =	vst v3;
	v3 =	vshrl.u32 v12, $0x4;
	v12 =	vld [tilespmem:$0x1C0]  }
0x3c: {  	[tilespmem:$0x370] =	vst v3;
	v3 =	vshrl.u32 v14, $0x4;
	v14 =	vld [tilespmem:$0x1D0]  }
0x3d: {  	[tilespmem:$0x380] =	vst v3;
	v3 =	vshrl.u32 v16, $0x4;
	v16 =	vld [tilespmem:$0x1E0]  }
0x3e: {  	[tilespmem:$0x390] =	vst v3;
	v3 =	vshrl.u32 v5, $0x4  }
0x3f: {  	[tilespmem:$0x3A0] =	vst v3;
	v3 =	vshrl.u32 v7, $0x4  }
0x40: {  	[tilespmem:$0x3B0] =	vst v3;
	v3 =	vshrl.u32 v12, $0x4  }
0x41: {  	[tilespmem:$0x3C0] =	vst v3;
	v3 =	vshrl.u32 v14, $0x4  }
0x42: {  	[tilespmem:$0x3D0] =	vst v3;
	v3 =	vshrl.u32 v16, $0x4  }
0x43: {  	[tilespmem:$0x3E0] =	vst v3;
	v3 =	vld [tilespmem:$0x1F0];
	_ =	sdelay $0x4  }
0x44: {  	v3 =	vshrl.u32 v3, $0x4  }
0x45: {  	[tilespmem:$0x3F0] =	vst v3  }
0x46: {  	[tilespmem:s11], [sflag:$0x1] =	stream.indirect.gather [hbm4b:s3+s9], $0x80, s10, s9, $0xb8;
	[tilespmem:$0xA400] =	vst v63  }
0x47: {  	_ = 	snop  }
0x48: {  	[tilespmem:s13], [sflag:$0x2] =	stream.indirect.gather [hbm4b:s3+s9], $0x80, s12, s9, $0xb8;
	[tilespmem:$0xA400] =	vst v63  }
0x49: {  	_ =	swait.ge [sflag:s14], $0x4000  }
0x4a: {  	[sflag:s14] =	ssyncset.done $0x0  }
0x4b: {  	[sflag:s14] =	ssyncadd.s32 $0xFFFFC000  }
0x4c: {  	v3 =	vld [tilespmem:$0x0];
	_ =	sdelay $0x4  }
0x4d: {  	v3 =	vshll.u32 v3, $0x3  }
0x4e: {  	v3 =	vand.u32 $0x78, v3  }
0x4f: {  	v5 =	vor.u32 v0, v3;
	_ =	sdelay $0x4  }
0x50: {  	v5 =	vld.idx.msk [tilespmem:v5+s11+$0x0], $0xffff  }
0x51: {  	v7 =	vor.u32 v2, v3;
	_ =	sdelay $0x1  }
0x52: {  	v12 =	vld [tilespmem:$0x1FE90];
	_ =	sdelay $0x1  }
0x53: {  	[tilespmem:v1+s15+$0x0] =	vst.idx.msk $0xffff, v5  }
0x54: {  	v5 =	vld.idx.msk [tilespmem:v7+s11+$0x0], $0xffff  }
0x55: {  	v7 =	vor.u32 v4, v3;
	_ =	sdelay $0x1  }
0x56: {  	v14 =	vld [tilespmem:$0x1FEA0];
	_ =	sdelay $0x1  }
0x57: {  	[tilespmem:v12+s15+$0x0] =	vst.idx.msk $0xffff, v5  }
0x58: {  	v5 =	vld.idx.msk [tilespmem:v7+s11+$0x0], $0xffff  }
0x59: {  	v7 =	vor.u32 v6, v3;
	_ =	sdelay $0x1  }
0x5a: {  	v16 =	vld [tilespmem:$0x1FEB0];
	_ =	sdelay $0x1  }
0x5b: {  	[tilespmem:v14+s15+$0x0] =	vst.idx.msk $0xffff, v5  }
0x5c: {  	v5 =	vld.idx.msk [tilespmem:v7+s11+$0x0], $0xffff  }
0x5d: {  	v7 =	vor.u32 v8, v3;
	_ =	sdelay $0x3  }
0x5e: {  	[tilespmem:v16+s15+$0x0] =	vst.idx.msk $0xffff, v5  }
0x5f: {  	v5 =	vld.idx.msk [tilespmem:v7+s11+$0x0], $0xffff  }
0x60: {  	v7 =	vor.u32 v9, v3;
	_ =	sdelay $0x3  }
0x61: {  	[tilespmem:v1+s16+$0x0] =	vst.idx.msk $0xffff, v5  }
0x62: {  	v5 =	vld.idx.msk [tilespmem:v7+s11+$0x0], $0xffff  }
0x63: {  	v3 =	vor.u32 v10, v3;
	_ =	sdelay $0x3  }
0x64: {  	[tilespmem:v12+s16+$0x0] =	vst.idx.msk $0xffff, v5  }
0x65: {  	v3 =	vld.idx.msk [tilespmem:v3+s11+$0x0], $0xffff;
	_ =	sdelay $0x4  }
0x66: {  	[tilespmem:v14+s16+$0x0] =	vst.idx.msk $0xffff, v3  }
0x67: {  	v3 =	vld [tilespmem:$0x10];
	_ =	sdelay $0x4  }
0x68: {  	v3 =	vshll.u32 v3, $0x3  }
0x69: {  	v3 =	vand.u32 $0x78, v3  }
0x6a: {  	v5 =	vor.u32 v11, v3;
	_ =	sdelay $0x1  }
0x6b: {  	v12 =	vld [tilespmem:$0x1FEC0];
	_ =	sdelay $0x2  }
0x6c: {  	v5 =	vld.idx.msk [tilespmem:v5+s11+$0x0], $0xffff  }
0x6d: {  	v7 =	vor.u32 v13, v3;
	_ =	sdelay $0x1  }
0x6e: {  	v14 =	vld [tilespmem:$0x1FED0];
	_ =	sdelay $0x1  }
0x6f: {  	[tilespmem:v12+s15+$0x0] =	vst.idx.msk $0xffff, v5  }
0x70: {  	v5 =	vld.idx.msk [tilespmem:v7+s11+$0x0], $0xffff  }
0x71: {  	v7 =	vor.u32 v15, v3;
	_ =	sdelay $0x1  }
0x72: {  	v16 =	vld [tilespmem:$0x1FEE0];
	_ =	sdelay $0x1  }
0x73: {  	[tilespmem:v14+s15+$0x0] =	vst.idx.msk $0xffff, v5  }
0x74: {  	v5 =	vld.idx.msk [tilespmem:v7+s11+$0x0], $0xffff  }
0x75: {  	v7 =	vor.u32 v17, v3;
	_ =	sdelay $0x1  }
0x76: {  	v18 =	vld [tilespmem:$0x1FEF0];
	_ =	sdelay $0x1  }
0x77: {  	[tilespmem:v16+s15+$0x0] =	vst.idx.msk $0xffff, v5  }
0x78: {  	v5 =	vld.idx.msk [tilespmem:v7+s11+$0x0], $0xffff  }
0x79: {  	v7 =	vor.u32 v19, v3;
	_ =	sdelay $0x3  }
0x7a: {  	[tilespmem:v18+s15+$0x0] =	vst.idx.msk $0xffff, v5  }
0x7b: {  	v5 =	vld.idx.msk [tilespmem:v7+s11+$0x0], $0xffff  }
0x7c: {  	v7 =	vor.u32 v20, v3;
	_ =	sdelay $0x3  }
0x7d: {  	[tilespmem:v12+s16+$0x0] =	vst.idx.msk $0xffff, v5  }
0x7e: {  	v5 =	vld.idx.msk [tilespmem:v7+s11+$0x0], $0xffff  }
0x7f: {  	v3 =	vor.u32 v21, v3;
	_ =	sdelay $0x3  }
0x80: {  	[tilespmem:v14+s16+$0x0] =	vst.idx.msk $0xffff, v5  }
0x81: {  	v3 =	vld.idx.msk [tilespmem:v3+s11+$0x0], $0xffff;
	_ =	sdelay $0x4  }
0x82: {  	[tilespmem:v16+s16+$0x0] =	vst.idx.msk $0xffff, v3  }
0x83: {  	v3 =	vld [tilespmem:$0x20];
	_ =	sdelay $0x4  }
0x84: {  	v3 =	vshll.u32 v3, $0x3  }
0x85: {  	v3 =	vand.u32 $0x78, v3  }
0x86: {  	v5 =	vor.u32 v22, v3;
	_ =	sdelay $0x1  }
0x87: {  	v12 =	vld [tilespmem:$0x1FF00];
	_ =	sdelay $0x2  }
0x88: {  	v5 =	vld.idx.msk [tilespmem:v5+s11+$0x0], $0xffff  }
0x89: {  	v7 =	vor.u32 v24, v3;
	_ =	sdelay $0x1  }
0x8a: {  	v14 =	vld [tilespmem:$0x1FF10];
	_ =	sdelay $0x1  }
0x8b: {  	[tilespmem:v12+s15+$0x0] =	vst.idx.msk $0xffff, v5  }
0x8c: {  	v5 =	vld.idx.msk [tilespmem:v7+s11+$0x0], $0xffff  }
0x8d: {  	v7 =	vor.u32 v26, v3;
	_ =	sdelay $0x1  }
0x8e: {  	v16 =	vld [tilespmem:$0x1FF20];
	_ =	sdelay $0x1  }
0x8f: {  	[tilespmem:v14+s15+$0x0] =	vst.idx.msk $0xffff, v5  }
0x90: {  	v5 =	vld.idx.msk [tilespmem:v7+s11+$0x0], $0xffff  }
0x91: {  	v7 =	vor.u32 v28, v3;
	_ =	sdelay $0x1  }
0x92: {  	v18 =	vld [tilespmem:$0x1FF30];
	_ =	sdelay $0x1  }
0x93: {  	[tilespmem:v16+s15+$0x0] =	vst.idx.msk $0xffff, v5  }
0x94: {  	v5 =	vld.idx.msk [tilespmem:v7+s11+$0x0], $0xffff  }
0x95: {  	v7 =	vor.u32 v30, v3;
	_ =	sdelay $0x3  }
0x96: {  	[tilespmem:v18+s15+$0x0] =	vst.idx.msk $0xffff, v5  }
0x97: {  	v5 =	vld.idx.msk [tilespmem:v7+s11+$0x0], $0xffff  }
0x98: {  	v7 =	vor.u32 v31, v3;
	_ =	sdelay $0x3  }
0x99: {  	[tilespmem:v12+s16+$0x0] =	vst.idx.msk $0xffff, v5  }
0x9a: {  	v5 =	vld.idx.msk [tilespmem:v7+s11+$0x0], $0xffff  }
0x9b: {  	v3 =	vor.u32 v32, v3;
	_ =	sdelay $0x3  }
0x9c: {  	[tilespmem:v14+s16+$0x0] =	vst.idx.msk $0xffff, v5  }
0x9d: {  	v3 =	vld.idx.msk [tilespmem:v3+s11+$0x0], $0xffff;
	_ =	sdelay $0x4  }
0x9e: {  	[tilespmem:v16+s16+$0x0] =	vst.idx.msk $0xffff, v3  }
0x9f: {  	v3 =	vld [tilespmem:$0x30];
	_ =	sdelay $0x4  }
0xa0: {  	v3 =	vshll.u32 v3, $0x3  }
0xa1: {  	v3 =	vand.u32 $0x78, v3  }
0xa2: {  	v5 =	vor.u32 v33, v3;
	_ =	sdelay $0x1  }
0xa3: {  	v12 =	vld [tilespmem:$0x1FF40];
	_ =	sdelay $0x2  }
0xa4: {  	v5 =	vld.idx.msk [tilespmem:v5+s11+$0x0], $0xffff  }
0xa5: {  	v7 =	vor.u32 v35, v3;
	_ =	sdelay $0x1  }
0xa6: {  	v14 =	vld [tilespmem:$0x1FF50];
	_ =	sdelay $0x1  }
0xa7: {  	[tilespmem:v12+s15+$0x0] =	vst.idx.msk $0xffff, v5  }
0xa8: {  	v5 =	vld.idx.msk [tilespmem:v7+s11+$0x0], $0xffff  }
0xa9: {  	v7 =	vor.u32 v37, v3;
	_ =	sdelay $0x1  }
0xaa: {  	v16 =	vld [tilespmem:$0x1FF60];
	_ =	sdelay $0x1  }
0xab: {  	[tilespmem:v14+s15+$0x0] =	vst.idx.msk $0xffff, v5  }
0xac: {  	v5 =	vld.idx.msk [tilespmem:v7+s11+$0x0], $0xffff  }
0xad: {  	v7 =	vor.u32 v39, v3;
	_ =	sdelay $0x1  }
0xae: {  	v18 =	vld [tilespmem:$0x1FF70];
	_ =	sdelay $0x1  }
0xaf: {  	[tilespmem:v16+s15+$0x0] =	vst.idx.msk $0xffff, v5  }
0xb0: {  	v5 =	vld.idx.msk [tilespmem:v7+s11+$0x0], $0xffff  }
0xb1: {  	v7 =	vor.u32 v41, v3;
	_ =	sdelay $0x3  }
0xb2: {  	[tilespmem:v18+s15+$0x0] =	vst.idx.msk $0xffff, v5  }
0xb3: {  	v5 =	vld.idx.msk [tilespmem:v7+s11+$0x0], $0xffff  }
0xb4: {  	v7 =	vor.u32 v42, v3;
	_ =	sdelay $0x3  }
0xb5: {  	[tilespmem:v12+s16+$0x0] =	vst.idx.msk $0xffff, v5  }
0xb6: {  	v5 =	vld.idx.msk [tilespmem:v7+s11+$0x0], $0xffff  }
0xb7: {  	v3 =	vor.u32 v43, v3;
	_ =	sdelay $0x3  }
0xb8: {  	[tilespmem:v14+s16+$0x0] =	vst.idx.msk $0xffff, v5  }
0xb9: {  	v3 =	vld.idx.msk [tilespmem:v3+s11+$0x0], $0xffff;
	_ =	sdelay $0x4  }
0xba: {  	[tilespmem:v16+s16+$0x0] =	vst.idx.msk $0xffff, v3  }
0xbb: {  	v3 =	vld [tilespmem:$0x40];
	_ =	sdelay $0x4  }
0xbc: {  	v3 =	vshll.u32 v3, $0x3  }
0xbd: {  	v3 =	vand.u32 $0x78, v3  }
0xbe: {  	v5 =	vor.u32 v44, v3;
	_ =	sdelay $0x1  }
0xbf: {  	v12 =	vld [tilespmem:$0x1FF80];
	_ =	sdelay $0x2  }
0xc0: {  	v5 =	vld.idx.msk [tilespmem:v5+s11+$0x0], $0xffff  }
0xc1: {  	v7 =	vor.u32 v46, v3;
	_ =	sdelay $0x1  }
0xc2: {  	v14 =	vld [tilespmem:$0x1FF90];
	_ =	sdelay $0x1  }
0xc3: {  	[tilespmem:v12+s15+$0x0] =	vst.idx.msk $0xffff, v5  }
0xc4: {  	v5 =	vld.idx.msk [tilespmem:v7+s11+$0x0], $0xffff  }
0xc5: {  	v7 =	vor.u32 v48, v3;
	_ =	sdelay $0x1  }
0xc6: {  	v16 =	vld [tilespmem:$0x1FFA0];
	_ =	sdelay $0x1  }
0xc7: {  	[tilespmem:v14+s15+$0x0] =	vst.idx.msk $0xffff, v5  }
0xc8: {  	v5 =	vld.idx.msk [tilespmem:v7+s11+$0x0], $0xffff  }
0xc9: {  	v7 =	vor.u32 v50, v3;
	_ =	sdelay $0x1  }
0xca: {  	v18 =	vld [tilespmem:$0x1FFB0];
	_ =	sdelay $0x1  }
0xcb: {  	[tilespmem:v16+s15+$0x0] =	vst.idx.msk $0xffff, v5  }
0xcc: {  	v5 =	vld.idx.msk [tilespmem:v7+s11+$0x0], $0xffff  }
0xcd: {  	v7 =	vor.u32 v52, v3;
	_ =	sdelay $0x3  }
0xce: {  	[tilespmem:v18+s15+$0x0] =	vst.idx.msk $0xffff, v5  }
0xcf: {  	v5 =	vld.idx.msk [tilespmem:v7+s11+$0x0], $0xffff  }
0xd0: {  	v7 =	vor.u32 v53, v3;
	_ =	sdelay $0x3  }
0xd1: {  	[tilespmem:v12+s16+$0x0] =	vst.idx.msk $0xffff, v5  }
0xd2: {  	v5 =	vld.idx.msk [tilespmem:v7+s11+$0x0], $0xffff  }
0xd3: {  	v3 =	vor.u32 v54, v3;
	_ =	sdelay $0x3  }
0xd4: {  	[tilespmem:v14+s16+$0x0] =	vst.idx.msk $0xffff, v5  }
0xd5: {  	v3 =	vld.idx.msk [tilespmem:v3+s11+$0x0], $0xffff;
	_ =	sdelay $0x4  }
0xd6: {  	[tilespmem:v16+s16+$0x0] =	vst.idx.msk $0xffff, v3  }
0xd7: {  	v3 =	vld [tilespmem:$0x50];
	_ =	sdelay $0x4  }
0xd8: {  	v3 =	vshll.u32 v3, $0x3  }
0xd9: {  	v3 =	vand.u32 $0x78, v3  }
0xda: {  	v5 =	vor.u32 v55, v3;
	_ =	sdelay $0x1  }
0xdb: {  	v14 =	vld [tilespmem:$0x1FFC0];
	_ =	sdelay $0x2  }
0xdc: {  	v5 =	vld.idx.msk [tilespmem:v5+s11+$0x0], $0xffff  }
0xdd: {  	v7 =	vor.u32 v57, v3;
	_ =	sdelay $0x1  }
0xde: {  	v16 =	vld [tilespmem:$0x1FFD0];
	_ =	sdelay $0x1  }
0xdf: {  	[tilespmem:v14+s15+$0x0] =	vst.idx.msk $0xffff, v5  }
0xe0: {  	v5 =	vld.idx.msk [tilespmem:v7+s11+$0x0], $0xffff  }
0xe1: {  	v7 =	vor.u32 v59, v3;
	_ =	sdelay $0x1  }
0xe2: {  	v23 =	vld [tilespmem:$0x1FFE0];
	_ =	sdelay $0x1  }
0xe3: {  	[tilespmem:v16+s15+$0x0] =	vst.idx.msk $0xffff, v5  }
0xe4: {  	v5 =	vld.idx.msk [tilespmem:v7+s11+$0x0], $0xffff  }
0xe5: {  	v7 =	vor.u32 v61, v3;
	_ =	sdelay $0x1  }
0xe6: {  	v12 =	vld [tilespmem:$0x1FFF0];
	_ =	sdelay $0x1  }
0xe7: {  	[tilespmem:v23+s15+$0x0] =	vst.idx.msk $0xffff, v5  }
0xe8: {  	v63 =	vor.u32 $0x2804, v0;
	v5 =	vld.idx.msk [tilespmem:v7+s11+$0x0], $0xffff  }
0xe9: {  	v7 =	vor.u32 v63, v3;
	_ =	sdelay $0x3  }
0xea: {  	[tilespmem:v12+s15+$0x0] =	vst.idx.msk $0xffff, v5  }
0xeb: {  	v5 =	vld.idx.msk [tilespmem:v7+s11+$0x0], $0xffff;
	v7 =	vor.u32 $0x2805, v0  }
0xec: {  	v12 =	vor.u32 v7, v3;
	_ =	sdelay $0x3  }
0xed: {  	[tilespmem:v14+s16+$0x0] =	vst.idx.msk $0xffff, v5  }
0xee: {  	v18 =	vor.u32 $0x2806, v0;
	v5 =	vld.idx.msk [tilespmem:v12+s11+$0x0], $0xffff  }
0xef: {  	v3 =	vor.u32 v18, v3;
	_ =	sdelay $0x3  }
0xf0: {  	[tilespmem:v16+s16+$0x0] =	vst.idx.msk $0xffff, v5  }
0xf1: {  	v3 =	vld.idx.msk [tilespmem:v3+s11+$0x0], $0xffff;
	_ =	sdelay $0x4  }
0xf2: {  	[tilespmem:v23+s16+$0x0] =	vst.idx.msk $0xffff, v3  }
0xf3: {  	v3 =	vld [tilespmem:$0x60];
	_ =	sdelay $0x4  }
0xf4: {  	v3 =	vshll.u32 v3, $0x3  }
0xf5: {  	v29 =	vor.u32 $0x3000, v0;
	v14 =	vand.u32 $0x78, v3  }
0xf6: {  	v3 =	vor.u32 v29, v14;
	_ =	sdelay $0x4  }
0xf7: {  	v40 =	vor.u32 $0x3001, v0;
	v12 =	vor.u32 $0x300, v1;
	v3 =	vld.idx.msk [tilespmem:v3+s11+$0x0], $0xffff  }
0xf8: {  	v5 =	vor.u32 v40, v14;
	_ =	sdelay $0x3  }
0xf9: {  	[tilespmem:v12+s15+$0x0] =	vst.idx.msk $0xffff, v3  }
0xfa: {  	v51 =	vor.u32 $0x3002, v0;
	v16 =	vor.u32 $0x301, v1;
	v3 =	vld.idx.msk [tilespmem:v5+s11+$0x0], $0xffff  }
0xfb: {  	v5 =	vor.u32 v51, v14;
	_ =	sdelay $0x3  }
0xfc: {  	[tilespmem:v16+s15+$0x0] =	vst.idx.msk $0xffff, v3  }
0xfd: {  	v62 =	vor.u32 $0x3003, v0;
	v23 =	vor.u32 $0x302, v1;
	v3 =	vld.idx.msk [tilespmem:v5+s11+$0x0], $0xffff  }
0xfe: {  	v5 =	vor.u32 v62, v14;
	_ =	sdelay $0x3  }
0xff: {  	[tilespmem:v23+s15+$0x0] =	vst.idx.msk $0xffff, v3  }
0x100: {  	v25 =	vor.u32 $0x303, v1;
	v3 =	vor.u32 $0x3004, v0;
	v5 =	vld.idx.msk [tilespmem:v5+s11+$0x0], $0xffff  }
0x101: {  	v27 =	vor.u32 v3, v14;
	_ =	sdelay $0x3  }
0x102: {  	[tilespmem:v25+s15+$0x0] =	vst.idx.msk $0xffff, v5  }
0x103: {  	v5 =	vor.u32 $0x3005, v0;
	v25 =	vld.idx.msk [tilespmem:v27+s11+$0x0], $0xffff  }
0x104: {  	v27 =	vor.u32 v5, v14;
	_ =	sdelay $0x3  }
0x105: {  	[tilespmem:v12+s16+$0x0] =	vst.idx.msk $0xffff, v25  }
0x106: {  	v12 =	vor.u32 $0x3006, v0;
	v25 =	vld.idx.msk [tilespmem:v27+s11+$0x0], $0xffff  }
0x107: {  	v14 =	vor.u32 v12, v14;
	_ =	sdelay $0x3  }
0x108: {  	[tilespmem:v16+s16+$0x0] =	vst.idx.msk $0xffff, v25  }
0x109: {  	v14 =	vld.idx.msk [tilespmem:v14+s11+$0x0], $0xffff;
	_ =	sdelay $0x4  }
0x10a: {  	[tilespmem:v23+s16+$0x0] =	vst.idx.msk $0xffff, v14  }
0x10b: {  	v14 =	vld [tilespmem:$0x70];
	_ =	sdelay $0x4  }
0x10c: {  	v14 =	vshll.u32 v14, $0x3  }
0x10d: {  	v38 =	vand.u32 $0x78, v14;
	v14 =	vor.u32 $0x3800, v0  }
0x10e: {  	v16 =	vor.u32 v14, v38;
	_ =	sdelay $0x4  }
0x10f: {  	v36 =	vor.u32 $0x380, v1;
	v23 =	vld.idx.msk [tilespmem:v16+s11+$0x0], $0xffff;
	v16 =	vor.u32 $0x3801, v0  }
0x110: {  	v25 =	vor.u32 v16, v38;
	_ =	sdelay $0x3  }
0x111: {  	[tilespmem:v36+s15+$0x0] =	vst.idx.msk $0xffff, v23  }
0x112: {  	v45 =	vor.u32 $0x381, v1;
	v23 =	vor.u32 $0x3802, v0;
	v25 =	vld.idx.msk [tilespmem:v25+s11+$0x0], $0xffff  }
0x113: {  	v27 =	vor.u32 v23, v38;
	_ =	sdelay $0x3  }
0x114: {  	[tilespmem:v45+s15+$0x0] =	vst.idx.msk $0xffff, v25  }
0x115: {  	v47 =	vor.u32 $0x382, v1;
	v25 =	vor.u32 $0x3803, v0;
	v27 =	vld.idx.msk [tilespmem:v27+s11+$0x0], $0xffff  }
0x116: {  	v34 =	vor.u32 v25, v38;
	_ =	sdelay $0x3  }
0x117: {  	[tilespmem:v47+s15+$0x0] =	vst.idx.msk $0xffff, v27  }
0x118: {  	v49 =	vor.u32 $0x383, v1;
	v27 =	vor.u32 $0x3804, v0;
	v34 =	vld.idx.msk [tilespmem:v34+s11+$0x0], $0xffff  }
0x119: {  	v56 =	vor.u32 v27, v38;
	_ =	sdelay $0x3  }
0x11a: {  	[tilespmem:v49+s15+$0x0] =	vst.idx.msk $0xffff, v34  }
0x11b: {  	v34 =	vor.u32 $0x3805, v0;
	v49 =	vld.idx.msk [tilespmem:v56+s11+$0x0], $0xffff  }
0x11c: {  	v60 =	vor.u32 v34, v38;
	_ =	sdelay $0x3  }
0x11d: {  	[tilespmem:v36+s16+$0x0] =	vst.idx.msk $0xffff, v49  }
0x11e: {  	v36 =	vor.u32 $0x3806, v0;
	v49 =	vld.idx.msk [tilespmem:v60+s11+$0x0], $0xffff  }
0x11f: {  	v38 =	vor.u32 v36, v38;
	_ =	sdelay $0x3  }
0x120: {  	[tilespmem:v45+s16+$0x0] =	vst.idx.msk $0xffff, v49  }
0x121: {  	v38 =	vld.idx.msk [tilespmem:v38+s11+$0x0], $0xffff;
	_ =	sdelay $0x4  }
0x122: {  	[tilespmem:v47+s16+$0x0] =	vst.idx.msk $0xffff, v38  }
0x123: {  	[tilespmem:s11], [sflag:$0x1] =	stream.indirect.gather [hbm4b:s3+s9], $0x80, s17, s9, $0xb8;
	[tilespmem:$0xA400] =	vst v63  }
0x124: {  	_ =	swait.ge [sflag:s18], $0x4000  }
0x125: {  	[sflag:s18] =	ssyncset.done $0x0  }
0x126: {  	[sflag:s18] =	ssyncadd.s32 $0xFFFFC000  }
0x127: {  	v49 =	vld [tilespmem:$0x80];
	_ =	sdelay $0x4  }
0x128: {  	v38 =	vshll.u32 v49, $0x3  }
0x129: {  	v38 =	vand.u32 $0x78, v38  }
0x12a: {  	v56 =	vor.u32 v0, v38;
	_ =	sdelay $0x4  }
0x12b: {  	v47 =	vor.u32 $0x400, v1;
	v45 =	vld.idx.msk [tilespmem:v56+s13+$0x0], $0xffff  }
0x12c: {  	v58 =	vor.u32 v2, v38;
	_ =	sdelay $0x3  }
0x12d: {  	[tilespmem:v47+s15+$0x0] =	vst.idx.msk $0xffff, v45  }
0x12e: {  	v49 =	vor.u32 $0x401, v1;
	v45 =	vld.idx.msk [tilespmem:v58+s13+$0x0], $0xffff  }
0x12f: {  	v60 =	vor.u32 v4, v38;
	_ =	sdelay $0x3  }
0x130: {  	[tilespmem:v49+s15+$0x0] =	vst.idx.msk $0xffff, v45  }
0x131: {  	v56 =	vor.u32 $0x402, v1;
	v45 =	vld.idx.msk [tilespmem:v60+s13+$0x0], $0xffff  }
0x132: {  	v58 =	vor.u32 v6, v38;
	_ =	sdelay $0x3  }
0x133: {  	[tilespmem:v56+s15+$0x0] =	vst.idx.msk $0xffff, v45  }
0x134: {  	v45 =	vld.idx.msk [tilespmem:v58+s13+$0x0], $0xffff;
	v58 =	vor.u32 $0x403, v1  }
0x135: {  	v60 =	vor.u32 v8, v38;
	_ =	sdelay $0x3  }
0x136: {  	[tilespmem:v58+s15+$0x0] =	vst.idx.msk $0xffff, v45  }
0x137: {  	v45 =	vld.idx.msk [tilespmem:v60+s13+$0x0], $0xffff  }
0x138: {  	v60 =	vor.u32 v9, v38;
	_ =	sdelay $0x3  }
0x139: {  	[tilespmem:v47+s16+$0x0] =	vst.idx.msk $0xffff, v45  }
0x13a: {  	v45 =	vld.idx.msk [tilespmem:v60+s13+$0x0], $0xffff  }
0x13b: {  	v38 =	vor.u32 v10, v38;
	_ =	sdelay $0x3  }
0x13c: {  	[tilespmem:v49+s16+$0x0] =	vst.idx.msk $0xffff, v45  }
0x13d: {  	v38 =	vld.idx.msk [tilespmem:v38+s13+$0x0], $0xffff;
	_ =	sdelay $0x4  }
0x13e: {  	[tilespmem:v56+s16+$0x0] =	vst.idx.msk $0xffff, v38  }
0x13f: {  	v38 =	vld [tilespmem:$0x90];
	_ =	sdelay $0x4  }
0x140: {  	v38 =	vshll.u32 v38, $0x3  }
0x141: {  	v38 =	vand.u32 $0x78, v38  }
0x142: {  	v56 =	vor.u32 v11, v38;
	_ =	sdelay $0x4  }
0x143: {  	v47 =	vor.u32 $0x480, v1;
	v45 =	vld.idx.msk [tilespmem:v56+s13+$0x0], $0xffff  }
0x144: {  	v58 =	vor.u32 v13, v38;
	_ =	sdelay $0x3  }
0x145: {  	[tilespmem:v47+s15+$0x0] =	vst.idx.msk $0xffff, v45  }
0x146: {  	v49 =	vor.u32 $0x481, v1;
	v45 =	vld.idx.msk [tilespmem:v58+s13+$0x0], $0xffff  }
0x147: {  	v60 =	vor.u32 v15, v38;
	_ =	sdelay $0x3  }
0x148: {  	[tilespmem:v49+s15+$0x0] =	vst.idx.msk $0xffff, v45  }
0x149: {  	v56 =	vor.u32 $0x482, v1;
	v45 =	vld.idx.msk [tilespmem:v60+s13+$0x0], $0xffff  }
0x14a: {  	v60 =	vor.u32 v17, v38;
	_ =	sdelay $0x3  }
0x14b: {  	[tilespmem:v56+s15+$0x0] =	vst.idx.msk $0xffff, v45  }
0x14c: {  	v58 =	vor.u32 $0x483, v1;
	v45 =	vld.idx.msk [tilespmem:v60+s13+$0x0], $0xffff  }
0x14d: {  	v60 =	vor.u32 v19, v38;
	_ =	sdelay $0x3  }
0x14e: {  	[tilespmem:v58+s15+$0x0] =	vst.idx.msk $0xffff, v45  }
0x14f: {  	v45 =	vld.idx.msk [tilespmem:v60+s13+$0x0], $0xffff  }
0x150: {  	v60 =	vor.u32 v20, v38;
	_ =	sdelay $0x3  }
0x151: {  	[tilespmem:v47+s16+$0x0] =	vst.idx.msk $0xffff, v45  }
0x152: {  	v45 =	vld.idx.msk [tilespmem:v60+s13+$0x0], $0xffff  }
0x153: {  	v38 =	vor.u32 v21, v38;
	_ =	sdelay $0x3  }
0x154: {  	[tilespmem:v49+s16+$0x0] =	vst.idx.msk $0xffff, v45  }
0x155: {  	v38 =	vld.idx.msk [tilespmem:v38+s13+$0x0], $0xffff;
	_ =	sdelay $0x4  }
0x156: {  	[tilespmem:v56+s16+$0x0] =	vst.idx.msk $0xffff, v38  }
0x157: {  	v38 =	vld [tilespmem:$0xA0];
	_ =	sdelay $0x4  }
0x158: {  	v38 =	vshll.u32 v38, $0x3  }
0x159: {  	v38 =	vand.u32 $0x78, v38  }
0x15a: {  	v56 =	vor.u32 v22, v38;
	_ =	sdelay $0x4  }
0x15b: {  	v47 =	vor.u32 $0x500, v1;
	v45 =	vld.idx.msk [tilespmem:v56+s13+$0x0], $0xffff  }
0x15c: {  	v58 =	vor.u32 v24, v38;
	_ =	sdelay $0x3  }
0x15d: {  	[tilespmem:v47+s15+$0x0] =	vst.idx.msk $0xffff, v45  }
0x15e: {  	v49 =	vor.u32 $0x501, v1;
	v45 =	vld.idx.msk [tilespmem:v58+s13+$0x0], $0xffff  }
0x15f: {  	v60 =	vor.u32 v26, v38;
	_ =	sdelay $0x3  }
0x160: {  	[tilespmem:v49+s15+$0x0] =	vst.idx.msk $0xffff, v45  }
0x161: {  	v56 =	vor.u32 $0x502, v1;
	v45 =	vld.idx.msk [tilespmem:v60+s13+$0x0], $0xffff  }
0x162: {  	v60 =	vor.u32 v28, v38;
	_ =	sdelay $0x3  }
0x163: {  	[tilespmem:v56+s15+$0x0] =	vst.idx.msk $0xffff, v45  }
0x164: {  	v58 =	vor.u32 $0x503, v1;
	v45 =	vld.idx.msk [tilespmem:v60+s13+$0x0], $0xffff  }
0x165: {  	v60 =	vor.u32 v30, v38;
	_ =	sdelay $0x3  }
0x166: {  	[tilespmem:v58+s15+$0x0] =	vst.idx.msk $0xffff, v45  }
0x167: {  	v45 =	vld.idx.msk [tilespmem:v60+s13+$0x0], $0xffff  }
0x168: {  	v60 =	vor.u32 v31, v38;
	_ =	sdelay $0x3  }
0x169: {  	[tilespmem:v47+s16+$0x0] =	vst.idx.msk $0xffff, v45  }
0x16a: {  	v45 =	vld.idx.msk [tilespmem:v60+s13+$0x0], $0xffff  }
0x16b: {  	v38 =	vor.u32 v32, v38;
	_ =	sdelay $0x3  }
0x16c: {  	[tilespmem:v49+s16+$0x0] =	vst.idx.msk $0xffff, v45  }
0x16d: {  	v38 =	vld.idx.msk [tilespmem:v38+s13+$0x0], $0xffff;
	_ =	sdelay $0x4  }
0x16e: {  	[tilespmem:v56+s16+$0x0] =	vst.idx.msk $0xffff, v38  }
0x16f: {  	v38 =	vld [tilespmem:$0xB0];
	_ =	sdelay $0x4  }
0x170: {  	v38 =	vshll.u32 v38, $0x3  }
0x171: {  	v38 =	vand.u32 $0x78, v38  }
0x172: {  	v56 =	vor.u32 v33, v38;
	_ =	sdelay $0x4  }
0x173: {  	v47 =	vor.u32 $0x580, v1;
	v45 =	vld.idx.msk [tilespmem:v56+s13+$0x0], $0xffff  }
0x174: {  	v58 =	vor.u32 v35, v38;
	_ =	sdelay $0x3  }
0x175: {  	[tilespmem:v47+s15+$0x0] =	vst.idx.msk $0xffff, v45  }
0x176: {  	v49 =	vor.u32 $0x581, v1;
	v45 =	vld.idx.msk [tilespmem:v58+s13+$0x0], $0xffff  }
0x177: {  	v60 =	vor.u32 v37, v38;
	_ =	sdelay $0x3  }
0x178: {  	[tilespmem:v49+s15+$0x0] =	vst.idx.msk $0xffff, v45  }
0x179: {  	v56 =	vor.u32 $0x582, v1;
	v45 =	vld.idx.msk [tilespmem:v60+s13+$0x0], $0xffff  }
0x17a: {  	v60 =	vor.u32 v39, v38;
	_ =	sdelay $0x3  }
0x17b: {  	[tilespmem:v56+s15+$0x0] =	vst.idx.msk $0xffff, v45  }
0x17c: {  	v58 =	vor.u32 $0x583, v1;
	v45 =	vld.idx.msk [tilespmem:v60+s13+$0x0], $0xffff  }
0x17d: {  	v60 =	vor.u32 v41, v38;
	_ =	sdelay $0x3  }
0x17e: {  	[tilespmem:v58+s15+$0x0] =	vst.idx.msk $0xffff, v45  }
0x17f: {  	v45 =	vld.idx.msk [tilespmem:v60+s13+$0x0], $0xffff  }
0x180: {  	v60 =	vor.u32 v42, v38;
	_ =	sdelay $0x3  }
0x181: {  	[tilespmem:v47+s16+$0x0] =	vst.idx.msk $0xffff, v45  }
0x182: {  	v45 =	vld.idx.msk [tilespmem:v60+s13+$0x0], $0xffff  }
0x183: {  	v38 =	vor.u32 v43, v38;
	_ =	sdelay $0x3  }
0x184: {  	[tilespmem:v49+s16+$0x0] =	vst.idx.msk $0xffff, v45  }
0x185: {  	v38 =	vld.idx.msk [tilespmem:v38+s13+$0x0], $0xffff;
	_ =	sdelay $0x4  }
0x186: {  	[tilespmem:v56+s16+$0x0] =	vst.idx.msk $0xffff, v38  }
0x187: {  	v38 =	vld [tilespmem:$0xC0];
	_ =	sdelay $0x4  }
0x188: {  	v38 =	vshll.u32 v38, $0x3  }
0x189: {  	v38 =	vand.u32 $0x78, v38  }
0x18a: {  	v56 =	vor.u32 v44, v38;
	_ =	sdelay $0x4  }
0x18b: {  	v47 =	vor.u32 $0x600, v1;
	v45 =	vld.idx.msk [tilespmem:v56+s13+$0x0], $0xffff  }
0x18c: {  	v58 =	vor.u32 v46, v38;
	_ =	sdelay $0x3  }
0x18d: {  	[tilespmem:v47+s15+$0x0] =	vst.idx.msk $0xffff, v45  }
0x18e: {  	v49 =	vor.u32 $0x601, v1;
	v45 =	vld.idx.msk [tilespmem:v58+s13+$0x0], $0xffff  }
0x18f: {  	v60 =	vor.u32 v48, v38;
	_ =	sdelay $0x3  }
0x190: {  	[tilespmem:v49+s15+$0x0] =	vst.idx.msk $0xffff, v45  }
0x191: {  	v56 =	vor.u32 $0x602, v1;
	v45 =	vld.idx.msk [tilespmem:v60+s13+$0x0], $0xffff  }
0x192: {  	v60 =	vor.u32 v50, v38;
	_ =	sdelay $0x3  }
0x193: {  	[tilespmem:v56+s15+$0x0] =	vst.idx.msk $0xffff, v45  }
0x194: {  	v58 =	vor.u32 $0x603, v1;
	v45 =	vld.idx.msk [tilespmem:v60+s13+$0x0], $0xffff  }
0x195: {  	v60 =	vor.u32 v52, v38;
	_ =	sdelay $0x3  }
0x196: {  	[tilespmem:v58+s15+$0x0] =	vst.idx.msk $0xffff, v45  }
0x197: {  	v45 =	vld.idx.msk [tilespmem:v60+s13+$0x0], $0xffff  }
0x198: {  	v60 =	vor.u32 v53, v38;
	_ =	sdelay $0x3  }
0x199: {  	[tilespmem:v47+s16+$0x0] =	vst.idx.msk $0xffff, v45  }
0x19a: {  	v45 =	vld.idx.msk [tilespmem:v60+s13+$0x0], $0xffff  }
0x19b: {  	v38 =	vor.u32 v54, v38;
	_ =	sdelay $0x3  }
0x19c: {  	[tilespmem:v49+s16+$0x0] =	vst.idx.msk $0xffff, v45  }
0x19d: {  	v38 =	vld.idx.msk [tilespmem:v38+s13+$0x0], $0xffff;
	_ =	sdelay $0x4  }
0x19e: {  	[tilespmem:v56+s16+$0x0] =	vst.idx.msk $0xffff, v38  }
0x19f: {  	v38 =	vld [tilespmem:$0xD0];
	_ =	sdelay $0x4  }
0x1a0: {  	v38 =	vshll.u32 v38, $0x3  }
0x1a1: {  	v38 =	vand.u32 $0x78, v38  }
0x1a2: {  	v56 =	vor.u32 v55, v38;
	_ =	sdelay $0x4  }
0x1a3: {  	v47 =	vor.u32 $0x680, v1;
	v45 =	vld.idx.msk [tilespmem:v56+s13+$0x0], $0xffff  }
0x1a4: {  	v58 =	vor.u32 v57, v38;
	_ =	sdelay $0x3  }
0x1a5: {  	[tilespmem:v47+s15+$0x0] =	vst.idx.msk $0xffff, v45  }
0x1a6: {  	v49 =	vor.u32 $0x681, v1;
	v45 =	vld.idx.msk [tilespmem:v58+s13+$0x0], $0xffff  }
0x1a7: {  	v60 =	vor.u32 v59, v38;
	_ =	sdelay $0x3  }
0x1a8: {  	[tilespmem:v49+s15+$0x0] =	vst.idx.msk $0xffff, v45  }
0x1a9: {  	v56 =	vor.u32 $0x682, v1;
	v45 =	vld.idx.msk [tilespmem:v60+s13+$0x0], $0xffff  }
0x1aa: {  	v60 =	vor.u32 v61, v38;
	_ =	sdelay $0x3  }
0x1ab: {  	[tilespmem:v56+s15+$0x0] =	vst.idx.msk $0xffff, v45  }
0x1ac: {  	v58 =	vor.u32 $0x683, v1;
	v45 =	vld.idx.msk [tilespmem:v60+s13+$0x0], $0xffff  }
0x1ad: {  	v60 =	vor.u32 v63, v38;
	_ =	sdelay $0x3  }
0x1ae: {  	[tilespmem:v58+s15+$0x0] =	vst.idx.msk $0xffff, v45  }
0x1af: {  	v45 =	vld.idx.msk [tilespmem:v60+s13+$0x0], $0xffff  }
0x1b0: {  	v60 =	vor.u32 v7, v38;
	_ =	sdelay $0x3  }
0x1b1: {  	[tilespmem:v47+s16+$0x0] =	vst.idx.msk $0xffff, v45  }
0x1b2: {  	v45 =	vld.idx.msk [tilespmem:v60+s13+$0x0], $0xffff  }
0x1b3: {  	v38 =	vor.u32 v18, v38;
	_ =	sdelay $0x3  }
0x1b4: {  	[tilespmem:v49+s16+$0x0] =	vst.idx.msk $0xffff, v45  }
0x1b5: {  	v38 =	vld.idx.msk [tilespmem:v38+s13+$0x0], $0xffff;
	_ =	sdelay $0x4  }
0x1b6: {  	[tilespmem:v56+s16+$0x0] =	vst.idx.msk $0xffff, v38  }
0x1b7: {  	v38 =	vld [tilespmem:$0xE0];
	_ =	sdelay $0x4  }
0x1b8: {  	v38 =	vshll.u32 v38, $0x3  }
0x1b9: {  	v38 =	vand.u32 $0x78, v38  }
0x1ba: {  	v56 =	vor.u32 v29, v38;
	_ =	sdelay $0x4  }
0x1bb: {  	v47 =	vor.u32 $0x700, v1;
	v45 =	vld.idx.msk [tilespmem:v56+s13+$0x0], $0xffff  }
0x1bc: {  	v58 =	vor.u32 v40, v38;
	_ =	sdelay $0x3  }
0x1bd: {  	[tilespmem:v47+s15+$0x0] =	vst.idx.msk $0xffff, v45  }
0x1be: {  	v49 =	vor.u32 $0x701, v1;
	v45 =	vld.idx.msk [tilespmem:v58+s13+$0x0], $0xffff  }
0x1bf: {  	v60 =	vor.u32 v51, v38;
	_ =	sdelay $0x3  }
0x1c0: {  	[tilespmem:v49+s15+$0x0] =	vst.idx.msk $0xffff, v45  }
0x1c1: {  	v56 =	vor.u32 $0x702, v1;
	v45 =	vld.idx.msk [tilespmem:v60+s13+$0x0], $0xffff  }
0x1c2: {  	v60 =	vor.u32 v62, v38;
	_ =	sdelay $0x3  }
0x1c3: {  	[tilespmem:v56+s15+$0x0] =	vst.idx.msk $0xffff, v45  }
0x1c4: {  	v58 =	vor.u32 $0x703, v1;
	v45 =	vld.idx.msk [tilespmem:v60+s13+$0x0], $0xffff  }
0x1c5: {  	v60 =	vor.u32 v3, v38;
	_ =	sdelay $0x3  }
0x1c6: {  	[tilespmem:v58+s15+$0x0] =	vst.idx.msk $0xffff, v45  }
0x1c7: {  	v45 =	vld.idx.msk [tilespmem:v60+s13+$0x0], $0xffff  }
0x1c8: {  	v60 =	vor.u32 v5, v38;
	_ =	sdelay $0x3  }
0x1c9: {  	[tilespmem:v47+s16+$0x0] =	vst.idx.msk $0xffff, v45  }
0x1ca: {  	v45 =	vld.idx.msk [tilespmem:v60+s13+$0x0], $0xffff  }
0x1cb: {  	v38 =	vor.u32 v12, v38;
	_ =	sdelay $0x3  }
0x1cc: {  	[tilespmem:v49+s16+$0x0] =	vst.idx.msk $0xffff, v45  }
0x1cd: {  	v38 =	vld.idx.msk [tilespmem:v38+s13+$0x0], $0xffff;
	_ =	sdelay $0x4  }
0x1ce: {  	[tilespmem:v56+s16+$0x0] =	vst.idx.msk $0xffff, v38  }
0x1cf: {  	v38 =	vld [tilespmem:$0xF0];
	_ =	sdelay $0x4  }
0x1d0: {  	v38 =	vshll.u32 v38, $0x3  }
0x1d1: {  	v38 =	vand.u32 $0x78, v38  }
0x1d2: {  	v56 =	vor.u32 v14, v38;
	_ =	sdelay $0x4  }
0x1d3: {  	v47 =	vor.u32 $0x780, v1;
	v45 =	vld.idx.msk [tilespmem:v56+s13+$0x0], $0xffff  }
0x1d4: {  	v58 =	vor.u32 v16, v38;
	_ =	sdelay $0x3  }
0x1d5: {  	[tilespmem:v47+s15+$0x0] =	vst.idx.msk $0xffff, v45  }
0x1d6: {  	v49 =	vor.u32 $0x781, v1;
	v45 =	vld.idx.msk [tilespmem:v58+s13+$0x0], $0xffff  }
0x1d7: {  	v60 =	vor.u32 v23, v38;
	_ =	sdelay $0x3  }
0x1d8: {  	[tilespmem:v49+s15+$0x0] =	vst.idx.msk $0xffff, v45  }
0x1d9: {  	v56 =	vor.u32 $0x782, v1;
	v45 =	vld.idx.msk [tilespmem:v60+s13+$0x0], $0xffff  }
0x1da: {  	v60 =	vor.u32 v25, v38;
	_ =	sdelay $0x3  }
0x1db: {  	[tilespmem:v56+s15+$0x0] =	vst.idx.msk $0xffff, v45  }
0x1dc: {  	v58 =	vor.u32 $0x783, v1;
	v45 =	vld.idx.msk [tilespmem:v60+s13+$0x0], $0xffff  }
0x1dd: {  	v60 =	vor.u32 v27, v38;
	_ =	sdelay $0x3  }
0x1de: {  	[tilespmem:v58+s15+$0x0] =	vst.idx.msk $0xffff, v45  }
0x1df: {  	v45 =	vld.idx.msk [tilespmem:v60+s13+$0x0], $0xffff  }
0x1e0: {  	v60 =	vor.u32 v34, v38;
	_ =	sdelay $0x3  }
0x1e1: {  	[tilespmem:v47+s16+$0x0] =	vst.idx.msk $0xffff, v45  }
0x1e2: {  	v45 =	vld.idx.msk [tilespmem:v60+s13+$0x0], $0xffff  }
0x1e3: {  	v38 =	vor.u32 v36, v38;
	_ =	sdelay $0x3  }
0x1e4: {  	[tilespmem:v49+s16+$0x0] =	vst.idx.msk $0xffff, v45  }
0x1e5: {  	v38 =	vld.idx.msk [tilespmem:v38+s13+$0x0], $0xffff;
	_ =	sdelay $0x4  }
0x1e6: {  	[tilespmem:v56+s16+$0x0] =	vst.idx.msk $0xffff, v38  }
0x1e7: {  	[tilespmem:s13], [sflag:$0x2] =	stream.indirect.gather [hbm4b:s3+s9], $0x80, s19, s9, $0xb8;
	[tilespmem:$0xA400] =	vst v63  }
0x1e8: {  	_ =	swait.ge [sflag:s14], $0x4000  }
0x1e9: {  	[sflag:s14] =	ssyncset.done $0x0  }
0x1ea: {  	[sflag:s14] =	ssyncadd.s32 $0xFFFFC000  }
0x1eb: {  	v49 =	vld [tilespmem:$0x100];
	_ =	sdelay $0x4  }
0x1ec: {  	v38 =	vshll.u32 v49, $0x3  }
0x1ed: {  	v38 =	vand.u32 $0x78, v38  }
0x1ee: {  	v56 =	vor.u32 v0, v38;
	_ =	sdelay $0x4  }
0x1ef: {  	v47 =	vor.u32 $0x800, v1;
	v45 =	vld.idx.msk [tilespmem:v56+s11+$0x0], $0xffff  }
0x1f0: {  	v58 =	vor.u32 v2, v38;
	_ =	sdelay $0x3  }
0x1f1: {  	[tilespmem:v47+s15+$0x0] =	vst.idx.msk $0xffff, v45  }
0x1f2: {  	v49 =	vor.u32 $0x801, v1;
	v45 =	vld.idx.msk [tilespmem:v58+s11+$0x0], $0xffff  }
0x1f3: {  	v60 =	vor.u32 v4, v38;
	_ =	sdelay $0x3  }
0x1f4: {  	[tilespmem:v49+s15+$0x0] =	vst.idx.msk $0xffff, v45  }
0x1f5: {  	v56 =	vor.u32 $0x802, v1;
	v45 =	vld.idx.msk [tilespmem:v60+s11+$0x0], $0xffff  }
0x1f6: {  	v60 =	vor.u32 v6, v38;
	_ =	sdelay $0x3  }
0x1f7: {  	[tilespmem:v56+s15+$0x0] =	vst.idx.msk $0xffff, v45  }
0x1f8: {  	v58 =	vor.u32 $0x803, v1;
	v45 =	vld.idx.msk [tilespmem:v60+s11+$0x0], $0xffff  }
0x1f9: {  	v60 =	vor.u32 v8, v38;
	_ =	sdelay $0x3  }
0x1fa: {  	[tilespmem:v58+s15+$0x0] =	vst.idx.msk $0xffff, v45  }
0x1fb: {  	v45 =	vld.idx.msk [tilespmem:v60+s11+$0x0], $0xffff  }
0x1fc: {  	v60 =	vor.u32 v9, v38;
	_ =	sdelay $0x3  }
0x1fd: {  	[tilespmem:v47+s16+$0x0] =	vst.idx.msk $0xffff, v45  }
0x1fe: {  	v45 =	vld.idx.msk [tilespmem:v60+s11+$0x0], $0xffff  }
0x1ff: {  	v38 =	vor.u32 v10, v38;
	_ =	sdelay $0x3  }
0x200: {  	[tilespmem:v49+s16+$0x0] =	vst.idx.msk $0xffff, v45  }
0x201: {  	v38 =	vld.idx.msk [tilespmem:v38+s11+$0x0], $0xffff;
	_ =	sdelay $0x4  }
0x202: {  	[tilespmem:v56+s16+$0x0] =	vst.idx.msk $0xffff, v38  }
0x203: {  	v38 =	vld [tilespmem:$0x110];
	_ =	sdelay $0x4  }
0x204: {  	v38 =	vshll.u32 v38, $0x3  }
0x205: {  	v38 =	vand.u32 $0x78, v38  }
0x206: {  	v56 =	vor.u32 v11, v38;
	_ =	sdelay $0x4  }
0x207: {  	v47 =	vor.u32 $0x880, v1;
	v45 =	vld.idx.msk [tilespmem:v56+s11+$0x0], $0xffff  }
0x208: {  	v58 =	vor.u32 v13, v38;
	_ =	sdelay $0x3  }
0x209: {  	[tilespmem:v47+s15+$0x0] =	vst.idx.msk $0xffff, v45  }
0x20a: {  	v49 =	vor.u32 $0x881, v1;
	v45 =	vld.idx.msk [tilespmem:v58+s11+$0x0], $0xffff  }
0x20b: {  	v60 =	vor.u32 v15, v38;
	_ =	sdelay $0x3  }
0x20c: {  	[tilespmem:v49+s15+$0x0] =	vst.idx.msk $0xffff, v45  }
0x20d: {  	v56 =	vor.u32 $0x882, v1;
	v45 =	vld.idx.msk [tilespmem:v60+s11+$0x0], $0xffff  }
0x20e: {  	v60 =	vor.u32 v17, v38;
	_ =	sdelay $0x3  }
0x20f: {  	[tilespmem:v56+s15+$0x0] =	vst.idx.msk $0xffff, v45  }
0x210: {  	v58 =	vor.u32 $0x883, v1;
	v45 =	vld.idx.msk [tilespmem:v60+s11+$0x0], $0xffff  }
0x211: {  	v60 =	vor.u32 v19, v38;
	_ =	sdelay $0x3  }
0x212: {  	[tilespmem:v58+s15+$0x0] =	vst.idx.msk $0xffff, v45  }
0x213: {  	v45 =	vld.idx.msk [tilespmem:v60+s11+$0x0], $0xffff  }
0x214: {  	v60 =	vor.u32 v20, v38;
	_ =	sdelay $0x3  }
0x215: {  	[tilespmem:v47+s16+$0x0] =	vst.idx.msk $0xffff, v45  }
0x216: {  	v45 =	vld.idx.msk [tilespmem:v60+s11+$0x0], $0xffff  }
0x217: {  	v38 =	vor.u32 v21, v38;
	_ =	sdelay $0x3  }
0x218: {  	[tilespmem:v49+s16+$0x0] =	vst.idx.msk $0xffff, v45  }
0x219: {  	v38 =	vld.idx.msk [tilespmem:v38+s11+$0x0], $0xffff;
	_ =	sdelay $0x4  }
0x21a: {  	[tilespmem:v56+s16+$0x0] =	vst.idx.msk $0xffff, v38  }
0x21b: {  	v38 =	vld [tilespmem:$0x120];
	_ =	sdelay $0x4  }
0x21c: {  	v38 =	vshll.u32 v38, $0x3  }
0x21d: {  	v38 =	vand.u32 $0x78, v38  }
0x21e: {  	v56 =	vor.u32 v22, v38;
	_ =	sdelay $0x4  }
0x21f: {  	v47 =	vor.u32 $0x900, v1;
	v45 =	vld.idx.msk [tilespmem:v56+s11+$0x0], $0xffff  }
0x220: {  	v58 =	vor.u32 v24, v38;
	_ =	sdelay $0x3  }
0x221: {  	[tilespmem:v47+s15+$0x0] =	vst.idx.msk $0xffff, v45  }
0x222: {  	v49 =	vor.u32 $0x901, v1;
	v45 =	vld.idx.msk [tilespmem:v58+s11+$0x0], $0xffff  }
0x223: {  	v60 =	vor.u32 v26, v38;
	_ =	sdelay $0x3  }
0x224: {  	[tilespmem:v49+s15+$0x0] =	vst.idx.msk $0xffff, v45  }
0x225: {  	v56 =	vor.u32 $0x902, v1;
	v45 =	vld.idx.msk [tilespmem:v60+s11+$0x0], $0xffff  }
0x226: {  	v60 =	vor.u32 v28, v38;
	_ =	sdelay $0x3  }
0x227: {  	[tilespmem:v56+s15+$0x0] =	vst.idx.msk $0xffff, v45  }
0x228: {  	v58 =	vor.u32 $0x903, v1;
	v45 =	vld.idx.msk [tilespmem:v60+s11+$0x0], $0xffff  }
0x229: {  	v60 =	vor.u32 v30, v38;
	_ =	sdelay $0x3  }
0x22a: {  	[tilespmem:v58+s15+$0x0] =	vst.idx.msk $0xffff, v45  }
0x22b: {  	v45 =	vld.idx.msk [tilespmem:v60+s11+$0x0], $0xffff  }
0x22c: {  	v60 =	vor.u32 v31, v38;
	_ =	sdelay $0x3  }
0x22d: {  	[tilespmem:v47+s16+$0x0] =	vst.idx.msk $0xffff, v45  }
0x22e: {  	v45 =	vld.idx.msk [tilespmem:v60+s11+$0x0], $0xffff  }
0x22f: {  	v38 =	vor.u32 v32, v38;
	_ =	sdelay $0x3  }
0x230: {  	[tilespmem:v49+s16+$0x0] =	vst.idx.msk $0xffff, v45  }
0x231: {  	v38 =	vld.idx.msk [tilespmem:v38+s11+$0x0], $0xffff;
	_ =	sdelay $0x4  }
0x232: {  	[tilespmem:v56+s16+$0x0] =	vst.idx.msk $0xffff, v38  }
0x233: {  	v38 =	vld [tilespmem:$0x130];
	_ =	sdelay $0x4  }
0x234: {  	v38 =	vshll.u32 v38, $0x3  }
0x235: {  	v38 =	vand.u32 $0x78, v38  }
0x236: {  	v56 =	vor.u32 v33, v38;
	_ =	sdelay $0x4  }
0x237: {  	v47 =	vor.u32 $0x980, v1;
	v45 =	vld.idx.msk [tilespmem:v56+s11+$0x0], $0xffff  }
0x238: {  	v58 =	vor.u32 v35, v38;
	_ =	sdelay $0x3  }
0x239: {  	[tilespmem:v47+s15+$0x0] =	vst.idx.msk $0xffff, v45  }
0x23a: {  	v49 =	vor.u32 $0x981, v1;
	v45 =	vld.idx.msk [tilespmem:v58+s11+$0x0], $0xffff  }
0x23b: {  	v60 =	vor.u32 v37, v38;
	_ =	sdelay $0x3  }
0x23c: {  	[tilespmem:v49+s15+$0x0] =	vst.idx.msk $0xffff, v45  }
0x23d: {  	v56 =	vor.u32 $0x982, v1;
	v45 =	vld.idx.msk [tilespmem:v60+s11+$0x0], $0xffff  }
0x23e: {  	v60 =	vor.u32 v39, v38;
	_ =	sdelay $0x3  }
0x23f: {  	[tilespmem:v56+s15+$0x0] =	vst.idx.msk $0xffff, v45  }
0x240: {  	v58 =	vor.u32 $0x983, v1;
	v45 =	vld.idx.msk [tilespmem:v60+s11+$0x0], $0xffff  }
0x241: {  	v60 =	vor.u32 v41, v38;
	_ =	sdelay $0x3  }
0x242: {  	[tilespmem:v58+s15+$0x0] =	vst.idx.msk $0xffff, v45  }
0x243: {  	v45 =	vld.idx.msk [tilespmem:v60+s11+$0x0], $0xffff  }
0x244: {  	v60 =	vor.u32 v42, v38;
	_ =	sdelay $0x3  }
0x245: {  	[tilespmem:v47+s16+$0x0] =	vst.idx.msk $0xffff, v45  }
0x246: {  	v45 =	vld.idx.msk [tilespmem:v60+s11+$0x0], $0xffff  }
0x247: {  	v38 =	vor.u32 v43, v38;
	_ =	sdelay $0x3  }
0x248: {  	[tilespmem:v49+s16+$0x0] =	vst.idx.msk $0xffff, v45  }
0x249: {  	v38 =	vld.idx.msk [tilespmem:v38+s11+$0x0], $0xffff;
	_ =	sdelay $0x4  }
0x24a: {  	[tilespmem:v56+s16+$0x0] =	vst.idx.msk $0xffff, v38  }
0x24b: {  	v38 =	vld [tilespmem:$0x140];
	_ =	sdelay $0x4  }
0x24c: {  	v38 =	vshll.u32 v38, $0x3  }
0x24d: {  	v38 =	vand.u32 $0x78, v38  }
0x24e: {  	v56 =	vor.u32 v44, v38;
	_ =	sdelay $0x4  }
0x24f: {  	v47 =	vor.u32 $0xA00, v1;
	v45 =	vld.idx.msk [tilespmem:v56+s11+$0x0], $0xffff  }
0x250: {  	v58 =	vor.u32 v46, v38;
	_ =	sdelay $0x3  }
0x251: {  	[tilespmem:v47+s15+$0x0] =	vst.idx.msk $0xffff, v45  }
0x252: {  	v49 =	vor.u32 $0xA01, v1;
	v45 =	vld.idx.msk [tilespmem:v58+s11+$0x0], $0xffff  }
0x253: {  	v60 =	vor.u32 v48, v38;
	_ =	sdelay $0x3  }
0x254: {  	[tilespmem:v49+s15+$0x0] =	vst.idx.msk $0xffff, v45  }
0x255: {  	v56 =	vor.u32 $0xA02, v1;
	v45 =	vld.idx.msk [tilespmem:v60+s11+$0x0], $0xffff  }
0x256: {  	v60 =	vor.u32 v50, v38;
	_ =	sdelay $0x3  }
0x257: {  	[tilespmem:v56+s15+$0x0] =	vst.idx.msk $0xffff, v45  }
0x258: {  	v58 =	vor.u32 $0xA03, v1;
	v45 =	vld.idx.msk [tilespmem:v60+s11+$0x0], $0xffff  }
0x259: {  	v60 =	vor.u32 v52, v38;
	_ =	sdelay $0x3  }
0x25a: {  	[tilespmem:v58+s15+$0x0] =	vst.idx.msk $0xffff, v45  }
0x25b: {  	v45 =	vld.idx.msk [tilespmem:v60+s11+$0x0], $0xffff  }
0x25c: {  	v60 =	vor.u32 v53, v38;
	_ =	sdelay $0x3  }
0x25d: {  	[tilespmem:v47+s16+$0x0] =	vst.idx.msk $0xffff, v45  }
0x25e: {  	v45 =	vld.idx.msk [tilespmem:v60+s11+$0x0], $0xffff  }
0x25f: {  	v38 =	vor.u32 v54, v38;
	_ =	sdelay $0x3  }
0x260: {  	[tilespmem:v49+s16+$0x0] =	vst.idx.msk $0xffff, v45  }
0x261: {  	v38 =	vld.idx.msk [tilespmem:v38+s11+$0x0], $0xffff;
	_ =	sdelay $0x4  }
0x262: {  	[tilespmem:v56+s16+$0x0] =	vst.idx.msk $0xffff, v38  }
0x263: {  	v38 =	vld [tilespmem:$0x150];
	_ =	sdelay $0x4  }
0x264: {  	v38 =	vshll.u32 v38, $0x3  }
0x265: {  	v38 =	vand.u32 $0x78, v38  }
0x266: {  	v56 =	vor.u32 v55, v38;
	_ =	sdelay $0x4  }
0x267: {  	v47 =	vor.u32 $0xA80, v1;
	v45 =	vld.idx.msk [tilespmem:v56+s11+$0x0], $0xffff  }
0x268: {  	v58 =	vor.u32 v57, v38;
	_ =	sdelay $0x3  }
0x269: {  	[tilespmem:v47+s15+$0x0] =	vst.idx.msk $0xffff, v45  }
0x26a: {  	v49 =	vor.u32 $0xA81, v1;
	v45 =	vld.idx.msk [tilespmem:v58+s11+$0x0], $0xffff  }
0x26b: {  	v60 =	vor.u32 v59, v38;
	_ =	sdelay $0x3  }
0x26c: {  	[tilespmem:v49+s15+$0x0] =	vst.idx.msk $0xffff, v45  }
0x26d: {  	v56 =	vor.u32 $0xA82, v1;
	v45 =	vld.idx.msk [tilespmem:v60+s11+$0x0], $0xffff  }
0x26e: {  	v60 =	vor.u32 v61, v38;
	_ =	sdelay $0x3  }
0x26f: {  	[tilespmem:v56+s15+$0x0] =	vst.idx.msk $0xffff, v45  }
0x270: {  	v58 =	vor.u32 $0xA83, v1;
	v45 =	vld.idx.msk [tilespmem:v60+s11+$0x0], $0xffff  }
0x271: {  	v60 =	vor.u32 v63, v38;
	_ =	sdelay $0x3  }
0x272: {  	[tilespmem:v58+s15+$0x0] =	vst.idx.msk $0xffff, v45  }
0x273: {  	v45 =	vld.idx.msk [tilespmem:v60+s11+$0x0], $0xffff  }
0x274: {  	v60 =	vor.u32 v7, v38;
	_ =	sdelay $0x3  }
0x275: {  	[tilespmem:v47+s16+$0x0] =	vst.idx.msk $0xffff, v45  }
0x276: {  	v45 =	vld.idx.msk [tilespmem:v60+s11+$0x0], $0xffff  }
0x277: {  	v38 =	vor.u32 v18, v38;
	_ =	sdelay $0x3  }
0x278: {  	[tilespmem:v49+s16+$0x0] =	vst.idx.msk $0xffff, v45  }
0x279: {  	v38 =	vld.idx.msk [tilespmem:v38+s11+$0x0], $0xffff;
	_ =	sdelay $0x4  }
0x27a: {  	[tilespmem:v56+s16+$0x0] =	vst.idx.msk $0xffff, v38  }
0x27b: {  	v38 =	vld [tilespmem:$0x160];
	_ =	sdelay $0x4  }
0x27c: {  	v38 =	vshll.u32 v38, $0x3  }
0x27d: {  	v38 =	vand.u32 $0x78, v38  }
0x27e: {  	v56 =	vor.u32 v29, v38;
	_ =	sdelay $0x4  }
0x27f: {  	v47 =	vor.u32 $0xB00, v1;
	v45 =	vld.idx.msk [tilespmem:v56+s11+$0x0], $0xffff  }
0x280: {  	v58 =	vor.u32 v40, v38;
	_ =	sdelay $0x3  }
0x281: {  	[tilespmem:v47+s15+$0x0] =	vst.idx.msk $0xffff, v45  }
0x282: {  	v49 =	vor.u32 $0xB01, v1;
	v45 =	vld.idx.msk [tilespmem:v58+s11+$0x0], $0xffff  }
0x283: {  	v60 =	vor.u32 v51, v38;
	_ =	sdelay $0x3  }
0x284: {  	[tilespmem:v49+s15+$0x0] =	vst.idx.msk $0xffff, v45  }
0x285: {  	v56 =	vor.u32 $0xB02, v1;
	v45 =	vld.idx.msk [tilespmem:v60+s11+$0x0], $0xffff  }
0x286: {  	v60 =	vor.u32 v62, v38;
	_ =	sdelay $0x3  }
0x287: {  	[tilespmem:v56+s15+$0x0] =	vst.idx.msk $0xffff, v45  }
0x288: {  	v58 =	vor.u32 $0xB03, v1;
	v45 =	vld.idx.msk [tilespmem:v60+s11+$0x0], $0xffff  }
0x289: {  	v60 =	vor.u32 v3, v38;
	_ =	sdelay $0x3  }
0x28a: {  	[tilespmem:v58+s15+$0x0] =	vst.idx.msk $0xffff, v45  }
0x28b: {  	v45 =	vld.idx.msk [tilespmem:v60+s11+$0x0], $0xffff  }
0x28c: {  	v60 =	vor.u32 v5, v38;
	_ =	sdelay $0x3  }
0x28d: {  	[tilespmem:v47+s16+$0x0] =	vst.idx.msk $0xffff, v45  }
0x28e: {  	v45 =	vld.idx.msk [tilespmem:v60+s11+$0x0], $0xffff  }
0x28f: {  	v38 =	vor.u32 v12, v38;
	_ =	sdelay $0x3  }
0x290: {  	[tilespmem:v49+s16+$0x0] =	vst.idx.msk $0xffff, v45  }
0x291: {  	v38 =	vld.idx.msk [tilespmem:v38+s11+$0x0], $0xffff;
	_ =	sdelay $0x4  }
0x292: {  	[tilespmem:v56+s16+$0x0] =	vst.idx.msk $0xffff, v38  }
0x293: {  	v38 =	vld [tilespmem:$0x170];
	_ =	sdelay $0x4  }
0x294: {  	v38 =	vshll.u32 v38, $0x3  }
0x295: {  	v38 =	vand.u32 $0x78, v38  }
0x296: {  	v56 =	vor.u32 v14, v38;
	_ =	sdelay $0x4  }
0x297: {  	v47 =	vor.u32 $0xB80, v1;
	v45 =	vld.idx.msk [tilespmem:v56+s11+$0x0], $0xffff  }
0x298: {  	v58 =	vor.u32 v16, v38;
	_ =	sdelay $0x3  }
0x299: {  	[tilespmem:v47+s15+$0x0] =	vst.idx.msk $0xffff, v45  }
0x29a: {  	v49 =	vor.u32 $0xB81, v1;
	v45 =	vld.idx.msk [tilespmem:v58+s11+$0x0], $0xffff  }
0x29b: {  	v60 =	vor.u32 v23, v38;
	_ =	sdelay $0x3  }
0x29c: {  	[tilespmem:v49+s15+$0x0] =	vst.idx.msk $0xffff, v45  }
0x29d: {  	v56 =	vor.u32 $0xB82, v1;
	v45 =	vld.idx.msk [tilespmem:v60+s11+$0x0], $0xffff  }
0x29e: {  	v60 =	vor.u32 v25, v38;
	_ =	sdelay $0x3  }
0x29f: {  	[tilespmem:v56+s15+$0x0] =	vst.idx.msk $0xffff, v45  }
0x2a0: {  	v58 =	vor.u32 $0xB83, v1;
	v45 =	vld.idx.msk [tilespmem:v60+s11+$0x0], $0xffff  }
0x2a1: {  	v60 =	vor.u32 v27, v38;
	_ =	sdelay $0x3  }
0x2a2: {  	[tilespmem:v58+s15+$0x0] =	vst.idx.msk $0xffff, v45  }
0x2a3: {  	v45 =	vld.idx.msk [tilespmem:v60+s11+$0x0], $0xffff  }
0x2a4: {  	v60 =	vor.u32 v34, v38;
	_ =	sdelay $0x3  }
0x2a5: {  	[tilespmem:v47+s16+$0x0] =	vst.idx.msk $0xffff, v45  }
0x2a6: {  	v45 =	vld.idx.msk [tilespmem:v60+s11+$0x0], $0xffff  }
0x2a7: {  	v38 =	vor.u32 v36, v38;
	_ =	sdelay $0x3  }
0x2a8: {  	[tilespmem:v49+s16+$0x0] =	vst.idx.msk $0xffff, v45  }
0x2a9: {  	v38 =	vld.idx.msk [tilespmem:v38+s11+$0x0], $0xffff;
	_ =	sdelay $0x4  }
0x2aa: {  	[tilespmem:v56+s16+$0x0] =	vst.idx.msk $0xffff, v38  }
0x2ab: {  	_ =	swait.ge [sflag:s18], $0x4000  }
0x2ac: {  	[sflag:s18] =	ssyncset.done $0x0  }
0x2ad: {  	[sflag:s18] =	ssyncadd.s32 $0xFFFFC000  }
0x2ae: {  	v49 =	vld [tilespmem:$0x180];
	_ =	sdelay $0x4  }
0x2af: {  	v38 =	vshll.u32 v49, $0x3  }
0x2b0: {  	v38 =	vand.u32 $0x78, v38  }
0x2b1: {  	v56 =	vor.u32 v0, v38;
	_ =	sdelay $0x4  }
0x2b2: {  	v47 =	vor.u32 $0xC00, v1;
	v45 =	vld.idx.msk [tilespmem:v56+s13+$0x0], $0xffff  }
0x2b3: {  	v58 =	vor.u32 v2, v38;
	_ =	sdelay $0x3  }
0x2b4: {  	[tilespmem:v47+s15+$0x0] =	vst.idx.msk $0xffff, v45  }
0x2b5: {  	v49 =	vor.u32 $0xC01, v1;
	v45 =	vld.idx.msk [tilespmem:v58+s13+$0x0], $0xffff  }
0x2b6: {  	v60 =	vor.u32 v4, v38;
	_ =	sdelay $0x3  }
0x2b7: {  	[tilespmem:v49+s15+$0x0] =	vst.idx.msk $0xffff, v45  }
0x2b8: {  	v56 =	vor.u32 $0xC02, v1;
	v45 =	vld.idx.msk [tilespmem:v60+s13+$0x0], $0xffff  }
0x2b9: {  	v60 =	vor.u32 v6, v38;
	_ =	sdelay $0x3  }
0x2ba: {  	[tilespmem:v56+s15+$0x0] =	vst.idx.msk $0xffff, v45  }
0x2bb: {  	v58 =	vor.u32 $0xC03, v1;
	v45 =	vld.idx.msk [tilespmem:v60+s13+$0x0], $0xffff  }
0x2bc: {  	v60 =	vor.u32 v8, v38;
	_ =	sdelay $0x3  }
0x2bd: {  	[tilespmem:v58+s15+$0x0] =	vst.idx.msk $0xffff, v45  }
0x2be: {  	v45 =	vld.idx.msk [tilespmem:v60+s13+$0x0], $0xffff  }
0x2bf: {  	v60 =	vor.u32 v9, v38;
	_ =	sdelay $0x3  }
0x2c0: {  	[tilespmem:v47+s16+$0x0] =	vst.idx.msk $0xffff, v45  }
0x2c1: {  	v45 =	vld.idx.msk [tilespmem:v60+s13+$0x0], $0xffff  }
0x2c2: {  	v38 =	vor.u32 v10, v38;
	_ =	sdelay $0x3  }
0x2c3: {  	[tilespmem:v49+s16+$0x0] =	vst.idx.msk $0xffff, v45  }
0x2c4: {  	v38 =	vld.idx.msk [tilespmem:v38+s13+$0x0], $0xffff;
	_ =	sdelay $0x4  }
0x2c5: {  	[tilespmem:v56+s16+$0x0] =	vst.idx.msk $0xffff, v38  }
0x2c6: {  	v38 =	vld [tilespmem:$0x190];
	_ =	sdelay $0x4  }
0x2c7: {  	v38 =	vshll.u32 v38, $0x3  }
0x2c8: {  	v38 =	vand.u32 $0x78, v38  }
0x2c9: {  	v56 =	vor.u32 v11, v38;
	_ =	sdelay $0x4  }
0x2ca: {  	v47 =	vor.u32 $0xC80, v1;
	v45 =	vld.idx.msk [tilespmem:v56+s13+$0x0], $0xffff  }
0x2cb: {  	v58 =	vor.u32 v13, v38;
	_ =	sdelay $0x3  }
0x2cc: {  	[tilespmem:v47+s15+$0x0] =	vst.idx.msk $0xffff, v45  }
0x2cd: {  	v49 =	vor.u32 $0xC81, v1;
	v45 =	vld.idx.msk [tilespmem:v58+s13+$0x0], $0xffff  }
0x2ce: {  	v60 =	vor.u32 v15, v38;
	_ =	sdelay $0x3  }
0x2cf: {  	[tilespmem:v49+s15+$0x0] =	vst.idx.msk $0xffff, v45  }
0x2d0: {  	v56 =	vor.u32 $0xC82, v1;
	v45 =	vld.idx.msk [tilespmem:v60+s13+$0x0], $0xffff  }
0x2d1: {  	v60 =	vor.u32 v17, v38;
	_ =	sdelay $0x3  }
0x2d2: {  	[tilespmem:v56+s15+$0x0] =	vst.idx.msk $0xffff, v45  }
0x2d3: {  	v58 =	vor.u32 $0xC83, v1;
	v45 =	vld.idx.msk [tilespmem:v60+s13+$0x0], $0xffff  }
0x2d4: {  	v60 =	vor.u32 v19, v38;
	_ =	sdelay $0x3  }
0x2d5: {  	[tilespmem:v58+s15+$0x0] =	vst.idx.msk $0xffff, v45  }
0x2d6: {  	v45 =	vld.idx.msk [tilespmem:v60+s13+$0x0], $0xffff  }
0x2d7: {  	v60 =	vor.u32 v20, v38;
	_ =	sdelay $0x3  }
0x2d8: {  	[tilespmem:v47+s16+$0x0] =	vst.idx.msk $0xffff, v45  }
0x2d9: {  	v45 =	vld.idx.msk [tilespmem:v60+s13+$0x0], $0xffff  }
0x2da: {  	v38 =	vor.u32 v21, v38;
	_ =	sdelay $0x3  }
0x2db: {  	[tilespmem:v49+s16+$0x0] =	vst.idx.msk $0xffff, v45  }
0x2dc: {  	v38 =	vld.idx.msk [tilespmem:v38+s13+$0x0], $0xffff;
	_ =	sdelay $0x4  }
0x2dd: {  	[tilespmem:v56+s16+$0x0] =	vst.idx.msk $0xffff, v38  }
0x2de: {  	v38 =	vld [tilespmem:$0x1A0];
	_ =	sdelay $0x4  }
0x2df: {  	v38 =	vshll.u32 v38, $0x3  }
0x2e0: {  	v38 =	vand.u32 $0x78, v38  }
0x2e1: {  	v56 =	vor.u32 v22, v38;
	_ =	sdelay $0x4  }
0x2e2: {  	v47 =	vor.u32 $0xD00, v1;
	v45 =	vld.idx.msk [tilespmem:v56+s13+$0x0], $0xffff  }
0x2e3: {  	v58 =	vor.u32 v24, v38;
	_ =	sdelay $0x3  }
0x2e4: {  	[tilespmem:v47+s15+$0x0] =	vst.idx.msk $0xffff, v45  }
0x2e5: {  	v49 =	vor.u32 $0xD01, v1;
	v45 =	vld.idx.msk [tilespmem:v58+s13+$0x0], $0xffff  }
0x2e6: {  	v60 =	vor.u32 v26, v38;
	_ =	sdelay $0x3  }
0x2e7: {  	[tilespmem:v49+s15+$0x0] =	vst.idx.msk $0xffff, v45  }
0x2e8: {  	v56 =	vor.u32 $0xD02, v1;
	v45 =	vld.idx.msk [tilespmem:v60+s13+$0x0], $0xffff  }
0x2e9: {  	v60 =	vor.u32 v28, v38;
	_ =	sdelay $0x3  }
0x2ea: {  	[tilespmem:v56+s15+$0x0] =	vst.idx.msk $0xffff, v45  }
0x2eb: {  	v58 =	vor.u32 $0xD03, v1;
	v45 =	vld.idx.msk [tilespmem:v60+s13+$0x0], $0xffff  }
0x2ec: {  	v60 =	vor.u32 v30, v38;
	_ =	sdelay $0x3  }
0x2ed: {  	[tilespmem:v58+s15+$0x0] =	vst.idx.msk $0xffff, v45  }
0x2ee: {  	v45 =	vld.idx.msk [tilespmem:v60+s13+$0x0], $0xffff  }
0x2ef: {  	v60 =	vor.u32 v31, v38;
	_ =	sdelay $0x3  }
0x2f0: {  	[tilespmem:v47+s16+$0x0] =	vst.idx.msk $0xffff, v45  }
0x2f1: {  	v45 =	vld.idx.msk [tilespmem:v60+s13+$0x0], $0xffff  }
0x2f2: {  	v38 =	vor.u32 v32, v38;
	_ =	sdelay $0x3  }
0x2f3: {  	[tilespmem:v49+s16+$0x0] =	vst.idx.msk $0xffff, v45  }
0x2f4: {  	v38 =	vld.idx.msk [tilespmem:v38+s13+$0x0], $0xffff;
	_ =	sdelay $0x4  }
0x2f5: {  	[tilespmem:v56+s16+$0x0] =	vst.idx.msk $0xffff, v38  }
0x2f6: {  	v38 =	vld [tilespmem:$0x1B0];
	_ =	sdelay $0x4  }
0x2f7: {  	v38 =	vshll.u32 v38, $0x3  }
0x2f8: {  	v38 =	vand.u32 $0x78, v38  }
0x2f9: {  	v56 =	vor.u32 v33, v38;
	_ =	sdelay $0x4  }
0x2fa: {  	v47 =	vor.u32 $0xD80, v1;
	v45 =	vld.idx.msk [tilespmem:v56+s13+$0x0], $0xffff  }
0x2fb: {  	v58 =	vor.u32 v35, v38;
	_ =	sdelay $0x3  }
0x2fc: {  	[tilespmem:v47+s15+$0x0] =	vst.idx.msk $0xffff, v45  }
0x2fd: {  	v49 =	vor.u32 $0xD81, v1;
	v45 =	vld.idx.msk [tilespmem:v58+s13+$0x0], $0xffff  }
0x2fe: {  	v60 =	vor.u32 v37, v38;
	_ =	sdelay $0x3  }
0x2ff: {  	[tilespmem:v49+s15+$0x0] =	vst.idx.msk $0xffff, v45  }
0x300: {  	v56 =	vor.u32 $0xD82, v1;
	v45 =	vld.idx.msk [tilespmem:v60+s13+$0x0], $0xffff  }
0x301: {  	v60 =	vor.u32 v39, v38;
	_ =	sdelay $0x3  }
0x302: {  	[tilespmem:v56+s15+$0x0] =	vst.idx.msk $0xffff, v45  }
0x303: {  	v58 =	vor.u32 $0xD83, v1;
	v45 =	vld.idx.msk [tilespmem:v60+s13+$0x0], $0xffff  }
0x304: {  	v60 =	vor.u32 v41, v38;
	_ =	sdelay $0x3  }
0x305: {  	[tilespmem:v58+s15+$0x0] =	vst.idx.msk $0xffff, v45  }
0x306: {  	v45 =	vld.idx.msk [tilespmem:v60+s13+$0x0], $0xffff  }
0x307: {  	v60 =	vor.u32 v42, v38;
	_ =	sdelay $0x3  }
0x308: {  	[tilespmem:v47+s16+$0x0] =	vst.idx.msk $0xffff, v45  }
0x309: {  	v45 =	vld.idx.msk [tilespmem:v60+s13+$0x0], $0xffff  }
0x30a: {  	v38 =	vor.u32 v43, v38;
	_ =	sdelay $0x3  }
0x30b: {  	[tilespmem:v49+s16+$0x0] =	vst.idx.msk $0xffff, v45  }
0x30c: {  	v38 =	vld.idx.msk [tilespmem:v38+s13+$0x0], $0xffff;
	_ =	sdelay $0x4  }
0x30d: {  	[tilespmem:v56+s16+$0x0] =	vst.idx.msk $0xffff, v38  }
0x30e: {  	v38 =	vld [tilespmem:$0x1C0];
	_ =	sdelay $0x4  }
0x30f: {  	v38 =	vshll.u32 v38, $0x3  }
0x310: {  	v38 =	vand.u32 $0x78, v38  }
0x311: {  	v56 =	vor.u32 v44, v38;
	_ =	sdelay $0x4  }
0x312: {  	v47 =	vor.u32 $0xE00, v1;
	v45 =	vld.idx.msk [tilespmem:v56+s13+$0x0], $0xffff  }
0x313: {  	v58 =	vor.u32 v46, v38;
	_ =	sdelay $0x3  }
0x314: {  	[tilespmem:v47+s15+$0x0] =	vst.idx.msk $0xffff, v45  }
0x315: {  	v49 =	vor.u32 $0xE01, v1;
	v45 =	vld.idx.msk [tilespmem:v58+s13+$0x0], $0xffff  }
0x316: {  	v60 =	vor.u32 v48, v38;
	_ =	sdelay $0x3  }
0x317: {  	[tilespmem:v49+s15+$0x0] =	vst.idx.msk $0xffff, v45  }
0x318: {  	v56 =	vor.u32 $0xE02, v1;
	v45 =	vld.idx.msk [tilespmem:v60+s13+$0x0], $0xffff  }
0x319: {  	v60 =	vor.u32 v50, v38;
	_ =	sdelay $0x3  }
0x31a: {  	[tilespmem:v56+s15+$0x0] =	vst.idx.msk $0xffff, v45  }
0x31b: {  	v58 =	vor.u32 $0xE03, v1;
	v45 =	vld.idx.msk [tilespmem:v60+s13+$0x0], $0xffff  }
0x31c: {  	v60 =	vor.u32 v52, v38;
	_ =	sdelay $0x3  }
0x31d: {  	[tilespmem:v58+s15+$0x0] =	vst.idx.msk $0xffff, v45  }
0x31e: {  	v45 =	vld.idx.msk [tilespmem:v60+s13+$0x0], $0xffff  }
0x31f: {  	v60 =	vor.u32 v53, v38;
	_ =	sdelay $0x3  }
0x320: {  	[tilespmem:v47+s16+$0x0] =	vst.idx.msk $0xffff, v45  }
0x321: {  	v45 =	vld.idx.msk [tilespmem:v60+s13+$0x0], $0xffff  }
0x322: {  	v38 =	vor.u32 v54, v38;
	_ =	sdelay $0x3  }
0x323: {  	[tilespmem:v49+s16+$0x0] =	vst.idx.msk $0xffff, v45  }
0x324: {  	v38 =	vld.idx.msk [tilespmem:v38+s13+$0x0], $0xffff;
	_ =	sdelay $0x4  }
0x325: {  	[tilespmem:v56+s16+$0x0] =	vst.idx.msk $0xffff, v38  }
0x326: {  	v38 =	vld [tilespmem:$0x1D0];
	_ =	sdelay $0x4  }
0x327: {  	v38 =	vshll.u32 v38, $0x3  }
0x328: {  	v38 =	vand.u32 $0x78, v38  }
0x329: {  	v56 =	vor.u32 v55, v38;
	_ =	sdelay $0x4  }
0x32a: {  	v47 =	vor.u32 $0xE80, v1;
	v45 =	vld.idx.msk [tilespmem:v56+s13+$0x0], $0xffff  }
0x32b: {  	v58 =	vor.u32 v57, v38;
	_ =	sdelay $0x3  }
0x32c: {  	[tilespmem:v47+s15+$0x0] =	vst.idx.msk $0xffff, v45  }
0x32d: {  	v49 =	vor.u32 $0xE81, v1;
	v45 =	vld.idx.msk [tilespmem:v58+s13+$0x0], $0xffff  }
0x32e: {  	v60 =	vor.u32 v59, v38;
	_ =	sdelay $0x3  }
0x32f: {  	[tilespmem:v49+s15+$0x0] =	vst.idx.msk $0xffff, v45  }
0x330: {  	v56 =	vor.u32 $0xE82, v1;
	v45 =	vld.idx.msk [tilespmem:v60+s13+$0x0], $0xffff  }
0x331: {  	v60 =	vor.u32 v61, v38;
	_ =	sdelay $0x3  }
0x332: {  	[tilespmem:v56+s15+$0x0] =	vst.idx.msk $0xffff, v45  }
0x333: {  	v58 =	vor.u32 $0xE83, v1;
	v45 =	vld.idx.msk [tilespmem:v60+s13+$0x0], $0xffff  }
0x334: {  	v60 =	vor.u32 v63, v38;
	_ =	sdelay $0x3  }
0x335: {  	[tilespmem:v58+s15+$0x0] =	vst.idx.msk $0xffff, v45  }
0x336: {  	v45 =	vld.idx.msk [tilespmem:v60+s13+$0x0], $0xffff  }
0x337: {  	v7 =	vor.u32 v7, v38;
	_ =	sdelay $0x3  }
0x338: {  	[tilespmem:v47+s16+$0x0] =	vst.idx.msk $0xffff, v45  }
0x339: {  	v7 =	vld.idx.msk [tilespmem:v7+s13+$0x0], $0xffff  }
0x33a: {  	v18 =	vor.u32 v18, v38;
	_ =	sdelay $0x3  }
0x33b: {  	[tilespmem:v49+s16+$0x0] =	vst.idx.msk $0xffff, v7  }
0x33c: {  	v7 =	vld.idx.msk [tilespmem:v18+s13+$0x0], $0xffff;
	_ =	sdelay $0x4  }
0x33d: {  	[tilespmem:v56+s16+$0x0] =	vst.idx.msk $0xffff, v7  }
0x33e: {  	v7 =	vld [tilespmem:$0x1E0];
	_ =	sdelay $0x4  }
0x33f: {  	v7 =	vshll.u32 v7, $0x3  }
0x340: {  	v7 =	vand.u32 $0x78, v7  }
0x341: {  	v18 =	vor.u32 v29, v7;
	_ =	sdelay $0x4  }
0x342: {  	v29 =	vor.u32 $0xF00, v1;
	v18 =	vld.idx.msk [tilespmem:v18+s13+$0x0], $0xffff  }
0x343: {  	v49 =	vor.u32 v40, v7;
	_ =	sdelay $0x3  }
0x344: {  	[tilespmem:v29+s15+$0x0] =	vst.idx.msk $0xffff, v18  }
0x345: {  	v56 =	vor.u32 $0xF01, v1;
	v18 =	vld.idx.msk [tilespmem:v49+s13+$0x0], $0xffff  }
0x346: {  	v58 =	vor.u32 v51, v7;
	_ =	sdelay $0x3  }
0x347: {  	[tilespmem:v56+s15+$0x0] =	vst.idx.msk $0xffff, v18  }
0x348: {  	v60 =	vor.u32 $0xF02, v1;
	v18 =	vld.idx.msk [tilespmem:v58+s13+$0x0], $0xffff  }
0x349: {  	v62 =	vor.u32 v62, v7;
	_ =	sdelay $0x3  }
0x34a: {  	[tilespmem:v60+s15+$0x0] =	vst.idx.msk $0xffff, v18  }
0x34b: {  	v63 =	vor.u32 $0xF03, v1;
	v18 =	vld.idx.msk [tilespmem:v62+s13+$0x0], $0xffff  }
0x34c: {  	v3 =	vor.u32 v3, v7;
	_ =	sdelay $0x3  }
0x34d: {  	[tilespmem:v63+s15+$0x0] =	vst.idx.msk $0xffff, v18  }
0x34e: {  	v3 =	vld.idx.msk [tilespmem:v3+s13+$0x0], $0xffff  }
0x34f: {  	v5 =	vor.u32 v5, v7;
	_ =	sdelay $0x3  }
0x350: {  	[tilespmem:v29+s16+$0x0] =	vst.idx.msk $0xffff, v3  }
0x351: {  	v3 =	vld.idx.msk [tilespmem:v5+s13+$0x0], $0xffff  }
0x352: {  	v5 =	vor.u32 v12, v7;
	_ =	sdelay $0x3  }
0x353: {  	[tilespmem:v56+s16+$0x0] =	vst.idx.msk $0xffff, v3  }
0x354: {  	v3 =	vld.idx.msk [tilespmem:v5+s13+$0x0], $0xffff;
	_ =	sdelay $0x4  }
0x355: {  	[tilespmem:v60+s16+$0x0] =	vst.idx.msk $0xffff, v3  }
0x356: {  	v3 =	vld [tilespmem:$0x1F0];
	_ =	sdelay $0x4  }
0x357: {  	v3 =	vshll.u32 v3, $0x3  }
0x358: {  	v3 =	vand.u32 $0x78, v3  }
0x359: {  	v5 =	vor.u32 v14, v3;
	_ =	sdelay $0x4  }
0x35a: {  	v7 =	vor.u32 $0xF80, v1;
	v5 =	vld.idx.msk [tilespmem:v5+s13+$0x0], $0xffff  }
0x35b: {  	v12 =	vor.u32 v16, v3;
	_ =	sdelay $0x3  }
0x35c: {  	[tilespmem:v7+s15+$0x0] =	vst.idx.msk $0xffff, v5  }
0x35d: {  	v5 =	vld.idx.msk [tilespmem:v12+s13+$0x0], $0xffff;
	v12 =	vor.u32 $0xF81, v1  }
0x35e: {  	v14 =	vor.u32 v23, v3;
	_ =	sdelay $0x3  }
0x35f: {  	[tilespmem:v12+s15+$0x0] =	vst.idx.msk $0xffff, v5  }
0x360: {  	v5 =	vld.idx.msk [tilespmem:v14+s13+$0x0], $0xffff;
	v14 =	vor.u32 $0xF82, v1  }
0x361: {  	v16 =	vor.u32 v25, v3;
	_ =	sdelay $0x3  }
0x362: {  	[tilespmem:v14+s15+$0x0] =	vst.idx.msk $0xffff, v5  }
0x363: {  	v5 =	vld.idx.msk [tilespmem:v16+s13+$0x0], $0xffff;
	v16 =	vor.u32 $0xF83, v1  }
0x364: {  	v18 =	vor.u32 v27, v3;
	_ =	sdelay $0x3  }
0x365: {  	[tilespmem:v16+s15+$0x0] =	vst.idx.msk $0xffff, v5  }
0x366: {  	v5 =	vld.idx.msk [tilespmem:v18+s13+$0x0], $0xffff  }
0x367: {  	v16 =	vor.u32 v34, v3;
	_ =	sdelay $0x3  }
0x368: {  	[tilespmem:v7+s16+$0x0] =	vst.idx.msk $0xffff, v5  }
0x369: {  	v5 =	vld.idx.msk [tilespmem:v16+s13+$0x0], $0xffff  }
0x36a: {  	v3 =	vor.u32 v36, v3;
	_ =	sdelay $0x3  }
0x36b: {  	[tilespmem:v12+s16+$0x0] =	vst.idx.msk $0xffff, v5  }
0x36c: {  	v3 =	vld.idx.msk [tilespmem:v3+s13+$0x0], $0xffff;
	_ =	sdelay $0x4  }
0x36d: {  	[tilespmem:v14+s16+$0x0] =	vst.idx.msk $0xffff, v3  }
0x36e: {  	[hbm4b:s5+s2] =	stream.linear.scatter [tilespmem:s15], [sflag:$0x3], $0x1000, $0x38;
	[tilespmem:$0xA400] =	vst v63  }
0x36f: {  	_ =	swait.ge [sflag:s8], $0x1000  }
0x370: {  	p0 =	sne.s32 s7, $0x1;
	[sflag:s8] =	ssyncset.done $0x0  }
.Ltmp0:
0x371: {  	[sflag:s8] =	ssyncadd.s32 $0xFFFFF000;
	(pc) =	sbr.rel @p0 .LBB2_1-.Ltmp0, $4  }
0x372: {  	[hbm4b:s6+s2] =	stream.linear.scatter [tilespmem:s16], [sflag:$0x3], $0x1000, $0x38;
	[tilespmem:$0xA400] =	vst v63  }
0x373: {  	_ =	swait.ge [sflag:s8], $0x1000  }
0x374: {  	[sflag:s8] =	ssyncset.done $0x0  }
0x375: {  	s7 =	sadd.s32 $0xFFFFFFFF, s7;
	[sflag:s8] =	ssyncadd.s32 $0xFFFFF000  }
0x376: {  	_ =	sfence.sel $0x180000  }
0x377: {  	[bflag:$0x0] =	sbarrier.arrive $0xFFFF  }
0x378: {  	p0 =	sne.s32 s1, $0x0;
	_ =	strace $0x90000047  }
0x379: {  	s0 =	sadd.s32 @!p0 $0x100000, s0;
	[bflag:$0x2] =	sbarrier.arrive $0xFFFF  }
0x37a: {  	[sflag:s0] =	ssyncadd.tile.s32 @!p0 $0x1;
	_ =	shalt  }
.Lfunc_end2:
_tile_overlayer_lowered:
.L_overlay_start_2:
0x37b: {  	(tag) =	ssettag $0x2  }
0x37c: {  	s0 =	rddreg [dreg:$0x0];
	s2 =	stileid.u32  }
0x37d: {  	s1 =	rddreg [dreg:$0x1];
	p0 =	sne.s32 s2, $0x0  }
0x37e: {  	s3 =	rddreg [dreg:$0x2];
	[bflag:$0x3] =	sbarrier.arrive $0xFFFF;
	s2 =	simm.s32 @!p0 $0x1C03  }
0x37f: {  	[timem:s3], [sflag:s2] =	dma.local @!p0 [hbm:s0], s1  }
0x380: {  	s0 =	simm.s32 @!p0 $0x3  }
0x381: {  	_ =	swait.ge @!p0 [sflag:s0], s1  }
0x382: {  	s1 =	ssub.s32 @!p0 $0x0, s1;
	[sflag:s0] =	ssyncset.done @!p0 $0x0  }
0x383: {  	[sflag:s0] =	ssyncadd.s32 @!p0 s1  }
0x384: {  	[bflag:$0x3] =	sbarrier.arrive $0xFFFF  }
0x385: {  	_ =	shalt  }

</sc_bundles>
